<compile_context>
chip_gen: v7x
topology: tpu7x:2x2x1
jax: 0.10.2.dev20260603
libtpu: 0.0.44.dev20260713+nightly
codegen_flags: <defaults>
</compile_context>

<pallas_src>
import functools

import jax
import jax.numpy as jnp
from jax import lax
from jax.experimental import pallas as pl
from jax.experimental.pallas import tpu as pltpu
from jax.experimental.pallas import tpu_sc as plsc

B = 4096
D = 128


def _sc_gather6(tables, idx_list):
    info = plsc.get_sparse_core_info()
    nw = info.num_cores * info.num_subcores
    bpw = B // nw
    nbuf = 6
    nt = 6
    mesh = plsc.VectorSubcoreMesh(core_axis_name="c", subcore_axis_name="s")
    out_t = tuple(jax.ShapeDtypeStruct((B, D), jnp.float32) for _ in range(nt))

    @functools.partial(
        pl.kernel, mesh=mesh, out_type=out_t,
        scratch_types=[
            pltpu.VMEM((3, bpw), jnp.int32),
            pltpu.VMEM((nbuf, bpw, D), jnp.float32),
            pltpu.SemaphoreType.DMA((3,)),
            pltpu.SemaphoreType.DMA((nbuf,)),
            pltpu.SemaphoreType.DMA((nbuf,)),
        ],
    )
    def k(t0, t1, t2, t3, t4, t5, i0, i1, i2, o0, o1, o2, o3, o4, o5,
          idx_v, rows, isem, gsem, ssem):
        wid = lax.axis_index("s") * info.num_cores + lax.axis_index("c")
        base = wid * bpw
        idescs = [
            pltpu.async_copy(ih.at[pl.ds(base, bpw)], idx_v.at[j], isem.at[j])
            for j, ih in enumerate([i0, i1, i2])
        ]
        idx_ready = [False] * 3
        tabs = [t0, t1, t2, t3, t4, t5]
        outs = [o0, o1, o2, o3, o4, o5]
        g = [None] * nt
        s = [None] * nt

        def launch_scatter(kk):
            b = kk % nbuf
            g[kk].wait()
            s[kk] = pltpu.async_copy(
                rows.at[b], outs[kk].at[pl.ds(base, bpw)], ssem.at[b])

        for t in range(nt):
            b = t % nbuf
            if t >= nbuf:
                s[t - nbuf].wait()
            j = t // 2
            if not idx_ready[j]:
                idescs[j].wait()
                idx_ready[j] = True
            g[t] = pltpu.async_copy(tabs[t].at[idx_v.at[j]], rows.at[b],
                                    gsem.at[b])
            if t >= nbuf - 1:
                launch_scatter(t - (nbuf - 1))
        for kk in range(max(nt - (nbuf - 1), 0), nt):
            launch_scatter(kk)
        for kk in range(max(nt - nbuf, 0), nt):
            s[kk].wait()

    return k(*tables, *idx_list)


def _sc_score(entity_re, entity_im, relation_re, relation_im, idx3):
    info = plsc.get_sparse_core_info()
    nw = info.num_cores * info.num_subcores
    bpw = B // nw
    qrt = bpw // 4
    mesh = plsc.VectorSubcoreMesh(core_axis_name="c", subcore_axis_name="s")

    idx_all = idx3.reshape(3, nw, bpw).transpose(1, 0, 2)

    @functools.partial(
        pl.kernel, mesh=mesh,
        out_type=jax.ShapeDtypeStruct((B, 16), jnp.float32),
        scratch_types=[
            pltpu.VMEM((3, bpw), jnp.int32),
            [pltpu.VMEM((bpw, D), jnp.float32) for _ in range(6)],
            pltpu.VMEM((bpw, 16), jnp.float32),
            pltpu.SemaphoreType.DMA((24,)),
            pltpu.SemaphoreType.DMA,
        ],
    )
    def k(ent_re, ent_im, rel_re, rel_im, idx_hbm, out, idx_v, ops, acc_buf,
          gsem, osem):
        wid = lax.axis_index("s") * info.num_cores + lax.axis_index("c")
        base = wid * bpw
        pltpu.sync_copy(idx_hbm.at[wid], idx_v)
        tabs = [ent_re, ent_im, ent_re, ent_im, rel_re, rel_im]
        descs = []
        for q in range(4):
            for i in range(6):
                descs.append(pltpu.async_copy(
                    tabs[i].at[idx_v.at[i // 2, pl.ds(q * qrt, qrt)]],
                    ops[i].at[pl.ds(q * qrt, qrt)],
                    gsem.at[q * 6 + i]))

        def row_body(r, u, lo):
            row = lo + r
            acc = jnp.zeros((16,), jnp.float32)
            for c in range(8):
                sl = pl.ds(c * 16, 16)
                hre = ops[0][row, sl]
                him = ops[1][row, sl]
                tre = ops[2][row, sl]
                tim = ops[3][row, sl]
                rre = ops[4][row, sl]
                rim = ops[5][row, sl]
                acc = (acc + hre * (rre * tre + rim * tim)
                       + him * (rre * tim - rim * tre))
            acc_buf[row, :] = acc
            return u

        for q in range(4):
            for i in range(6):
                descs[q * 6 + i].wait()
            lax.fori_loop(0, qrt,
                          lambda r, u, lo=q * qrt: row_body(r, u, lo), 0)
        pltpu.async_copy(acc_buf, out.at[pl.ds(base, bpw)], osem).wait()

    return k(entity_re, entity_im, relation_re, relation_im, idx_all)


def _tc_gram(ure, uim, ire, iim, bre, bim, reg_ref):
    def gram_norm(a_ref, b_ref):
        a = a_ref[...]
        b = b_ref[...]
        dn = (((0,), (0,)), ((), ()))
        g = (lax.dot_general(a, a, dn, preferred_element_type=jnp.float32)
             + lax.dot_general(b, b, dn, preferred_element_type=jnp.float32))
        return jnp.sqrt(jnp.sum(g * g))

    reg = gram_norm(ure, uim) + gram_norm(ire, iim) + gram_norm(bre, bim)
    reg_ref[...] = reg.reshape(1, 1)


def _tc_finish(acc, score_ref):
    score_ref[...] = jax.nn.sigmoid(jnp.sum(acc[...], axis=1))


def kernel(entity_re, entity_im, relation_re, relation_im,
           head, tail, relation, reg_user, reg_item, reg_brand):
    idx_score = jnp.stack([head, tail, relation])
    ure, uim, ire, iim, bre, bim = _sc_gather6(
        [entity_re, entity_im, entity_re, entity_im, entity_re, entity_im],
        [reg_user, reg_item, reg_brand])
    acc = _sc_score(entity_re, entity_im, relation_re, relation_im,
                    idx_score)
    reg = pl.pallas_call(
        _tc_gram,
        out_shape=jax.ShapeDtypeStruct((1, 1), jnp.float32),
    )(ure, uim, ire, iim, bre, bim)
    score = pl.pallas_call(
        _tc_finish,
        out_shape=jax.ShapeDtypeStruct((B,), jnp.float32),
    )(acc)
    return score, reg[0, 0]

# --- scband reference (transcript-rebuilt; emitter-appended) ---
"""Pipeline reference for scband-reg-complex-20289425506954 (READ-ONLY COPY).

The authoritative reference and input builder live on the scoring server;
editing this copy changes nothing except your own understanding.
"""

import jax, jax.numpy as jnp
import numpy as np

ENTITY_SIZE = 100000
RELATION_SIZE = 1000
EMBED_DIM = 128
BATCH = 4096

def setup_inputs(seed: int = 0) -> dict:
    key = jax.random.key(seed)
    ks = jax.random.split(key, 10)
    head = jax.random.randint(ks[0], (BATCH,), 0, ENTITY_SIZE, dtype=jnp.int64 if jax.config.jax_enable_x64 else jnp.int32)
    tail = jax.random.randint(ks[1], (BATCH,), 0, ENTITY_SIZE)
    relation = jax.random.randint(ks[2], (BATCH,), 0, RELATION_SIZE)
    reg_user = jax.random.randint(ks[3], (BATCH,), 0, ENTITY_SIZE)
    reg_item = jax.random.randint(ks[4], (BATCH,), 0, ENTITY_SIZE)
    reg_brand = jax.random.randint(ks[5], (BATCH,), 0, ENTITY_SIZE)
    entity_re = jax.random.normal(ks[6], (ENTITY_SIZE, EMBED_DIM), dtype=jnp.float32)
    relation_re = jax.random.normal(ks[7], (RELATION_SIZE, EMBED_DIM), dtype=jnp.float32)
    entity_im = jax.random.normal(ks[8], (ENTITY_SIZE, EMBED_DIM), dtype=jnp.float32)
    relation_im = jax.random.normal(ks[9], (RELATION_SIZE, EMBED_DIM), dtype=jnp.float32)
    return {"entity_re": entity_re, "entity_im": entity_im, "relation_re": relation_re, "relation_im": relation_im, "head": head, "tail": tail, "relation": relation, "reg_user": reg_user, "reg_item": reg_item, "reg_brand": reg_brand}


def reference(entity_re, entity_im, relation_re, relation_im, head, tail, relation, reg_user, reg_item, reg_brand):
    head_re = jnp.take(entity_re, head, axis=0)
    tail_re = jnp.take(entity_re, tail, axis=0)
    rel_re = jnp.take(relation_re, relation, axis=0)
    head_im = jnp.take(entity_im, head, axis=0)
    tail_im = jnp.take(entity_im, tail, axis=0)
    rel_im = jnp.take(relation_im, relation, axis=0)
    score = (jnp.sum(rel_re * head_re * tail_re, axis=1)
             + jnp.sum(rel_re * head_im * tail_im, axis=1)
             + jnp.sum(rel_im * head_re * tail_im, axis=1)
             - jnp.sum(rel_im * head_im * tail_re, axis=1))
    score = jax.nn.sigmoid(score)
    reg_u = jnp.concatenate([jnp.take(entity_re, reg_user, axis=0), jnp.take(entity_im, reg_user, axis=0)], axis=0)
    reg_i = jnp.concatenate([jnp.take(entity_re, reg_item, axis=0), jnp.take(entity_im, reg_item, axis=0)], axis=0)
    reg_b = jnp.concatenate([jnp.take(entity_re, reg_brand, axis=0), jnp.take(entity_im, reg_brand, axis=0)], axis=0)
    reg = (jnp.linalg.norm(jnp.matmul(reg_u, reg_u.T))
           + jnp.linalg.norm(jnp.matmul(reg_i, reg_i.T))
           + jnp.linalg.norm(jnp.matmul(reg_b, reg_b.T)))
    return (score, reg)

if __name__ == "__main__":
    import jax
    _d = setup_inputs()
    print(jax.jit(kernel)(*tuple(_d.values())))

</pallas_src>

<mosaic_0001>
#map = affine_map<(d0, d1) -> (0, 0)>
#map1 = affine_map<(d0, d1) -> (0, 0, 0)>
module attributes {stable_mosaic.version = 14 : i64} {
  func.func @k(%arg0: i32, %arg1: i32, %arg2: memref<100000x128xf32, #tpu.memory_space<hbm>>, %arg3: memref<100000x128xf32, #tpu.memory_space<hbm>>, %arg4: memref<1000x128xf32, #tpu.memory_space<hbm>>, %arg5: memref<1000x128xf32, #tpu.memory_space<hbm>>, %arg6: memref<32x3x128xi32, #tpu.memory_space<hbm>>, %arg7: memref<4096x16xf32, #tpu.memory_space<hbm>>, %arg8: memref<3x128xi32, #tpu.memory_space<vmem>>, %arg9: memref<128x128xf32, #tpu.memory_space<vmem>>, %arg10: memref<128x128xf32, #tpu.memory_space<vmem>>, %arg11: memref<128x128xf32, #tpu.memory_space<vmem>>, %arg12: memref<128x128xf32, #tpu.memory_space<vmem>>, %arg13: memref<128x128xf32, #tpu.memory_space<vmem>>, %arg14: memref<128x128xf32, #tpu.memory_space<vmem>>, %arg15: memref<128x16xf32, #tpu.memory_space<vmem>>, %arg16: memref<24x!tpu.dma_semaphore, #tpu.memory_space<semaphore_mem>>, %arg17: memref<!tpu.dma_semaphore, #tpu.memory_space<semaphore_mem>>) attributes {dimension_semantics = [#tpu.dimension_semantics<core_parallel>, #tpu.dimension_semantics<subcore_parallel>], iteration_bounds = array<i64: 2, 16>, scalar_prefetch = 0 : i64, scratch_operands = 10 : i64, tpu.core_type = #tpu.core_type<sc_vector_subcore>, window_params = [{transform_indices = #map}, {transform_indices = #map}, {transform_indices = #map}, {transform_indices = #map}, {transform_indices = #map1}, {transform_indices = #map}]} {
    %mul3A = arith.constant 2 : i32
    %mul3A_0 = arith.muli %arg1, %mul3A : i32
    %add3A = arith.addi %mul3A_0, %arg0 : i32
    %mul3A_1 = arith.constant 128 : i32
    %mul3A_2 = arith.muli %add3A, %mul3A_1 : i32
    "tpu.region"() ({
      %run_scoped3A = tpu.sem_alloc : memref<!tpu.dma_semaphore, #tpu.memory_space<semaphore_mem>>
      %dma_start3A_656 = arith.constant 0 : i32
      %dma_start3A_657 = arith.constant 0 : i32
      %dma_start3A_658 = tpu.memref_slice %arg6[%add3A, %dma_start3A_656, %dma_start3A_657] : memref<32x3x128xi32, #tpu.memory_space<hbm>> -> memref<1x3x128xi32, #tpu.memory_space<hbm>>
      %dma_start3A_659 = tpu.memref_squeeze %dma_start3A_658 : memref<1x3x128xi32, #tpu.memory_space<hbm>> -> memref<3x128xi32, #tpu.memory_space<hbm>>
      %dma_start3A_660 = arith.constant 0 : i32
      %dma_start3A_661 = arith.constant 0 : i32
      %dma_start3A_662 = tpu.memref_slice %arg6[%add3A, %dma_start3A_660, %dma_start3A_661] : memref<32x3x128xi32, #tpu.memory_space<hbm>> -> memref<1x3x128xi32, #tpu.memory_space<hbm>>
      %dma_start3A_663 = tpu.memref_squeeze %dma_start3A_662 : memref<1x3x128xi32, #tpu.memory_space<hbm>> -> memref<3x128xi32, #tpu.memory_space<hbm>>
      tpu.enqueue_dma source(%dma_start3A_663 : memref<3x128xi32, #tpu.memory_space<hbm>>) target(%arg8 : memref<3x128xi32, #tpu.memory_space<vmem>>) target_semaphore(%run_scoped3A : memref<!tpu.dma_semaphore, #tpu.memory_space<semaphore_mem>>)
      %dma_wait3A_664 = arith.constant 0 : i32
      %dma_wait3A_665 = arith.constant 0 : i32
      %dma_wait3A_666 = tpu.memref_slice %arg6[%add3A, %dma_wait3A_664, %dma_wait3A_665] : memref<32x3x128xi32, #tpu.memory_space<hbm>> -> memref<1x3x128xi32, #tpu.memory_space<hbm>>
      %dma_wait3A_667 = tpu.memref_squeeze %dma_wait3A_666 : memref<1x3x128xi32, #tpu.memory_space<hbm>> -> memref<3x128xi32, #tpu.memory_space<hbm>>
      %dma_wait3A_668 = arith.constant 0 : i32
      %dma_wait3A_669 = arith.constant 0 : i32
      %dma_wait3A_670 = tpu.memref_slice %arg6[%add3A, %dma_wait3A_668, %dma_wait3A_669] : memref<32x3x128xi32, #tpu.memory_space<hbm>> -> memref<1x3x128xi32, #tpu.memory_space<hbm>>
      %dma_wait3A_671 = tpu.memref_squeeze %dma_wait3A_670 : memref<1x3x128xi32, #tpu.memory_space<hbm>> -> memref<3x128xi32, #tpu.memory_space<hbm>>
      tpu.wait_dma2 semaphore(%run_scoped3A : memref<!tpu.dma_semaphore, #tpu.memory_space<semaphore_mem>>) src(%dma_wait3A_671 : memref<3x128xi32, #tpu.memory_space<hbm>>) dst(%arg8 : memref<3x128xi32, #tpu.memory_space<vmem>>)
      tpu.yield
    }) : () -> ()
    %dma_start3A = arith.constant 0 : i32
    %dma_start3A_3 = arith.constant 0 : i32
    %dma_start3A_4 = arith.constant 0 : i32
    %dma_start3A_5 = arith.constant 0 : i32
    %dma_start3A_6 = tpu.memref_slice %arg9[%dma_start3A_4, %dma_start3A_5] : memref<128x128xf32, #tpu.memory_space<vmem>> -> memref<32x128xf32, #tpu.memory_space<vmem>>
    %dma_start3A_7 = arith.constant 0 : i32
    %dma_start3A_8 = tpu.memref_slice %arg8[%dma_start3A, %dma_start3A_7] : memref<3x128xi32, #tpu.memory_space<vmem>> -> memref<1x32xi32, #tpu.memory_space<vmem>>
    %dma_start3A_9 = tpu.memref_squeeze %dma_start3A_8 : memref<1x32xi32, #tpu.memory_space<vmem>> -> memref<32xi32, #tpu.memory_space<vmem>>
    %dma_start3A_10 = arith.constant 0 : i32
    %dma_start3A_11 = arith.constant 0 : i32
    %dma_start3A_12 = tpu.memref_slice %arg2[%dma_start3A_10, %dma_start3A_11] : memref<100000x128xf32, #tpu.memory_space<hbm>> -> memref<100000x128xf32, #tpu.memory_space<hbm>>
    %dma_start3A_13 = tpu.memref_slice %arg16[%dma_start3A_3] : memref<24x!tpu.dma_semaphore, #tpu.memory_space<semaphore_mem>> -> memref<1x!tpu.dma_semaphore, #tpu.memory_space<semaphore_mem>>
    %dma_start3A_14 = tpu.memref_squeeze %dma_start3A_13 : memref<1x!tpu.dma_semaphore, #tpu.memory_space<semaphore_mem>> -> memref<!tpu.dma_semaphore, #tpu.memory_space<semaphore_mem>>
    tpu.enqueue_indirect_dma source(%dma_start3A_12 : memref<100000x128xf32, #tpu.memory_space<hbm>>) target(%dma_start3A_6 : memref<32x128xf32, #tpu.memory_space<vmem>>) offsets(%dma_start3A_9 : memref<32xi32, #tpu.memory_space<vmem>>) semaphore(%dma_start3A_14 : memref<!tpu.dma_semaphore, #tpu.memory_space<semaphore_mem>>)
    %dma_start3A_15 = arith.constant 0 : i32
    %dma_start3A_16 = arith.constant 1 : i32
    %dma_start3A_17 = arith.constant 0 : i32
    %dma_start3A_18 = arith.constant 0 : i32
    %dma_start3A_19 = tpu.memref_slice %arg10[%dma_start3A_17, %dma_start3A_18] : memref<128x128xf32, #tpu.memory_space<vmem>> -> memref<32x128xf32, #tpu.memory_space<vmem>>
    %dma_start3A_20 = arith.constant 0 : i32
    %dma_start3A_21 = tpu.memref_slice %arg8[%dma_start3A_15, %dma_start3A_20] : memref<3x128xi32, #tpu.memory_space<vmem>> -> memref<1x32xi32, #tpu.memory_space<vmem>>
    %dma_start3A_22 = tpu.memref_squeeze %dma_start3A_21 : memref<1x32xi32, #tpu.memory_space<vmem>> -> memref<32xi32, #tpu.memory_space<vmem>>
    %dma_start3A_23 = arith.constant 0 : i32
    %dma_start3A_24 = arith.constant 0 : i32
    %dma_start3A_25 = tpu.memref_slice %arg3[%dma_start3A_23, %dma_start3A_24] : memref<100000x128xf32, #tpu.memory_space<hbm>> -> memref<100000x128xf32, #tpu.memory_space<hbm>>
    %dma_start3A_26 = tpu.memref_slice %arg16[%dma_start3A_16] : memref<24x!tpu.dma_semaphore, #tpu.memory_space<semaphore_mem>> -> memref<1x!tpu.dma_semaphore, #tpu.memory_space<semaphore_mem>>
    %dma_start3A_27 = tpu.memref_squeeze %dma_start3A_26 : memref<1x!tpu.dma_semaphore, #tpu.memory_space<semaphore_mem>> -> memref<!tpu.dma_semaphore, #tpu.memory_space<semaphore_mem>>
    tpu.enqueue_indirect_dma source(%dma_start3A_25 : memref<100000x128xf32, #tpu.memory_space<hbm>>) target(%dma_start3A_19 : memref<32x128xf32, #tpu.memory_space<vmem>>) offsets(%dma_start3A_22 : memref<32xi32, #tpu.memory_space<vmem>>) semaphore(%dma_start3A_27 : memref<!tpu.dma_semaphore, #tpu.memory_space<semaphore_mem>>)
    %dma_start3A_28 = arith.constant 1 : i32
    %dma_start3A_29 = arith.constant 2 : i32
    %dma_start3A_30 = arith.constant 0 : i32
    %dma_start3A_31 = arith.constant 0 : i32
    %dma_start3A_32 = tpu.memref_slice %arg11[%dma_start3A_30, %dma_start3A_31] : memref<128x128xf32, #tpu.memory_space<vmem>> -> memref<32x128xf32, #tpu.memory_space<vmem>>
    %dma_start3A_33 = arith.constant 0 : i32
    %dma_start3A_34 = tpu.memref_slice %arg8[%dma_start3A_28, %dma_start3A_33] : memref<3x128xi32, #tpu.memory_space<vmem>> -> memref<1x32xi32, #tpu.memory_space<vmem>>
    %dma_start3A_35 = tpu.memref_squeeze %dma_start3A_34 : memref<1x32xi32, #tpu.memory_space<vmem>> -> memref<32xi32, #tpu.memory_space<vmem>>
    %dma_start3A_36 = arith.constant 0 : i32
    %dma_start3A_37 = arith.constant 0 : i32
    %dma_start3A_38 = tpu.memref_slice %arg2[%dma_start3A_36, %dma_start3A_37] : memref<100000x128xf32, #tpu.memory_space<hbm>> -> memref<100000x128xf32, #tpu.memory_space<hbm>>
    %dma_start3A_39 = tpu.memref_slice %arg16[%dma_start3A_29] : memref<24x!tpu.dma_semaphore, #tpu.memory_space<semaphore_mem>> -> memref<1x!tpu.dma_semaphore, #tpu.memory_space<semaphore_mem>>
    %dma_start3A_40 = tpu.memref_squeeze %dma_start3A_39 : memref<1x!tpu.dma_semaphore, #tpu.memory_space<semaphore_mem>> -> memref<!tpu.dma_semaphore, #tpu.memory_space<semaphore_mem>>
    tpu.enqueue_indirect_dma source(%dma_start3A_38 : memref<100000x128xf32, #tpu.memory_space<hbm>>) target(%dma_start3A_32 : memref<32x128xf32, #tpu.memory_space<vmem>>) offsets(%dma_start3A_35 : memref<32xi32, #tpu.memory_space<vmem>>) semaphore(%dma_start3A_40 : memref<!tpu.dma_semaphore, #tpu.memory_space<semaphore_mem>>)
    %dma_start3A_41 = arith.constant 1 : i32
    %dma_start3A_42 = arith.constant 3 : i32
    %dma_start3A_43 = arith.constant 0 : i32
    %dma_start3A_44 = arith.constant 0 : i32
    %dma_start3A_45 = tpu.memref_slice %arg12[%dma_start3A_43, %dma_start3A_44] : memref<128x128xf32, #tpu.memory_space<vmem>> -> memref<32x128xf32, #tpu.memory_space<vmem>>
    %dma_start3A_46 = arith.constant 0 : i32
    %dma_start3A_47 = tpu.memref_slice %arg8[%dma_start3A_41, %dma_start3A_46] : memref<3x128xi32, #tpu.memory_space<vmem>> -> memref<1x32xi32, #tpu.memory_space<vmem>>
    %dma_start3A_48 = tpu.memref_squeeze %dma_start3A_47 : memref<1x32xi32, #tpu.memory_space<vmem>> -> memref<32xi32, #tpu.memory_space<vmem>>
    %dma_start3A_49 = arith.constant 0 : i32
    %dma_start3A_50 = arith.constant 0 : i32
    %dma_start3A_51 = tpu.memref_slice %arg3[%dma_start3A_49, %dma_start3A_50] : memref<100000x128xf32, #tpu.memory_space<hbm>> -> memref<100000x128xf32, #tpu.memory_space<hbm>>
    %dma_start3A_52 = tpu.memref_slice %arg16[%dma_start3A_42] : memref<24x!tpu.dma_semaphore, #tpu.memory_space<semaphore_mem>> -> memref<1x!tpu.dma_semaphore, #tpu.memory_space<semaphore_mem>>
    %dma_start3A_53 = tpu.memref_squeeze %dma_start3A_52 : memref<1x!tpu.dma_semaphore, #tpu.memory_space<semaphore_mem>> -> memref<!tpu.dma_semaphore, #tpu.memory_space<semaphore_mem>>
    tpu.enqueue_indirect_dma source(%dma_start3A_51 : memref<100000x128xf32, #tpu.memory_space<hbm>>) target(%dma_start3A_45 : memref<32x128xf32, #tpu.memory_space<vmem>>) offsets(%dma_start3A_48 : memref<32xi32, #tpu.memory_space<vmem>>) semaphore(%dma_start3A_53 : memref<!tpu.dma_semaphore, #tpu.memory_space<semaphore_mem>>)
    %dma_start3A_54 = arith.constant 2 : i32
    %dma_start3A_55 = arith.constant 4 : i32
    %dma_start3A_56 = arith.constant 0 : i32
    %dma_start3A_57 = arith.constant 0 : i32
    %dma_start3A_58 = tpu.memref_slice %arg13[%dma_start3A_56, %dma_start3A_57] : memref<128x128xf32, #tpu.memory_space<vmem>> -> memref<32x128xf32, #tpu.memory_space<vmem>>
    %dma_start3A_59 = arith.constant 0 : i32
    %dma_start3A_60 = tpu.memref_slice %arg8[%dma_start3A_54, %dma_start3A_59] : memref<3x128xi32, #tpu.memory_space<vmem>> -> memref<1x32xi32, #tpu.memory_space<vmem>>
    %dma_start3A_61 = tpu.memref_squeeze %dma_start3A_60 : memref<1x32xi32, #tpu.memory_space<vmem>> -> memref<32xi32, #tpu.memory_space<vmem>>
    %dma_start3A_62 = arith.constant 0 : i32
    %dma_start3A_63 = arith.constant 0 : i32
    %dma_start3A_64 = tpu.memref_slice %arg4[%dma_start3A_62, %dma_start3A_63] : memref<1000x128xf32, #tpu.memory_space<hbm>> -> memref<1000x128xf32, #tpu.memory_space<hbm>>
    %dma_start3A_65 = tpu.memref_slice %arg16[%dma_start3A_55] : memref<24x!tpu.dma_semaphore, #tpu.memory_space<semaphore_mem>> -> memref<1x!tpu.dma_semaphore, #tpu.memory_space<semaphore_mem>>
    %dma_start3A_66 = tpu.memref_squeeze %dma_start3A_65 : memref<1x!tpu.dma_semaphore, #tpu.memory_space<semaphore_mem>> -> memref<!tpu.dma_semaphore, #tpu.memory_space<semaphore_mem>>
    tpu.enqueue_indirect_dma source(%dma_start3A_64 : memref<1000x128xf32, #tpu.memory_space<hbm>>) target(%dma_start3A_58 : memref<32x128xf32, #tpu.memory_space<vmem>>) offsets(%dma_start3A_61 : memref<32xi32, #tpu.memory_space<vmem>>) semaphore(%dma_start3A_66 : memref<!tpu.dma_semaphore, #tpu.memory_space<semaphore_mem>>)
    %dma_start3A_67 = arith.constant 2 : i32
    %dma_start3A_68 = arith.constant 5 : i32
    %dma_start3A_69 = arith.constant 0 : i32
    %dma_start3A_70 = arith.constant 0 : i32
    %dma_start3A_71 = tpu.memref_slice %arg14[%dma_start3A_69, %dma_start3A_70] : memref<128x128xf32, #tpu.memory_space<vmem>> -> memref<32x128xf32, #tpu.memory_space<vmem>>
    %dma_start3A_72 = arith.constant 0 : i32
    %dma_start3A_73 = tpu.memref_slice %arg8[%dma_start3A_67, %dma_start3A_72] : memref<3x128xi32, #tpu.memory_space<vmem>> -> memref<1x32xi32, #tpu.memory_space<vmem>>
    %dma_start3A_74 = tpu.memref_squeeze %dma_start3A_73 : memref<1x32xi32, #tpu.memory_space<vmem>> -> memref<32xi32, #tpu.memory_space<vmem>>
    %dma_start3A_75 = arith.constant 0 : i32
    %dma_start3A_76 = arith.constant 0 : i32
    %dma_start3A_77 = tpu.memref_slice %arg5[%dma_start3A_75, %dma_start3A_76] : memref<1000x128xf32, #tpu.memory_space<hbm>> -> memref<1000x128xf32, #tpu.memory_space<hbm>>
    %dma_start3A_78 = tpu.memref_slice %arg16[%dma_start3A_68] : memref<24x!tpu.dma_semaphore, #tpu.memory_space<semaphore_mem>> -> memref<1x!tpu.dma_semaphore, #tpu.memory_space<semaphore_mem>>
    %dma_start3A_79 = tpu.memref_squeeze %dma_start3A_78 : memref<1x!tpu.dma_semaphore, #tpu.memory_space<semaphore_mem>> -> memref<!tpu.dma_semaphore, #tpu.memory_space<semaphore_mem>>
    tpu.enqueue_indirect_dma source(%dma_start3A_77 : memref<1000x128xf32, #tpu.memory_space<hbm>>) target(%dma_start3A_71 : memref<32x128xf32, #tpu.memory_space<vmem>>) offsets(%dma_start3A_74 : memref<32xi32, #tpu.memory_space<vmem>>) semaphore(%dma_start3A_79 : memref<!tpu.dma_semaphore, #tpu.memory_space<semaphore_mem>>)
    %dma_start3A_80 = arith.constant 0 : i32
    %dma_start3A_81 = arith.constant 6 : i32
    %dma_start3A_82 = arith.constant 32 : i32
    %dma_start3A_83 = arith.constant 0 : i32
    %dma_start3A_84 = tpu.memref_slice %arg9[%dma_start3A_82, %dma_start3A_83] : memref<128x128xf32, #tpu.memory_space<vmem>> -> memref<32x128xf32, #tpu.memory_space<vmem>>
    %dma_start3A_85 = arith.constant 32 : i32
    %dma_start3A_86 = tpu.memref_slice %arg8[%dma_start3A_80, %dma_start3A_85] : memref<3x128xi32, #tpu.memory_space<vmem>> -> memref<1x32xi32, #tpu.memory_space<vmem>>
    %dma_start3A_87 = tpu.memref_squeeze %dma_start3A_86 : memref<1x32xi32, #tpu.memory_space<vmem>> -> memref<32xi32, #tpu.memory_space<vmem>>
    %dma_start3A_88 = arith.constant 0 : i32
    %dma_start3A_89 = arith.constant 0 : i32
    %dma_start3A_90 = tpu.memref_slice %arg2[%dma_start3A_88, %dma_start3A_89] : memref<100000x128xf32, #tpu.memory_space<hbm>> -> memref<100000x128xf32, #tpu.memory_space<hbm>>
    %dma_start3A_91 = tpu.memref_slice %arg16[%dma_start3A_81] : memref<24x!tpu.dma_semaphore, #tpu.memory_space<semaphore_mem>> -> memref<1x!tpu.dma_semaphore, #tpu.memory_space<semaphore_mem>>
    %dma_start3A_92 = tpu.memref_squeeze %dma_start3A_91 : memref<1x!tpu.dma_semaphore, #tpu.memory_space<semaphore_mem>> -> memref<!tpu.dma_semaphore, #tpu.memory_space<semaphore_mem>>
    tpu.enqueue_indirect_dma source(%dma_start3A_90 : memref<100000x128xf32, #tpu.memory_space<hbm>>) target(%dma_start3A_84 : memref<32x128xf32, #tpu.memory_space<vmem>>) offsets(%dma_start3A_87 : memref<32xi32, #tpu.memory_space<vmem>>) semaphore(%dma_start3A_92 : memref<!tpu.dma_semaphore, #tpu.memory_space<semaphore_mem>>)
    %dma_start3A_93 = arith.constant 0 : i32
    %dma_start3A_94 = arith.constant 7 : i32
    %dma_start3A_95 = arith.constant 32 : i32
    %dma_start3A_96 = arith.constant 0 : i32
    %dma_start3A_97 = tpu.memref_slice %arg10[%dma_start3A_95, %dma_start3A_96] : memref<128x128xf32, #tpu.memory_space<vmem>> -> memref<32x128xf32, #tpu.memory_space<vmem>>
    %dma_start3A_98 = arith.constant 32 : i32
    %dma_start3A_99 = tpu.memref_slice %arg8[%dma_start3A_93, %dma_start3A_98] : memref<3x128xi32, #tpu.memory_space<vmem>> -> memref<1x32xi32, #tpu.memory_space<vmem>>
    %dma_start3A_100 = tpu.memref_squeeze %dma_start3A_99 : memref<1x32xi32, #tpu.memory_space<vmem>> -> memref<32xi32, #tpu.memory_space<vmem>>
    %dma_start3A_101 = arith.constant 0 : i32
    %dma_start3A_102 = arith.constant 0 : i32
    %dma_start3A_103 = tpu.memref_slice %arg3[%dma_start3A_101, %dma_start3A_102] : memref<100000x128xf32, #tpu.memory_space<hbm>> -> memref<100000x128xf32, #tpu.memory_space<hbm>>
    %dma_start3A_104 = tpu.memref_slice %arg16[%dma_start3A_94] : memref<24x!tpu.dma_semaphore, #tpu.memory_space<semaphore_mem>> -> memref<1x!tpu.dma_semaphore, #tpu.memory_space<semaphore_mem>>
    %dma_start3A_105 = tpu.memref_squeeze %dma_start3A_104 : memref<1x!tpu.dma_semaphore, #tpu.memory_space<semaphore_mem>> -> memref<!tpu.dma_semaphore, #tpu.memory_space<semaphore_mem>>
    tpu.enqueue_indirect_dma source(%dma_start3A_103 : memref<100000x128xf32, #tpu.memory_space<hbm>>) target(%dma_start3A_97 : memref<32x128xf32, #tpu.memory_space<vmem>>) offsets(%dma_start3A_100 : memref<32xi32, #tpu.memory_space<vmem>>) semaphore(%dma_start3A_105 : memref<!tpu.dma_semaphore, #tpu.memory_space<semaphore_mem>>)
    %dma_start3A_106 = arith.constant 1 : i32
    %dma_start3A_107 = arith.constant 8 : i32
    %dma_start3A_108 = arith.constant 32 : i32
    %dma_start3A_109 = arith.constant 0 : i32
    %dma_start3A_110 = tpu.memref_slice %arg11[%dma_start3A_108, %dma_start3A_109] : memref<128x128xf32, #tpu.memory_space<vmem>> -> memref<32x128xf32, #tpu.memory_space<vmem>>
    %dma_start3A_111 = arith.constant 32 : i32
    %dma_start3A_112 = tpu.memref_slice %arg8[%dma_start3A_106, %dma_start3A_111] : memref<3x128xi32, #tpu.memory_space<vmem>> -> memref<1x32xi32, #tpu.memory_space<vmem>>
    %dma_start3A_113 = tpu.memref_squeeze %dma_start3A_112 : memref<1x32xi32, #tpu.memory_space<vmem>> -> memref<32xi32, #tpu.memory_space<vmem>>
    %dma_start3A_114 = arith.constant 0 : i32
    %dma_start3A_115 = arith.constant 0 : i32
    %dma_start3A_116 = tpu.memref_slice %arg2[%dma_start3A_114, %dma_start3A_115] : memref<100000x128xf32, #tpu.memory_space<hbm>> -> memref<100000x128xf32, #tpu.memory_space<hbm>>
    %dma_start3A_117 = tpu.memref_slice %arg16[%dma_start3A_107] : memref<24x!tpu.dma_semaphore, #tpu.memory_space<semaphore_mem>> -> memref<1x!tpu.dma_semaphore, #tpu.memory_space<semaphore_mem>>
    %dma_start3A_118 = tpu.memref_squeeze %dma_start3A_117 : memref<1x!tpu.dma_semaphore, #tpu.memory_space<semaphore_mem>> -> memref<!tpu.dma_semaphore, #tpu.memory_space<semaphore_mem>>
    tpu.enqueue_indirect_dma source(%dma_start3A_116 : memref<100000x128xf32, #tpu.memory_space<hbm>>) target(%dma_start3A_110 : memref<32x128xf32, #tpu.memory_space<vmem>>) offsets(%dma_start3A_113 : memref<32xi32, #tpu.memory_space<vmem>>) semaphore(%dma_start3A_118 : memref<!tpu.dma_semaphore, #tpu.memory_space<semaphore_mem>>)
    %dma_start3A_119 = arith.constant 1 : i32
    %dma_start3A_120 = arith.constant 9 : i32
    %dma_start3A_121 = arith.constant 32 : i32
    %dma_start3A_122 = arith.constant 0 : i32
    %dma_start3A_123 = tpu.memref_slice %arg12[%dma_start3A_121, %dma_start3A_122] : memref<128x128xf32, #tpu.memory_space<vmem>> -> memref<32x128xf32, #tpu.memory_space<vmem>>
    %dma_start3A_124 = arith.constant 32 : i32
    %dma_start3A_125 = tpu.memref_slice %arg8[%dma_start3A_119, %dma_start3A_124] : memref<3x128xi32, #tpu.memory_space<vmem>> -> memref<1x32xi32, #tpu.memory_space<vmem>>
    %dma_start3A_126 = tpu.memref_squeeze %dma_start3A_125 : memref<1x32xi32, #tpu.memory_space<vmem>> -> memref<32xi32, #tpu.memory_space<vmem>>
    %dma_start3A_127 = arith.constant 0 : i32
    %dma_start3A_128 = arith.constant 0 : i32
    %dma_start3A_129 = tpu.memref_slice %arg3[%dma_start3A_127, %dma_start3A_128] : memref<100000x128xf32, #tpu.memory_space<hbm>> -> memref<100000x128xf32, #tpu.memory_space<hbm>>
    %dma_start3A_130 = tpu.memref_slice %arg16[%dma_start3A_120] : memref<24x!tpu.dma_semaphore, #tpu.memory_space<semaphore_mem>> -> memref<1x!tpu.dma_semaphore, #tpu.memory_space<semaphore_mem>>
    %dma_start3A_131 = tpu.memref_squeeze %dma_start3A_130 : memref<1x!tpu.dma_semaphore, #tpu.memory_space<semaphore_mem>> -> memref<!tpu.dma_semaphore, #tpu.memory_space<semaphore_mem>>
    tpu.enqueue_indirect_dma source(%dma_start3A_129 : memref<100000x128xf32, #tpu.memory_space<hbm>>) target(%dma_start3A_123 : memref<32x128xf32, #tpu.memory_space<vmem>>) offsets(%dma_start3A_126 : memref<32xi32, #tpu.memory_space<vmem>>) semaphore(%dma_start3A_131 : memref<!tpu.dma_semaphore, #tpu.memory_space<semaphore_mem>>)
    %dma_start3A_132 = arith.constant 2 : i32
    %dma_start3A_133 = arith.constant 10 : i32
    %dma_start3A_134 = arith.constant 32 : i32
    %dma_start3A_135 = arith.constant 0 : i32
    %dma_start3A_136 = tpu.memref_slice %arg13[%dma_start3A_134, %dma_start3A_135] : memref<128x128xf32, #tpu.memory_space<vmem>> -> memref<32x128xf32, #tpu.memory_space<vmem>>
    %dma_start3A_137 = arith.constant 32 : i32
    %dma_start3A_138 = tpu.memref_slice %arg8[%dma_start3A_132, %dma_start3A_137] : memref<3x128xi32, #tpu.memory_space<vmem>> -> memref<1x32xi32, #tpu.memory_space<vmem>>
    %dma_start3A_139 = tpu.memref_squeeze %dma_start3A_138 : memref<1x32xi32, #tpu.memory_space<vmem>> -> memref<32xi32, #tpu.memory_space<vmem>>
    %dma_start3A_140 = arith.constant 0 : i32
    %dma_start3A_141 = arith.constant 0 : i32
    %dma_start3A_142 = tpu.memref_slice %arg4[%dma_start3A_140, %dma_start3A_141] : memref<1000x128xf32, #tpu.memory_space<hbm>> -> memref<1000x128xf32, #tpu.memory_space<hbm>>
    %dma_start3A_143 = tpu.memref_slice %arg16[%dma_start3A_133] : memref<24x!tpu.dma_semaphore, #tpu.memory_space<semaphore_mem>> -> memref<1x!tpu.dma_semaphore, #tpu.memory_space<semaphore_mem>>
    %dma_start3A_144 = tpu.memref_squeeze %dma_start3A_143 : memref<1x!tpu.dma_semaphore, #tpu.memory_space<semaphore_mem>> -> memref<!tpu.dma_semaphore, #tpu.memory_space<semaphore_mem>>
    tpu.enqueue_indirect_dma source(%dma_start3A_142 : memref<1000x128xf32, #tpu.memory_space<hbm>>) target(%dma_start3A_136 : memref<32x128xf32, #tpu.memory_space<vmem>>) offsets(%dma_start3A_139 : memref<32xi32, #tpu.memory_space<vmem>>) semaphore(%dma_start3A_144 : memref<!tpu.dma_semaphore, #tpu.memory_space<semaphore_mem>>)
    %dma_start3A_145 = arith.constant 2 : i32
    %dma_start3A_146 = arith.constant 11 : i32
    %dma_start3A_147 = arith.constant 32 : i32
    %dma_start3A_148 = arith.constant 0 : i32
    %dma_start3A_149 = tpu.memref_slice %arg14[%dma_start3A_147, %dma_start3A_148] : memref<128x128xf32, #tpu.memory_space<vmem>> -> memref<32x128xf32, #tpu.memory_space<vmem>>
    %dma_start3A_150 = arith.constant 32 : i32
    %dma_start3A_151 = tpu.memref_slice %arg8[%dma_start3A_145, %dma_start3A_150] : memref<3x128xi32, #tpu.memory_space<vmem>> -> memref<1x32xi32, #tpu.memory_space<vmem>>
    %dma_start3A_152 = tpu.memref_squeeze %dma_start3A_151 : memref<1x32xi32, #tpu.memory_space<vmem>> -> memref<32xi32, #tpu.memory_space<vmem>>
    %dma_start3A_153 = arith.constant 0 : i32
    %dma_start3A_154 = arith.constant 0 : i32
    %dma_start3A_155 = tpu.memref_slice %arg5[%dma_start3A_153, %dma_start3A_154] : memref<1000x128xf32, #tpu.memory_space<hbm>> -> memref<1000x128xf32, #tpu.memory_space<hbm>>
    %dma_start3A_156 = tpu.memref_slice %arg16[%dma_start3A_146] : memref<24x!tpu.dma_semaphore, #tpu.memory_space<semaphore_mem>> -> memref<1x!tpu.dma_semaphore, #tpu.memory_space<semaphore_mem>>
    %dma_start3A_157 = tpu.memref_squeeze %dma_start3A_156 : memref<1x!tpu.dma_semaphore, #tpu.memory_space<semaphore_mem>> -> memref<!tpu.dma_semaphore, #tpu.memory_space<semaphore_mem>>
    tpu.enqueue_indirect_dma source(%dma_start3A_155 : memref<1000x128xf32, #tpu.memory_space<hbm>>) target(%dma_start3A_149 : memref<32x128xf32, #tpu.memory_space<vmem>>) offsets(%dma_start3A_152 : memref<32xi32, #tpu.memory_space<vmem>>) semaphore(%dma_start3A_157 : memref<!tpu.dma_semaphore, #tpu.memory_space<semaphore_mem>>)
    %dma_start3A_158 = arith.constant 0 : i32
    %dma_start3A_159 = arith.constant 12 : i32
    %dma_start3A_160 = arith.constant 64 : i32
    %dma_start3A_161 = arith.constant 0 : i32
    %dma_start3A_162 = tpu.memref_slice %arg9[%dma_start3A_160, %dma_start3A_161] : memref<128x128xf32, #tpu.memory_space<vmem>> -> memref<32x128xf32, #tpu.memory_space<vmem>>
    %dma_start3A_163 = arith.constant 64 : i32
    %dma_start3A_164 = tpu.memref_slice %arg8[%dma_start3A_158, %dma_start3A_163] : memref<3x128xi32, #tpu.memory_space<vmem>> -> memref<1x32xi32, #tpu.memory_space<vmem>>
    %dma_start3A_165 = tpu.memref_squeeze %dma_start3A_164 : memref<1x32xi32, #tpu.memory_space<vmem>> -> memref<32xi32, #tpu.memory_space<vmem>>
    %dma_start3A_166 = arith.constant 0 : i32
    %dma_start3A_167 = arith.constant 0 : i32
    %dma_start3A_168 = tpu.memref_slice %arg2[%dma_start3A_166, %dma_start3A_167] : memref<100000x128xf32, #tpu.memory_space<hbm>> -> memref<100000x128xf32, #tpu.memory_space<hbm>>
    %dma_start3A_169 = tpu.memref_slice %arg16[%dma_start3A_159] : memref<24x!tpu.dma_semaphore, #tpu.memory_space<semaphore_mem>> -> memref<1x!tpu.dma_semaphore, #tpu.memory_space<semaphore_mem>>
    %dma_start3A_170 = tpu.memref_squeeze %dma_start3A_169 : memref<1x!tpu.dma_semaphore, #tpu.memory_space<semaphore_mem>> -> memref<!tpu.dma_semaphore, #tpu.memory_space<semaphore_mem>>
    tpu.enqueue_indirect_dma source(%dma_start3A_168 : memref<100000x128xf32, #tpu.memory_space<hbm>>) target(%dma_start3A_162 : memref<32x128xf32, #tpu.memory_space<vmem>>) offsets(%dma_start3A_165 : memref<32xi32, #tpu.memory_space<vmem>>) semaphore(%dma_start3A_170 : memref<!tpu.dma_semaphore, #tpu.memory_space<semaphore_mem>>)
    %dma_start3A_171 = arith.constant 0 : i32
    %dma_start3A_172 = arith.constant 13 : i32
    %dma_start3A_173 = arith.constant 64 : i32
    %dma_start3A_174 = arith.constant 0 : i32
    %dma_start3A_175 = tpu.memref_slice %arg10[%dma_start3A_173, %dma_start3A_174] : memref<128x128xf32, #tpu.memory_space<vmem>> -> memref<32x128xf32, #tpu.memory_space<vmem>>
    %dma_start3A_176 = arith.constant 64 : i32
    %dma_start3A_177 = tpu.memref_slice %arg8[%dma_start3A_171, %dma_start3A_176] : memref<3x128xi32, #tpu.memory_space<vmem>> -> memref<1x32xi32, #tpu.memory_space<vmem>>
    %dma_start3A_178 = tpu.memref_squeeze %dma_start3A_177 : memref<1x32xi32, #tpu.memory_space<vmem>> -> memref<32xi32, #tpu.memory_space<vmem>>
    %dma_start3A_179 = arith.constant 0 : i32
    %dma_start3A_180 = arith.constant 0 : i32
    %dma_start3A_181 = tpu.memref_slice %arg3[%dma_start3A_179, %dma_start3A_180] : memref<100000x128xf32, #tpu.memory_space<hbm>> -> memref<100000x128xf32, #tpu.memory_space<hbm>>
    %dma_start3A_182 = tpu.memref_slice %arg16[%dma_start3A_172] : memref<24x!tpu.dma_semaphore, #tpu.memory_space<semaphore_mem>> -> memref<1x!tpu.dma_semaphore, #tpu.memory_space<semaphore_mem>>
    %dma_start3A_183 = tpu.memref_squeeze %dma_start3A_182 : memref<1x!tpu.dma_semaphore, #tpu.memory_space<semaphore_mem>> -> memref<!tpu.dma_semaphore, #tpu.memory_space<semaphore_mem>>
    tpu.enqueue_indirect_dma source(%dma_start3A_181 : memref<100000x128xf32, #tpu.memory_space<hbm>>) target(%dma_start3A_175 : memref<32x128xf32, #tpu.memory_space<vmem>>) offsets(%dma_start3A_178 : memref<32xi32, #tpu.memory_space<vmem>>) semaphore(%dma_start3A_183 : memref<!tpu.dma_semaphore, #tpu.memory_space<semaphore_mem>>)
    %dma_start3A_184 = arith.constant 1 : i32
    %dma_start3A_185 = arith.constant 14 : i32
    %dma_start3A_186 = arith.constant 64 : i32
    %dma_start3A_187 = arith.constant 0 : i32
    %dma_start3A_188 = tpu.memref_slice %arg11[%dma_start3A_186, %dma_start3A_187] : memref<128x128xf32, #tpu.memory_space<vmem>> -> memref<32x128xf32, #tpu.memory_space<vmem>>
    %dma_start3A_189 = arith.constant 64 : i32
    %dma_start3A_190 = tpu.memref_slice %arg8[%dma_start3A_184, %dma_start3A_189] : memref<3x128xi32, #tpu.memory_space<vmem>> -> memref<1x32xi32, #tpu.memory_space<vmem>>
    %dma_start3A_191 = tpu.memref_squeeze %dma_start3A_190 : memref<1x32xi32, #tpu.memory_space<vmem>> -> memref<32xi32, #tpu.memory_space<vmem>>
    %dma_start3A_192 = arith.constant 0 : i32
    %dma_start3A_193 = arith.constant 0 : i32
    %dma_start3A_194 = tpu.memref_slice %arg2[%dma_start3A_192, %dma_start3A_193] : memref<100000x128xf32, #tpu.memory_space<hbm>> -> memref<100000x128xf32, #tpu.memory_space<hbm>>
    %dma_start3A_195 = tpu.memref_slice %arg16[%dma_start3A_185] : memref<24x!tpu.dma_semaphore, #tpu.memory_space<semaphore_mem>> -> memref<1x!tpu.dma_semaphore, #tpu.memory_space<semaphore_mem>>
    %dma_start3A_196 = tpu.memref_squeeze %dma_start3A_195 : memref<1x!tpu.dma_semaphore, #tpu.memory_space<semaphore_mem>> -> memref<!tpu.dma_semaphore, #tpu.memory_space<semaphore_mem>>
    tpu.enqueue_indirect_dma source(%dma_start3A_194 : memref<100000x128xf32, #tpu.memory_space<hbm>>) target(%dma_start3A_188 : memref<32x128xf32, #tpu.memory_space<vmem>>) offsets(%dma_start3A_191 : memref<32xi32, #tpu.memory_space<vmem>>) semaphore(%dma_start3A_196 : memref<!tpu.dma_semaphore, #tpu.memory_space<semaphore_mem>>)
    %dma_start3A_197 = arith.constant 1 : i32
    %dma_start3A_198 = arith.constant 15 : i32
    %dma_start3A_199 = arith.constant 64 : i32
    %dma_start3A_200 = arith.constant 0 : i32
    %dma_start3A_201 = tpu.memref_slice %arg12[%dma_start3A_199, %dma_start3A_200] : memref<128x128xf32, #tpu.memory_space<vmem>> -> memref<32x128xf32, #tpu.memory_space<vmem>>
    %dma_start3A_202 = arith.constant 64 : i32
    %dma_start3A_203 = tpu.memref_slice %arg8[%dma_start3A_197, %dma_start3A_202] : memref<3x128xi32, #tpu.memory_space<vmem>> -> memref<1x32xi32, #tpu.memory_space<vmem>>
    %dma_start3A_204 = tpu.memref_squeeze %dma_start3A_203 : memref<1x32xi32, #tpu.memory_space<vmem>> -> memref<32xi32, #tpu.memory_space<vmem>>
    %dma_start3A_205 = arith.constant 0 : i32
    %dma_start3A_206 = arith.constant 0 : i32
    %dma_start3A_207 = tpu.memref_slice %arg3[%dma_start3A_205, %dma_start3A_206] : memref<100000x128xf32, #tpu.memory_space<hbm>> -> memref<100000x128xf32, #tpu.memory_space<hbm>>
    %dma_start3A_208 = tpu.memref_slice %arg16[%dma_start3A_198] : memref<24x!tpu.dma_semaphore, #tpu.memory_space<semaphore_mem>> -> memref<1x!tpu.dma_semaphore, #tpu.memory_space<semaphore_mem>>
    %dma_start3A_209 = tpu.memref_squeeze %dma_start3A_208 : memref<1x!tpu.dma_semaphore, #tpu.memory_space<semaphore_mem>> -> memref<!tpu.dma_semaphore, #tpu.memory_space<semaphore_mem>>
    tpu.enqueue_indirect_dma source(%dma_start3A_207 : memref<100000x128xf32, #tpu.memory_space<hbm>>) target(%dma_start3A_201 : memref<32x128xf32, #tpu.memory_space<vmem>>) offsets(%dma_start3A_204 : memref<32xi32, #tpu.memory_space<vmem>>) semaphore(%dma_start3A_209 : memref<!tpu.dma_semaphore, #tpu.memory_space<semaphore_mem>>)
    %dma_start3A_210 = arith.constant 2 : i32
    %dma_start3A_211 = arith.constant 16 : i32
    %dma_start3A_212 = arith.constant 64 : i32
    %dma_start3A_213 = arith.constant 0 : i32
    %dma_start3A_214 = tpu.memref_slice %arg13[%dma_start3A_212, %dma_start3A_213] : memref<128x128xf32, #tpu.memory_space<vmem>> -> memref<32x128xf32, #tpu.memory_space<vmem>>
    %dma_start3A_215 = arith.constant 64 : i32
    %dma_start3A_216 = tpu.memref_slice %arg8[%dma_start3A_210, %dma_start3A_215] : memref<3x128xi32, #tpu.memory_space<vmem>> -> memref<1x32xi32, #tpu.memory_space<vmem>>
    %dma_start3A_217 = tpu.memref_squeeze %dma_start3A_216 : memref<1x32xi32, #tpu.memory_space<vmem>> -> memref<32xi32, #tpu.memory_space<vmem>>
    %dma_start3A_218 = arith.constant 0 : i32
    %dma_start3A_219 = arith.constant 0 : i32
    %dma_start3A_220 = tpu.memref_slice %arg4[%dma_start3A_218, %dma_start3A_219] : memref<1000x128xf32, #tpu.memory_space<hbm>> -> memref<1000x128xf32, #tpu.memory_space<hbm>>
    %dma_start3A_221 = tpu.memref_slice %arg16[%dma_start3A_211] : memref<24x!tpu.dma_semaphore, #tpu.memory_space<semaphore_mem>> -> memref<1x!tpu.dma_semaphore, #tpu.memory_space<semaphore_mem>>
    %dma_start3A_222 = tpu.memref_squeeze %dma_start3A_221 : memref<1x!tpu.dma_semaphore, #tpu.memory_space<semaphore_mem>> -> memref<!tpu.dma_semaphore, #tpu.memory_space<semaphore_mem>>
    tpu.enqueue_indirect_dma source(%dma_start3A_220 : memref<1000x128xf32, #tpu.memory_space<hbm>>) target(%dma_start3A_214 : memref<32x128xf32, #tpu.memory_space<vmem>>) offsets(%dma_start3A_217 : memref<32xi32, #tpu.memory_space<vmem>>) semaphore(%dma_start3A_222 : memref<!tpu.dma_semaphore, #tpu.memory_space<semaphore_mem>>)
    %dma_start3A_223 = arith.constant 2 : i32
    %dma_start3A_224 = arith.constant 17 : i32
    %dma_start3A_225 = arith.constant 64 : i32
    %dma_start3A_226 = arith.constant 0 : i32
    %dma_start3A_227 = tpu.memref_slice %arg14[%dma_start3A_225, %dma_start3A_226] : memref<128x128xf32, #tpu.memory_space<vmem>> -> memref<32x128xf32, #tpu.memory_space<vmem>>
    %dma_start3A_228 = arith.constant 64 : i32
    %dma_start3A_229 = tpu.memref_slice %arg8[%dma_start3A_223, %dma_start3A_228] : memref<3x128xi32, #tpu.memory_space<vmem>> -> memref<1x32xi32, #tpu.memory_space<vmem>>
    %dma_start3A_230 = tpu.memref_squeeze %dma_start3A_229 : memref<1x32xi32, #tpu.memory_space<vmem>> -> memref<32xi32, #tpu.memory_space<vmem>>
    %dma_start3A_231 = arith.constant 0 : i32
    %dma_start3A_232 = arith.constant 0 : i32
    %dma_start3A_233 = tpu.memref_slice %arg5[%dma_start3A_231, %dma_start3A_232] : memref<1000x128xf32, #tpu.memory_space<hbm>> -> memref<1000x128xf32, #tpu.memory_space<hbm>>
    %dma_start3A_234 = tpu.memref_slice %arg16[%dma_start3A_224] : memref<24x!tpu.dma_semaphore, #tpu.memory_space<semaphore_mem>> -> memref<1x!tpu.dma_semaphore, #tpu.memory_space<semaphore_mem>>
    %dma_start3A_235 = tpu.memref_squeeze %dma_start3A_234 : memref<1x!tpu.dma_semaphore, #tpu.memory_space<semaphore_mem>> -> memref<!tpu.dma_semaphore, #tpu.memory_space<semaphore_mem>>
    tpu.enqueue_indirect_dma source(%dma_start3A_233 : memref<1000x128xf32, #tpu.memory_space<hbm>>) target(%dma_start3A_227 : memref<32x128xf32, #tpu.memory_space<vmem>>) offsets(%dma_start3A_230 : memref<32xi32, #tpu.memory_space<vmem>>) semaphore(%dma_start3A_235 : memref<!tpu.dma_semaphore, #tpu.memory_space<semaphore_mem>>)
    %dma_start3A_236 = arith.constant 0 : i32
    %dma_start3A_237 = arith.constant 18 : i32
    %dma_start3A_238 = arith.constant 96 : i32
    %dma_start3A_239 = arith.constant 0 : i32
    %dma_start3A_240 = tpu.memref_slice %arg9[%dma_start3A_238, %dma_start3A_239] : memref<128x128xf32, #tpu.memory_space<vmem>> -> memref<32x128xf32, #tpu.memory_space<vmem>>
    %dma_start3A_241 = arith.constant 96 : i32
    %dma_start3A_242 = tpu.memref_slice %arg8[%dma_start3A_236, %dma_start3A_241] : memref<3x128xi32, #tpu.memory_space<vmem>> -> memref<1x32xi32, #tpu.memory_space<vmem>>
    %dma_start3A_243 = tpu.memref_squeeze %dma_start3A_242 : memref<1x32xi32, #tpu.memory_space<vmem>> -> memref<32xi32, #tpu.memory_space<vmem>>
    %dma_start3A_244 = arith.constant 0 : i32
    %dma_start3A_245 = arith.constant 0 : i32
    %dma_start3A_246 = tpu.memref_slice %arg2[%dma_start3A_244, %dma_start3A_245] : memref<100000x128xf32, #tpu.memory_space<hbm>> -> memref<100000x128xf32, #tpu.memory_space<hbm>>
    %dma_start3A_247 = tpu.memref_slice %arg16[%dma_start3A_237] : memref<24x!tpu.dma_semaphore, #tpu.memory_space<semaphore_mem>> -> memref<1x!tpu.dma_semaphore, #tpu.memory_space<semaphore_mem>>
    %dma_start3A_248 = tpu.memref_squeeze %dma_start3A_247 : memref<1x!tpu.dma_semaphore, #tpu.memory_space<semaphore_mem>> -> memref<!tpu.dma_semaphore, #tpu.memory_space<semaphore_mem>>
    tpu.enqueue_indirect_dma source(%dma_start3A_246 : memref<100000x128xf32, #tpu.memory_space<hbm>>) target(%dma_start3A_240 : memref<32x128xf32, #tpu.memory_space<vmem>>) offsets(%dma_start3A_243 : memref<32xi32, #tpu.memory_space<vmem>>) semaphore(%dma_start3A_248 : memref<!tpu.dma_semaphore, #tpu.memory_space<semaphore_mem>>)
    %dma_start3A_249 = arith.constant 0 : i32
    %dma_start3A_250 = arith.constant 19 : i32
    %dma_start3A_251 = arith.constant 96 : i32
    %dma_start3A_252 = arith.constant 0 : i32
    %dma_start3A_253 = tpu.memref_slice %arg10[%dma_start3A_251, %dma_start3A_252] : memref<128x128xf32, #tpu.memory_space<vmem>> -> memref<32x128xf32, #tpu.memory_space<vmem>>
    %dma_start3A_254 = arith.constant 96 : i32
    %dma_start3A_255 = tpu.memref_slice %arg8[%dma_start3A_249, %dma_start3A_254] : memref<3x128xi32, #tpu.memory_space<vmem>> -> memref<1x32xi32, #tpu.memory_space<vmem>>
    %dma_start3A_256 = tpu.memref_squeeze %dma_start3A_255 : memref<1x32xi32, #tpu.memory_space<vmem>> -> memref<32xi32, #tpu.memory_space<vmem>>
    %dma_start3A_257 = arith.constant 0 : i32
    %dma_start3A_258 = arith.constant 0 : i32
    %dma_start3A_259 = tpu.memref_slice %arg3[%dma_start3A_257, %dma_start3A_258] : memref<100000x128xf32, #tpu.memory_space<hbm>> -> memref<100000x128xf32, #tpu.memory_space<hbm>>
    %dma_start3A_260 = tpu.memref_slice %arg16[%dma_start3A_250] : memref<24x!tpu.dma_semaphore, #tpu.memory_space<semaphore_mem>> -> memref<1x!tpu.dma_semaphore, #tpu.memory_space<semaphore_mem>>
    %dma_start3A_261 = tpu.memref_squeeze %dma_start3A_260 : memref<1x!tpu.dma_semaphore, #tpu.memory_space<semaphore_mem>> -> memref<!tpu.dma_semaphore, #tpu.memory_space<semaphore_mem>>
    tpu.enqueue_indirect_dma source(%dma_start3A_259 : memref<100000x128xf32, #tpu.memory_space<hbm>>) target(%dma_start3A_253 : memref<32x128xf32, #tpu.memory_space<vmem>>) offsets(%dma_start3A_256 : memref<32xi32, #tpu.memory_space<vmem>>) semaphore(%dma_start3A_261 : memref<!tpu.dma_semaphore, #tpu.memory_space<semaphore_mem>>)
    %dma_start3A_262 = arith.constant 1 : i32
    %dma_start3A_263 = arith.constant 20 : i32
    %dma_start3A_264 = arith.constant 96 : i32
    %dma_start3A_265 = arith.constant 0 : i32
    %dma_start3A_266 = tpu.memref_slice %arg11[%dma_start3A_264, %dma_start3A_265] : memref<128x128xf32, #tpu.memory_space<vmem>> -> memref<32x128xf32, #tpu.memory_space<vmem>>
    %dma_start3A_267 = arith.constant 96 : i32
    %dma_start3A_268 = tpu.memref_slice %arg8[%dma_start3A_262, %dma_start3A_267] : memref<3x128xi32, #tpu.memory_space<vmem>> -> memref<1x32xi32, #tpu.memory_space<vmem>>
    %dma_start3A_269 = tpu.memref_squeeze %dma_start3A_268 : memref<1x32xi32, #tpu.memory_space<vmem>> -> memref<32xi32, #tpu.memory_space<vmem>>
    %dma_start3A_270 = arith.constant 0 : i32
    %dma_start3A_271 = arith.constant 0 : i32
    %dma_start3A_272 = tpu.memref_slice %arg2[%dma_start3A_270, %dma_start3A_271] : memref<100000x128xf32, #tpu.memory_space<hbm>> -> memref<100000x128xf32, #tpu.memory_space<hbm>>
    %dma_start3A_273 = tpu.memref_slice %arg16[%dma_start3A_263] : memref<24x!tpu.dma_semaphore, #tpu.memory_space<semaphore_mem>> -> memref<1x!tpu.dma_semaphore, #tpu.memory_space<semaphore_mem>>
    %dma_start3A_274 = tpu.memref_squeeze %dma_start3A_273 : memref<1x!tpu.dma_semaphore, #tpu.memory_space<semaphore_mem>> -> memref<!tpu.dma_semaphore, #tpu.memory_space<semaphore_mem>>
    tpu.enqueue_indirect_dma source(%dma_start3A_272 : memref<100000x128xf32, #tpu.memory_space<hbm>>) target(%dma_start3A_266 : memref<32x128xf32, #tpu.memory_space<vmem>>) offsets(%dma_start3A_269 : memref<32xi32, #tpu.memory_space<vmem>>) semaphore(%dma_start3A_274 : memref<!tpu.dma_semaphore, #tpu.memory_space<semaphore_mem>>)
    %dma_start3A_275 = arith.constant 1 : i32
    %dma_start3A_276 = arith.constant 21 : i32
    %dma_start3A_277 = arith.constant 96 : i32
    %dma_start3A_278 = arith.constant 0 : i32
    %dma_start3A_279 = tpu.memref_slice %arg12[%dma_start3A_277, %dma_start3A_278] : memref<128x128xf32, #tpu.memory_space<vmem>> -> memref<32x128xf32, #tpu.memory_space<vmem>>
    %dma_start3A_280 = arith.constant 96 : i32
    %dma_start3A_281 = tpu.memref_slice %arg8[%dma_start3A_275, %dma_start3A_280] : memref<3x128xi32, #tpu.memory_space<vmem>> -> memref<1x32xi32, #tpu.memory_space<vmem>>
    %dma_start3A_282 = tpu.memref_squeeze %dma_start3A_281 : memref<1x32xi32, #tpu.memory_space<vmem>> -> memref<32xi32, #tpu.memory_space<vmem>>
    %dma_start3A_283 = arith.constant 0 : i32
    %dma_start3A_284 = arith.constant 0 : i32
    %dma_start3A_285 = tpu.memref_slice %arg3[%dma_start3A_283, %dma_start3A_284] : memref<100000x128xf32, #tpu.memory_space<hbm>> -> memref<100000x128xf32, #tpu.memory_space<hbm>>
    %dma_start3A_286 = tpu.memref_slice %arg16[%dma_start3A_276] : memref<24x!tpu.dma_semaphore, #tpu.memory_space<semaphore_mem>> -> memref<1x!tpu.dma_semaphore, #tpu.memory_space<semaphore_mem>>
    %dma_start3A_287 = tpu.memref_squeeze %dma_start3A_286 : memref<1x!tpu.dma_semaphore, #tpu.memory_space<semaphore_mem>> -> memref<!tpu.dma_semaphore, #tpu.memory_space<semaphore_mem>>
    tpu.enqueue_indirect_dma source(%dma_start3A_285 : memref<100000x128xf32, #tpu.memory_space<hbm>>) target(%dma_start3A_279 : memref<32x128xf32, #tpu.memory_space<vmem>>) offsets(%dma_start3A_282 : memref<32xi32, #tpu.memory_space<vmem>>) semaphore(%dma_start3A_287 : memref<!tpu.dma_semaphore, #tpu.memory_space<semaphore_mem>>)
    %dma_start3A_288 = arith.constant 2 : i32
    %dma_start3A_289 = arith.constant 22 : i32
    %dma_start3A_290 = arith.constant 96 : i32
    %dma_start3A_291 = arith.constant 0 : i32
    %dma_start3A_292 = tpu.memref_slice %arg13[%dma_start3A_290, %dma_start3A_291] : memref<128x128xf32, #tpu.memory_space<vmem>> -> memref<32x128xf32, #tpu.memory_space<vmem>>
    %dma_start3A_293 = arith.constant 96 : i32
    %dma_start3A_294 = tpu.memref_slice %arg8[%dma_start3A_288, %dma_start3A_293] : memref<3x128xi32, #tpu.memory_space<vmem>> -> memref<1x32xi32, #tpu.memory_space<vmem>>
    %dma_start3A_295 = tpu.memref_squeeze %dma_start3A_294 : memref<1x32xi32, #tpu.memory_space<vmem>> -> memref<32xi32, #tpu.memory_space<vmem>>
    %dma_start3A_296 = arith.constant 0 : i32
    %dma_start3A_297 = arith.constant 0 : i32
    %dma_start3A_298 = tpu.memref_slice %arg4[%dma_start3A_296, %dma_start3A_297] : memref<1000x128xf32, #tpu.memory_space<hbm>> -> memref<1000x128xf32, #tpu.memory_space<hbm>>
    %dma_start3A_299 = tpu.memref_slice %arg16[%dma_start3A_289] : memref<24x!tpu.dma_semaphore, #tpu.memory_space<semaphore_mem>> -> memref<1x!tpu.dma_semaphore, #tpu.memory_space<semaphore_mem>>
    %dma_start3A_300 = tpu.memref_squeeze %dma_start3A_299 : memref<1x!tpu.dma_semaphore, #tpu.memory_space<semaphore_mem>> -> memref<!tpu.dma_semaphore, #tpu.memory_space<semaphore_mem>>
    tpu.enqueue_indirect_dma source(%dma_start3A_298 : memref<1000x128xf32, #tpu.memory_space<hbm>>) target(%dma_start3A_292 : memref<32x128xf32, #tpu.memory_space<vmem>>) offsets(%dma_start3A_295 : memref<32xi32, #tpu.memory_space<vmem>>) semaphore(%dma_start3A_300 : memref<!tpu.dma_semaphore, #tpu.memory_space<semaphore_mem>>)
    %dma_start3A_301 = arith.constant 2 : i32
    %dma_start3A_302 = arith.constant 23 : i32
    %dma_start3A_303 = arith.constant 96 : i32
    %dma_start3A_304 = arith.constant 0 : i32
    %dma_start3A_305 = tpu.memref_slice %arg14[%dma_start3A_303, %dma_start3A_304] : memref<128x128xf32, #tpu.memory_space<vmem>> -> memref<32x128xf32, #tpu.memory_space<vmem>>
    %dma_start3A_306 = arith.constant 96 : i32
    %dma_start3A_307 = tpu.memref_slice %arg8[%dma_start3A_301, %dma_start3A_306] : memref<3x128xi32, #tpu.memory_space<vmem>> -> memref<1x32xi32, #tpu.memory_space<vmem>>
    %dma_start3A_308 = tpu.memref_squeeze %dma_start3A_307 : memref<1x32xi32, #tpu.memory_space<vmem>> -> memref<32xi32, #tpu.memory_space<vmem>>
    %dma_start3A_309 = arith.constant 0 : i32
    %dma_start3A_310 = arith.constant 0 : i32
    %dma_start3A_311 = tpu.memref_slice %arg5[%dma_start3A_309, %dma_start3A_310] : memref<1000x128xf32, #tpu.memory_space<hbm>> -> memref<1000x128xf32, #tpu.memory_space<hbm>>
    %dma_start3A_312 = tpu.memref_slice %arg16[%dma_start3A_302] : memref<24x!tpu.dma_semaphore, #tpu.memory_space<semaphore_mem>> -> memref<1x!tpu.dma_semaphore, #tpu.memory_space<semaphore_mem>>
    %dma_start3A_313 = tpu.memref_squeeze %dma_start3A_312 : memref<1x!tpu.dma_semaphore, #tpu.memory_space<semaphore_mem>> -> memref<!tpu.dma_semaphore, #tpu.memory_space<semaphore_mem>>
    tpu.enqueue_indirect_dma source(%dma_start3A_311 : memref<1000x128xf32, #tpu.memory_space<hbm>>) target(%dma_start3A_305 : memref<32x128xf32, #tpu.memory_space<vmem>>) offsets(%dma_start3A_308 : memref<32xi32, #tpu.memory_space<vmem>>) semaphore(%dma_start3A_313 : memref<!tpu.dma_semaphore, #tpu.memory_space<semaphore_mem>>)
    %dma_wait3A = arith.constant 0 : i32
    %dma_wait3A_314 = arith.constant 0 : i32
    %dma_wait3A_315 = arith.constant 0 : i32
    %dma_wait3A_316 = arith.constant 0 : i32
    %dma_wait3A_317 = tpu.memref_slice %arg9[%dma_wait3A_315, %dma_wait3A_316] : memref<128x128xf32, #tpu.memory_space<vmem>> -> memref<32x128xf32, #tpu.memory_space<vmem>>
    %dma_wait3A_318 = arith.constant 0 : i32
    %dma_wait3A_319 = tpu.memref_slice %arg8[%dma_wait3A, %dma_wait3A_318] : memref<3x128xi32, #tpu.memory_space<vmem>> -> memref<1x32xi32, #tpu.memory_space<vmem>>
    %dma_wait3A_320 = tpu.memref_squeeze %dma_wait3A_319 : memref<1x32xi32, #tpu.memory_space<vmem>> -> memref<32xi32, #tpu.memory_space<vmem>>
    %dma_wait3A_321 = arith.constant 0 : i32
    %dma_wait3A_322 = arith.constant 0 : i32
    %dma_wait3A_323 = tpu.memref_slice %arg2[%dma_wait3A_321, %dma_wait3A_322] : memref<100000x128xf32, #tpu.memory_space<hbm>> -> memref<100000x128xf32, #tpu.memory_space<hbm>>
    %dma_wait3A_324 = tpu.memref_slice %arg16[%dma_wait3A_314] : memref<24x!tpu.dma_semaphore, #tpu.memory_space<semaphore_mem>> -> memref<1x!tpu.dma_semaphore, #tpu.memory_space<semaphore_mem>>
    %dma_wait3A_325 = tpu.memref_squeeze %dma_wait3A_324 : memref<1x!tpu.dma_semaphore, #tpu.memory_space<semaphore_mem>> -> memref<!tpu.dma_semaphore, #tpu.memory_space<semaphore_mem>>
    tpu.wait_indirect_dma semaphore(%dma_wait3A_325 : memref<!tpu.dma_semaphore, #tpu.memory_space<semaphore_mem>>) src(%dma_wait3A_323 : memref<100000x128xf32, #tpu.memory_space<hbm>>) dst(%dma_wait3A_317 : memref<32x128xf32, #tpu.memory_space<vmem>>)
    %dma_wait3A_326 = arith.constant 0 : i32
    %dma_wait3A_327 = arith.constant 1 : i32
    %dma_wait3A_328 = arith.constant 0 : i32
    %dma_wait3A_329 = arith.constant 0 : i32
    %dma_wait3A_330 = tpu.memref_slice %arg10[%dma_wait3A_328, %dma_wait3A_329] : memref<128x128xf32, #tpu.memory_space<vmem>> -> memref<32x128xf32, #tpu.memory_space<vmem>>
    %dma_wait3A_331 = arith.constant 0 : i32
    %dma_wait3A_332 = tpu.memref_slice %arg8[%dma_wait3A_326, %dma_wait3A_331] : memref<3x128xi32, #tpu.memory_space<vmem>> -> memref<1x32xi32, #tpu.memory_space<vmem>>
    %dma_wait3A_333 = tpu.memref_squeeze %dma_wait3A_332 : memref<1x32xi32, #tpu.memory_space<vmem>> -> memref<32xi32, #tpu.memory_space<vmem>>
    %dma_wait3A_334 = arith.constant 0 : i32
    %dma_wait3A_335 = arith.constant 0 : i32
    %dma_wait3A_336 = tpu.memref_slice %arg3[%dma_wait3A_334, %dma_wait3A_335] : memref<100000x128xf32, #tpu.memory_space<hbm>> -> memref<100000x128xf32, #tpu.memory_space<hbm>>
    %dma_wait3A_337 = tpu.memref_slice %arg16[%dma_wait3A_327] : memref<24x!tpu.dma_semaphore, #tpu.memory_space<semaphore_mem>> -> memref<1x!tpu.dma_semaphore, #tpu.memory_space<semaphore_mem>>
    %dma_wait3A_338 = tpu.memref_squeeze %dma_wait3A_337 : memref<1x!tpu.dma_semaphore, #tpu.memory_space<semaphore_mem>> -> memref<!tpu.dma_semaphore, #tpu.memory_space<semaphore_mem>>
    tpu.wait_indirect_dma semaphore(%dma_wait3A_338 : memref<!tpu.dma_semaphore, #tpu.memory_space<semaphore_mem>>) src(%dma_wait3A_336 : memref<100000x128xf32, #tpu.memory_space<hbm>>) dst(%dma_wait3A_330 : memref<32x128xf32, #tpu.memory_space<vmem>>)
    %dma_wait3A_339 = arith.constant 1 : i32
    %dma_wait3A_340 = arith.constant 2 : i32
    %dma_wait3A_341 = arith.constant 0 : i32
    %dma_wait3A_342 = arith.constant 0 : i32
    %dma_wait3A_343 = tpu.memref_slice %arg11[%dma_wait3A_341, %dma_wait3A_342] : memref<128x128xf32, #tpu.memory_space<vmem>> -> memref<32x128xf32, #tpu.memory_space<vmem>>
    %dma_wait3A_344 = arith.constant 0 : i32
    %dma_wait3A_345 = tpu.memref_slice %arg8[%dma_wait3A_339, %dma_wait3A_344] : memref<3x128xi32, #tpu.memory_space<vmem>> -> memref<1x32xi32, #tpu.memory_space<vmem>>
    %dma_wait3A_346 = tpu.memref_squeeze %dma_wait3A_345 : memref<1x32xi32, #tpu.memory_space<vmem>> -> memref<32xi32, #tpu.memory_space<vmem>>
    %dma_wait3A_347 = arith.constant 0 : i32
    %dma_wait3A_348 = arith.constant 0 : i32
    %dma_wait3A_349 = tpu.memref_slice %arg2[%dma_wait3A_347, %dma_wait3A_348] : memref<100000x128xf32, #tpu.memory_space<hbm>> -> memref<100000x128xf32, #tpu.memory_space<hbm>>
    %dma_wait3A_350 = tpu.memref_slice %arg16[%dma_wait3A_340] : memref<24x!tpu.dma_semaphore, #tpu.memory_space<semaphore_mem>> -> memref<1x!tpu.dma_semaphore, #tpu.memory_space<semaphore_mem>>
    %dma_wait3A_351 = tpu.memref_squeeze %dma_wait3A_350 : memref<1x!tpu.dma_semaphore, #tpu.memory_space<semaphore_mem>> -> memref<!tpu.dma_semaphore, #tpu.memory_space<semaphore_mem>>
    tpu.wait_indirect_dma semaphore(%dma_wait3A_351 : memref<!tpu.dma_semaphore, #tpu.memory_space<semaphore_mem>>) src(%dma_wait3A_349 : memref<100000x128xf32, #tpu.memory_space<hbm>>) dst(%dma_wait3A_343 : memref<32x128xf32, #tpu.memory_space<vmem>>)
    %dma_wait3A_352 = arith.constant 1 : i32
    %dma_wait3A_353 = arith.constant 3 : i32
    %dma_wait3A_354 = arith.constant 0 : i32
    %dma_wait3A_355 = arith.constant 0 : i32
    %dma_wait3A_356 = tpu.memref_slice %arg12[%dma_wait3A_354, %dma_wait3A_355] : memref<128x128xf32, #tpu.memory_space<vmem>> -> memref<32x128xf32, #tpu.memory_space<vmem>>
    %dma_wait3A_357 = arith.constant 0 : i32
    %dma_wait3A_358 = tpu.memref_slice %arg8[%dma_wait3A_352, %dma_wait3A_357] : memref<3x128xi32, #tpu.memory_space<vmem>> -> memref<1x32xi32, #tpu.memory_space<vmem>>
    %dma_wait3A_359 = tpu.memref_squeeze %dma_wait3A_358 : memref<1x32xi32, #tpu.memory_space<vmem>> -> memref<32xi32, #tpu.memory_space<vmem>>
    %dma_wait3A_360 = arith.constant 0 : i32
    %dma_wait3A_361 = arith.constant 0 : i32
    %dma_wait3A_362 = tpu.memref_slice %arg3[%dma_wait3A_360, %dma_wait3A_361] : memref<100000x128xf32, #tpu.memory_space<hbm>> -> memref<100000x128xf32, #tpu.memory_space<hbm>>
    %dma_wait3A_363 = tpu.memref_slice %arg16[%dma_wait3A_353] : memref<24x!tpu.dma_semaphore, #tpu.memory_space<semaphore_mem>> -> memref<1x!tpu.dma_semaphore, #tpu.memory_space<semaphore_mem>>
    %dma_wait3A_364 = tpu.memref_squeeze %dma_wait3A_363 : memref<1x!tpu.dma_semaphore, #tpu.memory_space<semaphore_mem>> -> memref<!tpu.dma_semaphore, #tpu.memory_space<semaphore_mem>>
    tpu.wait_indirect_dma semaphore(%dma_wait3A_364 : memref<!tpu.dma_semaphore, #tpu.memory_space<semaphore_mem>>) src(%dma_wait3A_362 : memref<100000x128xf32, #tpu.memory_space<hbm>>) dst(%dma_wait3A_356 : memref<32x128xf32, #tpu.memory_space<vmem>>)
    %dma_wait3A_365 = arith.constant 2 : i32
    %dma_wait3A_366 = arith.constant 4 : i32
    %dma_wait3A_367 = arith.constant 0 : i32
    %dma_wait3A_368 = arith.constant 0 : i32
    %dma_wait3A_369 = tpu.memref_slice %arg13[%dma_wait3A_367, %dma_wait3A_368] : memref<128x128xf32, #tpu.memory_space<vmem>> -> memref<32x128xf32, #tpu.memory_space<vmem>>
    %dma_wait3A_370 = arith.constant 0 : i32
    %dma_wait3A_371 = tpu.memref_slice %arg8[%dma_wait3A_365, %dma_wait3A_370] : memref<3x128xi32, #tpu.memory_space<vmem>> -> memref<1x32xi32, #tpu.memory_space<vmem>>
    %dma_wait3A_372 = tpu.memref_squeeze %dma_wait3A_371 : memref<1x32xi32, #tpu.memory_space<vmem>> -> memref<32xi32, #tpu.memory_space<vmem>>
    %dma_wait3A_373 = arith.constant 0 : i32
    %dma_wait3A_374 = arith.constant 0 : i32
    %dma_wait3A_375 = tpu.memref_slice %arg4[%dma_wait3A_373, %dma_wait3A_374] : memref<1000x128xf32, #tpu.memory_space<hbm>> -> memref<1000x128xf32, #tpu.memory_space<hbm>>
    %dma_wait3A_376 = tpu.memref_slice %arg16[%dma_wait3A_366] : memref<24x!tpu.dma_semaphore, #tpu.memory_space<semaphore_mem>> -> memref<1x!tpu.dma_semaphore, #tpu.memory_space<semaphore_mem>>
    %dma_wait3A_377 = tpu.memref_squeeze %dma_wait3A_376 : memref<1x!tpu.dma_semaphore, #tpu.memory_space<semaphore_mem>> -> memref<!tpu.dma_semaphore, #tpu.memory_space<semaphore_mem>>
    tpu.wait_indirect_dma semaphore(%dma_wait3A_377 : memref<!tpu.dma_semaphore, #tpu.memory_space<semaphore_mem>>) src(%dma_wait3A_375 : memref<1000x128xf32, #tpu.memory_space<hbm>>) dst(%dma_wait3A_369 : memref<32x128xf32, #tpu.memory_space<vmem>>)
    %dma_wait3A_378 = arith.constant 2 : i32
    %dma_wait3A_379 = arith.constant 5 : i32
    %dma_wait3A_380 = arith.constant 0 : i32
    %dma_wait3A_381 = arith.constant 0 : i32
    %dma_wait3A_382 = tpu.memref_slice %arg14[%dma_wait3A_380, %dma_wait3A_381] : memref<128x128xf32, #tpu.memory_space<vmem>> -> memref<32x128xf32, #tpu.memory_space<vmem>>
    %dma_wait3A_383 = arith.constant 0 : i32
    %dma_wait3A_384 = tpu.memref_slice %arg8[%dma_wait3A_378, %dma_wait3A_383] : memref<3x128xi32, #tpu.memory_space<vmem>> -> memref<1x32xi32, #tpu.memory_space<vmem>>
    %dma_wait3A_385 = tpu.memref_squeeze %dma_wait3A_384 : memref<1x32xi32, #tpu.memory_space<vmem>> -> memref<32xi32, #tpu.memory_space<vmem>>
    %dma_wait3A_386 = arith.constant 0 : i32
    %dma_wait3A_387 = arith.constant 0 : i32
    %dma_wait3A_388 = tpu.memref_slice %arg5[%dma_wait3A_386, %dma_wait3A_387] : memref<1000x128xf32, #tpu.memory_space<hbm>> -> memref<1000x128xf32, #tpu.memory_space<hbm>>
    %dma_wait3A_389 = tpu.memref_slice %arg16[%dma_wait3A_379] : memref<24x!tpu.dma_semaphore, #tpu.memory_space<semaphore_mem>> -> memref<1x!tpu.dma_semaphore, #tpu.memory_space<semaphore_mem>>
    %dma_wait3A_390 = tpu.memref_squeeze %dma_wait3A_389 : memref<1x!tpu.dma_semaphore, #tpu.memory_space<semaphore_mem>> -> memref<!tpu.dma_semaphore, #tpu.memory_space<semaphore_mem>>
    tpu.wait_indirect_dma semaphore(%dma_wait3A_390 : memref<!tpu.dma_semaphore, #tpu.memory_space<semaphore_mem>>) src(%dma_wait3A_388 : memref<1000x128xf32, #tpu.memory_space<hbm>>) dst(%dma_wait3A_382 : memref<32x128xf32, #tpu.memory_space<vmem>>)
    %scan3A = arith.constant 0 : i32
    %scan3A_391 = arith.constant 0 : i32
    %scan3A_392 = arith.constant 32 : i32
    %scan3A_393 = arith.addi %scan3A_391, %scan3A_392 : i32
    %scan3A_394 = arith.constant 1 : i32
    scf.for %scan3A_656 = %scan3A_391 to %scan3A_393 step %scan3A_394  : i32 {
      %add3A_657 = arith.constant 0 : i32
      %add3A_658 = arith.addi %add3A_657, %scan3A_656 : i32
      %broadcast_in_dim3A = arith.constant 0.000000e+00 : f32
      %broadcast_in_dim3A_659 = vector.broadcast %broadcast_in_dim3A : f32 to vector<16xf32>
      %get3A = arith.index_cast %add3A_658 : i32 to index
      %get3A_660 = arith.constant 0 : index
      %get3A_661 = tpu.vector_load %arg9[%get3A, %get3A_660] {strides = array<i32>} : memref<128x128xf32, #tpu.memory_space<vmem>>, vector<1x16xf32>,
      %get3A_662 = vector.shape_cast %get3A_661 : vector<1x16xf32> to vector<16xf32>
      %get3A_663 = arith.index_cast %add3A_658 : i32 to index
      %get3A_664 = arith.constant 0 : index
      %get3A_665 = tpu.vector_load %arg10[%get3A_663, %get3A_664] {strides = array<i32>} : memref<128x128xf32, #tpu.memory_space<vmem>>, vector<1x16xf32>,
      %get3A_666 = vector.shape_cast %get3A_665 : vector<1x16xf32> to vector<16xf32>
      %get3A_667 = arith.index_cast %add3A_658 : i32 to index
      %get3A_668 = arith.constant 0 : index
      %get3A_669 = tpu.vector_load %arg11[%get3A_667, %get3A_668] {strides = array<i32>} : memref<128x128xf32, #tpu.memory_space<vmem>>, vector<1x16xf32>,
      %get3A_670 = vector.shape_cast %get3A_669 : vector<1x16xf32> to vector<16xf32>
      %get3A_671 = arith.index_cast %add3A_658 : i32 to index
      %get3A_672 = arith.constant 0 : index
      %get3A_673 = tpu.vector_load %arg12[%get3A_671, %get3A_672] {strides = array<i32>} : memref<128x128xf32, #tpu.memory_space<vmem>>, vector<1x16xf32>,
      %get3A_674 = vector.shape_cast %get3A_673 : vector<1x16xf32> to vector<16xf32>
      %get3A_675 = arith.index_cast %add3A_658 : i32 to index
      %get3A_676 = arith.constant 0 : index
      %get3A_677 = tpu.vector_load %arg13[%get3A_675, %get3A_676] {strides = array<i32>} : memref<128x128xf32, #tpu.memory_space<vmem>>, vector<1x16xf32>,
      %get3A_678 = vector.shape_cast %get3A_677 : vector<1x16xf32> to vector<16xf32>
      %get3A_679 = arith.index_cast %add3A_658 : i32 to index
      %get3A_680 = arith.constant 0 : index
      %get3A_681 = tpu.vector_load %arg14[%get3A_679, %get3A_680] {strides = array<i32>} : memref<128x128xf32, #tpu.memory_space<vmem>>, vector<1x16xf32>,
      %get3A_682 = vector.shape_cast %get3A_681 : vector<1x16xf32> to vector<16xf32>
      %mul3A_683 = arith.mulf %get3A_678, %get3A_670 : vector<16xf32>
      %mul3A_684 = arith.mulf %get3A_682, %get3A_674 : vector<16xf32>
      %add3A_685 = arith.addf %mul3A_683, %mul3A_684 : vector<16xf32>
      %mul3A_686 = arith.mulf %get3A_662, %add3A_685 : vector<16xf32>
      %add3A_687 = arith.addf %broadcast_in_dim3A_659, %mul3A_686 : vector<16xf32>
      %mul3A_688 = arith.mulf %get3A_678, %get3A_674 : vector<16xf32>
      %mul3A_689 = arith.mulf %get3A_682, %get3A_670 : vector<16xf32>
      %sub3A = arith.subf %mul3A_688, %mul3A_689 : vector<16xf32>
      %mul3A_690 = arith.mulf %get3A_666, %sub3A : vector<16xf32>
      %add3A_691 = arith.addf %add3A_687, %mul3A_690 : vector<16xf32>
      %get3A_692 = arith.index_cast %add3A_658 : i32 to index
      %get3A_693 = arith.constant 16 : index
      %get3A_694 = tpu.vector_load %arg9[%get3A_692, %get3A_693] {strides = array<i32>} : memref<128x128xf32, #tpu.memory_space<vmem>>, vector<1x16xf32>,
      %get3A_695 = vector.shape_cast %get3A_694 : vector<1x16xf32> to vector<16xf32>
      %get3A_696 = arith.index_cast %add3A_658 : i32 to index
      %get3A_697 = arith.constant 16 : index
      %get3A_698 = tpu.vector_load %arg10[%get3A_696, %get3A_697] {strides = array<i32>} : memref<128x128xf32, #tpu.memory_space<vmem>>, vector<1x16xf32>,
      %get3A_699 = vector.shape_cast %get3A_698 : vector<1x16xf32> to vector<16xf32>
      %get3A_700 = arith.index_cast %add3A_658 : i32 to index
      %get3A_701 = arith.constant 16 : index
      %get3A_702 = tpu.vector_load %arg11[%get3A_700, %get3A_701] {strides = array<i32>} : memref<128x128xf32, #tpu.memory_space<vmem>>, vector<1x16xf32>,
      %get3A_703 = vector.shape_cast %get3A_702 : vector<1x16xf32> to vector<16xf32>
      %get3A_704 = arith.index_cast %add3A_658 : i32 to index
      %get3A_705 = arith.constant 16 : index
      %get3A_706 = tpu.vector_load %arg12[%get3A_704, %get3A_705] {strides = array<i32>} : memref<128x128xf32, #tpu.memory_space<vmem>>, vector<1x16xf32>,
      %get3A_707 = vector.shape_cast %get3A_706 : vector<1x16xf32> to vector<16xf32>
      %get3A_708 = arith.index_cast %add3A_658 : i32 to index
      %get3A_709 = arith.constant 16 : index
      %get3A_710 = tpu.vector_load %arg13[%get3A_708, %get3A_709] {strides = array<i32>} : memref<128x128xf32, #tpu.memory_space<vmem>>, vector<1x16xf32>,
      %get3A_711 = vector.shape_cast %get3A_710 : vector<1x16xf32> to vector<16xf32>
      %get3A_712 = arith.index_cast %add3A_658 : i32 to index
      %get3A_713 = arith.constant 16 : index
      %get3A_714 = tpu.vector_load %arg14[%get3A_712, %get3A_713] {strides = array<i32>} : memref<128x128xf32, #tpu.memory_space<vmem>>, vector<1x16xf32>,
      %get3A_715 = vector.shape_cast %get3A_714 : vector<1x16xf32> to vector<16xf32>
      %mul3A_716 = arith.mulf %get3A_711, %get3A_703 : vector<16xf32>
      %mul3A_717 = arith.mulf %get3A_715, %get3A_707 : vector<16xf32>
      %add3A_718 = arith.addf %mul3A_716, %mul3A_717 : vector<16xf32>
      %mul3A_719 = arith.mulf %get3A_695, %add3A_718 : vector<16xf32>
      %add3A_720 = arith.addf %add3A_691, %mul3A_719 : vector<16xf32>
      %mul3A_721 = arith.mulf %get3A_711, %get3A_707 : vector<16xf32>
      %mul3A_722 = arith.mulf %get3A_715, %get3A_703 : vector<16xf32>
      %sub3A_723 = arith.subf %mul3A_721, %mul3A_722 : vector<16xf32>
      %mul3A_724 = arith.mulf %get3A_699, %sub3A_723 : vector<16xf32>
      %add3A_725 = arith.addf %add3A_720, %mul3A_724 : vector<16xf32>
      %get3A_726 = arith.index_cast %add3A_658 : i32 to index
      %get3A_727 = arith.constant 32 : index
      %get3A_728 = tpu.vector_load %arg9[%get3A_726, %get3A_727] {strides = array<i32>} : memref<128x128xf32, #tpu.memory_space<vmem>>, vector<1x16xf32>,
      %get3A_729 = vector.shape_cast %get3A_728 : vector<1x16xf32> to vector<16xf32>
      %get3A_730 = arith.index_cast %add3A_658 : i32 to index
      %get3A_731 = arith.constant 32 : index
      %get3A_732 = tpu.vector_load %arg10[%get3A_730, %get3A_731] {strides = array<i32>} : memref<128x128xf32, #tpu.memory_space<vmem>>, vector<1x16xf32>,
      %get3A_733 = vector.shape_cast %get3A_732 : vector<1x16xf32> to vector<16xf32>
      %get3A_734 = arith.index_cast %add3A_658 : i32 to index
      %get3A_735 = arith.constant 32 : index
      %get3A_736 = tpu.vector_load %arg11[%get3A_734, %get3A_735] {strides = array<i32>} : memref<128x128xf32, #tpu.memory_space<vmem>>, vector<1x16xf32>,
      %get3A_737 = vector.shape_cast %get3A_736 : vector<1x16xf32> to vector<16xf32>
      %get3A_738 = arith.index_cast %add3A_658 : i32 to index
      %get3A_739 = arith.constant 32 : index
      %get3A_740 = tpu.vector_load %arg12[%get3A_738, %get3A_739] {strides = array<i32>} : memref<128x128xf32, #tpu.memory_space<vmem>>, vector<1x16xf32>,
      %get3A_741 = vector.shape_cast %get3A_740 : vector<1x16xf32> to vector<16xf32>
      %get3A_742 = arith.index_cast %add3A_658 : i32 to index
      %get3A_743 = arith.constant 32 : index
      %get3A_744 = tpu.vector_load %arg13[%get3A_742, %get3A_743] {strides = array<i32>} : memref<128x128xf32, #tpu.memory_space<vmem>>, vector<1x16xf32>,
      %get3A_745 = vector.shape_cast %get3A_744 : vector<1x16xf32> to vector<16xf32>
      %get3A_746 = arith.index_cast %add3A_658 : i32 to index
      %get3A_747 = arith.constant 32 : index
      %get3A_748 = tpu.vector_load %arg14[%get3A_746, %get3A_747] {strides = array<i32>} : memref<128x128xf32, #tpu.memory_space<vmem>>, vector<1x16xf32>,
      %get3A_749 = vector.shape_cast %get3A_748 : vector<1x16xf32> to vector<16xf32>
      %mul3A_750 = arith.mulf %get3A_745, %get3A_737 : vector<16xf32>
      %mul3A_751 = arith.mulf %get3A_749, %get3A_741 : vector<16xf32>
      %add3A_752 = arith.addf %mul3A_750, %mul3A_751 : vector<16xf32>
      %mul3A_753 = arith.mulf %get3A_729, %add3A_752 : vector<16xf32>
      %add3A_754 = arith.addf %add3A_725, %mul3A_753 : vector<16xf32>
      %mul3A_755 = arith.mulf %get3A_745, %get3A_741 : vector<16xf32>
      %mul3A_756 = arith.mulf %get3A_749, %get3A_737 : vector<16xf32>
      %sub3A_757 = arith.subf %mul3A_755, %mul3A_756 : vector<16xf32>
      %mul3A_758 = arith.mulf %get3A_733, %sub3A_757 : vector<16xf32>
      %add3A_759 = arith.addf %add3A_754, %mul3A_758 : vector<16xf32>
      %get3A_760 = arith.index_cast %add3A_658 : i32 to index
      %get3A_761 = arith.constant 48 : index
      %get3A_762 = tpu.vector_load %arg9[%get3A_760, %get3A_761] {strides = array<i32>} : memref<128x128xf32, #tpu.memory_space<vmem>>, vector<1x16xf32>,
      %get3A_763 = vector.shape_cast %get3A_762 : vector<1x16xf32> to vector<16xf32>
      %get3A_764 = arith.index_cast %add3A_658 : i32 to index
      %get3A_765 = arith.constant 48 : index
      %get3A_766 = tpu.vector_load %arg10[%get3A_764, %get3A_765] {strides = array<i32>} : memref<128x128xf32, #tpu.memory_space<vmem>>, vector<1x16xf32>,
      %get3A_767 = vector.shape_cast %get3A_766 : vector<1x16xf32> to vector<16xf32>
      %get3A_768 = arith.index_cast %add3A_658 : i32 to index
      %get3A_769 = arith.constant 48 : index
      %get3A_770 = tpu.vector_load %arg11[%get3A_768, %get3A_769] {strides = array<i32>} : memref<128x128xf32, #tpu.memory_space<vmem>>, vector<1x16xf32>,
      %get3A_771 = vector.shape_cast %get3A_770 : vector<1x16xf32> to vector<16xf32>
      %get3A_772 = arith.index_cast %add3A_658 : i32 to index
      %get3A_773 = arith.constant 48 : index
      %get3A_774 = tpu.vector_load %arg12[%get3A_772, %get3A_773] {strides = array<i32>} : memref<128x128xf32, #tpu.memory_space<vmem>>, vector<1x16xf32>,
      %get3A_775 = vector.shape_cast %get3A_774 : vector<1x16xf32> to vector<16xf32>
      %get3A_776 = arith.index_cast %add3A_658 : i32 to index
      %get3A_777 = arith.constant 48 : index
      %get3A_778 = tpu.vector_load %arg13[%get3A_776, %get3A_777] {strides = array<i32>} : memref<128x128xf32, #tpu.memory_space<vmem>>, vector<1x16xf32>,
      %get3A_779 = vector.shape_cast %get3A_778 : vector<1x16xf32> to vector<16xf32>
      %get3A_780 = arith.index_cast %add3A_658 : i32 to index
      %get3A_781 = arith.constant 48 : index
      %get3A_782 = tpu.vector_load %arg14[%get3A_780, %get3A_781] {strides = array<i32>} : memref<128x128xf32, #tpu.memory_space<vmem>>, vector<1x16xf32>,
      %get3A_783 = vector.shape_cast %get3A_782 : vector<1x16xf32> to vector<16xf32>
      %mul3A_784 = arith.mulf %get3A_779, %get3A_771 : vector<16xf32>
      %mul3A_785 = arith.mulf %get3A_783, %get3A_775 : vector<16xf32>
      %add3A_786 = arith.addf %mul3A_784, %mul3A_785 : vector<16xf32>
      %mul3A_787 = arith.mulf %get3A_763, %add3A_786 : vector<16xf32>
      %add3A_788 = arith.addf %add3A_759, %mul3A_787 : vector<16xf32>
      %mul3A_789 = arith.mulf %get3A_779, %get3A_775 : vector<16xf32>
      %mul3A_790 = arith.mulf %get3A_783, %get3A_771 : vector<16xf32>
      %sub3A_791 = arith.subf %mul3A_789, %mul3A_790 : vector<16xf32>
      %mul3A_792 = arith.mulf %get3A_767, %sub3A_791 : vector<16xf32>
      %add3A_793 = arith.addf %add3A_788, %mul3A_792 : vector<16xf32>
      %get3A_794 = arith.index_cast %add3A_658 : i32 to index
      %get3A_795 = arith.constant 64 : index
      %get3A_796 = tpu.vector_load %arg9[%get3A_794, %get3A_795] {strides = array<i32>} : memref<128x128xf32, #tpu.memory_space<vmem>>, vector<1x16xf32>,
      %get3A_797 = vector.shape_cast %get3A_796 : vector<1x16xf32> to vector<16xf32>
      %get3A_798 = arith.index_cast %add3A_658 : i32 to index
      %get3A_799 = arith.constant 64 : index
      %get3A_800 = tpu.vector_load %arg10[%get3A_798, %get3A_799] {strides = array<i32>} : memref<128x128xf32, #tpu.memory_space<vmem>>, vector<1x16xf32>,
      %get3A_801 = vector.shape_cast %get3A_800 : vector<1x16xf32> to vector<16xf32>
      %get3A_802 = arith.index_cast %add3A_658 : i32 to index
      %get3A_803 = arith.constant 64 : index
      %get3A_804 = tpu.vector_load %arg11[%get3A_802, %get3A_803] {strides = array<i32>} : memref<128x128xf32, #tpu.memory_space<vmem>>, vector<1x16xf32>,
      %get3A_805 = vector.shape_cast %get3A_804 : vector<1x16xf32> to vector<16xf32>
      %get3A_806 = arith.index_cast %add3A_658 : i32 to index
      %get3A_807 = arith.constant 64 : index
      %get3A_808 = tpu.vector_load %arg12[%get3A_806, %get3A_807] {strides = array<i32>} : memref<128x128xf32, #tpu.memory_space<vmem>>, vector<1x16xf32>,
      %get3A_809 = vector.shape_cast %get3A_808 : vector<1x16xf32> to vector<16xf32>
      %get3A_810 = arith.index_cast %add3A_658 : i32 to index
      %get3A_811 = arith.constant 64 : index
      %get3A_812 = tpu.vector_load %arg13[%get3A_810, %get3A_811] {strides = array<i32>} : memref<128x128xf32, #tpu.memory_space<vmem>>, vector<1x16xf32>,
      %get3A_813 = vector.shape_cast %get3A_812 : vector<1x16xf32> to vector<16xf32>
      %get3A_814 = arith.index_cast %add3A_658 : i32 to index
      %get3A_815 = arith.constant 64 : index
      %get3A_816 = tpu.vector_load %arg14[%get3A_814, %get3A_815] {strides = array<i32>} : memref<128x128xf32, #tpu.memory_space<vmem>>, vector<1x16xf32>,
      %get3A_817 = vector.shape_cast %get3A_816 : vector<1x16xf32> to vector<16xf32>
      %mul3A_818 = arith.mulf %get3A_813, %get3A_805 : vector<16xf32>
      %mul3A_819 = arith.mulf %get3A_817, %get3A_809 : vector<16xf32>
      %add3A_820 = arith.addf %mul3A_818, %mul3A_819 : vector<16xf32>
      %mul3A_821 = arith.mulf %get3A_797, %add3A_820 : vector<16xf32>
      %add3A_822 = arith.addf %add3A_793, %mul3A_821 : vector<16xf32>
      %mul3A_823 = arith.mulf %get3A_813, %get3A_809 : vector<16xf32>
      %mul3A_824 = arith.mulf %get3A_817, %get3A_805 : vector<16xf32>
      %sub3A_825 = arith.subf %mul3A_823, %mul3A_824 : vector<16xf32>
      %mul3A_826 = arith.mulf %get3A_801, %sub3A_825 : vector<16xf32>
      %add3A_827 = arith.addf %add3A_822, %mul3A_826 : vector<16xf32>
      %get3A_828 = arith.index_cast %add3A_658 : i32 to index
      %get3A_829 = arith.constant 80 : index
      %get3A_830 = tpu.vector_load %arg9[%get3A_828, %get3A_829] {strides = array<i32>} : memref<128x128xf32, #tpu.memory_space<vmem>>, vector<1x16xf32>,
      %get3A_831 = vector.shape_cast %get3A_830 : vector<1x16xf32> to vector<16xf32>
      %get3A_832 = arith.index_cast %add3A_658 : i32 to index
      %get3A_833 = arith.constant 80 : index
      %get3A_834 = tpu.vector_load %arg10[%get3A_832, %get3A_833] {strides = array<i32>} : memref<128x128xf32, #tpu.memory_space<vmem>>, vector<1x16xf32>,
      %get3A_835 = vector.shape_cast %get3A_834 : vector<1x16xf32> to vector<16xf32>
      %get3A_836 = arith.index_cast %add3A_658 : i32 to index
      %get3A_837 = arith.constant 80 : index
      %get3A_838 = tpu.vector_load %arg11[%get3A_836, %get3A_837] {strides = array<i32>} : memref<128x128xf32, #tpu.memory_space<vmem>>, vector<1x16xf32>,
      %get3A_839 = vector.shape_cast %get3A_838 : vector<1x16xf32> to vector<16xf32>
      %get3A_840 = arith.index_cast %add3A_658 : i32 to index
      %get3A_841 = arith.constant 80 : index
      %get3A_842 = tpu.vector_load %arg12[%get3A_840, %get3A_841] {strides = array<i32>} : memref<128x128xf32, #tpu.memory_space<vmem>>, vector<1x16xf32>,
      %get3A_843 = vector.shape_cast %get3A_842 : vector<1x16xf32> to vector<16xf32>
      %get3A_844 = arith.index_cast %add3A_658 : i32 to index
      %get3A_845 = arith.constant 80 : index
      %get3A_846 = tpu.vector_load %arg13[%get3A_844, %get3A_845] {strides = array<i32>} : memref<128x128xf32, #tpu.memory_space<vmem>>, vector<1x16xf32>,
      %get3A_847 = vector.shape_cast %get3A_846 : vector<1x16xf32> to vector<16xf32>
      %get3A_848 = arith.index_cast %add3A_658 : i32 to index
      %get3A_849 = arith.constant 80 : index
      %get3A_850 = tpu.vector_load %arg14[%get3A_848, %get3A_849] {strides = array<i32>} : memref<128x128xf32, #tpu.memory_space<vmem>>, vector<1x16xf32>,
      %get3A_851 = vector.shape_cast %get3A_850 : vector<1x16xf32> to vector<16xf32>
      %mul3A_852 = arith.mulf %get3A_847, %get3A_839 : vector<16xf32>
      %mul3A_853 = arith.mulf %get3A_851, %get3A_843 : vector<16xf32>
      %add3A_854 = arith.addf %mul3A_852, %mul3A_853 : vector<16xf32>
      %mul3A_855 = arith.mulf %get3A_831, %add3A_854 : vector<16xf32>
      %add3A_856 = arith.addf %add3A_827, %mul3A_855 : vector<16xf32>
      %mul3A_857 = arith.mulf %get3A_847, %get3A_843 : vector<16xf32>
      %mul3A_858 = arith.mulf %get3A_851, %get3A_839 : vector<16xf32>
      %sub3A_859 = arith.subf %mul3A_857, %mul3A_858 : vector<16xf32>
      %mul3A_860 = arith.mulf %get3A_835, %sub3A_859 : vector<16xf32>
      %add3A_861 = arith.addf %add3A_856, %mul3A_860 : vector<16xf32>
      %get3A_862 = arith.index_cast %add3A_658 : i32 to index
      %get3A_863 = arith.constant 96 : index
      %get3A_864 = tpu.vector_load %arg9[%get3A_862, %get3A_863] {strides = array<i32>} : memref<128x128xf32, #tpu.memory_space<vmem>>, vector<1x16xf32>,
      %get3A_865 = vector.shape_cast %get3A_864 : vector<1x16xf32> to vector<16xf32>
      %get3A_866 = arith.index_cast %add3A_658 : i32 to index
      %get3A_867 = arith.constant 96 : index
      %get3A_868 = tpu.vector_load %arg10[%get3A_866, %get3A_867] {strides = array<i32>} : memref<128x128xf32, #tpu.memory_space<vmem>>, vector<1x16xf32>,
      %get3A_869 = vector.shape_cast %get3A_868 : vector<1x16xf32> to vector<16xf32>
      %get3A_870 = arith.index_cast %add3A_658 : i32 to index
      %get3A_871 = arith.constant 96 : index
      %get3A_872 = tpu.vector_load %arg11[%get3A_870, %get3A_871] {strides = array<i32>} : memref<128x128xf32, #tpu.memory_space<vmem>>, vector<1x16xf32>,
      %get3A_873 = vector.shape_cast %get3A_872 : vector<1x16xf32> to vector<16xf32>
      %get3A_874 = arith.index_cast %add3A_658 : i32 to index
      %get3A_875 = arith.constant 96 : index
      %get3A_876 = tpu.vector_load %arg12[%get3A_874, %get3A_875] {strides = array<i32>} : memref<128x128xf32, #tpu.memory_space<vmem>>, vector<1x16xf32>,
      %get3A_877 = vector.shape_cast %get3A_876 : vector<1x16xf32> to vector<16xf32>
      %get3A_878 = arith.index_cast %add3A_658 : i32 to index
      %get3A_879 = arith.constant 96 : index
      %get3A_880 = tpu.vector_load %arg13[%get3A_878, %get3A_879] {strides = array<i32>} : memref<128x128xf32, #tpu.memory_space<vmem>>, vector<1x16xf32>,
      %get3A_881 = vector.shape_cast %get3A_880 : vector<1x16xf32> to vector<16xf32>
      %get3A_882 = arith.index_cast %add3A_658 : i32 to index
      %get3A_883 = arith.constant 96 : index
      %get3A_884 = tpu.vector_load %arg14[%get3A_882, %get3A_883] {strides = array<i32>} : memref<128x128xf32, #tpu.memory_space<vmem>>, vector<1x16xf32>,
      %get3A_885 = vector.shape_cast %get3A_884 : vector<1x16xf32> to vector<16xf32>
      %mul3A_886 = arith.mulf %get3A_881, %get3A_873 : vector<16xf32>
      %mul3A_887 = arith.mulf %get3A_885, %get3A_877 : vector<16xf32>
      %add3A_888 = arith.addf %mul3A_886, %mul3A_887 : vector<16xf32>
      %mul3A_889 = arith.mulf %get3A_865, %add3A_888 : vector<16xf32>
      %add3A_890 = arith.addf %add3A_861, %mul3A_889 : vector<16xf32>
      %mul3A_891 = arith.mulf %get3A_881, %get3A_877 : vector<16xf32>
      %mul3A_892 = arith.mulf %get3A_885, %get3A_873 : vector<16xf32>
      %sub3A_893 = arith.subf %mul3A_891, %mul3A_892 : vector<16xf32>
      %mul3A_894 = arith.mulf %get3A_869, %sub3A_893 : vector<16xf32>
      %add3A_895 = arith.addf %add3A_890, %mul3A_894 : vector<16xf32>
      %get3A_896 = arith.index_cast %add3A_658 : i32 to index
      %get3A_897 = arith.constant 112 : index
      %get3A_898 = tpu.vector_load %arg9[%get3A_896, %get3A_897] {strides = array<i32>} : memref<128x128xf32, #tpu.memory_space<vmem>>, vector<1x16xf32>,
      %get3A_899 = vector.shape_cast %get3A_898 : vector<1x16xf32> to vector<16xf32>
      %get3A_900 = arith.index_cast %add3A_658 : i32 to index
      %get3A_901 = arith.constant 112 : index
      %get3A_902 = tpu.vector_load %arg10[%get3A_900, %get3A_901] {strides = array<i32>} : memref<128x128xf32, #tpu.memory_space<vmem>>, vector<1x16xf32>,
      %get3A_903 = vector.shape_cast %get3A_902 : vector<1x16xf32> to vector<16xf32>
      %get3A_904 = arith.index_cast %add3A_658 : i32 to index
      %get3A_905 = arith.constant 112 : index
      %get3A_906 = tpu.vector_load %arg11[%get3A_904, %get3A_905] {strides = array<i32>} : memref<128x128xf32, #tpu.memory_space<vmem>>, vector<1x16xf32>,
      %get3A_907 = vector.shape_cast %get3A_906 : vector<1x16xf32> to vector<16xf32>
      %get3A_908 = arith.index_cast %add3A_658 : i32 to index
      %get3A_909 = arith.constant 112 : index
      %get3A_910 = tpu.vector_load %arg12[%get3A_908, %get3A_909] {strides = array<i32>} : memref<128x128xf32, #tpu.memory_space<vmem>>, vector<1x16xf32>,
      %get3A_911 = vector.shape_cast %get3A_910 : vector<1x16xf32> to vector<16xf32>
      %get3A_912 = arith.index_cast %add3A_658 : i32 to index
      %get3A_913 = arith.constant 112 : index
      %get3A_914 = tpu.vector_load %arg13[%get3A_912, %get3A_913] {strides = array<i32>} : memref<128x128xf32, #tpu.memory_space<vmem>>, vector<1x16xf32>,
      %get3A_915 = vector.shape_cast %get3A_914 : vector<1x16xf32> to vector<16xf32>
      %get3A_916 = arith.index_cast %add3A_658 : i32 to index
      %get3A_917 = arith.constant 112 : index
      %get3A_918 = tpu.vector_load %arg14[%get3A_916, %get3A_917] {strides = array<i32>} : memref<128x128xf32, #tpu.memory_space<vmem>>, vector<1x16xf32>,
      %get3A_919 = vector.shape_cast %get3A_918 : vector<1x16xf32> to vector<16xf32>
      %mul3A_920 = arith.mulf %get3A_915, %get3A_907 : vector<16xf32>
      %mul3A_921 = arith.mulf %get3A_919, %get3A_911 : vector<16xf32>
      %add3A_922 = arith.addf %mul3A_920, %mul3A_921 : vector<16xf32>
      %mul3A_923 = arith.mulf %get3A_899, %add3A_922 : vector<16xf32>
      %add3A_924 = arith.addf %add3A_895, %mul3A_923 : vector<16xf32>
      %mul3A_925 = arith.mulf %get3A_915, %get3A_911 : vector<16xf32>
      %mul3A_926 = arith.mulf %get3A_919, %get3A_907 : vector<16xf32>
      %sub3A_927 = arith.subf %mul3A_925, %mul3A_926 : vector<16xf32>
      %mul3A_928 = arith.mulf %get3A_903, %sub3A_927 : vector<16xf32>
      %add3A_929 = arith.addf %add3A_924, %mul3A_928 : vector<16xf32>
      %swap3A = arith.index_cast %add3A_658 : i32 to index
      %swap3A_930 = arith.constant 0 : index
      %swap3A_931 = tpu.vector_load %arg15[%swap3A, %swap3A_930] {strides = array<i32>} : memref<128x16xf32, #tpu.memory_space<vmem>>, vector<1x16xf32>,
      %swap3A_932 = vector.shape_cast %swap3A_931 : vector<1x16xf32> to vector<16xf32>
      %swap3A_933 = vector.shape_cast %add3A_929 : vector<16xf32> to vector<1x16xf32>
      tpu.vector_store %arg15[%swap3A, %swap3A_930], %swap3A_933 {strides = array<i32>} : memref<128x16xf32, #tpu.memory_space<vmem>>, vector<1x16xf32>,
    }
    %scan3A_395 = arith.constant 32 : i32
    %dma_wait3A_396 = arith.constant 0 : i32
    %dma_wait3A_397 = arith.constant 6 : i32
    %dma_wait3A_398 = arith.constant 32 : i32
    %dma_wait3A_399 = arith.constant 0 : i32
    %dma_wait3A_400 = tpu.memref_slice %arg9[%dma_wait3A_398, %dma_wait3A_399] : memref<128x128xf32, #tpu.memory_space<vmem>> -> memref<32x128xf32, #tpu.memory_space<vmem>>
    %dma_wait3A_401 = arith.constant 32 : i32
    %dma_wait3A_402 = tpu.memref_slice %arg8[%dma_wait3A_396, %dma_wait3A_401] : memref<3x128xi32, #tpu.memory_space<vmem>> -> memref<1x32xi32, #tpu.memory_space<vmem>>
    %dma_wait3A_403 = tpu.memref_squeeze %dma_wait3A_402 : memref<1x32xi32, #tpu.memory_space<vmem>> -> memref<32xi32, #tpu.memory_space<vmem>>
    %dma_wait3A_404 = arith.constant 0 : i32
    %dma_wait3A_405 = arith.constant 0 : i32
    %dma_wait3A_406 = tpu.memref_slice %arg2[%dma_wait3A_404, %dma_wait3A_405] : memref<100000x128xf32, #tpu.memory_space<hbm>> -> memref<100000x128xf32, #tpu.memory_space<hbm>>
    %dma_wait3A_407 = tpu.memref_slice %arg16[%dma_wait3A_397] : memref<24x!tpu.dma_semaphore, #tpu.memory_space<semaphore_mem>> -> memref<1x!tpu.dma_semaphore, #tpu.memory_space<semaphore_mem>>
    %dma_wait3A_408 = tpu.memref_squeeze %dma_wait3A_407 : memref<1x!tpu.dma_semaphore, #tpu.memory_space<semaphore_mem>> -> memref<!tpu.dma_semaphore, #tpu.memory_space<semaphore_mem>>
    tpu.wait_indirect_dma semaphore(%dma_wait3A_408 : memref<!tpu.dma_semaphore, #tpu.memory_space<semaphore_mem>>) src(%dma_wait3A_406 : memref<100000x128xf32, #tpu.memory_space<hbm>>) dst(%dma_wait3A_400 : memref<32x128xf32, #tpu.memory_space<vmem>>)
    %dma_wait3A_409 = arith.constant 0 : i32
    %dma_wait3A_410 = arith.constant 7 : i32
    %dma_wait3A_411 = arith.constant 32 : i32
    %dma_wait3A_412 = arith.constant 0 : i32
    %dma_wait3A_413 = tpu.memref_slice %arg10[%dma_wait3A_411, %dma_wait3A_412] : memref<128x128xf32, #tpu.memory_space<vmem>> -> memref<32x128xf32, #tpu.memory_space<vmem>>
    %dma_wait3A_414 = arith.constant 32 : i32
    %dma_wait3A_415 = tpu.memref_slice %arg8[%dma_wait3A_409, %dma_wait3A_414] : memref<3x128xi32, #tpu.memory_space<vmem>> -> memref<1x32xi32, #tpu.memory_space<vmem>>
    %dma_wait3A_416 = tpu.memref_squeeze %dma_wait3A_415 : memref<1x32xi32, #tpu.memory_space<vmem>> -> memref<32xi32, #tpu.memory_space<vmem>>
    %dma_wait3A_417 = arith.constant 0 : i32
    %dma_wait3A_418 = arith.constant 0 : i32
    %dma_wait3A_419 = tpu.memref_slice %arg3[%dma_wait3A_417, %dma_wait3A_418] : memref<100000x128xf32, #tpu.memory_space<hbm>> -> memref<100000x128xf32, #tpu.memory_space<hbm>>
    %dma_wait3A_420 = tpu.memref_slice %arg16[%dma_wait3A_410] : memref<24x!tpu.dma_semaphore, #tpu.memory_space<semaphore_mem>> -> memref<1x!tpu.dma_semaphore, #tpu.memory_space<semaphore_mem>>
    %dma_wait3A_421 = tpu.memref_squeeze %dma_wait3A_420 : memref<1x!tpu.dma_semaphore, #tpu.memory_space<semaphore_mem>> -> memref<!tpu.dma_semaphore, #tpu.memory_space<semaphore_mem>>
    tpu.wait_indirect_dma semaphore(%dma_wait3A_421 : memref<!tpu.dma_semaphore, #tpu.memory_space<semaphore_mem>>) src(%dma_wait3A_419 : memref<100000x128xf32, #tpu.memory_space<hbm>>) dst(%dma_wait3A_413 : memref<32x128xf32, #tpu.memory_space<vmem>>)
    %dma_wait3A_422 = arith.constant 1 : i32
    %dma_wait3A_423 = arith.constant 8 : i32
    %dma_wait3A_424 = arith.constant 32 : i32
    %dma_wait3A_425 = arith.constant 0 : i32
    %dma_wait3A_426 = tpu.memref_slice %arg11[%dma_wait3A_424, %dma_wait3A_425] : memref<128x128xf32, #tpu.memory_space<vmem>> -> memref<32x128xf32, #tpu.memory_space<vmem>>
    %dma_wait3A_427 = arith.constant 32 : i32
    %dma_wait3A_428 = tpu.memref_slice %arg8[%dma_wait3A_422, %dma_wait3A_427] : memref<3x128xi32, #tpu.memory_space<vmem>> -> memref<1x32xi32, #tpu.memory_space<vmem>>
    %dma_wait3A_429 = tpu.memref_squeeze %dma_wait3A_428 : memref<1x32xi32, #tpu.memory_space<vmem>> -> memref<32xi32, #tpu.memory_space<vmem>>
    %dma_wait3A_430 = arith.constant 0 : i32
    %dma_wait3A_431 = arith.constant 0 : i32
    %dma_wait3A_432 = tpu.memref_slice %arg2[%dma_wait3A_430, %dma_wait3A_431] : memref<100000x128xf32, #tpu.memory_space<hbm>> -> memref<100000x128xf32, #tpu.memory_space<hbm>>
    %dma_wait3A_433 = tpu.memref_slice %arg16[%dma_wait3A_423] : memref<24x!tpu.dma_semaphore, #tpu.memory_space<semaphore_mem>> -> memref<1x!tpu.dma_semaphore, #tpu.memory_space<semaphore_mem>>
    %dma_wait3A_434 = tpu.memref_squeeze %dma_wait3A_433 : memref<1x!tpu.dma_semaphore, #tpu.memory_space<semaphore_mem>> -> memref<!tpu.dma_semaphore, #tpu.memory_space<semaphore_mem>>
    tpu.wait_indirect_dma semaphore(%dma_wait3A_434 : memref<!tpu.dma_semaphore, #tpu.memory_space<semaphore_mem>>) src(%dma_wait3A_432 : memref<100000x128xf32, #tpu.memory_space<hbm>>) dst(%dma_wait3A_426 : memref<32x128xf32, #tpu.memory_space<vmem>>)
    %dma_wait3A_435 = arith.constant 1 : i32
    %dma_wait3A_436 = arith.constant 9 : i32
    %dma_wait3A_437 = arith.constant 32 : i32
    %dma_wait3A_438 = arith.constant 0 : i32
    %dma_wait3A_439 = tpu.memref_slice %arg12[%dma_wait3A_437, %dma_wait3A_438] : memref<128x128xf32, #tpu.memory_space<vmem>> -> memref<32x128xf32, #tpu.memory_space<vmem>>
    %dma_wait3A_440 = arith.constant 32 : i32
    %dma_wait3A_441 = tpu.memref_slice %arg8[%dma_wait3A_435, %dma_wait3A_440] : memref<3x128xi32, #tpu.memory_space<vmem>> -> memref<1x32xi32, #tpu.memory_space<vmem>>
    %dma_wait3A_442 = tpu.memref_squeeze %dma_wait3A_441 : memref<1x32xi32, #tpu.memory_space<vmem>> -> memref<32xi32, #tpu.memory_space<vmem>>
    %dma_wait3A_443 = arith.constant 0 : i32
    %dma_wait3A_444 = arith.constant 0 : i32
    %dma_wait3A_445 = tpu.memref_slice %arg3[%dma_wait3A_443, %dma_wait3A_444] : memref<100000x128xf32, #tpu.memory_space<hbm>> -> memref<100000x128xf32, #tpu.memory_space<hbm>>
    %dma_wait3A_446 = tpu.memref_slice %arg16[%dma_wait3A_436] : memref<24x!tpu.dma_semaphore, #tpu.memory_space<semaphore_mem>> -> memref<1x!tpu.dma_semaphore, #tpu.memory_space<semaphore_mem>>
    %dma_wait3A_447 = tpu.memref_squeeze %dma_wait3A_446 : memref<1x!tpu.dma_semaphore, #tpu.memory_space<semaphore_mem>> -> memref<!tpu.dma_semaphore, #tpu.memory_space<semaphore_mem>>
    tpu.wait_indirect_dma semaphore(%dma_wait3A_447 : memref<!tpu.dma_semaphore, #tpu.memory_space<semaphore_mem>>) src(%dma_wait3A_445 : memref<100000x128xf32, #tpu.memory_space<hbm>>) dst(%dma_wait3A_439 : memref<32x128xf32, #tpu.memory_space<vmem>>)
    %dma_wait3A_448 = arith.constant 2 : i32
    %dma_wait3A_449 = arith.constant 10 : i32
    %dma_wait3A_450 = arith.constant 32 : i32
    %dma_wait3A_451 = arith.constant 0 : i32
    %dma_wait3A_452 = tpu.memref_slice %arg13[%dma_wait3A_450, %dma_wait3A_451] : memref<128x128xf32, #tpu.memory_space<vmem>> -> memref<32x128xf32, #tpu.memory_space<vmem>>
    %dma_wait3A_453 = arith.constant 32 : i32
    %dma_wait3A_454 = tpu.memref_slice %arg8[%dma_wait3A_448, %dma_wait3A_453] : memref<3x128xi32, #tpu.memory_space<vmem>> -> memref<1x32xi32, #tpu.memory_space<vmem>>
    %dma_wait3A_455 = tpu.memref_squeeze %dma_wait3A_454 : memref<1x32xi32, #tpu.memory_space<vmem>> -> memref<32xi32, #tpu.memory_space<vmem>>
    %dma_wait3A_456 = arith.constant 0 : i32
    %dma_wait3A_457 = arith.constant 0 : i32
    %dma_wait3A_458 = tpu.memref_slice %arg4[%dma_wait3A_456, %dma_wait3A_457] : memref<1000x128xf32, #tpu.memory_space<hbm>> -> memref<1000x128xf32, #tpu.memory_space<hbm>>
    %dma_wait3A_459 = tpu.memref_slice %arg16[%dma_wait3A_449] : memref<24x!tpu.dma_semaphore, #tpu.memory_space<semaphore_mem>> -> memref<1x!tpu.dma_semaphore, #tpu.memory_space<semaphore_mem>>
    %dma_wait3A_460 = tpu.memref_squeeze %dma_wait3A_459 : memref<1x!tpu.dma_semaphore, #tpu.memory_space<semaphore_mem>> -> memref<!tpu.dma_semaphore, #tpu.memory_space<semaphore_mem>>
    tpu.wait_indirect_dma semaphore(%dma_wait3A_460 : memref<!tpu.dma_semaphore, #tpu.memory_space<semaphore_mem>>) src(%dma_wait3A_458 : memref<1000x128xf32, #tpu.memory_space<hbm>>) dst(%dma_wait3A_452 : memref<32x128xf32, #tpu.memory_space<vmem>>)
    %dma_wait3A_461 = arith.constant 2 : i32
    %dma_wait3A_462 = arith.constant 11 : i32
    %dma_wait3A_463 = arith.constant 32 : i32
    %dma_wait3A_464 = arith.constant 0 : i32
    %dma_wait3A_465 = tpu.memref_slice %arg14[%dma_wait3A_463, %dma_wait3A_464] : memref<128x128xf32, #tpu.memory_space<vmem>> -> memref<32x128xf32, #tpu.memory_space<vmem>>
    %dma_wait3A_466 = arith.constant 32 : i32
    %dma_wait3A_467 = tpu.memref_slice %arg8[%dma_wait3A_461, %dma_wait3A_466] : memref<3x128xi32, #tpu.memory_space<vmem>> -> memref<1x32xi32, #tpu.memory_space<vmem>>
    %dma_wait3A_468 = tpu.memref_squeeze %dma_wait3A_467 : memref<1x32xi32, #tpu.memory_space<vmem>> -> memref<32xi32, #tpu.memory_space<vmem>>
    %dma_wait3A_469 = arith.constant 0 : i32
    %dma_wait3A_470 = arith.constant 0 : i32
    %dma_wait3A_471 = tpu.memref_slice %arg5[%dma_wait3A_469, %dma_wait3A_470] : memref<1000x128xf32, #tpu.memory_space<hbm>> -> memref<1000x128xf32, #tpu.memory_space<hbm>>
    %dma_wait3A_472 = tpu.memref_slice %arg16[%dma_wait3A_462] : memref<24x!tpu.dma_semaphore, #tpu.memory_space<semaphore_mem>> -> memref<1x!tpu.dma_semaphore, #tpu.memory_space<semaphore_mem>>
    %dma_wait3A_473 = tpu.memref_squeeze %dma_wait3A_472 : memref<1x!tpu.dma_semaphore, #tpu.memory_space<semaphore_mem>> -> memref<!tpu.dma_semaphore, #tpu.memory_space<semaphore_mem>>
    tpu.wait_indirect_dma semaphore(%dma_wait3A_473 : memref<!tpu.dma_semaphore, #tpu.memory_space<semaphore_mem>>) src(%dma_wait3A_471 : memref<1000x128xf32, #tpu.memory_space<hbm>>) dst(%dma_wait3A_465 : memref<32x128xf32, #tpu.memory_space<vmem>>)
    %scan3A_474 = arith.constant 0 : i32
    %scan3A_475 = arith.constant 0 : i32
    %scan3A_476 = arith.constant 32 : i32
    %scan3A_477 = arith.addi %scan3A_475, %scan3A_476 : i32
    %scan3A_478 = arith.constant 1 : i32
    scf.for %scan3A_656 = %scan3A_475 to %scan3A_477 step %scan3A_478  : i32 {
      %add3A_657 = arith.constant 32 : i32
      %add3A_658 = arith.addi %add3A_657, %scan3A_656 : i32
      %broadcast_in_dim3A = arith.constant 0.000000e+00 : f32
      %broadcast_in_dim3A_659 = vector.broadcast %broadcast_in_dim3A : f32 to vector<16xf32>
      %get3A = arith.index_cast %add3A_658 : i32 to index
      %get3A_660 = arith.constant 0 : index
      %get3A_661 = tpu.vector_load %arg9[%get3A, %get3A_660] {strides = array<i32>} : memref<128x128xf32, #tpu.memory_space<vmem>>, vector<1x16xf32>,
      %get3A_662 = vector.shape_cast %get3A_661 : vector<1x16xf32> to vector<16xf32>
      %get3A_663 = arith.index_cast %add3A_658 : i32 to index
      %get3A_664 = arith.constant 0 : index
      %get3A_665 = tpu.vector_load %arg10[%get3A_663, %get3A_664] {strides = array<i32>} : memref<128x128xf32, #tpu.memory_space<vmem>>, vector<1x16xf32>,
      %get3A_666 = vector.shape_cast %get3A_665 : vector<1x16xf32> to vector<16xf32>
      %get3A_667 = arith.index_cast %add3A_658 : i32 to index
      %get3A_668 = arith.constant 0 : index
      %get3A_669 = tpu.vector_load %arg11[%get3A_667, %get3A_668] {strides = array<i32>} : memref<128x128xf32, #tpu.memory_space<vmem>>, vector<1x16xf32>,
      %get3A_670 = vector.shape_cast %get3A_669 : vector<1x16xf32> to vector<16xf32>
      %get3A_671 = arith.index_cast %add3A_658 : i32 to index
      %get3A_672 = arith.constant 0 : index
      %get3A_673 = tpu.vector_load %arg12[%get3A_671, %get3A_672] {strides = array<i32>} : memref<128x128xf32, #tpu.memory_space<vmem>>, vector<1x16xf32>,
      %get3A_674 = vector.shape_cast %get3A_673 : vector<1x16xf32> to vector<16xf32>
      %get3A_675 = arith.index_cast %add3A_658 : i32 to index
      %get3A_676 = arith.constant 0 : index
      %get3A_677 = tpu.vector_load %arg13[%get3A_675, %get3A_676] {strides = array<i32>} : memref<128x128xf32, #tpu.memory_space<vmem>>, vector<1x16xf32>,
      %get3A_678 = vector.shape_cast %get3A_677 : vector<1x16xf32> to vector<16xf32>
      %get3A_679 = arith.index_cast %add3A_658 : i32 to index
      %get3A_680 = arith.constant 0 : index
      %get3A_681 = tpu.vector_load %arg14[%get3A_679, %get3A_680] {strides = array<i32>} : memref<128x128xf32, #tpu.memory_space<vmem>>, vector<1x16xf32>,
      %get3A_682 = vector.shape_cast %get3A_681 : vector<1x16xf32> to vector<16xf32>
      %mul3A_683 = arith.mulf %get3A_678, %get3A_670 : vector<16xf32>
      %mul3A_684 = arith.mulf %get3A_682, %get3A_674 : vector<16xf32>
      %add3A_685 = arith.addf %mul3A_683, %mul3A_684 : vector<16xf32>
      %mul3A_686 = arith.mulf %get3A_662, %add3A_685 : vector<16xf32>
      %add3A_687 = arith.addf %broadcast_in_dim3A_659, %mul3A_686 : vector<16xf32>
      %mul3A_688 = arith.mulf %get3A_678, %get3A_674 : vector<16xf32>
      %mul3A_689 = arith.mulf %get3A_682, %get3A_670 : vector<16xf32>
      %sub3A = arith.subf %mul3A_688, %mul3A_689 : vector<16xf32>
      %mul3A_690 = arith.mulf %get3A_666, %sub3A : vector<16xf32>
      %add3A_691 = arith.addf %add3A_687, %mul3A_690 : vector<16xf32>
      %get3A_692 = arith.index_cast %add3A_658 : i32 to index
      %get3A_693 = arith.constant 16 : index
      %get3A_694 = tpu.vector_load %arg9[%get3A_692, %get3A_693] {strides = array<i32>} : memref<128x128xf32, #tpu.memory_space<vmem>>, vector<1x16xf32>,
      %get3A_695 = vector.shape_cast %get3A_694 : vector<1x16xf32> to vector<16xf32>
      %get3A_696 = arith.index_cast %add3A_658 : i32 to index
      %get3A_697 = arith.constant 16 : index
      %get3A_698 = tpu.vector_load %arg10[%get3A_696, %get3A_697] {strides = array<i32>} : memref<128x128xf32, #tpu.memory_space<vmem>>, vector<1x16xf32>,
      %get3A_699 = vector.shape_cast %get3A_698 : vector<1x16xf32> to vector<16xf32>
      %get3A_700 = arith.index_cast %add3A_658 : i32 to index
      %get3A_701 = arith.constant 16 : index
      %get3A_702 = tpu.vector_load %arg11[%get3A_700, %get3A_701] {strides = array<i32>} : memref<128x128xf32, #tpu.memory_space<vmem>>, vector<1x16xf32>,
      %get3A_703 = vector.shape_cast %get3A_702 : vector<1x16xf32> to vector<16xf32>
      %get3A_704 = arith.index_cast %add3A_658 : i32 to index
      %get3A_705 = arith.constant 16 : index
      %get3A_706 = tpu.vector_load %arg12[%get3A_704, %get3A_705] {strides = array<i32>} : memref<128x128xf32, #tpu.memory_space<vmem>>, vector<1x16xf32>,
      %get3A_707 = vector.shape_cast %get3A_706 : vector<1x16xf32> to vector<16xf32>
      %get3A_708 = arith.index_cast %add3A_658 : i32 to index
      %get3A_709 = arith.constant 16 : index
      %get3A_710 = tpu.vector_load %arg13[%get3A_708, %get3A_709] {strides = array<i32>} : memref<128x128xf32, #tpu.memory_space<vmem>>, vector<1x16xf32>,
      %get3A_711 = vector.shape_cast %get3A_710 : vector<1x16xf32> to vector<16xf32>
      %get3A_712 = arith.index_cast %add3A_658 : i32 to index
      %get3A_713 = arith.constant 16 : index
      %get3A_714 = tpu.vector_load %arg14[%get3A_712, %get3A_713] {strides = array<i32>} : memref<128x128xf32, #tpu.memory_space<vmem>>, vector<1x16xf32>,
      %get3A_715 = vector.shape_cast %get3A_714 : vector<1x16xf32> to vector<16xf32>
      %mul3A_716 = arith.mulf %get3A_711, %get3A_703 : vector<16xf32>
      %mul3A_717 = arith.mulf %get3A_715, %get3A_707 : vector<16xf32>
      %add3A_718 = arith.addf %mul3A_716, %mul3A_717 : vector<16xf32>
      %mul3A_719 = arith.mulf %get3A_695, %add3A_718 : vector<16xf32>
      %add3A_720 = arith.addf %add3A_691, %mul3A_719 : vector<16xf32>
      %mul3A_721 = arith.mulf %get3A_711, %get3A_707 : vector<16xf32>
      %mul3A_722 = arith.mulf %get3A_715, %get3A_703 : vector<16xf32>
      %sub3A_723 = arith.subf %mul3A_721, %mul3A_722 : vector<16xf32>
      %mul3A_724 = arith.mulf %get3A_699, %sub3A_723 : vector<16xf32>
      %add3A_725 = arith.addf %add3A_720, %mul3A_724 : vector<16xf32>
      %get3A_726 = arith.index_cast %add3A_658 : i32 to index
      %get3A_727 = arith.constant 32 : index
      %get3A_728 = tpu.vector_load %arg9[%get3A_726, %get3A_727] {strides = array<i32>} : memref<128x128xf32, #tpu.memory_space<vmem>>, vector<1x16xf32>,
      %get3A_729 = vector.shape_cast %get3A_728 : vector<1x16xf32> to vector<16xf32>
      %get3A_730 = arith.index_cast %add3A_658 : i32 to index
      %get3A_731 = arith.constant 32 : index
      %get3A_732 = tpu.vector_load %arg10[%get3A_730, %get3A_731] {strides = array<i32>} : memref<128x128xf32, #tpu.memory_space<vmem>>, vector<1x16xf32>,
      %get3A_733 = vector.shape_cast %get3A_732 : vector<1x16xf32> to vector<16xf32>
      %get3A_734 = arith.index_cast %add3A_658 : i32 to index
      %get3A_735 = arith.constant 32 : index
      %get3A_736 = tpu.vector_load %arg11[%get3A_734, %get3A_735] {strides = array<i32>} : memref<128x128xf32, #tpu.memory_space<vmem>>, vector<1x16xf32>,
      %get3A_737 = vector.shape_cast %get3A_736 : vector<1x16xf32> to vector<16xf32>
      %get3A_738 = arith.index_cast %add3A_658 : i32 to index
      %get3A_739 = arith.constant 32 : index
      %get3A_740 = tpu.vector_load %arg12[%get3A_738, %get3A_739] {strides = array<i32>} : memref<128x128xf32, #tpu.memory_space<vmem>>, vector<1x16xf32>,
      %get3A_741 = vector.shape_cast %get3A_740 : vector<1x16xf32> to vector<16xf32>
      %get3A_742 = arith.index_cast %add3A_658 : i32 to index
      %get3A_743 = arith.constant 32 : index
      %get3A_744 = tpu.vector_load %arg13[%get3A_742, %get3A_743] {strides = array<i32>} : memref<128x128xf32, #tpu.memory_space<vmem>>, vector<1x16xf32>,
      %get3A_745 = vector.shape_cast %get3A_744 : vector<1x16xf32> to vector<16xf32>
      %get3A_746 = arith.index_cast %add3A_658 : i32 to index
      %get3A_747 = arith.constant 32 : index
      %get3A_748 = tpu.vector_load %arg14[%get3A_746, %get3A_747] {strides = array<i32>} : memref<128x128xf32, #tpu.memory_space<vmem>>, vector<1x16xf32>,
      %get3A_749 = vector.shape_cast %get3A_748 : vector<1x16xf32> to vector<16xf32>
      %mul3A_750 = arith.mulf %get3A_745, %get3A_737 : vector<16xf32>
      %mul3A_751 = arith.mulf %get3A_749, %get3A_741 : vector<16xf32>
      %add3A_752 = arith.addf %mul3A_750, %mul3A_751 : vector<16xf32>
      %mul3A_753 = arith.mulf %get3A_729, %add3A_752 : vector<16xf32>
      %add3A_754 = arith.addf %add3A_725, %mul3A_753 : vector<16xf32>
      %mul3A_755 = arith.mulf %get3A_745, %get3A_741 : vector<16xf32>
      %mul3A_756 = arith.mulf %get3A_749, %get3A_737 : vector<16xf32>
      %sub3A_757 = arith.subf %mul3A_755, %mul3A_756 : vector<16xf32>
      %mul3A_758 = arith.mulf %get3A_733, %sub3A_757 : vector<16xf32>
      %add3A_759 = arith.addf %add3A_754, %mul3A_758 : vector<16xf32>
      %get3A_760 = arith.index_cast %add3A_658 : i32 to index
      %get3A_761 = arith.constant 48 : index
      %get3A_762 = tpu.vector_load %arg9[%get3A_760, %get3A_761] {strides = array<i32>} : memref<128x128xf32, #tpu.memory_space<vmem>>, vector<1x16xf32>,
      %get3A_763 = vector.shape_cast %get3A_762 : vector<1x16xf32> to vector<16xf32>
      %get3A_764 = arith.index_cast %add3A_658 : i32 to index
      %get3A_765 = arith.constant 48 : index
      %get3A_766 = tpu.vector_load %arg10[%get3A_764, %get3A_765] {strides = array<i32>} : memref<128x128xf32, #tpu.memory_space<vmem>>, vector<1x16xf32>,
      %get3A_767 = vector.shape_cast %get3A_766 : vector<1x16xf32> to vector<16xf32>
      %get3A_768 = arith.index_cast %add3A_658 : i32 to index
      %get3A_769 = arith.constant 48 : index
      %get3A_770 = tpu.vector_load %arg11[%get3A_768, %get3A_769] {strides = array<i32>} : memref<128x128xf32, #tpu.memory_space<vmem>>, vector<1x16xf32>,
      %get3A_771 = vector.shape_cast %get3A_770 : vector<1x16xf32> to vector<16xf32>
      %get3A_772 = arith.index_cast %add3A_658 : i32 to index
      %get3A_773 = arith.constant 48 : index
      %get3A_774 = tpu.vector_load %arg12[%get3A_772, %get3A_773] {strides = array<i32>} : memref<128x128xf32, #tpu.memory_space<vmem>>, vector<1x16xf32>,
      %get3A_775 = vector.shape_cast %get3A_774 : vector<1x16xf32> to vector<16xf32>
      %get3A_776 = arith.index_cast %add3A_658 : i32 to index
      %get3A_777 = arith.constant 48 : index
      %get3A_778 = tpu.vector_load %arg13[%get3A_776, %get3A_777] {strides = array<i32>} : memref<128x128xf32, #tpu.memory_space<vmem>>, vector<1x16xf32>,
      %get3A_779 = vector.shape_cast %get3A_778 : vector<1x16xf32> to vector<16xf32>
      %get3A_780 = arith.index_cast %add3A_658 : i32 to index
      %get3A_781 = arith.constant 48 : index
      %get3A_782 = tpu.vector_load %arg14[%get3A_780, %get3A_781] {strides = array<i32>} : memref<128x128xf32, #tpu.memory_space<vmem>>, vector<1x16xf32>,
      %get3A_783 = vector.shape_cast %get3A_782 : vector<1x16xf32> to vector<16xf32>
      %mul3A_784 = arith.mulf %get3A_779, %get3A_771 : vector<16xf32>
      %mul3A_785 = arith.mulf %get3A_783, %get3A_775 : vector<16xf32>
      %add3A_786 = arith.addf %mul3A_784, %mul3A_785 : vector<16xf32>
      %mul3A_787 = arith.mulf %get3A_763, %add3A_786 : vector<16xf32>
      %add3A_788 = arith.addf %add3A_759, %mul3A_787 : vector<16xf32>
      %mul3A_789 = arith.mulf %get3A_779, %get3A_775 : vector<16xf32>
      %mul3A_790 = arith.mulf %get3A_783, %get3A_771 : vector<16xf32>
      %sub3A_791 = arith.subf %mul3A_789, %mul3A_790 : vector<16xf32>
      %mul3A_792 = arith.mulf %get3A_767, %sub3A_791 : vector<16xf32>
      %add3A_793 = arith.addf %add3A_788, %mul3A_792 : vector<16xf32>
      %get3A_794 = arith.index_cast %add3A_658 : i32 to index
      %get3A_795 = arith.constant 64 : index
      %get3A_796 = tpu.vector_load %arg9[%get3A_794, %get3A_795] {strides = array<i32>} : memref<128x128xf32, #tpu.memory_space<vmem>>, vector<1x16xf32>,
      %get3A_797 = vector.shape_cast %get3A_796 : vector<1x16xf32> to vector<16xf32>
      %get3A_798 = arith.index_cast %add3A_658 : i32 to index
      %get3A_799 = arith.constant 64 : index
      %get3A_800 = tpu.vector_load %arg10[%get3A_798, %get3A_799] {strides = array<i32>} : memref<128x128xf32, #tpu.memory_space<vmem>>, vector<1x16xf32>,
      %get3A_801 = vector.shape_cast %get3A_800 : vector<1x16xf32> to vector<16xf32>
      %get3A_802 = arith.index_cast %add3A_658 : i32 to index
      %get3A_803 = arith.constant 64 : index
      %get3A_804 = tpu.vector_load %arg11[%get3A_802, %get3A_803] {strides = array<i32>} : memref<128x128xf32, #tpu.memory_space<vmem>>, vector<1x16xf32>,
      %get3A_805 = vector.shape_cast %get3A_804 : vector<1x16xf32> to vector<16xf32>
      %get3A_806 = arith.index_cast %add3A_658 : i32 to index
      %get3A_807 = arith.constant 64 : index
      %get3A_808 = tpu.vector_load %arg12[%get3A_806, %get3A_807] {strides = array<i32>} : memref<128x128xf32, #tpu.memory_space<vmem>>, vector<1x16xf32>,
      %get3A_809 = vector.shape_cast %get3A_808 : vector<1x16xf32> to vector<16xf32>
      %get3A_810 = arith.index_cast %add3A_658 : i32 to index
      %get3A_811 = arith.constant 64 : index
      %get3A_812 = tpu.vector_load %arg13[%get3A_810, %get3A_811] {strides = array<i32>} : memref<128x128xf32, #tpu.memory_space<vmem>>, vector<1x16xf32>,
      %get3A_813 = vector.shape_cast %get3A_812 : vector<1x16xf32> to vector<16xf32>
      %get3A_814 = arith.index_cast %add3A_658 : i32 to index
      %get3A_815 = arith.constant 64 : index
      %get3A_816 = tpu.vector_load %arg14[%get3A_814, %get3A_815] {strides = array<i32>} : memref<128x128xf32, #tpu.memory_space<vmem>>, vector<1x16xf32>,
      %get3A_817 = vector.shape_cast %get3A_816 : vector<1x16xf32> to vector<16xf32>
      %mul3A_818 = arith.mulf %get3A_813, %get3A_805 : vector<16xf32>
      %mul3A_819 = arith.mulf %get3A_817, %get3A_809 : vector<16xf32>
      %add3A_820 = arith.addf %mul3A_818, %mul3A_819 : vector<16xf32>
      %mul3A_821 = arith.mulf %get3A_797, %add3A_820 : vector<16xf32>
      %add3A_822 = arith.addf %add3A_793, %mul3A_821 : vector<16xf32>
      %mul3A_823 = arith.mulf %get3A_813, %get3A_809 : vector<16xf32>
      %mul3A_824 = arith.mulf %get3A_817, %get3A_805 : vector<16xf32>
      %sub3A_825 = arith.subf %mul3A_823, %mul3A_824 : vector<16xf32>
      %mul3A_826 = arith.mulf %get3A_801, %sub3A_825 : vector<16xf32>
      %add3A_827 = arith.addf %add3A_822, %mul3A_826 : vector<16xf32>
      %get3A_828 = arith.index_cast %add3A_658 : i32 to index
      %get3A_829 = arith.constant 80 : index
      %get3A_830 = tpu.vector_load %arg9[%get3A_828, %get3A_829] {strides = array<i32>} : memref<128x128xf32, #tpu.memory_space<vmem>>, vector<1x16xf32>,
      %get3A_831 = vector.shape_cast %get3A_830 : vector<1x16xf32> to vector<16xf32>
      %get3A_832 = arith.index_cast %add3A_658 : i32 to index
      %get3A_833 = arith.constant 80 : index
      %get3A_834 = tpu.vector_load %arg10[%get3A_832, %get3A_833] {strides = array<i32>} : memref<128x128xf32, #tpu.memory_space<vmem>>, vector<1x16xf32>,
      %get3A_835 = vector.shape_cast %get3A_834 : vector<1x16xf32> to vector<16xf32>
      %get3A_836 = arith.index_cast %add3A_658 : i32 to index
      %get3A_837 = arith.constant 80 : index
      %get3A_838 = tpu.vector_load %arg11[%get3A_836, %get3A_837] {strides = array<i32>} : memref<128x128xf32, #tpu.memory_space<vmem>>, vector<1x16xf32>,
      %get3A_839 = vector.shape_cast %get3A_838 : vector<1x16xf32> to vector<16xf32>
      %get3A_840 = arith.index_cast %add3A_658 : i32 to index
      %get3A_841 = arith.constant 80 : index
      %get3A_842 = tpu.vector_load %arg12[%get3A_840, %get3A_841] {strides = array<i32>} : memref<128x128xf32, #tpu.memory_space<vmem>>, vector<1x16xf32>,
      %get3A_843 = vector.shape_cast %get3A_842 : vector<1x16xf32> to vector<16xf32>
      %get3A_844 = arith.index_cast %add3A_658 : i32 to index
      %get3A_845 = arith.constant 80 : index
      %get3A_846 = tpu.vector_load %arg13[%get3A_844, %get3A_845] {strides = array<i32>} : memref<128x128xf32, #tpu.memory_space<vmem>>, vector<1x16xf32>,
      %get3A_847 = vector.shape_cast %get3A_846 : vector<1x16xf32> to vector<16xf32>
      %get3A_848 = arith.index_cast %add3A_658 : i32 to index
      %get3A_849 = arith.constant 80 : index
      %get3A_850 = tpu.vector_load %arg14[%get3A_848, %get3A_849] {strides = array<i32>} : memref<128x128xf32, #tpu.memory_space<vmem>>, vector<1x16xf32>,
      %get3A_851 = vector.shape_cast %get3A_850 : vector<1x16xf32> to vector<16xf32>
      %mul3A_852 = arith.mulf %get3A_847, %get3A_839 : vector<16xf32>
      %mul3A_853 = arith.mulf %get3A_851, %get3A_843 : vector<16xf32>
      %add3A_854 = arith.addf %mul3A_852, %mul3A_853 : vector<16xf32>
      %mul3A_855 = arith.mulf %get3A_831, %add3A_854 : vector<16xf32>
      %add3A_856 = arith.addf %add3A_827, %mul3A_855 : vector<16xf32>
      %mul3A_857 = arith.mulf %get3A_847, %get3A_843 : vector<16xf32>
      %mul3A_858 = arith.mulf %get3A_851, %get3A_839 : vector<16xf32>
      %sub3A_859 = arith.subf %mul3A_857, %mul3A_858 : vector<16xf32>
      %mul3A_860 = arith.mulf %get3A_835, %sub3A_859 : vector<16xf32>
      %add3A_861 = arith.addf %add3A_856, %mul3A_860 : vector<16xf32>
      %get3A_862 = arith.index_cast %add3A_658 : i32 to index
      %get3A_863 = arith.constant 96 : index
      %get3A_864 = tpu.vector_load %arg9[%get3A_862, %get3A_863] {strides = array<i32>} : memref<128x128xf32, #tpu.memory_space<vmem>>, vector<1x16xf32>,
      %get3A_865 = vector.shape_cast %get3A_864 : vector<1x16xf32> to vector<16xf32>
      %get3A_866 = arith.index_cast %add3A_658 : i32 to index
      %get3A_867 = arith.constant 96 : index
      %get3A_868 = tpu.vector_load %arg10[%get3A_866, %get3A_867] {strides = array<i32>} : memref<128x128xf32, #tpu.memory_space<vmem>>, vector<1x16xf32>,
      %get3A_869 = vector.shape_cast %get3A_868 : vector<1x16xf32> to vector<16xf32>
      %get3A_870 = arith.index_cast %add3A_658 : i32 to index
      %get3A_871 = arith.constant 96 : index
      %get3A_872 = tpu.vector_load %arg11[%get3A_870, %get3A_871] {strides = array<i32>} : memref<128x128xf32, #tpu.memory_space<vmem>>, vector<1x16xf32>,
      %get3A_873 = vector.shape_cast %get3A_872 : vector<1x16xf32> to vector<16xf32>
      %get3A_874 = arith.index_cast %add3A_658 : i32 to index
      %get3A_875 = arith.constant 96 : index
      %get3A_876 = tpu.vector_load %arg12[%get3A_874, %get3A_875] {strides = array<i32>} : memref<128x128xf32, #tpu.memory_space<vmem>>, vector<1x16xf32>,
      %get3A_877 = vector.shape_cast %get3A_876 : vector<1x16xf32> to vector<16xf32>
      %get3A_878 = arith.index_cast %add3A_658 : i32 to index
      %get3A_879 = arith.constant 96 : index
      %get3A_880 = tpu.vector_load %arg13[%get3A_878, %get3A_879] {strides = array<i32>} : memref<128x128xf32, #tpu.memory_space<vmem>>, vector<1x16xf32>,
      %get3A_881 = vector.shape_cast %get3A_880 : vector<1x16xf32> to vector<16xf32>
      %get3A_882 = arith.index_cast %add3A_658 : i32 to index
      %get3A_883 = arith.constant 96 : index
      %get3A_884 = tpu.vector_load %arg14[%get3A_882, %get3A_883] {strides = array<i32>} : memref<128x128xf32, #tpu.memory_space<vmem>>, vector<1x16xf32>,
      %get3A_885 = vector.shape_cast %get3A_884 : vector<1x16xf32> to vector<16xf32>
      %mul3A_886 = arith.mulf %get3A_881, %get3A_873 : vector<16xf32>
      %mul3A_887 = arith.mulf %get3A_885, %get3A_877 : vector<16xf32>
      %add3A_888 = arith.addf %mul3A_886, %mul3A_887 : vector<16xf32>
      %mul3A_889 = arith.mulf %get3A_865, %add3A_888 : vector<16xf32>
      %add3A_890 = arith.addf %add3A_861, %mul3A_889 : vector<16xf32>
      %mul3A_891 = arith.mulf %get3A_881, %get3A_877 : vector<16xf32>
      %mul3A_892 = arith.mulf %get3A_885, %get3A_873 : vector<16xf32>
      %sub3A_893 = arith.subf %mul3A_891, %mul3A_892 : vector<16xf32>
      %mul3A_894 = arith.mulf %get3A_869, %sub3A_893 : vector<16xf32>
      %add3A_895 = arith.addf %add3A_890, %mul3A_894 : vector<16xf32>
      %get3A_896 = arith.index_cast %add3A_658 : i32 to index
      %get3A_897 = arith.constant 112 : index
      %get3A_898 = tpu.vector_load %arg9[%get3A_896, %get3A_897] {strides = array<i32>} : memref<128x128xf32, #tpu.memory_space<vmem>>, vector<1x16xf32>,
      %get3A_899 = vector.shape_cast %get3A_898 : vector<1x16xf32> to vector<16xf32>
      %get3A_900 = arith.index_cast %add3A_658 : i32 to index
      %get3A_901 = arith.constant 112 : index
      %get3A_902 = tpu.vector_load %arg10[%get3A_900, %get3A_901] {strides = array<i32>} : memref<128x128xf32, #tpu.memory_space<vmem>>, vector<1x16xf32>,
      %get3A_903 = vector.shape_cast %get3A_902 : vector<1x16xf32> to vector<16xf32>
      %get3A_904 = arith.index_cast %add3A_658 : i32 to index
      %get3A_905 = arith.constant 112 : index
      %get3A_906 = tpu.vector_load %arg11[%get3A_904, %get3A_905] {strides = array<i32>} : memref<128x128xf32, #tpu.memory_space<vmem>>, vector<1x16xf32>,
      %get3A_907 = vector.shape_cast %get3A_906 : vector<1x16xf32> to vector<16xf32>
      %get3A_908 = arith.index_cast %add3A_658 : i32 to index
      %get3A_909 = arith.constant 112 : index
      %get3A_910 = tpu.vector_load %arg12[%get3A_908, %get3A_909] {strides = array<i32>} : memref<128x128xf32, #tpu.memory_space<vmem>>, vector<1x16xf32>,
      %get3A_911 = vector.shape_cast %get3A_910 : vector<1x16xf32> to vector<16xf32>
      %get3A_912 = arith.index_cast %add3A_658 : i32 to index
      %get3A_913 = arith.constant 112 : index
      %get3A_914 = tpu.vector_load %arg13[%get3A_912, %get3A_913] {strides = array<i32>} : memref<128x128xf32, #tpu.memory_space<vmem>>, vector<1x16xf32>,
      %get3A_915 = vector.shape_cast %get3A_914 : vector<1x16xf32> to vector<16xf32>
      %get3A_916 = arith.index_cast %add3A_658 : i32 to index
      %get3A_917 = arith.constant 112 : index
      %get3A_918 = tpu.vector_load %arg14[%get3A_916, %get3A_917] {strides = array<i32>} : memref<128x128xf32, #tpu.memory_space<vmem>>, vector<1x16xf32>,
      %get3A_919 = vector.shape_cast %get3A_918 : vector<1x16xf32> to vector<16xf32>
      %mul3A_920 = arith.mulf %get3A_915, %get3A_907 : vector<16xf32>
      %mul3A_921 = arith.mulf %get3A_919, %get3A_911 : vector<16xf32>
      %add3A_922 = arith.addf %mul3A_920, %mul3A_921 : vector<16xf32>
      %mul3A_923 = arith.mulf %get3A_899, %add3A_922 : vector<16xf32>
      %add3A_924 = arith.addf %add3A_895, %mul3A_923 : vector<16xf32>
      %mul3A_925 = arith.mulf %get3A_915, %get3A_911 : vector<16xf32>
      %mul3A_926 = arith.mulf %get3A_919, %get3A_907 : vector<16xf32>
      %sub3A_927 = arith.subf %mul3A_925, %mul3A_926 : vector<16xf32>
      %mul3A_928 = arith.mulf %get3A_903, %sub3A_927 : vector<16xf32>
      %add3A_929 = arith.addf %add3A_924, %mul3A_928 : vector<16xf32>
      %swap3A = arith.index_cast %add3A_658 : i32 to index
      %swap3A_930 = arith.constant 0 : index
      %swap3A_931 = tpu.vector_load %arg15[%swap3A, %swap3A_930] {strides = array<i32>} : memref<128x16xf32, #tpu.memory_space<vmem>>, vector<1x16xf32>,
      %swap3A_932 = vector.shape_cast %swap3A_931 : vector<1x16xf32> to vector<16xf32>
      %swap3A_933 = vector.shape_cast %add3A_929 : vector<16xf32> to vector<1x16xf32>
      tpu.vector_store %arg15[%swap3A, %swap3A_930], %swap3A_933 {strides = array<i32>} : memref<128x16xf32, #tpu.memory_space<vmem>>, vector<1x16xf32>,
    }
    %scan3A_479 = arith.constant 32 : i32
    %dma_wait3A_480 = arith.constant 0 : i32
    %dma_wait3A_481 = arith.constant 12 : i32
    %dma_wait3A_482 = arith.constant 64 : i32
    %dma_wait3A_483 = arith.constant 0 : i32
    %dma_wait3A_484 = tpu.memref_slice %arg9[%dma_wait3A_482, %dma_wait3A_483] : memref<128x128xf32, #tpu.memory_space<vmem>> -> memref<32x128xf32, #tpu.memory_space<vmem>>
    %dma_wait3A_485 = arith.constant 64 : i32
    %dma_wait3A_486 = tpu.memref_slice %arg8[%dma_wait3A_480, %dma_wait3A_485] : memref<3x128xi32, #tpu.memory_space<vmem>> -> memref<1x32xi32, #tpu.memory_space<vmem>>
    %dma_wait3A_487 = tpu.memref_squeeze %dma_wait3A_486 : memref<1x32xi32, #tpu.memory_space<vmem>> -> memref<32xi32, #tpu.memory_space<vmem>>
    %dma_wait3A_488 = arith.constant 0 : i32
    %dma_wait3A_489 = arith.constant 0 : i32
    %dma_wait3A_490 = tpu.memref_slice %arg2[%dma_wait3A_488, %dma_wait3A_489] : memref<100000x128xf32, #tpu.memory_space<hbm>> -> memref<100000x128xf32, #tpu.memory_space<hbm>>
    %dma_wait3A_491 = tpu.memref_slice %arg16[%dma_wait3A_481] : memref<24x!tpu.dma_semaphore, #tpu.memory_space<semaphore_mem>> -> memref<1x!tpu.dma_semaphore, #tpu.memory_space<semaphore_mem>>
    %dma_wait3A_492 = tpu.memref_squeeze %dma_wait3A_491 : memref<1x!tpu.dma_semaphore, #tpu.memory_space<semaphore_mem>> -> memref<!tpu.dma_semaphore, #tpu.memory_space<semaphore_mem>>
    tpu.wait_indirect_dma semaphore(%dma_wait3A_492 : memref<!tpu.dma_semaphore, #tpu.memory_space<semaphore_mem>>) src(%dma_wait3A_490 : memref<100000x128xf32, #tpu.memory_space<hbm>>) dst(%dma_wait3A_484 : memref<32x128xf32, #tpu.memory_space<vmem>>)
    %dma_wait3A_493 = arith.constant 0 : i32
    %dma_wait3A_494 = arith.constant 13 : i32
    %dma_wait3A_495 = arith.constant 64 : i32
    %dma_wait3A_496 = arith.constant 0 : i32
    %dma_wait3A_497 = tpu.memref_slice %arg10[%dma_wait3A_495, %dma_wait3A_496] : memref<128x128xf32, #tpu.memory_space<vmem>> -> memref<32x128xf32, #tpu.memory_space<vmem>>
    %dma_wait3A_498 = arith.constant 64 : i32
    %dma_wait3A_499 = tpu.memref_slice %arg8[%dma_wait3A_493, %dma_wait3A_498] : memref<3x128xi32, #tpu.memory_space<vmem>> -> memref<1x32xi32, #tpu.memory_space<vmem>>
    %dma_wait3A_500 = tpu.memref_squeeze %dma_wait3A_499 : memref<1x32xi32, #tpu.memory_space<vmem>> -> memref<32xi32, #tpu.memory_space<vmem>>
    %dma_wait3A_501 = arith.constant 0 : i32
    %dma_wait3A_502 = arith.constant 0 : i32
    %dma_wait3A_503 = tpu.memref_slice %arg3[%dma_wait3A_501, %dma_wait3A_502] : memref<100000x128xf32, #tpu.memory_space<hbm>> -> memref<100000x128xf32, #tpu.memory_space<hbm>>
    %dma_wait3A_504 = tpu.memref_slice %arg16[%dma_wait3A_494] : memref<24x!tpu.dma_semaphore, #tpu.memory_space<semaphore_mem>> -> memref<1x!tpu.dma_semaphore, #tpu.memory_space<semaphore_mem>>
    %dma_wait3A_505 = tpu.memref_squeeze %dma_wait3A_504 : memref<1x!tpu.dma_semaphore, #tpu.memory_space<semaphore_mem>> -> memref<!tpu.dma_semaphore, #tpu.memory_space<semaphore_mem>>
    tpu.wait_indirect_dma semaphore(%dma_wait3A_505 : memref<!tpu.dma_semaphore, #tpu.memory_space<semaphore_mem>>) src(%dma_wait3A_503 : memref<100000x128xf32, #tpu.memory_space<hbm>>) dst(%dma_wait3A_497 : memref<32x128xf32, #tpu.memory_space<vmem>>)
    %dma_wait3A_506 = arith.constant 1 : i32
    %dma_wait3A_507 = arith.constant 14 : i32
    %dma_wait3A_508 = arith.constant 64 : i32
    %dma_wait3A_509 = arith.constant 0 : i32
    %dma_wait3A_510 = tpu.memref_slice %arg11[%dma_wait3A_508, %dma_wait3A_509] : memref<128x128xf32, #tpu.memory_space<vmem>> -> memref<32x128xf32, #tpu.memory_space<vmem>>
    %dma_wait3A_511 = arith.constant 64 : i32
    %dma_wait3A_512 = tpu.memref_slice %arg8[%dma_wait3A_506, %dma_wait3A_511] : memref<3x128xi32, #tpu.memory_space<vmem>> -> memref<1x32xi32, #tpu.memory_space<vmem>>
    %dma_wait3A_513 = tpu.memref_squeeze %dma_wait3A_512 : memref<1x32xi32, #tpu.memory_space<vmem>> -> memref<32xi32, #tpu.memory_space<vmem>>
    %dma_wait3A_514 = arith.constant 0 : i32
    %dma_wait3A_515 = arith.constant 0 : i32
    %dma_wait3A_516 = tpu.memref_slice %arg2[%dma_wait3A_514, %dma_wait3A_515] : memref<100000x128xf32, #tpu.memory_space<hbm>> -> memref<100000x128xf32, #tpu.memory_space<hbm>>
    %dma_wait3A_517 = tpu.memref_slice %arg16[%dma_wait3A_507] : memref<24x!tpu.dma_semaphore, #tpu.memory_space<semaphore_mem>> -> memref<1x!tpu.dma_semaphore, #tpu.memory_space<semaphore_mem>>
    %dma_wait3A_518 = tpu.memref_squeeze %dma_wait3A_517 : memref<1x!tpu.dma_semaphore, #tpu.memory_space<semaphore_mem>> -> memref<!tpu.dma_semaphore, #tpu.memory_space<semaphore_mem>>
    tpu.wait_indirect_dma semaphore(%dma_wait3A_518 : memref<!tpu.dma_semaphore, #tpu.memory_space<semaphore_mem>>) src(%dma_wait3A_516 : memref<100000x128xf32, #tpu.memory_space<hbm>>) dst(%dma_wait3A_510 : memref<32x128xf32, #tpu.memory_space<vmem>>)
    %dma_wait3A_519 = arith.constant 1 : i32
    %dma_wait3A_520 = arith.constant 15 : i32
    %dma_wait3A_521 = arith.constant 64 : i32
    %dma_wait3A_522 = arith.constant 0 : i32
    %dma_wait3A_523 = tpu.memref_slice %arg12[%dma_wait3A_521, %dma_wait3A_522] : memref<128x128xf32, #tpu.memory_space<vmem>> -> memref<32x128xf32, #tpu.memory_space<vmem>>
    %dma_wait3A_524 = arith.constant 64 : i32
    %dma_wait3A_525 = tpu.memref_slice %arg8[%dma_wait3A_519, %dma_wait3A_524] : memref<3x128xi32, #tpu.memory_space<vmem>> -> memref<1x32xi32, #tpu.memory_space<vmem>>
    %dma_wait3A_526 = tpu.memref_squeeze %dma_wait3A_525 : memref<1x32xi32, #tpu.memory_space<vmem>> -> memref<32xi32, #tpu.memory_space<vmem>>
    %dma_wait3A_527 = arith.constant 0 : i32
    %dma_wait3A_528 = arith.constant 0 : i32
    %dma_wait3A_529 = tpu.memref_slice %arg3[%dma_wait3A_527, %dma_wait3A_528] : memref<100000x128xf32, #tpu.memory_space<hbm>> -> memref<100000x128xf32, #tpu.memory_space<hbm>>
    %dma_wait3A_530 = tpu.memref_slice %arg16[%dma_wait3A_520] : memref<24x!tpu.dma_semaphore, #tpu.memory_space<semaphore_mem>> -> memref<1x!tpu.dma_semaphore, #tpu.memory_space<semaphore_mem>>
    %dma_wait3A_531 = tpu.memref_squeeze %dma_wait3A_530 : memref<1x!tpu.dma_semaphore, #tpu.memory_space<semaphore_mem>> -> memref<!tpu.dma_semaphore, #tpu.memory_space<semaphore_mem>>
    tpu.wait_indirect_dma semaphore(%dma_wait3A_531 : memref<!tpu.dma_semaphore, #tpu.memory_space<semaphore_mem>>) src(%dma_wait3A_529 : memref<100000x128xf32, #tpu.memory_space<hbm>>) dst(%dma_wait3A_523 : memref<32x128xf32, #tpu.memory_space<vmem>>)
    %dma_wait3A_532 = arith.constant 2 : i32
    %dma_wait3A_533 = arith.constant 16 : i32
    %dma_wait3A_534 = arith.constant 64 : i32
    %dma_wait3A_535 = arith.constant 0 : i32
    %dma_wait3A_536 = tpu.memref_slice %arg13[%dma_wait3A_534, %dma_wait3A_535] : memref<128x128xf32, #tpu.memory_space<vmem>> -> memref<32x128xf32, #tpu.memory_space<vmem>>
    %dma_wait3A_537 = arith.constant 64 : i32
    %dma_wait3A_538 = tpu.memref_slice %arg8[%dma_wait3A_532, %dma_wait3A_537] : memref<3x128xi32, #tpu.memory_space<vmem>> -> memref<1x32xi32, #tpu.memory_space<vmem>>
    %dma_wait3A_539 = tpu.memref_squeeze %dma_wait3A_538 : memref<1x32xi32, #tpu.memory_space<vmem>> -> memref<32xi32, #tpu.memory_space<vmem>>
    %dma_wait3A_540 = arith.constant 0 : i32
    %dma_wait3A_541 = arith.constant 0 : i32
    %dma_wait3A_542 = tpu.memref_slice %arg4[%dma_wait3A_540, %dma_wait3A_541] : memref<1000x128xf32, #tpu.memory_space<hbm>> -> memref<1000x128xf32, #tpu.memory_space<hbm>>
    %dma_wait3A_543 = tpu.memref_slice %arg16[%dma_wait3A_533] : memref<24x!tpu.dma_semaphore, #tpu.memory_space<semaphore_mem>> -> memref<1x!tpu.dma_semaphore, #tpu.memory_space<semaphore_mem>>
    %dma_wait3A_544 = tpu.memref_squeeze %dma_wait3A_543 : memref<1x!tpu.dma_semaphore, #tpu.memory_space<semaphore_mem>> -> memref<!tpu.dma_semaphore, #tpu.memory_space<semaphore_mem>>
    tpu.wait_indirect_dma semaphore(%dma_wait3A_544 : memref<!tpu.dma_semaphore, #tpu.memory_space<semaphore_mem>>) src(%dma_wait3A_542 : memref<1000x128xf32, #tpu.memory_space<hbm>>) dst(%dma_wait3A_536 : memref<32x128xf32, #tpu.memory_space<vmem>>)
    %dma_wait3A_545 = arith.constant 2 : i32
    %dma_wait3A_546 = arith.constant 17 : i32
    %dma_wait3A_547 = arith.constant 64 : i32
    %dma_wait3A_548 = arith.constant 0 : i32
    %dma_wait3A_549 = tpu.memref_slice %arg14[%dma_wait3A_547, %dma_wait3A_548] : memref<128x128xf32, #tpu.memory_space<vmem>> -> memref<32x128xf32, #tpu.memory_space<vmem>>
    %dma_wait3A_550 = arith.constant 64 : i32
    %dma_wait3A_551 = tpu.memref_slice %arg8[%dma_wait3A_545, %dma_wait3A_550] : memref<3x128xi32, #tpu.memory_space<vmem>> -> memref<1x32xi32, #tpu.memory_space<vmem>>
    %dma_wait3A_552 = tpu.memref_squeeze %dma_wait3A_551 : memref<1x32xi32, #tpu.memory_space<vmem>> -> memref<32xi32, #tpu.memory_space<vmem>>
    %dma_wait3A_553 = arith.constant 0 : i32
    %dma_wait3A_554 = arith.constant 0 : i32
    %dma_wait3A_555 = tpu.memref_slice %arg5[%dma_wait3A_553, %dma_wait3A_554] : memref<1000x128xf32, #tpu.memory_space<hbm>> -> memref<1000x128xf32, #tpu.memory_space<hbm>>
    %dma_wait3A_556 = tpu.memref_slice %arg16[%dma_wait3A_546] : memref<24x!tpu.dma_semaphore, #tpu.memory_space<semaphore_mem>> -> memref<1x!tpu.dma_semaphore, #tpu.memory_space<semaphore_mem>>
    %dma_wait3A_557 = tpu.memref_squeeze %dma_wait3A_556 : memref<1x!tpu.dma_semaphore, #tpu.memory_space<semaphore_mem>> -> memref<!tpu.dma_semaphore, #tpu.memory_space<semaphore_mem>>
    tpu.wait_indirect_dma semaphore(%dma_wait3A_557 : memref<!tpu.dma_semaphore, #tpu.memory_space<semaphore_mem>>) src(%dma_wait3A_555 : memref<1000x128xf32, #tpu.memory_space<hbm>>) dst(%dma_wait3A_549 : memref<32x128xf32, #tpu.memory_space<vmem>>)
    %scan3A_558 = arith.constant 0 : i32
    %scan3A_559 = arith.constant 0 : i32
    %scan3A_560 = arith.constant 32 : i32
    %scan3A_561 = arith.addi %scan3A_559, %scan3A_560 : i32
    %scan3A_562 = arith.constant 1 : i32
    scf.for %scan3A_656 = %scan3A_559 to %scan3A_561 step %scan3A_562  : i32 {
      %add3A_657 = arith.constant 64 : i32
      %add3A_658 = arith.addi %add3A_657, %scan3A_656 : i32
      %broadcast_in_dim3A = arith.constant 0.000000e+00 : f32
      %broadcast_in_dim3A_659 = vector.broadcast %broadcast_in_dim3A : f32 to vector<16xf32>
      %get3A = arith.index_cast %add3A_658 : i32 to index
      %get3A_660 = arith.constant 0 : index
      %get3A_661 = tpu.vector_load %arg9[%get3A, %get3A_660] {strides = array<i32>} : memref<128x128xf32, #tpu.memory_space<vmem>>, vector<1x16xf32>,
      %get3A_662 = vector.shape_cast %get3A_661 : vector<1x16xf32> to vector<16xf32>
      %get3A_663 = arith.index_cast %add3A_658 : i32 to index
      %get3A_664 = arith.constant 0 : index
      %get3A_665 = tpu.vector_load %arg10[%get3A_663, %get3A_664] {strides = array<i32>} : memref<128x128xf32, #tpu.memory_space<vmem>>, vector<1x16xf32>,
      %get3A_666 = vector.shape_cast %get3A_665 : vector<1x16xf32> to vector<16xf32>
      %get3A_667 = arith.index_cast %add3A_658 : i32 to index
      %get3A_668 = arith.constant 0 : index
      %get3A_669 = tpu.vector_load %arg11[%get3A_667, %get3A_668] {strides = array<i32>} : memref<128x128xf32, #tpu.memory_space<vmem>>, vector<1x16xf32>,
      %get3A_670 = vector.shape_cast %get3A_669 : vector<1x16xf32> to vector<16xf32>
      %get3A_671 = arith.index_cast %add3A_658 : i32 to index
      %get3A_672 = arith.constant 0 : index
      %get3A_673 = tpu.vector_load %arg12[%get3A_671, %get3A_672] {strides = array<i32>} : memref<128x128xf32, #tpu.memory_space<vmem>>, vector<1x16xf32>,
      %get3A_674 = vector.shape_cast %get3A_673 : vector<1x16xf32> to vector<16xf32>
      %get3A_675 = arith.index_cast %add3A_658 : i32 to index
      %get3A_676 = arith.constant 0 : index
      %get3A_677 = tpu.vector_load %arg13[%get3A_675, %get3A_676] {strides = array<i32>} : memref<128x128xf32, #tpu.memory_space<vmem>>, vector<1x16xf32>,
      %get3A_678 = vector.shape_cast %get3A_677 : vector<1x16xf32> to vector<16xf32>
      %get3A_679 = arith.index_cast %add3A_658 : i32 to index
      %get3A_680 = arith.constant 0 : index
      %get3A_681 = tpu.vector_load %arg14[%get3A_679, %get3A_680] {strides = array<i32>} : memref<128x128xf32, #tpu.memory_space<vmem>>, vector<1x16xf32>,
      %get3A_682 = vector.shape_cast %get3A_681 : vector<1x16xf32> to vector<16xf32>
      %mul3A_683 = arith.mulf %get3A_678, %get3A_670 : vector<16xf32>
      %mul3A_684 = arith.mulf %get3A_682, %get3A_674 : vector<16xf32>
      %add3A_685 = arith.addf %mul3A_683, %mul3A_684 : vector<16xf32>
      %mul3A_686 = arith.mulf %get3A_662, %add3A_685 : vector<16xf32>
      %add3A_687 = arith.addf %broadcast_in_dim3A_659, %mul3A_686 : vector<16xf32>
      %mul3A_688 = arith.mulf %get3A_678, %get3A_674 : vector<16xf32>
      %mul3A_689 = arith.mulf %get3A_682, %get3A_670 : vector<16xf32>
      %sub3A = arith.subf %mul3A_688, %mul3A_689 : vector<16xf32>
      %mul3A_690 = arith.mulf %get3A_666, %sub3A : vector<16xf32>
      %add3A_691 = arith.addf %add3A_687, %mul3A_690 : vector<16xf32>
      %get3A_692 = arith.index_cast %add3A_658 : i32 to index
      %get3A_693 = arith.constant 16 : index
      %get3A_694 = tpu.vector_load %arg9[%get3A_692, %get3A_693] {strides = array<i32>} : memref<128x128xf32, #tpu.memory_space<vmem>>, vector<1x16xf32>,
      %get3A_695 = vector.shape_cast %get3A_694 : vector<1x16xf32> to vector<16xf32>
      %get3A_696 = arith.index_cast %add3A_658 : i32 to index
      %get3A_697 = arith.constant 16 : index
      %get3A_698 = tpu.vector_load %arg10[%get3A_696, %get3A_697] {strides = array<i32>} : memref<128x128xf32, #tpu.memory_space<vmem>>, vector<1x16xf32>,
      %get3A_699 = vector.shape_cast %get3A_698 : vector<1x16xf32> to vector<16xf32>
      %get3A_700 = arith.index_cast %add3A_658 : i32 to index
      %get3A_701 = arith.constant 16 : index
      %get3A_702 = tpu.vector_load %arg11[%get3A_700, %get3A_701] {strides = array<i32>} : memref<128x128xf32, #tpu.memory_space<vmem>>, vector<1x16xf32>,
      %get3A_703 = vector.shape_cast %get3A_702 : vector<1x16xf32> to vector<16xf32>
      %get3A_704 = arith.index_cast %add3A_658 : i32 to index
      %get3A_705 = arith.constant 16 : index
      %get3A_706 = tpu.vector_load %arg12[%get3A_704, %get3A_705] {strides = array<i32>} : memref<128x128xf32, #tpu.memory_space<vmem>>, vector<1x16xf32>,
      %get3A_707 = vector.shape_cast %get3A_706 : vector<1x16xf32> to vector<16xf32>
      %get3A_708 = arith.index_cast %add3A_658 : i32 to index
      %get3A_709 = arith.constant 16 : index
      %get3A_710 = tpu.vector_load %arg13[%get3A_708, %get3A_709] {strides = array<i32>} : memref<128x128xf32, #tpu.memory_space<vmem>>, vector<1x16xf32>,
      %get3A_711 = vector.shape_cast %get3A_710 : vector<1x16xf32> to vector<16xf32>
      %get3A_712 = arith.index_cast %add3A_658 : i32 to index
      %get3A_713 = arith.constant 16 : index
      %get3A_714 = tpu.vector_load %arg14[%get3A_712, %get3A_713] {strides = array<i32>} : memref<128x128xf32, #tpu.memory_space<vmem>>, vector<1x16xf32>,
      %get3A_715 = vector.shape_cast %get3A_714 : vector<1x16xf32> to vector<16xf32>
      %mul3A_716 = arith.mulf %get3A_711, %get3A_703 : vector<16xf32>
      %mul3A_717 = arith.mulf %get3A_715, %get3A_707 : vector<16xf32>
      %add3A_718 = arith.addf %mul3A_716, %mul3A_717 : vector<16xf32>
      %mul3A_719 = arith.mulf %get3A_695, %add3A_718 : vector<16xf32>
      %add3A_720 = arith.addf %add3A_691, %mul3A_719 : vector<16xf32>
      %mul3A_721 = arith.mulf %get3A_711, %get3A_707 : vector<16xf32>
      %mul3A_722 = arith.mulf %get3A_715, %get3A_703 : vector<16xf32>
      %sub3A_723 = arith.subf %mul3A_721, %mul3A_722 : vector<16xf32>
      %mul3A_724 = arith.mulf %get3A_699, %sub3A_723 : vector<16xf32>
      %add3A_725 = arith.addf %add3A_720, %mul3A_724 : vector<16xf32>
      %get3A_726 = arith.index_cast %add3A_658 : i32 to index
      %get3A_727 = arith.constant 32 : index
      %get3A_728 = tpu.vector_load %arg9[%get3A_726, %get3A_727] {strides = array<i32>} : memref<128x128xf32, #tpu.memory_space<vmem>>, vector<1x16xf32>,
      %get3A_729 = vector.shape_cast %get3A_728 : vector<1x16xf32> to vector<16xf32>
      %get3A_730 = arith.index_cast %add3A_658 : i32 to index
      %get3A_731 = arith.constant 32 : index
      %get3A_732 = tpu.vector_load %arg10[%get3A_730, %get3A_731] {strides = array<i32>} : memref<128x128xf32, #tpu.memory_space<vmem>>, vector<1x16xf32>,
      %get3A_733 = vector.shape_cast %get3A_732 : vector<1x16xf32> to vector<16xf32>
      %get3A_734 = arith.index_cast %add3A_658 : i32 to index
      %get3A_735 = arith.constant 32 : index
      %get3A_736 = tpu.vector_load %arg11[%get3A_734, %get3A_735] {strides = array<i32>} : memref<128x128xf32, #tpu.memory_space<vmem>>, vector<1x16xf32>,
      %get3A_737 = vector.shape_cast %get3A_736 : vector<1x16xf32> to vector<16xf32>
      %get3A_738 = arith.index_cast %add3A_658 : i32 to index
      %get3A_739 = arith.constant 32 : index
      %get3A_740 = tpu.vector_load %arg12[%get3A_738, %get3A_739] {strides = array<i32>} : memref<128x128xf32, #tpu.memory_space<vmem>>, vector<1x16xf32>,
      %get3A_741 = vector.shape_cast %get3A_740 : vector<1x16xf32> to vector<16xf32>
      %get3A_742 = arith.index_cast %add3A_658 : i32 to index
      %get3A_743 = arith.constant 32 : index
      %get3A_744 = tpu.vector_load %arg13[%get3A_742, %get3A_743] {strides = array<i32>} : memref<128x128xf32, #tpu.memory_space<vmem>>, vector<1x16xf32>,
      %get3A_745 = vector.shape_cast %get3A_744 : vector<1x16xf32> to vector<16xf32>
      %get3A_746 = arith.index_cast %add3A_658 : i32 to index
      %get3A_747 = arith.constant 32 : index
      %get3A_748 = tpu.vector_load %arg14[%get3A_746, %get3A_747] {strides = array<i32>} : memref<128x128xf32, #tpu.memory_space<vmem>>, vector<1x16xf32>,
      %get3A_749 = vector.shape_cast %get3A_748 : vector<1x16xf32> to vector<16xf32>
      %mul3A_750 = arith.mulf %get3A_745, %get3A_737 : vector<16xf32>
      %mul3A_751 = arith.mulf %get3A_749, %get3A_741 : vector<16xf32>
      %add3A_752 = arith.addf %mul3A_750, %mul3A_751 : vector<16xf32>
      %mul3A_753 = arith.mulf %get3A_729, %add3A_752 : vector<16xf32>
      %add3A_754 = arith.addf %add3A_725, %mul3A_753 : vector<16xf32>
      %mul3A_755 = arith.mulf %get3A_745, %get3A_741 : vector<16xf32>
      %mul3A_756 = arith.mulf %get3A_749, %get3A_737 : vector<16xf32>
      %sub3A_757 = arith.subf %mul3A_755, %mul3A_756 : vector<16xf32>
      %mul3A_758 = arith.mulf %get3A_733, %sub3A_757 : vector<16xf32>
      %add3A_759 = arith.addf %add3A_754, %mul3A_758 : vector<16xf32>
      %get3A_760 = arith.index_cast %add3A_658 : i32 to index
      %get3A_761 = arith.constant 48 : index
      %get3A_762 = tpu.vector_load %arg9[%get3A_760, %get3A_761] {strides = array<i32>} : memref<128x128xf32, #tpu.memory_space<vmem>>, vector<1x16xf32>,
      %get3A_763 = vector.shape_cast %get3A_762 : vector<1x16xf32> to vector<16xf32>
      %get3A_764 = arith.index_cast %add3A_658 : i32 to index
      %get3A_765 = arith.constant 48 : index
      %get3A_766 = tpu.vector_load %arg10[%get3A_764, %get3A_765] {strides = array<i32>} : memref<128x128xf32, #tpu.memory_space<vmem>>, vector<1x16xf32>,
      %get3A_767 = vector.shape_cast %get3A_766 : vector<1x16xf32> to vector<16xf32>
      %get3A_768 = arith.index_cast %add3A_658 : i32 to index
      %get3A_769 = arith.constant 48 : index
      %get3A_770 = tpu.vector_load %arg11[%get3A_768, %get3A_769] {strides = array<i32>} : memref<128x128xf32, #tpu.memory_space<vmem>>, vector<1x16xf32>,
      %get3A_771 = vector.shape_cast %get3A_770 : vector<1x16xf32> to vector<16xf32>
      %get3A_772 = arith.index_cast %add3A_658 : i32 to index
      %get3A_773 = arith.constant 48 : index
      %get3A_774 = tpu.vector_load %arg12[%get3A_772, %get3A_773] {strides = array<i32>} : memref<128x128xf32, #tpu.memory_space<vmem>>, vector<1x16xf32>,
      %get3A_775 = vector.shape_cast %get3A_774 : vector<1x16xf32> to vector<16xf32>
      %get3A_776 = arith.index_cast %add3A_658 : i32 to index
      %get3A_777 = arith.constant 48 : index
      %get3A_778 = tpu.vector_load %arg13[%get3A_776, %get3A_777] {strides = array<i32>} : memref<128x128xf32, #tpu.memory_space<vmem>>, vector<1x16xf32>,
      %get3A_779 = vector.shape_cast %get3A_778 : vector<1x16xf32> to vector<16xf32>
      %get3A_780 = arith.index_cast %add3A_658 : i32 to index
      %get3A_781 = arith.constant 48 : index
      %get3A_782 = tpu.vector_load %arg14[%get3A_780, %get3A_781] {strides = array<i32>} : memref<128x128xf32, #tpu.memory_space<vmem>>, vector<1x16xf32>,
      %get3A_783 = vector.shape_cast %get3A_782 : vector<1x16xf32> to vector<16xf32>
      %mul3A_784 = arith.mulf %get3A_779, %get3A_771 : vector<16xf32>
      %mul3A_785 = arith.mulf %get3A_783, %get3A_775 : vector<16xf32>
      %add3A_786 = arith.addf %mul3A_784, %mul3A_785 : vector<16xf32>
      %mul3A_787 = arith.mulf %get3A_763, %add3A_786 : vector<16xf32>
      %add3A_788 = arith.addf %add3A_759, %mul3A_787 : vector<16xf32>
      %mul3A_789 = arith.mulf %get3A_779, %get3A_775 : vector<16xf32>
      %mul3A_790 = arith.mulf %get3A_783, %get3A_771 : vector<16xf32>
      %sub3A_791 = arith.subf %mul3A_789, %mul3A_790 : vector<16xf32>
      %mul3A_792 = arith.mulf %get3A_767, %sub3A_791 : vector<16xf32>
      %add3A_793 = arith.addf %add3A_788, %mul3A_792 : vector<16xf32>
      %get3A_794 = arith.index_cast %add3A_658 : i32 to index
      %get3A_795 = arith.constant 64 : index
      %get3A_796 = tpu.vector_load %arg9[%get3A_794, %get3A_795] {strides = array<i32>} : memref<128x128xf32, #tpu.memory_space<vmem>>, vector<1x16xf32>,
      %get3A_797 = vector.shape_cast %get3A_796 : vector<1x16xf32> to vector<16xf32>
      %get3A_798 = arith.index_cast %add3A_658 : i32 to index
      %get3A_799 = arith.constant 64 : index
      %get3A_800 = tpu.vector_load %arg10[%get3A_798, %get3A_799] {strides = array<i32>} : memref<128x128xf32, #tpu.memory_space<vmem>>, vector<1x16xf32>,
      %get3A_801 = vector.shape_cast %get3A_800 : vector<1x16xf32> to vector<16xf32>
      %get3A_802 = arith.index_cast %add3A_658 : i32 to index
      %get3A_803 = arith.constant 64 : index
      %get3A_804 = tpu.vector_load %arg11[%get3A_802, %get3A_803] {strides = array<i32>} : memref<128x128xf32, #tpu.memory_space<vmem>>, vector<1x16xf32>,
      %get3A_805 = vector.shape_cast %get3A_804 : vector<1x16xf32> to vector<16xf32>
      %get3A_806 = arith.index_cast %add3A_658 : i32 to index
      %get3A_807 = arith.constant 64 : index
      %get3A_808 = tpu.vector_load %arg12[%get3A_806, %get3A_807] {strides = array<i32>} : memref<128x128xf32, #tpu.memory_space<vmem>>, vector<1x16xf32>,
      %get3A_809 = vector.shape_cast %get3A_808 : vector<1x16xf32> to vector<16xf32>
      %get3A_810 = arith.index_cast %add3A_658 : i32 to index
      %get3A_811 = arith.constant 64 : index
      %get3A_812 = tpu.vector_load %arg13[%get3A_810, %get3A_811] {strides = array<i32>} : memref<128x128xf32, #tpu.memory_space<vmem>>, vector<1x16xf32>,
      %get3A_813 = vector.shape_cast %get3A_812 : vector<1x16xf32> to vector<16xf32>
      %get3A_814 = arith.index_cast %add3A_658 : i32 to index
      %get3A_815 = arith.constant 64 : index
      %get3A_816 = tpu.vector_load %arg14[%get3A_814, %get3A_815] {strides = array<i32>} : memref<128x128xf32, #tpu.memory_space<vmem>>, vector<1x16xf32>,
      %get3A_817 = vector.shape_cast %get3A_816 : vector<1x16xf32> to vector<16xf32>
      %mul3A_818 = arith.mulf %get3A_813, %get3A_805 : vector<16xf32>
      %mul3A_819 = arith.mulf %get3A_817, %get3A_809 : vector<16xf32>
      %add3A_820 = arith.addf %mul3A_818, %mul3A_819 : vector<16xf32>
      %mul3A_821 = arith.mulf %get3A_797, %add3A_820 : vector<16xf32>
      %add3A_822 = arith.addf %add3A_793, %mul3A_821 : vector<16xf32>
      %mul3A_823 = arith.mulf %get3A_813, %get3A_809 : vector<16xf32>
      %mul3A_824 = arith.mulf %get3A_817, %get3A_805 : vector<16xf32>
      %sub3A_825 = arith.subf %mul3A_823, %mul3A_824 : vector<16xf32>
      %mul3A_826 = arith.mulf %get3A_801, %sub3A_825 : vector<16xf32>
      %add3A_827 = arith.addf %add3A_822, %mul3A_826 : vector<16xf32>
      %get3A_828 = arith.index_cast %add3A_658 : i32 to index
      %get3A_829 = arith.constant 80 : index
      %get3A_830 = tpu.vector_load %arg9[%get3A_828, %get3A_829] {strides = array<i32>} : memref<128x128xf32, #tpu.memory_space<vmem>>, vector<1x16xf32>,
      %get3A_831 = vector.shape_cast %get3A_830 : vector<1x16xf32> to vector<16xf32>
      %get3A_832 = arith.index_cast %add3A_658 : i32 to index
      %get3A_833 = arith.constant 80 : index
      %get3A_834 = tpu.vector_load %arg10[%get3A_832, %get3A_833] {strides = array<i32>} : memref<128x128xf32, #tpu.memory_space<vmem>>, vector<1x16xf32>,
      %get3A_835 = vector.shape_cast %get3A_834 : vector<1x16xf32> to vector<16xf32>
      %get3A_836 = arith.index_cast %add3A_658 : i32 to index
      %get3A_837 = arith.constant 80 : index
      %get3A_838 = tpu.vector_load %arg11[%get3A_836, %get3A_837] {strides = array<i32>} : memref<128x128xf32, #tpu.memory_space<vmem>>, vector<1x16xf32>,
      %get3A_839 = vector.shape_cast %get3A_838 : vector<1x16xf32> to vector<16xf32>
      %get3A_840 = arith.index_cast %add3A_658 : i32 to index
      %get3A_841 = arith.constant 80 : index
      %get3A_842 = tpu.vector_load %arg12[%get3A_840, %get3A_841] {strides = array<i32>} : memref<128x128xf32, #tpu.memory_space<vmem>>, vector<1x16xf32>,
      %get3A_843 = vector.shape_cast %get3A_842 : vector<1x16xf32> to vector<16xf32>
      %get3A_844 = arith.index_cast %add3A_658 : i32 to index
      %get3A_845 = arith.constant 80 : index
      %get3A_846 = tpu.vector_load %arg13[%get3A_844, %get3A_845] {strides = array<i32>} : memref<128x128xf32, #tpu.memory_space<vmem>>, vector<1x16xf32>,
      %get3A_847 = vector.shape_cast %get3A_846 : vector<1x16xf32> to vector<16xf32>
      %get3A_848 = arith.index_cast %add3A_658 : i32 to index
      %get3A_849 = arith.constant 80 : index
      %get3A_850 = tpu.vector_load %arg14[%get3A_848, %get3A_849] {strides = array<i32>} : memref<128x128xf32, #tpu.memory_space<vmem>>, vector<1x16xf32>,
      %get3A_851 = vector.shape_cast %get3A_850 : vector<1x16xf32> to vector<16xf32>
      %mul3A_852 = arith.mulf %get3A_847, %get3A_839 : vector<16xf32>
      %mul3A_853 = arith.mulf %get3A_851, %get3A_843 : vector<16xf32>
      %add3A_854 = arith.addf %mul3A_852, %mul3A_853 : vector<16xf32>
      %mul3A_855 = arith.mulf %get3A_831, %add3A_854 : vector<16xf32>
      %add3A_856 = arith.addf %add3A_827, %mul3A_855 : vector<16xf32>
      %mul3A_857 = arith.mulf %get3A_847, %get3A_843 : vector<16xf32>
      %mul3A_858 = arith.mulf %get3A_851, %get3A_839 : vector<16xf32>
      %sub3A_859 = arith.subf %mul3A_857, %mul3A_858 : vector<16xf32>
      %mul3A_860 = arith.mulf %get3A_835, %sub3A_859 : vector<16xf32>
      %add3A_861 = arith.addf %add3A_856, %mul3A_860 : vector<16xf32>
      %get3A_862 = arith.index_cast %add3A_658 : i32 to index
      %get3A_863 = arith.constant 96 : index
      %get3A_864 = tpu.vector_load %arg9[%get3A_862, %get3A_863] {strides = array<i32>} : memref<128x128xf32, #tpu.memory_space<vmem>>, vector<1x16xf32>,
      %get3A_865 = vector.shape_cast %get3A_864 : vector<1x16xf32> to vector<16xf32>
      %get3A_866 = arith.index_cast %add3A_658 : i32 to index
      %get3A_867 = arith.constant 96 : index
      %get3A_868 = tpu.vector_load %arg10[%get3A_866, %get3A_867] {strides = array<i32>} : memref<128x128xf32, #tpu.memory_space<vmem>>, vector<1x16xf32>,
      %get3A_869 = vector.shape_cast %get3A_868 : vector<1x16xf32> to vector<16xf32>
      %get3A_870 = arith.index_cast %add3A_658 : i32 to index
      %get3A_871 = arith.constant 96 : index
      %get3A_872 = tpu.vector_load %arg11[%get3A_870, %get3A_871] {strides = array<i32>} : memref<128x128xf32, #tpu.memory_space<vmem>>, vector<1x16xf32>,
      %get3A_873 = vector.shape_cast %get3A_872 : vector<1x16xf32> to vector<16xf32>
      %get3A_874 = arith.index_cast %add3A_658 : i32 to index
      %get3A_875 = arith.constant 96 : index
      %get3A_876 = tpu.vector_load %arg12[%get3A_874, %get3A_875] {strides = array<i32>} : memref<128x128xf32, #tpu.memory_space<vmem>>, vector<1x16xf32>,
      %get3A_877 = vector.shape_cast %get3A_876 : vector<1x16xf32> to vector<16xf32>
      %get3A_878 = arith.index_cast %add3A_658 : i32 to index
      %get3A_879 = arith.constant 96 : index
      %get3A_880 = tpu.vector_load %arg13[%get3A_878, %get3A_879] {strides = array<i32>} : memref<128x128xf32, #tpu.memory_space<vmem>>, vector<1x16xf32>,
      %get3A_881 = vector.shape_cast %get3A_880 : vector<1x16xf32> to vector<16xf32>
      %get3A_882 = arith.index_cast %add3A_658 : i32 to index
      %get3A_883 = arith.constant 96 : index
      %get3A_884 = tpu.vector_load %arg14[%get3A_882, %get3A_883] {strides = array<i32>} : memref<128x128xf32, #tpu.memory_space<vmem>>, vector<1x16xf32>,
      %get3A_885 = vector.shape_cast %get3A_884 : vector<1x16xf32> to vector<16xf32>
      %mul3A_886 = arith.mulf %get3A_881, %get3A_873 : vector<16xf32>
      %mul3A_887 = arith.mulf %get3A_885, %get3A_877 : vector<16xf32>
      %add3A_888 = arith.addf %mul3A_886, %mul3A_887 : vector<16xf32>
      %mul3A_889 = arith.mulf %get3A_865, %add3A_888 : vector<16xf32>
      %add3A_890 = arith.addf %add3A_861, %mul3A_889 : vector<16xf32>
      %mul3A_891 = arith.mulf %get3A_881, %get3A_877 : vector<16xf32>
      %mul3A_892 = arith.mulf %get3A_885, %get3A_873 : vector<16xf32>
      %sub3A_893 = arith.subf %mul3A_891, %mul3A_892 : vector<16xf32>
      %mul3A_894 = arith.mulf %get3A_869, %sub3A_893 : vector<16xf32>
      %add3A_895 = arith.addf %add3A_890, %mul3A_894 : vector<16xf32>
      %get3A_896 = arith.index_cast %add3A_658 : i32 to index
      %get3A_897 = arith.constant 112 : index
      %get3A_898 = tpu.vector_load %arg9[%get3A_896, %get3A_897] {strides = array<i32>} : memref<128x128xf32, #tpu.memory_space<vmem>>, vector<1x16xf32>,
      %get3A_899 = vector.shape_cast %get3A_898 : vector<1x16xf32> to vector<16xf32>
      %get3A_900 = arith.index_cast %add3A_658 : i32 to index
      %get3A_901 = arith.constant 112 : index
      %get3A_902 = tpu.vector_load %arg10[%get3A_900, %get3A_901] {strides = array<i32>} : memref<128x128xf32, #tpu.memory_space<vmem>>, vector<1x16xf32>,
      %get3A_903 = vector.shape_cast %get3A_902 : vector<1x16xf32> to vector<16xf32>
      %get3A_904 = arith.index_cast %add3A_658 : i32 to index
      %get3A_905 = arith.constant 112 : index
      %get3A_906 = tpu.vector_load %arg11[%get3A_904, %get3A_905] {strides = array<i32>} : memref<128x128xf32, #tpu.memory_space<vmem>>, vector<1x16xf32>,
      %get3A_907 = vector.shape_cast %get3A_906 : vector<1x16xf32> to vector<16xf32>
      %get3A_908 = arith.index_cast %add3A_658 : i32 to index
      %get3A_909 = arith.constant 112 : index
      %get3A_910 = tpu.vector_load %arg12[%get3A_908, %get3A_909] {strides = array<i32>} : memref<128x128xf32, #tpu.memory_space<vmem>>, vector<1x16xf32>,
      %get3A_911 = vector.shape_cast %get3A_910 : vector<1x16xf32> to vector<16xf32>
      %get3A_912 = arith.index_cast %add3A_658 : i32 to index
      %get3A_913 = arith.constant 112 : index
      %get3A_914 = tpu.vector_load %arg13[%get3A_912, %get3A_913] {strides = array<i32>} : memref<128x128xf32, #tpu.memory_space<vmem>>, vector<1x16xf32>,
      %get3A_915 = vector.shape_cast %get3A_914 : vector<1x16xf32> to vector<16xf32>
      %get3A_916 = arith.index_cast %add3A_658 : i32 to index
      %get3A_917 = arith.constant 112 : index
      %get3A_918 = tpu.vector_load %arg14[%get3A_916, %get3A_917] {strides = array<i32>} : memref<128x128xf32, #tpu.memory_space<vmem>>, vector<1x16xf32>,
      %get3A_919 = vector.shape_cast %get3A_918 : vector<1x16xf32> to vector<16xf32>
      %mul3A_920 = arith.mulf %get3A_915, %get3A_907 : vector<16xf32>
      %mul3A_921 = arith.mulf %get3A_919, %get3A_911 : vector<16xf32>
      %add3A_922 = arith.addf %mul3A_920, %mul3A_921 : vector<16xf32>
      %mul3A_923 = arith.mulf %get3A_899, %add3A_922 : vector<16xf32>
      %add3A_924 = arith.addf %add3A_895, %mul3A_923 : vector<16xf32>
      %mul3A_925 = arith.mulf %get3A_915, %get3A_911 : vector<16xf32>
      %mul3A_926 = arith.mulf %get3A_919, %get3A_907 : vector<16xf32>
      %sub3A_927 = arith.subf %mul3A_925, %mul3A_926 : vector<16xf32>
      %mul3A_928 = arith.mulf %get3A_903, %sub3A_927 : vector<16xf32>
      %add3A_929 = arith.addf %add3A_924, %mul3A_928 : vector<16xf32>
      %swap3A = arith.index_cast %add3A_658 : i32 to index
      %swap3A_930 = arith.constant 0 : index
      %swap3A_931 = tpu.vector_load %arg15[%swap3A, %swap3A_930] {strides = array<i32>} : memref<128x16xf32, #tpu.memory_space<vmem>>, vector<1x16xf32>,
      %swap3A_932 = vector.shape_cast %swap3A_931 : vector<1x16xf32> to vector<16xf32>
      %swap3A_933 = vector.shape_cast %add3A_929 : vector<16xf32> to vector<1x16xf32>
      tpu.vector_store %arg15[%swap3A, %swap3A_930], %swap3A_933 {strides = array<i32>} : memref<128x16xf32, #tpu.memory_space<vmem>>, vector<1x16xf32>,
    }
    %scan3A_563 = arith.constant 32 : i32
    %dma_wait3A_564 = arith.constant 0 : i32
    %dma_wait3A_565 = arith.constant 18 : i32
    %dma_wait3A_566 = arith.constant 96 : i32
    %dma_wait3A_567 = arith.constant 0 : i32
    %dma_wait3A_568 = tpu.memref_slice %arg9[%dma_wait3A_566, %dma_wait3A_567] : memref<128x128xf32, #tpu.memory_space<vmem>> -> memref<32x128xf32, #tpu.memory_space<vmem>>
    %dma_wait3A_569 = arith.constant 96 : i32
    %dma_wait3A_570 = tpu.memref_slice %arg8[%dma_wait3A_564, %dma_wait3A_569] : memref<3x128xi32, #tpu.memory_space<vmem>> -> memref<1x32xi32, #tpu.memory_space<vmem>>
    %dma_wait3A_571 = tpu.memref_squeeze %dma_wait3A_570 : memref<1x32xi32, #tpu.memory_space<vmem>> -> memref<32xi32, #tpu.memory_space<vmem>>
    %dma_wait3A_572 = arith.constant 0 : i32
    %dma_wait3A_573 = arith.constant 0 : i32
    %dma_wait3A_574 = tpu.memref_slice %arg2[%dma_wait3A_572, %dma_wait3A_573] : memref<100000x128xf32, #tpu.memory_space<hbm>> -> memref<100000x128xf32, #tpu.memory_space<hbm>>
    %dma_wait3A_575 = tpu.memref_slice %arg16[%dma_wait3A_565] : memref<24x!tpu.dma_semaphore, #tpu.memory_space<semaphore_mem>> -> memref<1x!tpu.dma_semaphore, #tpu.memory_space<semaphore_mem>>
    %dma_wait3A_576 = tpu.memref_squeeze %dma_wait3A_575 : memref<1x!tpu.dma_semaphore, #tpu.memory_space<semaphore_mem>> -> memref<!tpu.dma_semaphore, #tpu.memory_space<semaphore_mem>>
    tpu.wait_indirect_dma semaphore(%dma_wait3A_576 : memref<!tpu.dma_semaphore, #tpu.memory_space<semaphore_mem>>) src(%dma_wait3A_574 : memref<100000x128xf32, #tpu.memory_space<hbm>>) dst(%dma_wait3A_568 : memref<32x128xf32, #tpu.memory_space<vmem>>)
    %dma_wait3A_577 = arith.constant 0 : i32
    %dma_wait3A_578 = arith.constant 19 : i32
    %dma_wait3A_579 = arith.constant 96 : i32
    %dma_wait3A_580 = arith.constant 0 : i32
    %dma_wait3A_581 = tpu.memref_slice %arg10[%dma_wait3A_579, %dma_wait3A_580] : memref<128x128xf32, #tpu.memory_space<vmem>> -> memref<32x128xf32, #tpu.memory_space<vmem>>
    %dma_wait3A_582 = arith.constant 96 : i32
    %dma_wait3A_583 = tpu.memref_slice %arg8[%dma_wait3A_577, %dma_wait3A_582] : memref<3x128xi32, #tpu.memory_space<vmem>> -> memref<1x32xi32, #tpu.memory_space<vmem>>
    %dma_wait3A_584 = tpu.memref_squeeze %dma_wait3A_583 : memref<1x32xi32, #tpu.memory_space<vmem>> -> memref<32xi32, #tpu.memory_space<vmem>>
    %dma_wait3A_585 = arith.constant 0 : i32
    %dma_wait3A_586 = arith.constant 0 : i32
    %dma_wait3A_587 = tpu.memref_slice %arg3[%dma_wait3A_585, %dma_wait3A_586] : memref<100000x128xf32, #tpu.memory_space<hbm>> -> memref<100000x128xf32, #tpu.memory_space<hbm>>
    %dma_wait3A_588 = tpu.memref_slice %arg16[%dma_wait3A_578] : memref<24x!tpu.dma_semaphore, #tpu.memory_space<semaphore_mem>> -> memref<1x!tpu.dma_semaphore, #tpu.memory_space<semaphore_mem>>
    %dma_wait3A_589 = tpu.memref_squeeze %dma_wait3A_588 : memref<1x!tpu.dma_semaphore, #tpu.memory_space<semaphore_mem>> -> memref<!tpu.dma_semaphore, #tpu.memory_space<semaphore_mem>>
    tpu.wait_indirect_dma semaphore(%dma_wait3A_589 : memref<!tpu.dma_semaphore, #tpu.memory_space<semaphore_mem>>) src(%dma_wait3A_587 : memref<100000x128xf32, #tpu.memory_space<hbm>>) dst(%dma_wait3A_581 : memref<32x128xf32, #tpu.memory_space<vmem>>)
    %dma_wait3A_590 = arith.constant 1 : i32
    %dma_wait3A_591 = arith.constant 20 : i32
    %dma_wait3A_592 = arith.constant 96 : i32
    %dma_wait3A_593 = arith.constant 0 : i32
    %dma_wait3A_594 = tpu.memref_slice %arg11[%dma_wait3A_592, %dma_wait3A_593] : memref<128x128xf32, #tpu.memory_space<vmem>> -> memref<32x128xf32, #tpu.memory_space<vmem>>
    %dma_wait3A_595 = arith.constant 96 : i32
    %dma_wait3A_596 = tpu.memref_slice %arg8[%dma_wait3A_590, %dma_wait3A_595] : memref<3x128xi32, #tpu.memory_space<vmem>> -> memref<1x32xi32, #tpu.memory_space<vmem>>
    %dma_wait3A_597 = tpu.memref_squeeze %dma_wait3A_596 : memref<1x32xi32, #tpu.memory_space<vmem>> -> memref<32xi32, #tpu.memory_space<vmem>>
    %dma_wait3A_598 = arith.constant 0 : i32
    %dma_wait3A_599 = arith.constant 0 : i32
    %dma_wait3A_600 = tpu.memref_slice %arg2[%dma_wait3A_598, %dma_wait3A_599] : memref<100000x128xf32, #tpu.memory_space<hbm>> -> memref<100000x128xf32, #tpu.memory_space<hbm>>
    %dma_wait3A_601 = tpu.memref_slice %arg16[%dma_wait3A_591] : memref<24x!tpu.dma_semaphore, #tpu.memory_space<semaphore_mem>> -> memref<1x!tpu.dma_semaphore, #tpu.memory_space<semaphore_mem>>
    %dma_wait3A_602 = tpu.memref_squeeze %dma_wait3A_601 : memref<1x!tpu.dma_semaphore, #tpu.memory_space<semaphore_mem>> -> memref<!tpu.dma_semaphore, #tpu.memory_space<semaphore_mem>>
    tpu.wait_indirect_dma semaphore(%dma_wait3A_602 : memref<!tpu.dma_semaphore, #tpu.memory_space<semaphore_mem>>) src(%dma_wait3A_600 : memref<100000x128xf32, #tpu.memory_space<hbm>>) dst(%dma_wait3A_594 : memref<32x128xf32, #tpu.memory_space<vmem>>)
    %dma_wait3A_603 = arith.constant 1 : i32
    %dma_wait3A_604 = arith.constant 21 : i32
    %dma_wait3A_605 = arith.constant 96 : i32
    %dma_wait3A_606 = arith.constant 0 : i32
    %dma_wait3A_607 = tpu.memref_slice %arg12[%dma_wait3A_605, %dma_wait3A_606] : memref<128x128xf32, #tpu.memory_space<vmem>> -> memref<32x128xf32, #tpu.memory_space<vmem>>
    %dma_wait3A_608 = arith.constant 96 : i32
    %dma_wait3A_609 = tpu.memref_slice %arg8[%dma_wait3A_603, %dma_wait3A_608] : memref<3x128xi32, #tpu.memory_space<vmem>> -> memref<1x32xi32, #tpu.memory_space<vmem>>
    %dma_wait3A_610 = tpu.memref_squeeze %dma_wait3A_609 : memref<1x32xi32, #tpu.memory_space<vmem>> -> memref<32xi32, #tpu.memory_space<vmem>>
    %dma_wait3A_611 = arith.constant 0 : i32
    %dma_wait3A_612 = arith.constant 0 : i32
    %dma_wait3A_613 = tpu.memref_slice %arg3[%dma_wait3A_611, %dma_wait3A_612] : memref<100000x128xf32, #tpu.memory_space<hbm>> -> memref<100000x128xf32, #tpu.memory_space<hbm>>
    %dma_wait3A_614 = tpu.memref_slice %arg16[%dma_wait3A_604] : memref<24x!tpu.dma_semaphore, #tpu.memory_space<semaphore_mem>> -> memref<1x!tpu.dma_semaphore, #tpu.memory_space<semaphore_mem>>
    %dma_wait3A_615 = tpu.memref_squeeze %dma_wait3A_614 : memref<1x!tpu.dma_semaphore, #tpu.memory_space<semaphore_mem>> -> memref<!tpu.dma_semaphore, #tpu.memory_space<semaphore_mem>>
    tpu.wait_indirect_dma semaphore(%dma_wait3A_615 : memref<!tpu.dma_semaphore, #tpu.memory_space<semaphore_mem>>) src(%dma_wait3A_613 : memref<100000x128xf32, #tpu.memory_space<hbm>>) dst(%dma_wait3A_607 : memref<32x128xf32, #tpu.memory_space<vmem>>)
    %dma_wait3A_616 = arith.constant 2 : i32
    %dma_wait3A_617 = arith.constant 22 : i32
    %dma_wait3A_618 = arith.constant 96 : i32
    %dma_wait3A_619 = arith.constant 0 : i32
    %dma_wait3A_620 = tpu.memref_slice %arg13[%dma_wait3A_618, %dma_wait3A_619] : memref<128x128xf32, #tpu.memory_space<vmem>> -> memref<32x128xf32, #tpu.memory_space<vmem>>
    %dma_wait3A_621 = arith.constant 96 : i32
    %dma_wait3A_622 = tpu.memref_slice %arg8[%dma_wait3A_616, %dma_wait3A_621] : memref<3x128xi32, #tpu.memory_space<vmem>> -> memref<1x32xi32, #tpu.memory_space<vmem>>
    %dma_wait3A_623 = tpu.memref_squeeze %dma_wait3A_622 : memref<1x32xi32, #tpu.memory_space<vmem>> -> memref<32xi32, #tpu.memory_space<vmem>>
    %dma_wait3A_624 = arith.constant 0 : i32
    %dma_wait3A_625 = arith.constant 0 : i32
    %dma_wait3A_626 = tpu.memref_slice %arg4[%dma_wait3A_624, %dma_wait3A_625] : memref<1000x128xf32, #tpu.memory_space<hbm>> -> memref<1000x128xf32, #tpu.memory_space<hbm>>
    %dma_wait3A_627 = tpu.memref_slice %arg16[%dma_wait3A_617] : memref<24x!tpu.dma_semaphore, #tpu.memory_space<semaphore_mem>> -> memref<1x!tpu.dma_semaphore, #tpu.memory_space<semaphore_mem>>
    %dma_wait3A_628 = tpu.memref_squeeze %dma_wait3A_627 : memref<1x!tpu.dma_semaphore, #tpu.memory_space<semaphore_mem>> -> memref<!tpu.dma_semaphore, #tpu.memory_space<semaphore_mem>>
    tpu.wait_indirect_dma semaphore(%dma_wait3A_628 : memref<!tpu.dma_semaphore, #tpu.memory_space<semaphore_mem>>) src(%dma_wait3A_626 : memref<1000x128xf32, #tpu.memory_space<hbm>>) dst(%dma_wait3A_620 : memref<32x128xf32, #tpu.memory_space<vmem>>)
    %dma_wait3A_629 = arith.constant 2 : i32
    %dma_wait3A_630 = arith.constant 23 : i32
    %dma_wait3A_631 = arith.constant 96 : i32
    %dma_wait3A_632 = arith.constant 0 : i32
    %dma_wait3A_633 = tpu.memref_slice %arg14[%dma_wait3A_631, %dma_wait3A_632] : memref<128x128xf32, #tpu.memory_space<vmem>> -> memref<32x128xf32, #tpu.memory_space<vmem>>
    %dma_wait3A_634 = arith.constant 96 : i32
    %dma_wait3A_635 = tpu.memref_slice %arg8[%dma_wait3A_629, %dma_wait3A_634] : memref<3x128xi32, #tpu.memory_space<vmem>> -> memref<1x32xi32, #tpu.memory_space<vmem>>
    %dma_wait3A_636 = tpu.memref_squeeze %dma_wait3A_635 : memref<1x32xi32, #tpu.memory_space<vmem>> -> memref<32xi32, #tpu.memory_space<vmem>>
    %dma_wait3A_637 = arith.constant 0 : i32
    %dma_wait3A_638 = arith.constant 0 : i32
    %dma_wait3A_639 = tpu.memref_slice %arg5[%dma_wait3A_637, %dma_wait3A_638] : memref<1000x128xf32, #tpu.memory_space<hbm>> -> memref<1000x128xf32, #tpu.memory_space<hbm>>
    %dma_wait3A_640 = tpu.memref_slice %arg16[%dma_wait3A_630] : memref<24x!tpu.dma_semaphore, #tpu.memory_space<semaphore_mem>> -> memref<1x!tpu.dma_semaphore, #tpu.memory_space<semaphore_mem>>
    %dma_wait3A_641 = tpu.memref_squeeze %dma_wait3A_640 : memref<1x!tpu.dma_semaphore, #tpu.memory_space<semaphore_mem>> -> memref<!tpu.dma_semaphore, #tpu.memory_space<semaphore_mem>>
    tpu.wait_indirect_dma semaphore(%dma_wait3A_641 : memref<!tpu.dma_semaphore, #tpu.memory_space<semaphore_mem>>) src(%dma_wait3A_639 : memref<1000x128xf32, #tpu.memory_space<hbm>>) dst(%dma_wait3A_633 : memref<32x128xf32, #tpu.memory_space<vmem>>)
    %scan3A_642 = arith.constant 0 : i32
    %scan3A_643 = arith.constant 0 : i32
    %scan3A_644 = arith.constant 32 : i32
    %scan3A_645 = arith.addi %scan3A_643, %scan3A_644 : i32
    %scan3A_646 = arith.constant 1 : i32
    scf.for %scan3A_656 = %scan3A_643 to %scan3A_645 step %scan3A_646  : i32 {
      %add3A_657 = arith.constant 96 : i32
      %add3A_658 = arith.addi %add3A_657, %scan3A_656 : i32
      %broadcast_in_dim3A = arith.constant 0.000000e+00 : f32
      %broadcast_in_dim3A_659 = vector.broadcast %broadcast_in_dim3A : f32 to vector<16xf32>
      %get3A = arith.index_cast %add3A_658 : i32 to index
      %get3A_660 = arith.constant 0 : index
      %get3A_661 = tpu.vector_load %arg9[%get3A, %get3A_660] {strides = array<i32>} : memref<128x128xf32, #tpu.memory_space<vmem>>, vector<1x16xf32>,
      %get3A_662 = vector.shape_cast %get3A_661 : vector<1x16xf32> to vector<16xf32>
      %get3A_663 = arith.index_cast %add3A_658 : i32 to index
      %get3A_664 = arith.constant 0 : index
      %get3A_665 = tpu.vector_load %arg10[%get3A_663, %get3A_664] {strides = array<i32>} : memref<128x128xf32, #tpu.memory_space<vmem>>, vector<1x16xf32>,
      %get3A_666 = vector.shape_cast %get3A_665 : vector<1x16xf32> to vector<16xf32>
      %get3A_667 = arith.index_cast %add3A_658 : i32 to index
      %get3A_668 = arith.constant 0 : index
      %get3A_669 = tpu.vector_load %arg11[%get3A_667, %get3A_668] {strides = array<i32>} : memref<128x128xf32, #tpu.memory_space<vmem>>, vector<1x16xf32>,
      %get3A_670 = vector.shape_cast %get3A_669 : vector<1x16xf32> to vector<16xf32>
      %get3A_671 = arith.index_cast %add3A_658 : i32 to index
      %get3A_672 = arith.constant 0 : index
      %get3A_673 = tpu.vector_load %arg12[%get3A_671, %get3A_672] {strides = array<i32>} : memref<128x128xf32, #tpu.memory_space<vmem>>, vector<1x16xf32>,
      %get3A_674 = vector.shape_cast %get3A_673 : vector<1x16xf32> to vector<16xf32>
      %get3A_675 = arith.index_cast %add3A_658 : i32 to index
      %get3A_676 = arith.constant 0 : index
      %get3A_677 = tpu.vector_load %arg13[%get3A_675, %get3A_676] {strides = array<i32>} : memref<128x128xf32, #tpu.memory_space<vmem>>, vector<1x16xf32>,
      %get3A_678 = vector.shape_cast %get3A_677 : vector<1x16xf32> to vector<16xf32>
      %get3A_679 = arith.index_cast %add3A_658 : i32 to index
      %get3A_680 = arith.constant 0 : index
      %get3A_681 = tpu.vector_load %arg14[%get3A_679, %get3A_680] {strides = array<i32>} : memref<128x128xf32, #tpu.memory_space<vmem>>, vector<1x16xf32>,
      %get3A_682 = vector.shape_cast %get3A_681 : vector<1x16xf32> to vector<16xf32>
      %mul3A_683 = arith.mulf %get3A_678, %get3A_670 : vector<16xf32>
      %mul3A_684 = arith.mulf %get3A_682, %get3A_674 : vector<16xf32>
      %add3A_685 = arith.addf %mul3A_683, %mul3A_684 : vector<16xf32>
      %mul3A_686 = arith.mulf %get3A_662, %add3A_685 : vector<16xf32>
      %add3A_687 = arith.addf %broadcast_in_dim3A_659, %mul3A_686 : vector<16xf32>
      %mul3A_688 = arith.mulf %get3A_678, %get3A_674 : vector<16xf32>
      %mul3A_689 = arith.mulf %get3A_682, %get3A_670 : vector<16xf32>
      %sub3A = arith.subf %mul3A_688, %mul3A_689 : vector<16xf32>
      %mul3A_690 = arith.mulf %get3A_666, %sub3A : vector<16xf32>
      %add3A_691 = arith.addf %add3A_687, %mul3A_690 : vector<16xf32>
      %get3A_692 = arith.index_cast %add3A_658 : i32 to index
      %get3A_693 = arith.constant 16 : index
      %get3A_694 = tpu.vector_load %arg9[%get3A_692, %get3A_693] {strides = array<i32>} : memref<128x128xf32, #tpu.memory_space<vmem>>, vector<1x16xf32>,
      %get3A_695 = vector.shape_cast %get3A_694 : vector<1x16xf32> to vector<16xf32>
      %get3A_696 = arith.index_cast %add3A_658 : i32 to index
      %get3A_697 = arith.constant 16 : index
      %get3A_698 = tpu.vector_load %arg10[%get3A_696, %get3A_697] {strides = array<i32>} : memref<128x128xf32, #tpu.memory_space<vmem>>, vector<1x16xf32>,
      %get3A_699 = vector.shape_cast %get3A_698 : vector<1x16xf32> to vector<16xf32>
      %get3A_700 = arith.index_cast %add3A_658 : i32 to index
      %get3A_701 = arith.constant 16 : index
      %get3A_702 = tpu.vector_load %arg11[%get3A_700, %get3A_701] {strides = array<i32>} : memref<128x128xf32, #tpu.memory_space<vmem>>, vector<1x16xf32>,
      %get3A_703 = vector.shape_cast %get3A_702 : vector<1x16xf32> to vector<16xf32>
      %get3A_704 = arith.index_cast %add3A_658 : i32 to index
      %get3A_705 = arith.constant 16 : index
      %get3A_706 = tpu.vector_load %arg12[%get3A_704, %get3A_705] {strides = array<i32>} : memref<128x128xf32, #tpu.memory_space<vmem>>, vector<1x16xf32>,
      %get3A_707 = vector.shape_cast %get3A_706 : vector<1x16xf32> to vector<16xf32>
      %get3A_708 = arith.index_cast %add3A_658 : i32 to index
      %get3A_709 = arith.constant 16 : index
      %get3A_710 = tpu.vector_load %arg13[%get3A_708, %get3A_709] {strides = array<i32>} : memref<128x128xf32, #tpu.memory_space<vmem>>, vector<1x16xf32>,
      %get3A_711 = vector.shape_cast %get3A_710 : vector<1x16xf32> to vector<16xf32>
      %get3A_712 = arith.index_cast %add3A_658 : i32 to index
      %get3A_713 = arith.constant 16 : index
      %get3A_714 = tpu.vector_load %arg14[%get3A_712, %get3A_713] {strides = array<i32>} : memref<128x128xf32, #tpu.memory_space<vmem>>, vector<1x16xf32>,
      %get3A_715 = vector.shape_cast %get3A_714 : vector<1x16xf32> to vector<16xf32>
      %mul3A_716 = arith.mulf %get3A_711, %get3A_703 : vector<16xf32>
      %mul3A_717 = arith.mulf %get3A_715, %get3A_707 : vector<16xf32>
      %add3A_718 = arith.addf %mul3A_716, %mul3A_717 : vector<16xf32>
      %mul3A_719 = arith.mulf %get3A_695, %add3A_718 : vector<16xf32>
      %add3A_720 = arith.addf %add3A_691, %mul3A_719 : vector<16xf32>
      %mul3A_721 = arith.mulf %get3A_711, %get3A_707 : vector<16xf32>
      %mul3A_722 = arith.mulf %get3A_715, %get3A_703 : vector<16xf32>
      %sub3A_723 = arith.subf %mul3A_721, %mul3A_722 : vector<16xf32>
      %mul3A_724 = arith.mulf %get3A_699, %sub3A_723 : vector<16xf32>
      %add3A_725 = arith.addf %add3A_720, %mul3A_724 : vector<16xf32>
      %get3A_726 = arith.index_cast %add3A_658 : i32 to index
      %get3A_727 = arith.constant 32 : index
      %get3A_728 = tpu.vector_load %arg9[%get3A_726, %get3A_727] {strides = array<i32>} : memref<128x128xf32, #tpu.memory_space<vmem>>, vector<1x16xf32>,
      %get3A_729 = vector.shape_cast %get3A_728 : vector<1x16xf32> to vector<16xf32>
      %get3A_730 = arith.index_cast %add3A_658 : i32 to index
      %get3A_731 = arith.constant 32 : index
      %get3A_732 = tpu.vector_load %arg10[%get3A_730, %get3A_731] {strides = array<i32>} : memref<128x128xf32, #tpu.memory_space<vmem>>, vector<1x16xf32>,
      %get3A_733 = vector.shape_cast %get3A_732 : vector<1x16xf32> to vector<16xf32>
      %get3A_734 = arith.index_cast %add3A_658 : i32 to index
      %get3A_735 = arith.constant 32 : index
      %get3A_736 = tpu.vector_load %arg11[%get3A_734, %get3A_735] {strides = array<i32>} : memref<128x128xf32, #tpu.memory_space<vmem>>, vector<1x16xf32>,
      %get3A_737 = vector.shape_cast %get3A_736 : vector<1x16xf32> to vector<16xf32>
      %get3A_738 = arith.index_cast %add3A_658 : i32 to index
      %get3A_739 = arith.constant 32 : index
      %get3A_740 = tpu.vector_load %arg12[%get3A_738, %get3A_739] {strides = array<i32>} : memref<128x128xf32, #tpu.memory_space<vmem>>, vector<1x16xf32>,
      %get3A_741 = vector.shape_cast %get3A_740 : vector<1x16xf32> to vector<16xf32>
      %get3A_742 = arith.index_cast %add3A_658 : i32 to index
      %get3A_743 = arith.constant 32 : index
      %get3A_744 = tpu.vector_load %arg13[%get3A_742, %get3A_743] {strides = array<i32>} : memref<128x128xf32, #tpu.memory_space<vmem>>, vector<1x16xf32>,
      %get3A_745 = vector.shape_cast %get3A_744 : vector<1x16xf32> to vector<16xf32>
      %get3A_746 = arith.index_cast %add3A_658 : i32 to index
      %get3A_747 = arith.constant 32 : index
      %get3A_748 = tpu.vector_load %arg14[%get3A_746, %get3A_747] {strides = array<i32>} : memref<128x128xf32, #tpu.memory_space<vmem>>, vector<1x16xf32>,
      %get3A_749 = vector.shape_cast %get3A_748 : vector<1x16xf32> to vector<16xf32>
      %mul3A_750 = arith.mulf %get3A_745, %get3A_737 : vector<16xf32>
      %mul3A_751 = arith.mulf %get3A_749, %get3A_741 : vector<16xf32>
      %add3A_752 = arith.addf %mul3A_750, %mul3A_751 : vector<16xf32>
      %mul3A_753 = arith.mulf %get3A_729, %add3A_752 : vector<16xf32>
      %add3A_754 = arith.addf %add3A_725, %mul3A_753 : vector<16xf32>
      %mul3A_755 = arith.mulf %get3A_745, %get3A_741 : vector<16xf32>
      %mul3A_756 = arith.mulf %get3A_749, %get3A_737 : vector<16xf32>
      %sub3A_757 = arith.subf %mul3A_755, %mul3A_756 : vector<16xf32>
      %mul3A_758 = arith.mulf %get3A_733, %sub3A_757 : vector<16xf32>
      %add3A_759 = arith.addf %add3A_754, %mul3A_758 : vector<16xf32>
      %get3A_760 = arith.index_cast %add3A_658 : i32 to index
      %get3A_761 = arith.constant 48 : index
      %get3A_762 = tpu.vector_load %arg9[%get3A_760, %get3A_761] {strides = array<i32>} : memref<128x128xf32, #tpu.memory_space<vmem>>, vector<1x16xf32>,
      %get3A_763 = vector.shape_cast %get3A_762 : vector<1x16xf32> to vector<16xf32>
      %get3A_764 = arith.index_cast %add3A_658 : i32 to index
      %get3A_765 = arith.constant 48 : index
      %get3A_766 = tpu.vector_load %arg10[%get3A_764, %get3A_765] {strides = array<i32>} : memref<128x128xf32, #tpu.memory_space<vmem>>, vector<1x16xf32>,
      %get3A_767 = vector.shape_cast %get3A_766 : vector<1x16xf32> to vector<16xf32>
      %get3A_768 = arith.index_cast %add3A_658 : i32 to index
      %get3A_769 = arith.constant 48 : index
      %get3A_770 = tpu.vector_load %arg11[%get3A_768, %get3A_769] {strides = array<i32>} : memref<128x128xf32, #tpu.memory_space<vmem>>, vector<1x16xf32>,
      %get3A_771 = vector.shape_cast %get3A_770 : vector<1x16xf32> to vector<16xf32>
      %get3A_772 = arith.index_cast %add3A_658 : i32 to index
      %get3A_773 = arith.constant 48 : index
      %get3A_774 = tpu.vector_load %arg12[%get3A_772, %get3A_773] {strides = array<i32>} : memref<128x128xf32, #tpu.memory_space<vmem>>, vector<1x16xf32>,
      %get3A_775 = vector.shape_cast %get3A_774 : vector<1x16xf32> to vector<16xf32>
      %get3A_776 = arith.index_cast %add3A_658 : i32 to index
      %get3A_777 = arith.constant 48 : index
      %get3A_778 = tpu.vector_load %arg13[%get3A_776, %get3A_777] {strides = array<i32>} : memref<128x128xf32, #tpu.memory_space<vmem>>, vector<1x16xf32>,
      %get3A_779 = vector.shape_cast %get3A_778 : vector<1x16xf32> to vector<16xf32>
      %get3A_780 = arith.index_cast %add3A_658 : i32 to index
      %get3A_781 = arith.constant 48 : index
      %get3A_782 = tpu.vector_load %arg14[%get3A_780, %get3A_781] {strides = array<i32>} : memref<128x128xf32, #tpu.memory_space<vmem>>, vector<1x16xf32>,
      %get3A_783 = vector.shape_cast %get3A_782 : vector<1x16xf32> to vector<16xf32>
      %mul3A_784 = arith.mulf %get3A_779, %get3A_771 : vector<16xf32>
      %mul3A_785 = arith.mulf %get3A_783, %get3A_775 : vector<16xf32>
      %add3A_786 = arith.addf %mul3A_784, %mul3A_785 : vector<16xf32>
      %mul3A_787 = arith.mulf %get3A_763, %add3A_786 : vector<16xf32>
      %add3A_788 = arith.addf %add3A_759, %mul3A_787 : vector<16xf32>
      %mul3A_789 = arith.mulf %get3A_779, %get3A_775 : vector<16xf32>
      %mul3A_790 = arith.mulf %get3A_783, %get3A_771 : vector<16xf32>
      %sub3A_791 = arith.subf %mul3A_789, %mul3A_790 : vector<16xf32>
      %mul3A_792 = arith.mulf %get3A_767, %sub3A_791 : vector<16xf32>
      %add3A_793 = arith.addf %add3A_788, %mul3A_792 : vector<16xf32>
      %get3A_794 = arith.index_cast %add3A_658 : i32 to index
      %get3A_795 = arith.constant 64 : index
      %get3A_796 = tpu.vector_load %arg9[%get3A_794, %get3A_795] {strides = array<i32>} : memref<128x128xf32, #tpu.memory_space<vmem>>, vector<1x16xf32>,
      %get3A_797 = vector.shape_cast %get3A_796 : vector<1x16xf32> to vector<16xf32>
      %get3A_798 = arith.index_cast %add3A_658 : i32 to index
      %get3A_799 = arith.constant 64 : index
      %get3A_800 = tpu.vector_load %arg10[%get3A_798, %get3A_799] {strides = array<i32>} : memref<128x128xf32, #tpu.memory_space<vmem>>, vector<1x16xf32>,
      %get3A_801 = vector.shape_cast %get3A_800 : vector<1x16xf32> to vector<16xf32>
      %get3A_802 = arith.index_cast %add3A_658 : i32 to index
      %get3A_803 = arith.constant 64 : index
      %get3A_804 = tpu.vector_load %arg11[%get3A_802, %get3A_803] {strides = array<i32>} : memref<128x128xf32, #tpu.memory_space<vmem>>, vector<1x16xf32>,
      %get3A_805 = vector.shape_cast %get3A_804 : vector<1x16xf32> to vector<16xf32>
      %get3A_806 = arith.index_cast %add3A_658 : i32 to index
      %get3A_807 = arith.constant 64 : index
      %get3A_808 = tpu.vector_load %arg12[%get3A_806, %get3A_807] {strides = array<i32>} : memref<128x128xf32, #tpu.memory_space<vmem>>, vector<1x16xf32>,
      %get3A_809 = vector.shape_cast %get3A_808 : vector<1x16xf32> to vector<16xf32>
      %get3A_810 = arith.index_cast %add3A_658 : i32 to index
      %get3A_811 = arith.constant 64 : index
      %get3A_812 = tpu.vector_load %arg13[%get3A_810, %get3A_811] {strides = array<i32>} : memref<128x128xf32, #tpu.memory_space<vmem>>, vector<1x16xf32>,
      %get3A_813 = vector.shape_cast %get3A_812 : vector<1x16xf32> to vector<16xf32>
      %get3A_814 = arith.index_cast %add3A_658 : i32 to index
      %get3A_815 = arith.constant 64 : index
      %get3A_816 = tpu.vector_load %arg14[%get3A_814, %get3A_815] {strides = array<i32>} : memref<128x128xf32, #tpu.memory_space<vmem>>, vector<1x16xf32>,
      %get3A_817 = vector.shape_cast %get3A_816 : vector<1x16xf32> to vector<16xf32>
      %mul3A_818 = arith.mulf %get3A_813, %get3A_805 : vector<16xf32>
      %mul3A_819 = arith.mulf %get3A_817, %get3A_809 : vector<16xf32>
      %add3A_820 = arith.addf %mul3A_818, %mul3A_819 : vector<16xf32>
      %mul3A_821 = arith.mulf %get3A_797, %add3A_820 : vector<16xf32>
      %add3A_822 = arith.addf %add3A_793, %mul3A_821 : vector<16xf32>
      %mul3A_823 = arith.mulf %get3A_813, %get3A_809 : vector<16xf32>
      %mul3A_824 = arith.mulf %get3A_817, %get3A_805 : vector<16xf32>
      %sub3A_825 = arith.subf %mul3A_823, %mul3A_824 : vector<16xf32>
      %mul3A_826 = arith.mulf %get3A_801, %sub3A_825 : vector<16xf32>
      %add3A_827 = arith.addf %add3A_822, %mul3A_826 : vector<16xf32>
      %get3A_828 = arith.index_cast %add3A_658 : i32 to index
      %get3A_829 = arith.constant 80 : index
      %get3A_830 = tpu.vector_load %arg9[%get3A_828, %get3A_829] {strides = array<i32>} : memref<128x128xf32, #tpu.memory_space<vmem>>, vector<1x16xf32>,
      %get3A_831 = vector.shape_cast %get3A_830 : vector<1x16xf32> to vector<16xf32>
      %get3A_832 = arith.index_cast %add3A_658 : i32 to index
      %get3A_833 = arith.constant 80 : index
      %get3A_834 = tpu.vector_load %arg10[%get3A_832, %get3A_833] {strides = array<i32>} : memref<128x128xf32, #tpu.memory_space<vmem>>, vector<1x16xf32>,
      %get3A_835 = vector.shape_cast %get3A_834 : vector<1x16xf32> to vector<16xf32>
      %get3A_836 = arith.index_cast %add3A_658 : i32 to index
      %get3A_837 = arith.constant 80 : index
      %get3A_838 = tpu.vector_load %arg11[%get3A_836, %get3A_837] {strides = array<i32>} : memref<128x128xf32, #tpu.memory_space<vmem>>, vector<1x16xf32>,
      %get3A_839 = vector.shape_cast %get3A_838 : vector<1x16xf32> to vector<16xf32>
      %get3A_840 = arith.index_cast %add3A_658 : i32 to index
      %get3A_841 = arith.constant 80 : index
      %get3A_842 = tpu.vector_load %arg12[%get3A_840, %get3A_841] {strides = array<i32>} : memref<128x128xf32, #tpu.memory_space<vmem>>, vector<1x16xf32>,
      %get3A_843 = vector.shape_cast %get3A_842 : vector<1x16xf32> to vector<16xf32>
      %get3A_844 = arith.index_cast %add3A_658 : i32 to index
      %get3A_845 = arith.constant 80 : index
      %get3A_846 = tpu.vector_load %arg13[%get3A_844, %get3A_845] {strides = array<i32>} : memref<128x128xf32, #tpu.memory_space<vmem>>, vector<1x16xf32>,
      %get3A_847 = vector.shape_cast %get3A_846 : vector<1x16xf32> to vector<16xf32>
      %get3A_848 = arith.index_cast %add3A_658 : i32 to index
      %get3A_849 = arith.constant 80 : index
      %get3A_850 = tpu.vector_load %arg14[%get3A_848, %get3A_849] {strides = array<i32>} : memref<128x128xf32, #tpu.memory_space<vmem>>, vector<1x16xf32>,
      %get3A_851 = vector.shape_cast %get3A_850 : vector<1x16xf32> to vector<16xf32>
      %mul3A_852 = arith.mulf %get3A_847, %get3A_839 : vector<16xf32>
      %mul3A_853 = arith.mulf %get3A_851, %get3A_843 : vector<16xf32>
      %add3A_854 = arith.addf %mul3A_852, %mul3A_853 : vector<16xf32>
      %mul3A_855 = arith.mulf %get3A_831, %add3A_854 : vector<16xf32>
      %add3A_856 = arith.addf %add3A_827, %mul3A_855 : vector<16xf32>
      %mul3A_857 = arith.mulf %get3A_847, %get3A_843 : vector<16xf32>
      %mul3A_858 = arith.mulf %get3A_851, %get3A_839 : vector<16xf32>
      %sub3A_859 = arith.subf %mul3A_857, %mul3A_858 : vector<16xf32>
      %mul3A_860 = arith.mulf %get3A_835, %sub3A_859 : vector<16xf32>
      %add3A_861 = arith.addf %add3A_856, %mul3A_860 : vector<16xf32>
      %get3A_862 = arith.index_cast %add3A_658 : i32 to index
      %get3A_863 = arith.constant 96 : index
      %get3A_864 = tpu.vector_load %arg9[%get3A_862, %get3A_863] {strides = array<i32>} : memref<128x128xf32, #tpu.memory_space<vmem>>, vector<1x16xf32>,
      %get3A_865 = vector.shape_cast %get3A_864 : vector<1x16xf32> to vector<16xf32>
      %get3A_866 = arith.index_cast %add3A_658 : i32 to index
      %get3A_867 = arith.constant 96 : index
      %get3A_868 = tpu.vector_load %arg10[%get3A_866, %get3A_867] {strides = array<i32>} : memref<128x128xf32, #tpu.memory_space<vmem>>, vector<1x16xf32>,
      %get3A_869 = vector.shape_cast %get3A_868 : vector<1x16xf32> to vector<16xf32>
      %get3A_870 = arith.index_cast %add3A_658 : i32 to index
      %get3A_871 = arith.constant 96 : index
      %get3A_872 = tpu.vector_load %arg11[%get3A_870, %get3A_871] {strides = array<i32>} : memref<128x128xf32, #tpu.memory_space<vmem>>, vector<1x16xf32>,
      %get3A_873 = vector.shape_cast %get3A_872 : vector<1x16xf32> to vector<16xf32>
      %get3A_874 = arith.index_cast %add3A_658 : i32 to index
      %get3A_875 = arith.constant 96 : index
      %get3A_876 = tpu.vector_load %arg12[%get3A_874, %get3A_875] {strides = array<i32>} : memref<128x128xf32, #tpu.memory_space<vmem>>, vector<1x16xf32>,
      %get3A_877 = vector.shape_cast %get3A_876 : vector<1x16xf32> to vector<16xf32>
      %get3A_878 = arith.index_cast %add3A_658 : i32 to index
      %get3A_879 = arith.constant 96 : index
      %get3A_880 = tpu.vector_load %arg13[%get3A_878, %get3A_879] {strides = array<i32>} : memref<128x128xf32, #tpu.memory_space<vmem>>, vector<1x16xf32>,
      %get3A_881 = vector.shape_cast %get3A_880 : vector<1x16xf32> to vector<16xf32>
      %get3A_882 = arith.index_cast %add3A_658 : i32 to index
      %get3A_883 = arith.constant 96 : index
      %get3A_884 = tpu.vector_load %arg14[%get3A_882, %get3A_883] {strides = array<i32>} : memref<128x128xf32, #tpu.memory_space<vmem>>, vector<1x16xf32>,
      %get3A_885 = vector.shape_cast %get3A_884 : vector<1x16xf32> to vector<16xf32>
      %mul3A_886 = arith.mulf %get3A_881, %get3A_873 : vector<16xf32>
      %mul3A_887 = arith.mulf %get3A_885, %get3A_877 : vector<16xf32>
      %add3A_888 = arith.addf %mul3A_886, %mul3A_887 : vector<16xf32>
      %mul3A_889 = arith.mulf %get3A_865, %add3A_888 : vector<16xf32>
      %add3A_890 = arith.addf %add3A_861, %mul3A_889 : vector<16xf32>
      %mul3A_891 = arith.mulf %get3A_881, %get3A_877 : vector<16xf32>
      %mul3A_892 = arith.mulf %get3A_885, %get3A_873 : vector<16xf32>
      %sub3A_893 = arith.subf %mul3A_891, %mul3A_892 : vector<16xf32>
      %mul3A_894 = arith.mulf %get3A_869, %sub3A_893 : vector<16xf32>
      %add3A_895 = arith.addf %add3A_890, %mul3A_894 : vector<16xf32>
      %get3A_896 = arith.index_cast %add3A_658 : i32 to index
      %get3A_897 = arith.constant 112 : index
      %get3A_898 = tpu.vector_load %arg9[%get3A_896, %get3A_897] {strides = array<i32>} : memref<128x128xf32, #tpu.memory_space<vmem>>, vector<1x16xf32>,
      %get3A_899 = vector.shape_cast %get3A_898 : vector<1x16xf32> to vector<16xf32>
      %get3A_900 = arith.index_cast %add3A_658 : i32 to index
      %get3A_901 = arith.constant 112 : index
      %get3A_902 = tpu.vector_load %arg10[%get3A_900, %get3A_901] {strides = array<i32>} : memref<128x128xf32, #tpu.memory_space<vmem>>, vector<1x16xf32>,
      %get3A_903 = vector.shape_cast %get3A_902 : vector<1x16xf32> to vector<16xf32>
      %get3A_904 = arith.index_cast %add3A_658 : i32 to index
      %get3A_905 = arith.constant 112 : index
      %get3A_906 = tpu.vector_load %arg11[%get3A_904, %get3A_905] {strides = array<i32>} : memref<128x128xf32, #tpu.memory_space<vmem>>, vector<1x16xf32>,
      %get3A_907 = vector.shape_cast %get3A_906 : vector<1x16xf32> to vector<16xf32>
      %get3A_908 = arith.index_cast %add3A_658 : i32 to index
      %get3A_909 = arith.constant 112 : index
      %get3A_910 = tpu.vector_load %arg12[%get3A_908, %get3A_909] {strides = array<i32>} : memref<128x128xf32, #tpu.memory_space<vmem>>, vector<1x16xf32>,
      %get3A_911 = vector.shape_cast %get3A_910 : vector<1x16xf32> to vector<16xf32>
      %get3A_912 = arith.index_cast %add3A_658 : i32 to index
      %get3A_913 = arith.constant 112 : index
      %get3A_914 = tpu.vector_load %arg13[%get3A_912, %get3A_913] {strides = array<i32>} : memref<128x128xf32, #tpu.memory_space<vmem>>, vector<1x16xf32>,
      %get3A_915 = vector.shape_cast %get3A_914 : vector<1x16xf32> to vector<16xf32>
      %get3A_916 = arith.index_cast %add3A_658 : i32 to index
      %get3A_917 = arith.constant 112 : index
      %get3A_918 = tpu.vector_load %arg14[%get3A_916, %get3A_917] {strides = array<i32>} : memref<128x128xf32, #tpu.memory_space<vmem>>, vector<1x16xf32>,
      %get3A_919 = vector.shape_cast %get3A_918 : vector<1x16xf32> to vector<16xf32>
      %mul3A_920 = arith.mulf %get3A_915, %get3A_907 : vector<16xf32>
      %mul3A_921 = arith.mulf %get3A_919, %get3A_911 : vector<16xf32>
      %add3A_922 = arith.addf %mul3A_920, %mul3A_921 : vector<16xf32>
      %mul3A_923 = arith.mulf %get3A_899, %add3A_922 : vector<16xf32>
      %add3A_924 = arith.addf %add3A_895, %mul3A_923 : vector<16xf32>
      %mul3A_925 = arith.mulf %get3A_915, %get3A_911 : vector<16xf32>
      %mul3A_926 = arith.mulf %get3A_919, %get3A_907 : vector<16xf32>
      %sub3A_927 = arith.subf %mul3A_925, %mul3A_926 : vector<16xf32>
      %mul3A_928 = arith.mulf %get3A_903, %sub3A_927 : vector<16xf32>
      %add3A_929 = arith.addf %add3A_924, %mul3A_928 : vector<16xf32>
      %swap3A = arith.index_cast %add3A_658 : i32 to index
      %swap3A_930 = arith.constant 0 : index
      %swap3A_931 = tpu.vector_load %arg15[%swap3A, %swap3A_930] {strides = array<i32>} : memref<128x16xf32, #tpu.memory_space<vmem>>, vector<1x16xf32>,
      %swap3A_932 = vector.shape_cast %swap3A_931 : vector<1x16xf32> to vector<16xf32>
      %swap3A_933 = vector.shape_cast %add3A_929 : vector<16xf32> to vector<1x16xf32>
      tpu.vector_store %arg15[%swap3A, %swap3A_930], %swap3A_933 {strides = array<i32>} : memref<128x16xf32, #tpu.memory_space<vmem>>, vector<1x16xf32>,
    }
    %scan3A_647 = arith.constant 32 : i32
    %dma_start3A_648 = arith.constant 0 : i32
    %dma_start3A_649 = tpu.memref_slice %arg7[%mul3A_2, %dma_start3A_648] : memref<4096x16xf32, #tpu.memory_space<hbm>> -> memref<128x16xf32, #tpu.memory_space<hbm>>
    %dma_start3A_650 = arith.constant 0 : i32
    %dma_start3A_651 = tpu.memref_slice %arg7[%mul3A_2, %dma_start3A_650] : memref<4096x16xf32, #tpu.memory_space<hbm>> -> memref<128x16xf32, #tpu.memory_space<hbm>>
    tpu.enqueue_dma source(%arg15 : memref<128x16xf32, #tpu.memory_space<vmem>>) target(%dma_start3A_651 : memref<128x16xf32, #tpu.memory_space<hbm>>) target_semaphore(%arg17 : memref<!tpu.dma_semaphore, #tpu.memory_space<semaphore_mem>>)
    %dma_wait3A_652 = arith.constant 0 : i32
    %dma_wait3A_653 = tpu.memref_slice %arg7[%mul3A_2, %dma_wait3A_652] : memref<4096x16xf32, #tpu.memory_space<hbm>> -> memref<128x16xf32, #tpu.memory_space<hbm>>
    %dma_wait3A_654 = arith.constant 0 : i32
    %dma_wait3A_655 = tpu.memref_slice %arg7[%mul3A_2, %dma_wait3A_654] : memref<4096x16xf32, #tpu.memory_space<hbm>> -> memref<128x16xf32, #tpu.memory_space<hbm>>
    tpu.wait_dma2 semaphore(%arg17 : memref<!tpu.dma_semaphore, #tpu.memory_space<semaphore_mem>>) src(%arg15 : memref<128x16xf32, #tpu.memory_space<vmem>>) dst(%dma_wait3A_655 : memref<128x16xf32, #tpu.memory_space<hbm>>)
    return
  }
}

#map = affine_map<(d0, d1) -> (0, 0)>
#map1 = affine_map<(d0, d1) -> (0)>
module attributes {stable_mosaic.version = 14 : i64} {
  func.func @k(%arg0: i32, %arg1: i32, %arg2: memref<100000x128xf32, #tpu.memory_space<hbm>>, %arg3: memref<100000x128xf32, #tpu.memory_space<hbm>>, %arg4: memref<100000x128xf32, #tpu.memory_space<hbm>>, %arg5: memref<100000x128xf32, #tpu.memory_space<hbm>>, %arg6: memref<100000x128xf32, #tpu.memory_space<hbm>>, %arg7: memref<100000x128xf32, #tpu.memory_space<hbm>>, %arg8: memref<4096xi32, #tpu.memory_space<hbm>>, %arg9: memref<4096xi32, #tpu.memory_space<hbm>>, %arg10: memref<4096xi32, #tpu.memory_space<hbm>>, %arg11: memref<4096x128xf32, #tpu.memory_space<hbm>>, %arg12: memref<4096x128xf32, #tpu.memory_space<hbm>>, %arg13: memref<4096x128xf32, #tpu.memory_space<hbm>>, %arg14: memref<4096x128xf32, #tpu.memory_space<hbm>>, %arg15: memref<4096x128xf32, #tpu.memory_space<hbm>>, %arg16: memref<4096x128xf32, #tpu.memory_space<hbm>>, %arg17: memref<3x128xi32, #tpu.memory_space<vmem>>, %arg18: memref<6x128x128xf32, #tpu.memory_space<vmem>>, %arg19: memref<3x!tpu.dma_semaphore, #tpu.memory_space<semaphore_mem>>, %arg20: memref<6x!tpu.dma_semaphore, #tpu.memory_space<semaphore_mem>>, %arg21: memref<6x!tpu.dma_semaphore, #tpu.memory_space<semaphore_mem>>) attributes {dimension_semantics = [#tpu.dimension_semantics<core_parallel>, #tpu.dimension_semantics<subcore_parallel>], iteration_bounds = array<i64: 2, 16>, scalar_prefetch = 0 : i64, scratch_operands = 5 : i64, tpu.core_type = #tpu.core_type<sc_vector_subcore>, window_params = [{transform_indices = #map}, {transform_indices = #map}, {transform_indices = #map}, {transform_indices = #map}, {transform_indices = #map}, {transform_indices = #map}, {transform_indices = #map1}, {transform_indices = #map1}, {transform_indices = #map1}, {transform_indices = #map}, {transform_indices = #map}, {transform_indices = #map}, {transform_indices = #map}, {transform_indices = #map}, {transform_indices = #map}]} {
    %mul3A = arith.constant 2 : i32
    %mul3A_0 = arith.muli %arg1, %mul3A : i32
    %add3A = arith.addi %mul3A_0, %arg0 : i32
    %mul3A_1 = arith.constant 128 : i32
    %mul3A_2 = arith.muli %add3A, %mul3A_1 : i32
    %dma_start3A = arith.constant 0 : i32
    %dma_start3A_3 = arith.constant 0 : i32
    %dma_start3A_4 = arith.constant 0 : i32
    %dma_start3A_5 = tpu.memref_slice %arg17[%dma_start3A, %dma_start3A_4] : memref<3x128xi32, #tpu.memory_space<vmem>> -> memref<1x128xi32, #tpu.memory_space<vmem>>
    %dma_start3A_6 = tpu.memref_squeeze %dma_start3A_5 : memref<1x128xi32, #tpu.memory_space<vmem>> -> memref<128xi32, #tpu.memory_space<vmem>>
    %dma_start3A_7 = tpu.memref_slice %arg8[%mul3A_2] : memref<4096xi32, #tpu.memory_space<hbm>> -> memref<128xi32, #tpu.memory_space<hbm>>
    %dma_start3A_8 = tpu.memref_slice %arg19[%dma_start3A_3] : memref<3x!tpu.dma_semaphore, #tpu.memory_space<semaphore_mem>> -> memref<1x!tpu.dma_semaphore, #tpu.memory_space<semaphore_mem>>
    %dma_start3A_9 = tpu.memref_squeeze %dma_start3A_8 : memref<1x!tpu.dma_semaphore, #tpu.memory_space<semaphore_mem>> -> memref<!tpu.dma_semaphore, #tpu.memory_space<semaphore_mem>>
    %dma_start3A_10 = arith.constant 0 : i32
    %dma_start3A_11 = tpu.memref_slice %arg17[%dma_start3A, %dma_start3A_10] : memref<3x128xi32, #tpu.memory_space<vmem>> -> memref<1x128xi32, #tpu.memory_space<vmem>>
    %dma_start3A_12 = tpu.memref_squeeze %dma_start3A_11 : memref<1x128xi32, #tpu.memory_space<vmem>> -> memref<128xi32, #tpu.memory_space<vmem>>
    %dma_start3A_13 = tpu.memref_slice %arg8[%mul3A_2] : memref<4096xi32, #tpu.memory_space<hbm>> -> memref<128xi32, #tpu.memory_space<hbm>>
    tpu.enqueue_dma source(%dma_start3A_13 : memref<128xi32, #tpu.memory_space<hbm>>) target(%dma_start3A_12 : memref<128xi32, #tpu.memory_space<vmem>>) target_semaphore(%dma_start3A_9 : memref<!tpu.dma_semaphore, #tpu.memory_space<semaphore_mem>>)
    %dma_start3A_14 = arith.constant 1 : i32
    %dma_start3A_15 = arith.constant 1 : i32
    %dma_start3A_16 = arith.constant 0 : i32
    %dma_start3A_17 = tpu.memref_slice %arg17[%dma_start3A_14, %dma_start3A_16] : memref<3x128xi32, #tpu.memory_space<vmem>> -> memref<1x128xi32, #tpu.memory_space<vmem>>
    %dma_start3A_18 = tpu.memref_squeeze %dma_start3A_17 : memref<1x128xi32, #tpu.memory_space<vmem>> -> memref<128xi32, #tpu.memory_space<vmem>>
    %dma_start3A_19 = tpu.memref_slice %arg9[%mul3A_2] : memref<4096xi32, #tpu.memory_space<hbm>> -> memref<128xi32, #tpu.memory_space<hbm>>
    %dma_start3A_20 = tpu.memref_slice %arg19[%dma_start3A_15] : memref<3x!tpu.dma_semaphore, #tpu.memory_space<semaphore_mem>> -> memref<1x!tpu.dma_semaphore, #tpu.memory_space<semaphore_mem>>
    %dma_start3A_21 = tpu.memref_squeeze %dma_start3A_20 : memref<1x!tpu.dma_semaphore, #tpu.memory_space<semaphore_mem>> -> memref<!tpu.dma_semaphore, #tpu.memory_space<semaphore_mem>>
    %dma_start3A_22 = arith.constant 0 : i32
    %dma_start3A_23 = tpu.memref_slice %arg17[%dma_start3A_14, %dma_start3A_22] : memref<3x128xi32, #tpu.memory_space<vmem>> -> memref<1x128xi32, #tpu.memory_space<vmem>>
    %dma_start3A_24 = tpu.memref_squeeze %dma_start3A_23 : memref<1x128xi32, #tpu.memory_space<vmem>> -> memref<128xi32, #tpu.memory_space<vmem>>
    %dma_start3A_25 = tpu.memref_slice %arg9[%mul3A_2] : memref<4096xi32, #tpu.memory_space<hbm>> -> memref<128xi32, #tpu.memory_space<hbm>>
    tpu.enqueue_dma source(%dma_start3A_25 : memref<128xi32, #tpu.memory_space<hbm>>) target(%dma_start3A_24 : memref<128xi32, #tpu.memory_space<vmem>>) target_semaphore(%dma_start3A_21 : memref<!tpu.dma_semaphore, #tpu.memory_space<semaphore_mem>>)
    %dma_start3A_26 = arith.constant 2 : i32
    %dma_start3A_27 = arith.constant 2 : i32
    %dma_start3A_28 = arith.constant 0 : i32
    %dma_start3A_29 = tpu.memref_slice %arg17[%dma_start3A_26, %dma_start3A_28] : memref<3x128xi32, #tpu.memory_space<vmem>> -> memref<1x128xi32, #tpu.memory_space<vmem>>
    %dma_start3A_30 = tpu.memref_squeeze %dma_start3A_29 : memref<1x128xi32, #tpu.memory_space<vmem>> -> memref<128xi32, #tpu.memory_space<vmem>>
    %dma_start3A_31 = tpu.memref_slice %arg10[%mul3A_2] : memref<4096xi32, #tpu.memory_space<hbm>> -> memref<128xi32, #tpu.memory_space<hbm>>
    %dma_start3A_32 = tpu.memref_slice %arg19[%dma_start3A_27] : memref<3x!tpu.dma_semaphore, #tpu.memory_space<semaphore_mem>> -> memref<1x!tpu.dma_semaphore, #tpu.memory_space<semaphore_mem>>
    %dma_start3A_33 = tpu.memref_squeeze %dma_start3A_32 : memref<1x!tpu.dma_semaphore, #tpu.memory_space<semaphore_mem>> -> memref<!tpu.dma_semaphore, #tpu.memory_space<semaphore_mem>>
    %dma_start3A_34 = arith.constant 0 : i32
    %dma_start3A_35 = tpu.memref_slice %arg17[%dma_start3A_26, %dma_start3A_34] : memref<3x128xi32, #tpu.memory_space<vmem>> -> memref<1x128xi32, #tpu.memory_space<vmem>>
    %dma_start3A_36 = tpu.memref_squeeze %dma_start3A_35 : memref<1x128xi32, #tpu.memory_space<vmem>> -> memref<128xi32, #tpu.memory_space<vmem>>
    %dma_start3A_37 = tpu.memref_slice %arg10[%mul3A_2] : memref<4096xi32, #tpu.memory_space<hbm>> -> memref<128xi32, #tpu.memory_space<hbm>>
    tpu.enqueue_dma source(%dma_start3A_37 : memref<128xi32, #tpu.memory_space<hbm>>) target(%dma_start3A_36 : memref<128xi32, #tpu.memory_space<vmem>>) target_semaphore(%dma_start3A_33 : memref<!tpu.dma_semaphore, #tpu.memory_space<semaphore_mem>>)
    %dma_wait3A = arith.constant 0 : i32
    %dma_wait3A_38 = arith.constant 0 : i32
    %dma_wait3A_39 = arith.constant 0 : i32
    %dma_wait3A_40 = tpu.memref_slice %arg17[%dma_wait3A, %dma_wait3A_39] : memref<3x128xi32, #tpu.memory_space<vmem>> -> memref<1x128xi32, #tpu.memory_space<vmem>>
    %dma_wait3A_41 = tpu.memref_squeeze %dma_wait3A_40 : memref<1x128xi32, #tpu.memory_space<vmem>> -> memref<128xi32, #tpu.memory_space<vmem>>
    %dma_wait3A_42 = tpu.memref_slice %arg8[%mul3A_2] : memref<4096xi32, #tpu.memory_space<hbm>> -> memref<128xi32, #tpu.memory_space<hbm>>
    %dma_wait3A_43 = tpu.memref_slice %arg19[%dma_wait3A_38] : memref<3x!tpu.dma_semaphore, #tpu.memory_space<semaphore_mem>> -> memref<1x!tpu.dma_semaphore, #tpu.memory_space<semaphore_mem>>
    %dma_wait3A_44 = tpu.memref_squeeze %dma_wait3A_43 : memref<1x!tpu.dma_semaphore, #tpu.memory_space<semaphore_mem>> -> memref<!tpu.dma_semaphore, #tpu.memory_space<semaphore_mem>>
    %dma_wait3A_45 = arith.constant 0 : i32
    %dma_wait3A_46 = tpu.memref_slice %arg17[%dma_wait3A, %dma_wait3A_45] : memref<3x128xi32, #tpu.memory_space<vmem>> -> memref<1x128xi32, #tpu.memory_space<vmem>>
    %dma_wait3A_47 = tpu.memref_squeeze %dma_wait3A_46 : memref<1x128xi32, #tpu.memory_space<vmem>> -> memref<128xi32, #tpu.memory_space<vmem>>
    %dma_wait3A_48 = tpu.memref_slice %arg8[%mul3A_2] : memref<4096xi32, #tpu.memory_space<hbm>> -> memref<128xi32, #tpu.memory_space<hbm>>
    tpu.wait_dma2 semaphore(%dma_wait3A_44 : memref<!tpu.dma_semaphore, #tpu.memory_space<semaphore_mem>>) src(%dma_wait3A_48 : memref<128xi32, #tpu.memory_space<hbm>>) dst(%dma_wait3A_47 : memref<128xi32, #tpu.memory_space<vmem>>)
    %dma_start3A_49 = arith.constant 0 : i32
    %dma_start3A_50 = arith.constant 0 : i32
    %dma_start3A_51 = arith.constant 0 : i32
    %dma_start3A_52 = arith.constant 0 : i32
    %dma_start3A_53 = arith.constant 0 : i32
    %dma_start3A_54 = tpu.memref_slice %arg18[%dma_start3A_50, %dma_start3A_52, %dma_start3A_53] : memref<6x128x128xf32, #tpu.memory_space<vmem>> -> memref<1x128x128xf32, #tpu.memory_space<vmem>>
    %dma_start3A_55 = tpu.memref_squeeze %dma_start3A_54 : memref<1x128x128xf32, #tpu.memory_space<vmem>> -> memref<128x128xf32, #tpu.memory_space<vmem>>
    %dma_start3A_56 = arith.constant 0 : i32
    %dma_start3A_57 = tpu.memref_slice %arg17[%dma_start3A_49, %dma_start3A_56] : memref<3x128xi32, #tpu.memory_space<vmem>> -> memref<1x128xi32, #tpu.memory_space<vmem>>
    %dma_start3A_58 = tpu.memref_squeeze %dma_start3A_57 : memref<1x128xi32, #tpu.memory_space<vmem>> -> memref<128xi32, #tpu.memory_space<vmem>>
    %dma_start3A_59 = arith.constant 0 : i32
    %dma_start3A_60 = arith.constant 0 : i32
    %dma_start3A_61 = tpu.memref_slice %arg2[%dma_start3A_59, %dma_start3A_60] : memref<100000x128xf32, #tpu.memory_space<hbm>> -> memref<100000x128xf32, #tpu.memory_space<hbm>>
    %dma_start3A_62 = tpu.memref_slice %arg20[%dma_start3A_51] : memref<6x!tpu.dma_semaphore, #tpu.memory_space<semaphore_mem>> -> memref<1x!tpu.dma_semaphore, #tpu.memory_space<semaphore_mem>>
    %dma_start3A_63 = tpu.memref_squeeze %dma_start3A_62 : memref<1x!tpu.dma_semaphore, #tpu.memory_space<semaphore_mem>> -> memref<!tpu.dma_semaphore, #tpu.memory_space<semaphore_mem>>
    tpu.enqueue_indirect_dma source(%dma_start3A_61 : memref<100000x128xf32, #tpu.memory_space<hbm>>) target(%dma_start3A_55 : memref<128x128xf32, #tpu.memory_space<vmem>>) offsets(%dma_start3A_58 : memref<128xi32, #tpu.memory_space<vmem>>) semaphore(%dma_start3A_63 : memref<!tpu.dma_semaphore, #tpu.memory_space<semaphore_mem>>)
    %dma_start3A_64 = arith.constant 0 : i32
    %dma_start3A_65 = arith.constant 1 : i32
    %dma_start3A_66 = arith.constant 1 : i32
    %dma_start3A_67 = arith.constant 0 : i32
    %dma_start3A_68 = arith.constant 0 : i32
    %dma_start3A_69 = tpu.memref_slice %arg18[%dma_start3A_65, %dma_start3A_67, %dma_start3A_68] : memref<6x128x128xf32, #tpu.memory_space<vmem>> -> memref<1x128x128xf32, #tpu.memory_space<vmem>>
    %dma_start3A_70 = tpu.memref_squeeze %dma_start3A_69 : memref<1x128x128xf32, #tpu.memory_space<vmem>> -> memref<128x128xf32, #tpu.memory_space<vmem>>
    %dma_start3A_71 = arith.constant 0 : i32
    %dma_start3A_72 = tpu.memref_slice %arg17[%dma_start3A_64, %dma_start3A_71] : memref<3x128xi32, #tpu.memory_space<vmem>> -> memref<1x128xi32, #tpu.memory_space<vmem>>
    %dma_start3A_73 = tpu.memref_squeeze %dma_start3A_72 : memref<1x128xi32, #tpu.memory_space<vmem>> -> memref<128xi32, #tpu.memory_space<vmem>>
    %dma_start3A_74 = arith.constant 0 : i32
    %dma_start3A_75 = arith.constant 0 : i32
    %dma_start3A_76 = tpu.memref_slice %arg3[%dma_start3A_74, %dma_start3A_75] : memref<100000x128xf32, #tpu.memory_space<hbm>> -> memref<100000x128xf32, #tpu.memory_space<hbm>>
    %dma_start3A_77 = tpu.memref_slice %arg20[%dma_start3A_66] : memref<6x!tpu.dma_semaphore, #tpu.memory_space<semaphore_mem>> -> memref<1x!tpu.dma_semaphore, #tpu.memory_space<semaphore_mem>>
    %dma_start3A_78 = tpu.memref_squeeze %dma_start3A_77 : memref<1x!tpu.dma_semaphore, #tpu.memory_space<semaphore_mem>> -> memref<!tpu.dma_semaphore, #tpu.memory_space<semaphore_mem>>
    tpu.enqueue_indirect_dma source(%dma_start3A_76 : memref<100000x128xf32, #tpu.memory_space<hbm>>) target(%dma_start3A_70 : memref<128x128xf32, #tpu.memory_space<vmem>>) offsets(%dma_start3A_73 : memref<128xi32, #tpu.memory_space<vmem>>) semaphore(%dma_start3A_78 : memref<!tpu.dma_semaphore, #tpu.memory_space<semaphore_mem>>)
    %dma_wait3A_79 = arith.constant 1 : i32
    %dma_wait3A_80 = arith.constant 1 : i32
    %dma_wait3A_81 = arith.constant 0 : i32
    %dma_wait3A_82 = tpu.memref_slice %arg17[%dma_wait3A_79, %dma_wait3A_81] : memref<3x128xi32, #tpu.memory_space<vmem>> -> memref<1x128xi32, #tpu.memory_space<vmem>>
    %dma_wait3A_83 = tpu.memref_squeeze %dma_wait3A_82 : memref<1x128xi32, #tpu.memory_space<vmem>> -> memref<128xi32, #tpu.memory_space<vmem>>
    %dma_wait3A_84 = tpu.memref_slice %arg9[%mul3A_2] : memref<4096xi32, #tpu.memory_space<hbm>> -> memref<128xi32, #tpu.memory_space<hbm>>
    %dma_wait3A_85 = tpu.memref_slice %arg19[%dma_wait3A_80] : memref<3x!tpu.dma_semaphore, #tpu.memory_space<semaphore_mem>> -> memref<1x!tpu.dma_semaphore, #tpu.memory_space<semaphore_mem>>
    %dma_wait3A_86 = tpu.memref_squeeze %dma_wait3A_85 : memref<1x!tpu.dma_semaphore, #tpu.memory_space<semaphore_mem>> -> memref<!tpu.dma_semaphore, #tpu.memory_space<semaphore_mem>>
    %dma_wait3A_87 = arith.constant 0 : i32
    %dma_wait3A_88 = tpu.memref_slice %arg17[%dma_wait3A_79, %dma_wait3A_87] : memref<3x128xi32, #tpu.memory_space<vmem>> -> memref<1x128xi32, #tpu.memory_space<vmem>>
    %dma_wait3A_89 = tpu.memref_squeeze %dma_wait3A_88 : memref<1x128xi32, #tpu.memory_space<vmem>> -> memref<128xi32, #tpu.memory_space<vmem>>
    %dma_wait3A_90 = tpu.memref_slice %arg9[%mul3A_2] : memref<4096xi32, #tpu.memory_space<hbm>> -> memref<128xi32, #tpu.memory_space<hbm>>
    tpu.wait_dma2 semaphore(%dma_wait3A_86 : memref<!tpu.dma_semaphore, #tpu.memory_space<semaphore_mem>>) src(%dma_wait3A_90 : memref<128xi32, #tpu.memory_space<hbm>>) dst(%dma_wait3A_89 : memref<128xi32, #tpu.memory_space<vmem>>)
    %dma_start3A_91 = arith.constant 1 : i32
    %dma_start3A_92 = arith.constant 2 : i32
    %dma_start3A_93 = arith.constant 2 : i32
    %dma_start3A_94 = arith.constant 0 : i32
    %dma_start3A_95 = arith.constant 0 : i32
    %dma_start3A_96 = tpu.memref_slice %arg18[%dma_start3A_92, %dma_start3A_94, %dma_start3A_95] : memref<6x128x128xf32, #tpu.memory_space<vmem>> -> memref<1x128x128xf32, #tpu.memory_space<vmem>>
    %dma_start3A_97 = tpu.memref_squeeze %dma_start3A_96 : memref<1x128x128xf32, #tpu.memory_space<vmem>> -> memref<128x128xf32, #tpu.memory_space<vmem>>
    %dma_start3A_98 = arith.constant 0 : i32
    %dma_start3A_99 = tpu.memref_slice %arg17[%dma_start3A_91, %dma_start3A_98] : memref<3x128xi32, #tpu.memory_space<vmem>> -> memref<1x128xi32, #tpu.memory_space<vmem>>
    %dma_start3A_100 = tpu.memref_squeeze %dma_start3A_99 : memref<1x128xi32, #tpu.memory_space<vmem>> -> memref<128xi32, #tpu.memory_space<vmem>>
    %dma_start3A_101 = arith.constant 0 : i32
    %dma_start3A_102 = arith.constant 0 : i32
    %dma_start3A_103 = tpu.memref_slice %arg4[%dma_start3A_101, %dma_start3A_102] : memref<100000x128xf32, #tpu.memory_space<hbm>> -> memref<100000x128xf32, #tpu.memory_space<hbm>>
    %dma_start3A_104 = tpu.memref_slice %arg20[%dma_start3A_93] : memref<6x!tpu.dma_semaphore, #tpu.memory_space<semaphore_mem>> -> memref<1x!tpu.dma_semaphore, #tpu.memory_space<semaphore_mem>>
    %dma_start3A_105 = tpu.memref_squeeze %dma_start3A_104 : memref<1x!tpu.dma_semaphore, #tpu.memory_space<semaphore_mem>> -> memref<!tpu.dma_semaphore, #tpu.memory_space<semaphore_mem>>
    tpu.enqueue_indirect_dma source(%dma_start3A_103 : memref<100000x128xf32, #tpu.memory_space<hbm>>) target(%dma_start3A_97 : memref<128x128xf32, #tpu.memory_space<vmem>>) offsets(%dma_start3A_100 : memref<128xi32, #tpu.memory_space<vmem>>) semaphore(%dma_start3A_105 : memref<!tpu.dma_semaphore, #tpu.memory_space<semaphore_mem>>)
    %dma_start3A_106 = arith.constant 1 : i32
    %dma_start3A_107 = arith.constant 3 : i32
    %dma_start3A_108 = arith.constant 3 : i32
    %dma_start3A_109 = arith.constant 0 : i32
    %dma_start3A_110 = arith.constant 0 : i32
    %dma_start3A_111 = tpu.memref_slice %arg18[%dma_start3A_107, %dma_start3A_109, %dma_start3A_110] : memref<6x128x128xf32, #tpu.memory_space<vmem>> -> memref<1x128x128xf32, #tpu.memory_space<vmem>>
    %dma_start3A_112 = tpu.memref_squeeze %dma_start3A_111 : memref<1x128x128xf32, #tpu.memory_space<vmem>> -> memref<128x128xf32, #tpu.memory_space<vmem>>
    %dma_start3A_113 = arith.constant 0 : i32
    %dma_start3A_114 = tpu.memref_slice %arg17[%dma_start3A_106, %dma_start3A_113] : memref<3x128xi32, #tpu.memory_space<vmem>> -> memref<1x128xi32, #tpu.memory_space<vmem>>
    %dma_start3A_115 = tpu.memref_squeeze %dma_start3A_114 : memref<1x128xi32, #tpu.memory_space<vmem>> -> memref<128xi32, #tpu.memory_space<vmem>>
    %dma_start3A_116 = arith.constant 0 : i32
    %dma_start3A_117 = arith.constant 0 : i32
    %dma_start3A_118 = tpu.memref_slice %arg5[%dma_start3A_116, %dma_start3A_117] : memref<100000x128xf32, #tpu.memory_space<hbm>> -> memref<100000x128xf32, #tpu.memory_space<hbm>>
    %dma_start3A_119 = tpu.memref_slice %arg20[%dma_start3A_108] : memref<6x!tpu.dma_semaphore, #tpu.memory_space<semaphore_mem>> -> memref<1x!tpu.dma_semaphore, #tpu.memory_space<semaphore_mem>>
    %dma_start3A_120 = tpu.memref_squeeze %dma_start3A_119 : memref<1x!tpu.dma_semaphore, #tpu.memory_space<semaphore_mem>> -> memref<!tpu.dma_semaphore, #tpu.memory_space<semaphore_mem>>
    tpu.enqueue_indirect_dma source(%dma_start3A_118 : memref<100000x128xf32, #tpu.memory_space<hbm>>) target(%dma_start3A_112 : memref<128x128xf32, #tpu.memory_space<vmem>>) offsets(%dma_start3A_115 : memref<128xi32, #tpu.memory_space<vmem>>) semaphore(%dma_start3A_120 : memref<!tpu.dma_semaphore, #tpu.memory_space<semaphore_mem>>)
    %dma_wait3A_121 = arith.constant 2 : i32
    %dma_wait3A_122 = arith.constant 2 : i32
    %dma_wait3A_123 = arith.constant 0 : i32
    %dma_wait3A_124 = tpu.memref_slice %arg17[%dma_wait3A_121, %dma_wait3A_123] : memref<3x128xi32, #tpu.memory_space<vmem>> -> memref<1x128xi32, #tpu.memory_space<vmem>>
    %dma_wait3A_125 = tpu.memref_squeeze %dma_wait3A_124 : memref<1x128xi32, #tpu.memory_space<vmem>> -> memref<128xi32, #tpu.memory_space<vmem>>
    %dma_wait3A_126 = tpu.memref_slice %arg10[%mul3A_2] : memref<4096xi32, #tpu.memory_space<hbm>> -> memref<128xi32, #tpu.memory_space<hbm>>
    %dma_wait3A_127 = tpu.memref_slice %arg19[%dma_wait3A_122] : memref<3x!tpu.dma_semaphore, #tpu.memory_space<semaphore_mem>> -> memref<1x!tpu.dma_semaphore, #tpu.memory_space<semaphore_mem>>
    %dma_wait3A_128 = tpu.memref_squeeze %dma_wait3A_127 : memref<1x!tpu.dma_semaphore, #tpu.memory_space<semaphore_mem>> -> memref<!tpu.dma_semaphore, #tpu.memory_space<semaphore_mem>>
    %dma_wait3A_129 = arith.constant 0 : i32
    %dma_wait3A_130 = tpu.memref_slice %arg17[%dma_wait3A_121, %dma_wait3A_129] : memref<3x128xi32, #tpu.memory_space<vmem>> -> memref<1x128xi32, #tpu.memory_space<vmem>>
    %dma_wait3A_131 = tpu.memref_squeeze %dma_wait3A_130 : memref<1x128xi32, #tpu.memory_space<vmem>> -> memref<128xi32, #tpu.memory_space<vmem>>
    %dma_wait3A_132 = tpu.memref_slice %arg10[%mul3A_2] : memref<4096xi32, #tpu.memory_space<hbm>> -> memref<128xi32, #tpu.memory_space<hbm>>
    tpu.wait_dma2 semaphore(%dma_wait3A_128 : memref<!tpu.dma_semaphore, #tpu.memory_space<semaphore_mem>>) src(%dma_wait3A_132 : memref<128xi32, #tpu.memory_space<hbm>>) dst(%dma_wait3A_131 : memref<128xi32, #tpu.memory_space<vmem>>)
    %dma_start3A_133 = arith.constant 2 : i32
    %dma_start3A_134 = arith.constant 4 : i32
    %dma_start3A_135 = arith.constant 4 : i32
    %dma_start3A_136 = arith.constant 0 : i32
    %dma_start3A_137 = arith.constant 0 : i32
    %dma_start3A_138 = tpu.memref_slice %arg18[%dma_start3A_134, %dma_start3A_136, %dma_start3A_137] : memref<6x128x128xf32, #tpu.memory_space<vmem>> -> memref<1x128x128xf32, #tpu.memory_space<vmem>>
    %dma_start3A_139 = tpu.memref_squeeze %dma_start3A_138 : memref<1x128x128xf32, #tpu.memory_space<vmem>> -> memref<128x128xf32, #tpu.memory_space<vmem>>
    %dma_start3A_140 = arith.constant 0 : i32
    %dma_start3A_141 = tpu.memref_slice %arg17[%dma_start3A_133, %dma_start3A_140] : memref<3x128xi32, #tpu.memory_space<vmem>> -> memref<1x128xi32, #tpu.memory_space<vmem>>
    %dma_start3A_142 = tpu.memref_squeeze %dma_start3A_141 : memref<1x128xi32, #tpu.memory_space<vmem>> -> memref<128xi32, #tpu.memory_space<vmem>>
    %dma_start3A_143 = arith.constant 0 : i32
    %dma_start3A_144 = arith.constant 0 : i32
    %dma_start3A_145 = tpu.memref_slice %arg6[%dma_start3A_143, %dma_start3A_144] : memref<100000x128xf32, #tpu.memory_space<hbm>> -> memref<100000x128xf32, #tpu.memory_space<hbm>>
    %dma_start3A_146 = tpu.memref_slice %arg20[%dma_start3A_135] : memref<6x!tpu.dma_semaphore, #tpu.memory_space<semaphore_mem>> -> memref<1x!tpu.dma_semaphore, #tpu.memory_space<semaphore_mem>>
    %dma_start3A_147 = tpu.memref_squeeze %dma_start3A_146 : memref<1x!tpu.dma_semaphore, #tpu.memory_space<semaphore_mem>> -> memref<!tpu.dma_semaphore, #tpu.memory_space<semaphore_mem>>
    tpu.enqueue_indirect_dma source(%dma_start3A_145 : memref<100000x128xf32, #tpu.memory_space<hbm>>) target(%dma_start3A_139 : memref<128x128xf32, #tpu.memory_space<vmem>>) offsets(%dma_start3A_142 : memref<128xi32, #tpu.memory_space<vmem>>) semaphore(%dma_start3A_147 : memref<!tpu.dma_semaphore, #tpu.memory_space<semaphore_mem>>)
    %dma_start3A_148 = arith.constant 2 : i32
    %dma_start3A_149 = arith.constant 5 : i32
    %dma_start3A_150 = arith.constant 5 : i32
    %dma_start3A_151 = arith.constant 0 : i32
    %dma_start3A_152 = arith.constant 0 : i32
    %dma_start3A_153 = tpu.memref_slice %arg18[%dma_start3A_149, %dma_start3A_151, %dma_start3A_152] : memref<6x128x128xf32, #tpu.memory_space<vmem>> -> memref<1x128x128xf32, #tpu.memory_space<vmem>>
    %dma_start3A_154 = tpu.memref_squeeze %dma_start3A_153 : memref<1x128x128xf32, #tpu.memory_space<vmem>> -> memref<128x128xf32, #tpu.memory_space<vmem>>
    %dma_start3A_155 = arith.constant 0 : i32
    %dma_start3A_156 = tpu.memref_slice %arg17[%dma_start3A_148, %dma_start3A_155] : memref<3x128xi32, #tpu.memory_space<vmem>> -> memref<1x128xi32, #tpu.memory_space<vmem>>
    %dma_start3A_157 = tpu.memref_squeeze %dma_start3A_156 : memref<1x128xi32, #tpu.memory_space<vmem>> -> memref<128xi32, #tpu.memory_space<vmem>>
    %dma_start3A_158 = arith.constant 0 : i32
    %dma_start3A_159 = arith.constant 0 : i32
    %dma_start3A_160 = tpu.memref_slice %arg7[%dma_start3A_158, %dma_start3A_159] : memref<100000x128xf32, #tpu.memory_space<hbm>> -> memref<100000x128xf32, #tpu.memory_space<hbm>>
    %dma_start3A_161 = tpu.memref_slice %arg20[%dma_start3A_150] : memref<6x!tpu.dma_semaphore, #tpu.memory_space<semaphore_mem>> -> memref<1x!tpu.dma_semaphore, #tpu.memory_space<semaphore_mem>>
    %dma_start3A_162 = tpu.memref_squeeze %dma_start3A_161 : memref<1x!tpu.dma_semaphore, #tpu.memory_space<semaphore_mem>> -> memref<!tpu.dma_semaphore, #tpu.memory_space<semaphore_mem>>
    tpu.enqueue_indirect_dma source(%dma_start3A_160 : memref<100000x128xf32, #tpu.memory_space<hbm>>) target(%dma_start3A_154 : memref<128x128xf32, #tpu.memory_space<vmem>>) offsets(%dma_start3A_157 : memref<128xi32, #tpu.memory_space<vmem>>) semaphore(%dma_start3A_162 : memref<!tpu.dma_semaphore, #tpu.memory_space<semaphore_mem>>)
    %dma_wait3A_163 = arith.constant 0 : i32
    %dma_wait3A_164 = arith.constant 0 : i32
    %dma_wait3A_165 = arith.constant 0 : i32
    %dma_wait3A_166 = arith.constant 0 : i32
    %dma_wait3A_167 = arith.constant 0 : i32
    %dma_wait3A_168 = tpu.memref_slice %arg18[%dma_wait3A_164, %dma_wait3A_166, %dma_wait3A_167] : memref<6x128x128xf32, #tpu.memory_space<vmem>> -> memref<1x128x128xf32, #tpu.memory_space<vmem>>
    %dma_wait3A_169 = tpu.memref_squeeze %dma_wait3A_168 : memref<1x128x128xf32, #tpu.memory_space<vmem>> -> memref<128x128xf32, #tpu.memory_space<vmem>>
    %dma_wait3A_170 = arith.constant 0 : i32
    %dma_wait3A_171 = tpu.memref_slice %arg17[%dma_wait3A_163, %dma_wait3A_170] : memref<3x128xi32, #tpu.memory_space<vmem>> -> memref<1x128xi32, #tpu.memory_space<vmem>>
    %dma_wait3A_172 = tpu.memref_squeeze %dma_wait3A_171 : memref<1x128xi32, #tpu.memory_space<vmem>> -> memref<128xi32, #tpu.memory_space<vmem>>
    %dma_wait3A_173 = arith.constant 0 : i32
    %dma_wait3A_174 = arith.constant 0 : i32
    %dma_wait3A_175 = tpu.memref_slice %arg2[%dma_wait3A_173, %dma_wait3A_174] : memref<100000x128xf32, #tpu.memory_space<hbm>> -> memref<100000x128xf32, #tpu.memory_space<hbm>>
    %dma_wait3A_176 = tpu.memref_slice %arg20[%dma_wait3A_165] : memref<6x!tpu.dma_semaphore, #tpu.memory_space<semaphore_mem>> -> memref<1x!tpu.dma_semaphore, #tpu.memory_space<semaphore_mem>>
    %dma_wait3A_177 = tpu.memref_squeeze %dma_wait3A_176 : memref<1x!tpu.dma_semaphore, #tpu.memory_space<semaphore_mem>> -> memref<!tpu.dma_semaphore, #tpu.memory_space<semaphore_mem>>
    tpu.wait_indirect_dma semaphore(%dma_wait3A_177 : memref<!tpu.dma_semaphore, #tpu.memory_space<semaphore_mem>>) src(%dma_wait3A_175 : memref<100000x128xf32, #tpu.memory_space<hbm>>) dst(%dma_wait3A_169 : memref<128x128xf32, #tpu.memory_space<vmem>>)
    %dma_start3A_178 = arith.constant 0 : i32
    %dma_start3A_179 = arith.constant 0 : i32
    %dma_start3A_180 = arith.constant 0 : i32
    %dma_start3A_181 = arith.constant 0 : i32
    %dma_start3A_182 = tpu.memref_slice %arg18[%dma_start3A_178, %dma_start3A_180, %dma_start3A_181] : memref<6x128x128xf32, #tpu.memory_space<vmem>> -> memref<1x128x128xf32, #tpu.memory_space<vmem>>
    %dma_start3A_183 = tpu.memref_squeeze %dma_start3A_182 : memref<1x128x128xf32, #tpu.memory_space<vmem>> -> memref<128x128xf32, #tpu.memory_space<vmem>>
    %dma_start3A_184 = arith.constant 0 : i32
    %dma_start3A_185 = tpu.memref_slice %arg11[%mul3A_2, %dma_start3A_184] : memref<4096x128xf32, #tpu.memory_space<hbm>> -> memref<128x128xf32, #tpu.memory_space<hbm>>
    %dma_start3A_186 = tpu.memref_slice %arg21[%dma_start3A_179] : memref<6x!tpu.dma_semaphore, #tpu.memory_space<semaphore_mem>> -> memref<1x!tpu.dma_semaphore, #tpu.memory_space<semaphore_mem>>
    %dma_start3A_187 = tpu.memref_squeeze %dma_start3A_186 : memref<1x!tpu.dma_semaphore, #tpu.memory_space<semaphore_mem>> -> memref<!tpu.dma_semaphore, #tpu.memory_space<semaphore_mem>>
    %dma_start3A_188 = arith.constant 0 : i32
    %dma_start3A_189 = tpu.memref_slice %arg11[%mul3A_2, %dma_start3A_188] : memref<4096x128xf32, #tpu.memory_space<hbm>> -> memref<128x128xf32, #tpu.memory_space<hbm>>
    %dma_start3A_190 = arith.constant 0 : i32
    %dma_start3A_191 = arith.constant 0 : i32
    %dma_start3A_192 = tpu.memref_slice %arg18[%dma_start3A_178, %dma_start3A_190, %dma_start3A_191] : memref<6x128x128xf32, #tpu.memory_space<vmem>> -> memref<1x128x128xf32, #tpu.memory_space<vmem>>
    %dma_start3A_193 = tpu.memref_squeeze %dma_start3A_192 : memref<1x128x128xf32, #tpu.memory_space<vmem>> -> memref<128x128xf32, #tpu.memory_space<vmem>>
    tpu.enqueue_dma source(%dma_start3A_193 : memref<128x128xf32, #tpu.memory_space<vmem>>) target(%dma_start3A_189 : memref<128x128xf32, #tpu.memory_space<hbm>>) target_semaphore(%dma_start3A_187 : memref<!tpu.dma_semaphore, #tpu.memory_space<semaphore_mem>>)
    %dma_wait3A_194 = arith.constant 0 : i32
    %dma_wait3A_195 = arith.constant 1 : i32
    %dma_wait3A_196 = arith.constant 1 : i32
    %dma_wait3A_197 = arith.constant 0 : i32
    %dma_wait3A_198 = arith.constant 0 : i32
    %dma_wait3A_199 = tpu.memref_slice %arg18[%dma_wait3A_195, %dma_wait3A_197, %dma_wait3A_198] : memref<6x128x128xf32, #tpu.memory_space<vmem>> -> memref<1x128x128xf32, #tpu.memory_space<vmem>>
    %dma_wait3A_200 = tpu.memref_squeeze %dma_wait3A_199 : memref<1x128x128xf32, #tpu.memory_space<vmem>> -> memref<128x128xf32, #tpu.memory_space<vmem>>
    %dma_wait3A_201 = arith.constant 0 : i32
    %dma_wait3A_202 = tpu.memref_slice %arg17[%dma_wait3A_194, %dma_wait3A_201] : memref<3x128xi32, #tpu.memory_space<vmem>> -> memref<1x128xi32, #tpu.memory_space<vmem>>
    %dma_wait3A_203 = tpu.memref_squeeze %dma_wait3A_202 : memref<1x128xi32, #tpu.memory_space<vmem>> -> memref<128xi32, #tpu.memory_space<vmem>>
    %dma_wait3A_204 = arith.constant 0 : i32
    %dma_wait3A_205 = arith.constant 0 : i32
    %dma_wait3A_206 = tpu.memref_slice %arg3[%dma_wait3A_204, %dma_wait3A_205] : memref<100000x128xf32, #tpu.memory_space<hbm>> -> memref<100000x128xf32, #tpu.memory_space<hbm>>
    %dma_wait3A_207 = tpu.memref_slice %arg20[%dma_wait3A_196] : memref<6x!tpu.dma_semaphore, #tpu.memory_space<semaphore_mem>> -> memref<1x!tpu.dma_semaphore, #tpu.memory_space<semaphore_mem>>
    %dma_wait3A_208 = tpu.memref_squeeze %dma_wait3A_207 : memref<1x!tpu.dma_semaphore, #tpu.memory_space<semaphore_mem>> -> memref<!tpu.dma_semaphore, #tpu.memory_space<semaphore_mem>>
    tpu.wait_indirect_dma semaphore(%dma_wait3A_208 : memref<!tpu.dma_semaphore, #tpu.memory_space<semaphore_mem>>) src(%dma_wait3A_206 : memref<100000x128xf32, #tpu.memory_space<hbm>>) dst(%dma_wait3A_200 : memref<128x128xf32, #tpu.memory_space<vmem>>)
    %dma_start3A_209 = arith.constant 1 : i32
    %dma_start3A_210 = arith.constant 1 : i32
    %dma_start3A_211 = arith.constant 0 : i32
    %dma_start3A_212 = arith.constant 0 : i32
    %dma_start3A_213 = tpu.memref_slice %arg18[%dma_start3A_209, %dma_start3A_211, %dma_start3A_212] : memref<6x128x128xf32, #tpu.memory_space<vmem>> -> memref<1x128x128xf32, #tpu.memory_space<vmem>>
    %dma_start3A_214 = tpu.memref_squeeze %dma_start3A_213 : memref<1x128x128xf32, #tpu.memory_space<vmem>> -> memref<128x128xf32, #tpu.memory_space<vmem>>
    %dma_start3A_215 = arith.constant 0 : i32
    %dma_start3A_216 = tpu.memref_slice %arg12[%mul3A_2, %dma_start3A_215] : memref<4096x128xf32, #tpu.memory_space<hbm>> -> memref<128x128xf32, #tpu.memory_space<hbm>>
    %dma_start3A_217 = tpu.memref_slice %arg21[%dma_start3A_210] : memref<6x!tpu.dma_semaphore, #tpu.memory_space<semaphore_mem>> -> memref<1x!tpu.dma_semaphore, #tpu.memory_space<semaphore_mem>>
    %dma_start3A_218 = tpu.memref_squeeze %dma_start3A_217 : memref<1x!tpu.dma_semaphore, #tpu.memory_space<semaphore_mem>> -> memref<!tpu.dma_semaphore, #tpu.memory_space<semaphore_mem>>
    %dma_start3A_219 = arith.constant 0 : i32
    %dma_start3A_220 = tpu.memref_slice %arg12[%mul3A_2, %dma_start3A_219] : memref<4096x128xf32, #tpu.memory_space<hbm>> -> memref<128x128xf32, #tpu.memory_space<hbm>>
    %dma_start3A_221 = arith.constant 0 : i32
    %dma_start3A_222 = arith.constant 0 : i32
    %dma_start3A_223 = tpu.memref_slice %arg18[%dma_start3A_209, %dma_start3A_221, %dma_start3A_222] : memref<6x128x128xf32, #tpu.memory_space<vmem>> -> memref<1x128x128xf32, #tpu.memory_space<vmem>>
    %dma_start3A_224 = tpu.memref_squeeze %dma_start3A_223 : memref<1x128x128xf32, #tpu.memory_space<vmem>> -> memref<128x128xf32, #tpu.memory_space<vmem>>
    tpu.enqueue_dma source(%dma_start3A_224 : memref<128x128xf32, #tpu.memory_space<vmem>>) target(%dma_start3A_220 : memref<128x128xf32, #tpu.memory_space<hbm>>) target_semaphore(%dma_start3A_218 : memref<!tpu.dma_semaphore, #tpu.memory_space<semaphore_mem>>)
    %dma_wait3A_225 = arith.constant 1 : i32
    %dma_wait3A_226 = arith.constant 2 : i32
    %dma_wait3A_227 = arith.constant 2 : i32
    %dma_wait3A_228 = arith.constant 0 : i32
    %dma_wait3A_229 = arith.constant 0 : i32
    %dma_wait3A_230 = tpu.memref_slice %arg18[%dma_wait3A_226, %dma_wait3A_228, %dma_wait3A_229] : memref<6x128x128xf32, #tpu.memory_space<vmem>> -> memref<1x128x128xf32, #tpu.memory_space<vmem>>
    %dma_wait3A_231 = tpu.memref_squeeze %dma_wait3A_230 : memref<1x128x128xf32, #tpu.memory_space<vmem>> -> memref<128x128xf32, #tpu.memory_space<vmem>>
    %dma_wait3A_232 = arith.constant 0 : i32
    %dma_wait3A_233 = tpu.memref_slice %arg17[%dma_wait3A_225, %dma_wait3A_232] : memref<3x128xi32, #tpu.memory_space<vmem>> -> memref<1x128xi32, #tpu.memory_space<vmem>>
    %dma_wait3A_234 = tpu.memref_squeeze %dma_wait3A_233 : memref<1x128xi32, #tpu.memory_space<vmem>> -> memref<128xi32, #tpu.memory_space<vmem>>
    %dma_wait3A_235 = arith.constant 0 : i32
    %dma_wait3A_236 = arith.constant 0 : i32
    %dma_wait3A_237 = tpu.memref_slice %arg4[%dma_wait3A_235, %dma_wait3A_236] : memref<100000x128xf32, #tpu.memory_space<hbm>> -> memref<100000x128xf32, #tpu.memory_space<hbm>>
    %dma_wait3A_238 = tpu.memref_slice %arg20[%dma_wait3A_227] : memref<6x!tpu.dma_semaphore, #tpu.memory_space<semaphore_mem>> -> memref<1x!tpu.dma_semaphore, #tpu.memory_space<semaphore_mem>>
    %dma_wait3A_239 = tpu.memref_squeeze %dma_wait3A_238 : memref<1x!tpu.dma_semaphore, #tpu.memory_space<semaphore_mem>> -> memref<!tpu.dma_semaphore, #tpu.memory_space<semaphore_mem>>
    tpu.wait_indirect_dma semaphore(%dma_wait3A_239 : memref<!tpu.dma_semaphore, #tpu.memory_space<semaphore_mem>>) src(%dma_wait3A_237 : memref<100000x128xf32, #tpu.memory_space<hbm>>) dst(%dma_wait3A_231 : memref<128x128xf32, #tpu.memory_space<vmem>>)
    %dma_start3A_240 = arith.constant 2 : i32
    %dma_start3A_241 = arith.constant 2 : i32
    %dma_start3A_242 = arith.constant 0 : i32
    %dma_start3A_243 = arith.constant 0 : i32
    %dma_start3A_244 = tpu.memref_slice %arg18[%dma_start3A_240, %dma_start3A_242, %dma_start3A_243] : memref<6x128x128xf32, #tpu.memory_space<vmem>> -> memref<1x128x128xf32, #tpu.memory_space<vmem>>
    %dma_start3A_245 = tpu.memref_squeeze %dma_start3A_244 : memref<1x128x128xf32, #tpu.memory_space<vmem>> -> memref<128x128xf32, #tpu.memory_space<vmem>>
    %dma_start3A_246 = arith.constant 0 : i32
    %dma_start3A_247 = tpu.memref_slice %arg13[%mul3A_2, %dma_start3A_246] : memref<4096x128xf32, #tpu.memory_space<hbm>> -> memref<128x128xf32, #tpu.memory_space<hbm>>
    %dma_start3A_248 = tpu.memref_slice %arg21[%dma_start3A_241] : memref<6x!tpu.dma_semaphore, #tpu.memory_space<semaphore_mem>> -> memref<1x!tpu.dma_semaphore, #tpu.memory_space<semaphore_mem>>
    %dma_start3A_249 = tpu.memref_squeeze %dma_start3A_248 : memref<1x!tpu.dma_semaphore, #tpu.memory_space<semaphore_mem>> -> memref<!tpu.dma_semaphore, #tpu.memory_space<semaphore_mem>>
    %dma_start3A_250 = arith.constant 0 : i32
    %dma_start3A_251 = tpu.memref_slice %arg13[%mul3A_2, %dma_start3A_250] : memref<4096x128xf32, #tpu.memory_space<hbm>> -> memref<128x128xf32, #tpu.memory_space<hbm>>
    %dma_start3A_252 = arith.constant 0 : i32
    %dma_start3A_253 = arith.constant 0 : i32
    %dma_start3A_254 = tpu.memref_slice %arg18[%dma_start3A_240, %dma_start3A_252, %dma_start3A_253] : memref<6x128x128xf32, #tpu.memory_space<vmem>> -> memref<1x128x128xf32, #tpu.memory_space<vmem>>
    %dma_start3A_255 = tpu.memref_squeeze %dma_start3A_254 : memref<1x128x128xf32, #tpu.memory_space<vmem>> -> memref<128x128xf32, #tpu.memory_space<vmem>>
    tpu.enqueue_dma source(%dma_start3A_255 : memref<128x128xf32, #tpu.memory_space<vmem>>) target(%dma_start3A_251 : memref<128x128xf32, #tpu.memory_space<hbm>>) target_semaphore(%dma_start3A_249 : memref<!tpu.dma_semaphore, #tpu.memory_space<semaphore_mem>>)
    %dma_wait3A_256 = arith.constant 1 : i32
    %dma_wait3A_257 = arith.constant 3 : i32
    %dma_wait3A_258 = arith.constant 3 : i32
    %dma_wait3A_259 = arith.constant 0 : i32
    %dma_wait3A_260 = arith.constant 0 : i32
    %dma_wait3A_261 = tpu.memref_slice %arg18[%dma_wait3A_257, %dma_wait3A_259, %dma_wait3A_260] : memref<6x128x128xf32, #tpu.memory_space<vmem>> -> memref<1x128x128xf32, #tpu.memory_space<vmem>>
    %dma_wait3A_262 = tpu.memref_squeeze %dma_wait3A_261 : memref<1x128x128xf32, #tpu.memory_space<vmem>> -> memref<128x128xf32, #tpu.memory_space<vmem>>
    %dma_wait3A_263 = arith.constant 0 : i32
    %dma_wait3A_264 = tpu.memref_slice %arg17[%dma_wait3A_256, %dma_wait3A_263] : memref<3x128xi32, #tpu.memory_space<vmem>> -> memref<1x128xi32, #tpu.memory_space<vmem>>
    %dma_wait3A_265 = tpu.memref_squeeze %dma_wait3A_264 : memref<1x128xi32, #tpu.memory_space<vmem>> -> memref<128xi32, #tpu.memory_space<vmem>>
    %dma_wait3A_266 = arith.constant 0 : i32
    %dma_wait3A_267 = arith.constant 0 : i32
    %dma_wait3A_268 = tpu.memref_slice %arg5[%dma_wait3A_266, %dma_wait3A_267] : memref<100000x128xf32, #tpu.memory_space<hbm>> -> memref<100000x128xf32, #tpu.memory_space<hbm>>
    %dma_wait3A_269 = tpu.memref_slice %arg20[%dma_wait3A_258] : memref<6x!tpu.dma_semaphore, #tpu.memory_space<semaphore_mem>> -> memref<1x!tpu.dma_semaphore, #tpu.memory_space<semaphore_mem>>
    %dma_wait3A_270 = tpu.memref_squeeze %dma_wait3A_269 : memref<1x!tpu.dma_semaphore, #tpu.memory_space<semaphore_mem>> -> memref<!tpu.dma_semaphore, #tpu.memory_space<semaphore_mem>>
    tpu.wait_indirect_dma semaphore(%dma_wait3A_270 : memref<!tpu.dma_semaphore, #tpu.memory_space<semaphore_mem>>) src(%dma_wait3A_268 : memref<100000x128xf32, #tpu.memory_space<hbm>>) dst(%dma_wait3A_262 : memref<128x128xf32, #tpu.memory_space<vmem>>)
    %dma_start3A_271 = arith.constant 3 : i32
    %dma_start3A_272 = arith.constant 3 : i32
    %dma_start3A_273 = arith.constant 0 : i32
    %dma_start3A_274 = arith.constant 0 : i32
    %dma_start3A_275 = tpu.memref_slice %arg18[%dma_start3A_271, %dma_start3A_273, %dma_start3A_274] : memref<6x128x128xf32, #tpu.memory_space<vmem>> -> memref<1x128x128xf32, #tpu.memory_space<vmem>>
    %dma_start3A_276 = tpu.memref_squeeze %dma_start3A_275 : memref<1x128x128xf32, #tpu.memory_space<vmem>> -> memref<128x128xf32, #tpu.memory_space<vmem>>
    %dma_start3A_277 = arith.constant 0 : i32
    %dma_start3A_278 = tpu.memref_slice %arg14[%mul3A_2, %dma_start3A_277] : memref<4096x128xf32, #tpu.memory_space<hbm>> -> memref<128x128xf32, #tpu.memory_space<hbm>>
    %dma_start3A_279 = tpu.memref_slice %arg21[%dma_start3A_272] : memref<6x!tpu.dma_semaphore, #tpu.memory_space<semaphore_mem>> -> memref<1x!tpu.dma_semaphore, #tpu.memory_space<semaphore_mem>>
    %dma_start3A_280 = tpu.memref_squeeze %dma_start3A_279 : memref<1x!tpu.dma_semaphore, #tpu.memory_space<semaphore_mem>> -> memref<!tpu.dma_semaphore, #tpu.memory_space<semaphore_mem>>
    %dma_start3A_281 = arith.constant 0 : i32
    %dma_start3A_282 = tpu.memref_slice %arg14[%mul3A_2, %dma_start3A_281] : memref<4096x128xf32, #tpu.memory_space<hbm>> -> memref<128x128xf32, #tpu.memory_space<hbm>>
    %dma_start3A_283 = arith.constant 0 : i32
    %dma_start3A_284 = arith.constant 0 : i32
    %dma_start3A_285 = tpu.memref_slice %arg18[%dma_start3A_271, %dma_start3A_283, %dma_start3A_284] : memref<6x128x128xf32, #tpu.memory_space<vmem>> -> memref<1x128x128xf32, #tpu.memory_space<vmem>>
    %dma_start3A_286 = tpu.memref_squeeze %dma_start3A_285 : memref<1x128x128xf32, #tpu.memory_space<vmem>> -> memref<128x128xf32, #tpu.memory_space<vmem>>
    tpu.enqueue_dma source(%dma_start3A_286 : memref<128x128xf32, #tpu.memory_space<vmem>>) target(%dma_start3A_282 : memref<128x128xf32, #tpu.memory_space<hbm>>) target_semaphore(%dma_start3A_280 : memref<!tpu.dma_semaphore, #tpu.memory_space<semaphore_mem>>)
    %dma_wait3A_287 = arith.constant 2 : i32
    %dma_wait3A_288 = arith.constant 4 : i32
    %dma_wait3A_289 = arith.constant 4 : i32
    %dma_wait3A_290 = arith.constant 0 : i32
    %dma_wait3A_291 = arith.constant 0 : i32
    %dma_wait3A_292 = tpu.memref_slice %arg18[%dma_wait3A_288, %dma_wait3A_290, %dma_wait3A_291] : memref<6x128x128xf32, #tpu.memory_space<vmem>> -> memref<1x128x128xf32, #tpu.memory_space<vmem>>
    %dma_wait3A_293 = tpu.memref_squeeze %dma_wait3A_292 : memref<1x128x128xf32, #tpu.memory_space<vmem>> -> memref<128x128xf32, #tpu.memory_space<vmem>>
    %dma_wait3A_294 = arith.constant 0 : i32
    %dma_wait3A_295 = tpu.memref_slice %arg17[%dma_wait3A_287, %dma_wait3A_294] : memref<3x128xi32, #tpu.memory_space<vmem>> -> memref<1x128xi32, #tpu.memory_space<vmem>>
    %dma_wait3A_296 = tpu.memref_squeeze %dma_wait3A_295 : memref<1x128xi32, #tpu.memory_space<vmem>> -> memref<128xi32, #tpu.memory_space<vmem>>
    %dma_wait3A_297 = arith.constant 0 : i32
    %dma_wait3A_298 = arith.constant 0 : i32
    %dma_wait3A_299 = tpu.memref_slice %arg6[%dma_wait3A_297, %dma_wait3A_298] : memref<100000x128xf32, #tpu.memory_space<hbm>> -> memref<100000x128xf32, #tpu.memory_space<hbm>>
    %dma_wait3A_300 = tpu.memref_slice %arg20[%dma_wait3A_289] : memref<6x!tpu.dma_semaphore, #tpu.memory_space<semaphore_mem>> -> memref<1x!tpu.dma_semaphore, #tpu.memory_space<semaphore_mem>>
    %dma_wait3A_301 = tpu.memref_squeeze %dma_wait3A_300 : memref<1x!tpu.dma_semaphore, #tpu.memory_space<semaphore_mem>> -> memref<!tpu.dma_semaphore, #tpu.memory_space<semaphore_mem>>
    tpu.wait_indirect_dma semaphore(%dma_wait3A_301 : memref<!tpu.dma_semaphore, #tpu.memory_space<semaphore_mem>>) src(%dma_wait3A_299 : memref<100000x128xf32, #tpu.memory_space<hbm>>) dst(%dma_wait3A_293 : memref<128x128xf32, #tpu.memory_space<vmem>>)
    %dma_start3A_302 = arith.constant 4 : i32
    %dma_start3A_303 = arith.constant 4 : i32
    %dma_start3A_304 = arith.constant 0 : i32
    %dma_start3A_305 = arith.constant 0 : i32
    %dma_start3A_306 = tpu.memref_slice %arg18[%dma_start3A_302, %dma_start3A_304, %dma_start3A_305] : memref<6x128x128xf32, #tpu.memory_space<vmem>> -> memref<1x128x128xf32, #tpu.memory_space<vmem>>
    %dma_start3A_307 = tpu.memref_squeeze %dma_start3A_306 : memref<1x128x128xf32, #tpu.memory_space<vmem>> -> memref<128x128xf32, #tpu.memory_space<vmem>>
    %dma_start3A_308 = arith.constant 0 : i32
    %dma_start3A_309 = tpu.memref_slice %arg15[%mul3A_2, %dma_start3A_308] : memref<4096x128xf32, #tpu.memory_space<hbm>> -> memref<128x128xf32, #tpu.memory_space<hbm>>
    %dma_start3A_310 = tpu.memref_slice %arg21[%dma_start3A_303] : memref<6x!tpu.dma_semaphore, #tpu.memory_space<semaphore_mem>> -> memref<1x!tpu.dma_semaphore, #tpu.memory_space<semaphore_mem>>
    %dma_start3A_311 = tpu.memref_squeeze %dma_start3A_310 : memref<1x!tpu.dma_semaphore, #tpu.memory_space<semaphore_mem>> -> memref<!tpu.dma_semaphore, #tpu.memory_space<semaphore_mem>>
    %dma_start3A_312 = arith.constant 0 : i32
    %dma_start3A_313 = tpu.memref_slice %arg15[%mul3A_2, %dma_start3A_312] : memref<4096x128xf32, #tpu.memory_space<hbm>> -> memref<128x128xf32, #tpu.memory_space<hbm>>
    %dma_start3A_314 = arith.constant 0 : i32
    %dma_start3A_315 = arith.constant 0 : i32
    %dma_start3A_316 = tpu.memref_slice %arg18[%dma_start3A_302, %dma_start3A_314, %dma_start3A_315] : memref<6x128x128xf32, #tpu.memory_space<vmem>> -> memref<1x128x128xf32, #tpu.memory_space<vmem>>
    %dma_start3A_317 = tpu.memref_squeeze %dma_start3A_316 : memref<1x128x128xf32, #tpu.memory_space<vmem>> -> memref<128x128xf32, #tpu.memory_space<vmem>>
    tpu.enqueue_dma source(%dma_start3A_317 : memref<128x128xf32, #tpu.memory_space<vmem>>) target(%dma_start3A_313 : memref<128x128xf32, #tpu.memory_space<hbm>>) target_semaphore(%dma_start3A_311 : memref<!tpu.dma_semaphore, #tpu.memory_space<semaphore_mem>>)
    %dma_wait3A_318 = arith.constant 2 : i32
    %dma_wait3A_319 = arith.constant 5 : i32
    %dma_wait3A_320 = arith.constant 5 : i32
    %dma_wait3A_321 = arith.constant 0 : i32
    %dma_wait3A_322 = arith.constant 0 : i32
    %dma_wait3A_323 = tpu.memref_slice %arg18[%dma_wait3A_319, %dma_wait3A_321, %dma_wait3A_322] : memref<6x128x128xf32, #tpu.memory_space<vmem>> -> memref<1x128x128xf32, #tpu.memory_space<vmem>>
    %dma_wait3A_324 = tpu.memref_squeeze %dma_wait3A_323 : memref<1x128x128xf32, #tpu.memory_space<vmem>> -> memref<128x128xf32, #tpu.memory_space<vmem>>
    %dma_wait3A_325 = arith.constant 0 : i32
    %dma_wait3A_326 = tpu.memref_slice %arg17[%dma_wait3A_318, %dma_wait3A_325] : memref<3x128xi32, #tpu.memory_space<vmem>> -> memref<1x128xi32, #tpu.memory_space<vmem>>
    %dma_wait3A_327 = tpu.memref_squeeze %dma_wait3A_326 : memref<1x128xi32, #tpu.memory_space<vmem>> -> memref<128xi32, #tpu.memory_space<vmem>>
    %dma_wait3A_328 = arith.constant 0 : i32
    %dma_wait3A_329 = arith.constant 0 : i32
    %dma_wait3A_330 = tpu.memref_slice %arg7[%dma_wait3A_328, %dma_wait3A_329] : memref<100000x128xf32, #tpu.memory_space<hbm>> -> memref<100000x128xf32, #tpu.memory_space<hbm>>
    %dma_wait3A_331 = tpu.memref_slice %arg20[%dma_wait3A_320] : memref<6x!tpu.dma_semaphore, #tpu.memory_space<semaphore_mem>> -> memref<1x!tpu.dma_semaphore, #tpu.memory_space<semaphore_mem>>
    %dma_wait3A_332 = tpu.memref_squeeze %dma_wait3A_331 : memref<1x!tpu.dma_semaphore, #tpu.memory_space<semaphore_mem>> -> memref<!tpu.dma_semaphore, #tpu.memory_space<semaphore_mem>>
    tpu.wait_indirect_dma semaphore(%dma_wait3A_332 : memref<!tpu.dma_semaphore, #tpu.memory_space<semaphore_mem>>) src(%dma_wait3A_330 : memref<100000x128xf32, #tpu.memory_space<hbm>>) dst(%dma_wait3A_324 : memref<128x128xf32, #tpu.memory_space<vmem>>)
    %dma_start3A_333 = arith.constant 5 : i32
    %dma_start3A_334 = arith.constant 5 : i32
    %dma_start3A_335 = arith.constant 0 : i32
    %dma_start3A_336 = arith.constant 0 : i32
    %dma_start3A_337 = tpu.memref_slice %arg18[%dma_start3A_333, %dma_start3A_335, %dma_start3A_336] : memref<6x128x128xf32, #tpu.memory_space<vmem>> -> memref<1x128x128xf32, #tpu.memory_space<vmem>>
    %dma_start3A_338 = tpu.memref_squeeze %dma_start3A_337 : memref<1x128x128xf32, #tpu.memory_space<vmem>> -> memref<128x128xf32, #tpu.memory_space<vmem>>
    %dma_start3A_339 = arith.constant 0 : i32
    %dma_start3A_340 = tpu.memref_slice %arg16[%mul3A_2, %dma_start3A_339] : memref<4096x128xf32, #tpu.memory_space<hbm>> -> memref<128x128xf32, #tpu.memory_space<hbm>>
    %dma_start3A_341 = tpu.memref_slice %arg21[%dma_start3A_334] : memref<6x!tpu.dma_semaphore, #tpu.memory_space<semaphore_mem>> -> memref<1x!tpu.dma_semaphore, #tpu.memory_space<semaphore_mem>>
    %dma_start3A_342 = tpu.memref_squeeze %dma_start3A_341 : memref<1x!tpu.dma_semaphore, #tpu.memory_space<semaphore_mem>> -> memref<!tpu.dma_semaphore, #tpu.memory_space<semaphore_mem>>
    %dma_start3A_343 = arith.constant 0 : i32
    %dma_start3A_344 = tpu.memref_slice %arg16[%mul3A_2, %dma_start3A_343] : memref<4096x128xf32, #tpu.memory_space<hbm>> -> memref<128x128xf32, #tpu.memory_space<hbm>>
    %dma_start3A_345 = arith.constant 0 : i32
    %dma_start3A_346 = arith.constant 0 : i32
    %dma_start3A_347 = tpu.memref_slice %arg18[%dma_start3A_333, %dma_start3A_345, %dma_start3A_346] : memref<6x128x128xf32, #tpu.memory_space<vmem>> -> memref<1x128x128xf32, #tpu.memory_space<vmem>>
    %dma_start3A_348 = tpu.memref_squeeze %dma_start3A_347 : memref<1x128x128xf32, #tpu.memory_space<vmem>> -> memref<128x128xf32, #tpu.memory_space<vmem>>
    tpu.enqueue_dma source(%dma_start3A_348 : memref<128x128xf32, #tpu.memory_space<vmem>>) target(%dma_start3A_344 : memref<128x128xf32, #tpu.memory_space<hbm>>) target_semaphore(%dma_start3A_342 : memref<!tpu.dma_semaphore, #tpu.memory_space<semaphore_mem>>)
    %dma_wait3A_349 = arith.constant 0 : i32
    %dma_wait3A_350 = arith.constant 0 : i32
    %dma_wait3A_351 = arith.constant 0 : i32
    %dma_wait3A_352 = arith.constant 0 : i32
    %dma_wait3A_353 = tpu.memref_slice %arg18[%dma_wait3A_349, %dma_wait3A_351, %dma_wait3A_352] : memref<6x128x128xf32, #tpu.memory_space<vmem>> -> memref<1x128x128xf32, #tpu.memory_space<vmem>>
    %dma_wait3A_354 = tpu.memref_squeeze %dma_wait3A_353 : memref<1x128x128xf32, #tpu.memory_space<vmem>> -> memref<128x128xf32, #tpu.memory_space<vmem>>
    %dma_wait3A_355 = arith.constant 0 : i32
    %dma_wait3A_356 = tpu.memref_slice %arg11[%mul3A_2, %dma_wait3A_355] : memref<4096x128xf32, #tpu.memory_space<hbm>> -> memref<128x128xf32, #tpu.memory_space<hbm>>
    %dma_wait3A_357 = tpu.memref_slice %arg21[%dma_wait3A_350] : memref<6x!tpu.dma_semaphore, #tpu.memory_space<semaphore_mem>> -> memref<1x!tpu.dma_semaphore, #tpu.memory_space<semaphore_mem>>
    %dma_wait3A_358 = tpu.memref_squeeze %dma_wait3A_357 : memref<1x!tpu.dma_semaphore, #tpu.memory_space<semaphore_mem>> -> memref<!tpu.dma_semaphore, #tpu.memory_space<semaphore_mem>>
    %dma_wait3A_359 = arith.constant 0 : i32
    %dma_wait3A_360 = tpu.memref_slice %arg11[%mul3A_2, %dma_wait3A_359] : memref<4096x128xf32, #tpu.memory_space<hbm>> -> memref<128x128xf32, #tpu.memory_space<hbm>>
    %dma_wait3A_361 = arith.constant 0 : i32
    %dma_wait3A_362 = arith.constant 0 : i32
    %dma_wait3A_363 = tpu.memref_slice %arg18[%dma_wait3A_349, %dma_wait3A_361, %dma_wait3A_362] : memref<6x128x128xf32, #tpu.memory_space<vmem>> -> memref<1x128x128xf32, #tpu.memory_space<vmem>>
    %dma_wait3A_364 = tpu.memref_squeeze %dma_wait3A_363 : memref<1x128x128xf32, #tpu.memory_space<vmem>> -> memref<128x128xf32, #tpu.memory_space<vmem>>
    tpu.wait_dma2 semaphore(%dma_wait3A_358 : memref<!tpu.dma_semaphore, #tpu.memory_space<semaphore_mem>>) src(%dma_wait3A_364 : memref<128x128xf32, #tpu.memory_space<vmem>>) dst(%dma_wait3A_360 : memref<128x128xf32, #tpu.memory_space<hbm>>)
    %dma_wait3A_365 = arith.constant 1 : i32
    %dma_wait3A_366 = arith.constant 1 : i32
    %dma_wait3A_367 = arith.constant 0 : i32
    %dma_wait3A_368 = arith.constant 0 : i32
    %dma_wait3A_369 = tpu.memref_slice %arg18[%dma_wait3A_365, %dma_wait3A_367, %dma_wait3A_368] : memref<6x128x128xf32, #tpu.memory_space<vmem>> -> memref<1x128x128xf32, #tpu.memory_space<vmem>>
    %dma_wait3A_370 = tpu.memref_squeeze %dma_wait3A_369 : memref<1x128x128xf32, #tpu.memory_space<vmem>> -> memref<128x128xf32, #tpu.memory_space<vmem>>
    %dma_wait3A_371 = arith.constant 0 : i32
    %dma_wait3A_372 = tpu.memref_slice %arg12[%mul3A_2, %dma_wait3A_371] : memref<4096x128xf32, #tpu.memory_space<hbm>> -> memref<128x128xf32, #tpu.memory_space<hbm>>
    %dma_wait3A_373 = tpu.memref_slice %arg21[%dma_wait3A_366] : memref<6x!tpu.dma_semaphore, #tpu.memory_space<semaphore_mem>> -> memref<1x!tpu.dma_semaphore, #tpu.memory_space<semaphore_mem>>
    %dma_wait3A_374 = tpu.memref_squeeze %dma_wait3A_373 : memref<1x!tpu.dma_semaphore, #tpu.memory_space<semaphore_mem>> -> memref<!tpu.dma_semaphore, #tpu.memory_space<semaphore_mem>>
    %dma_wait3A_375 = arith.constant 0 : i32
    %dma_wait3A_376 = tpu.memref_slice %arg12[%mul3A_2, %dma_wait3A_375] : memref<4096x128xf32, #tpu.memory_space<hbm>> -> memref<128x128xf32, #tpu.memory_space<hbm>>
    %dma_wait3A_377 = arith.constant 0 : i32
    %dma_wait3A_378 = arith.constant 0 : i32
    %dma_wait3A_379 = tpu.memref_slice %arg18[%dma_wait3A_365, %dma_wait3A_377, %dma_wait3A_378] : memref<6x128x128xf32, #tpu.memory_space<vmem>> -> memref<1x128x128xf32, #tpu.memory_space<vmem>>
    %dma_wait3A_380 = tpu.memref_squeeze %dma_wait3A_379 : memref<1x128x128xf32, #tpu.memory_space<vmem>> -> memref<128x128xf32, #tpu.memory_space<vmem>>
    tpu.wait_dma2 semaphore(%dma_wait3A_374 : memref<!tpu.dma_semaphore, #tpu.memory_space<semaphore_mem>>) src(%dma_wait3A_380 : memref<128x128xf32, #tpu.memory_space<vmem>>) dst(%dma_wait3A_376 : memref<128x128xf32, #tpu.memory_space<hbm>>)
    %dma_wait3A_381 = arith.constant 2 : i32
    %dma_wait3A_382 = arith.constant 2 : i32
    %dma_wait3A_383 = arith.constant 0 : i32
    %dma_wait3A_384 = arith.constant 0 : i32
    %dma_wait3A_385 = tpu.memref_slice %arg18[%dma_wait3A_381, %dma_wait3A_383, %dma_wait3A_384] : memref<6x128x128xf32, #tpu.memory_space<vmem>> -> memref<1x128x128xf32, #tpu.memory_space<vmem>>
    %dma_wait3A_386 = tpu.memref_squeeze %dma_wait3A_385 : memref<1x128x128xf32, #tpu.memory_space<vmem>> -> memref<128x128xf32, #tpu.memory_space<vmem>>
    %dma_wait3A_387 = arith.constant 0 : i32
    %dma_wait3A_388 = tpu.memref_slice %arg13[%mul3A_2, %dma_wait3A_387] : memref<4096x128xf32, #tpu.memory_space<hbm>> -> memref<128x128xf32, #tpu.memory_space<hbm>>
    %dma_wait3A_389 = tpu.memref_slice %arg21[%dma_wait3A_382] : memref<6x!tpu.dma_semaphore, #tpu.memory_space<semaphore_mem>> -> memref<1x!tpu.dma_semaphore, #tpu.memory_space<semaphore_mem>>
    %dma_wait3A_390 = tpu.memref_squeeze %dma_wait3A_389 : memref<1x!tpu.dma_semaphore, #tpu.memory_space<semaphore_mem>> -> memref<!tpu.dma_semaphore, #tpu.memory_space<semaphore_mem>>
    %dma_wait3A_391 = arith.constant 0 : i32
    %dma_wait3A_392 = tpu.memref_slice %arg13[%mul3A_2, %dma_wait3A_391] : memref<4096x128xf32, #tpu.memory_space<hbm>> -> memref<128x128xf32, #tpu.memory_space<hbm>>
    %dma_wait3A_393 = arith.constant 0 : i32
    %dma_wait3A_394 = arith.constant 0 : i32
    %dma_wait3A_395 = tpu.memref_slice %arg18[%dma_wait3A_381, %dma_wait3A_393, %dma_wait3A_394] : memref<6x128x128xf32, #tpu.memory_space<vmem>> -> memref<1x128x128xf32, #tpu.memory_space<vmem>>
    %dma_wait3A_396 = tpu.memref_squeeze %dma_wait3A_395 : memref<1x128x128xf32, #tpu.memory_space<vmem>> -> memref<128x128xf32, #tpu.memory_space<vmem>>
    tpu.wait_dma2 semaphore(%dma_wait3A_390 : memref<!tpu.dma_semaphore, #tpu.memory_space<semaphore_mem>>) src(%dma_wait3A_396 : memref<128x128xf32, #tpu.memory_space<vmem>>) dst(%dma_wait3A_392 : memref<128x128xf32, #tpu.memory_space<hbm>>)
    %dma_wait3A_397 = arith.constant 3 : i32
    %dma_wait3A_398 = arith.constant 3 : i32
    %dma_wait3A_399 = arith.constant 0 : i32
    %dma_wait3A_400 = arith.constant 0 : i32
    %dma_wait3A_401 = tpu.memref_slice %arg18[%dma_wait3A_397, %dma_wait3A_399, %dma_wait3A_400] : memref<6x128x128xf32, #tpu.memory_space<vmem>> -> memref<1x128x128xf32, #tpu.memory_space<vmem>>
    %dma_wait3A_402 = tpu.memref_squeeze %dma_wait3A_401 : memref<1x128x128xf32, #tpu.memory_space<vmem>> -> memref<128x128xf32, #tpu.memory_space<vmem>>
    %dma_wait3A_403 = arith.constant 0 : i32
    %dma_wait3A_404 = tpu.memref_slice %arg14[%mul3A_2, %dma_wait3A_403] : memref<4096x128xf32, #tpu.memory_space<hbm>> -> memref<128x128xf32, #tpu.memory_space<hbm>>
    %dma_wait3A_405 = tpu.memref_slice %arg21[%dma_wait3A_398] : memref<6x!tpu.dma_semaphore, #tpu.memory_space<semaphore_mem>> -> memref<1x!tpu.dma_semaphore, #tpu.memory_space<semaphore_mem>>
    %dma_wait3A_406 = tpu.memref_squeeze %dma_wait3A_405 : memref<1x!tpu.dma_semaphore, #tpu.memory_space<semaphore_mem>> -> memref<!tpu.dma_semaphore, #tpu.memory_space<semaphore_mem>>
    %dma_wait3A_407 = arith.constant 0 : i32
    %dma_wait3A_408 = tpu.memref_slice %arg14[%mul3A_2, %dma_wait3A_407] : memref<4096x128xf32, #tpu.memory_space<hbm>> -> memref<128x128xf32, #tpu.memory_space<hbm>>
    %dma_wait3A_409 = arith.constant 0 : i32
    %dma_wait3A_410 = arith.constant 0 : i32
    %dma_wait3A_411 = tpu.memref_slice %arg18[%dma_wait3A_397, %dma_wait3A_409, %dma_wait3A_410] : memref<6x128x128xf32, #tpu.memory_space<vmem>> -> memref<1x128x128xf32, #tpu.memory_space<vmem>>
    %dma_wait3A_412 = tpu.memref_squeeze %dma_wait3A_411 : memref<1x128x128xf32, #tpu.memory_space<vmem>> -> memref<128x128xf32, #tpu.memory_space<vmem>>
    tpu.wait_dma2 semaphore(%dma_wait3A_406 : memref<!tpu.dma_semaphore, #tpu.memory_space<semaphore_mem>>) src(%dma_wait3A_412 : memref<128x128xf32, #tpu.memory_space<vmem>>) dst(%dma_wait3A_408 : memref<128x128xf32, #tpu.memory_space<hbm>>)
    %dma_wait3A_413 = arith.constant 4 : i32
    %dma_wait3A_414 = arith.constant 4 : i32
    %dma_wait3A_415 = arith.constant 0 : i32
    %dma_wait3A_416 = arith.constant 0 : i32
    %dma_wait3A_417 = tpu.memref_slice %arg18[%dma_wait3A_413, %dma_wait3A_415, %dma_wait3A_416] : memref<6x128x128xf32, #tpu.memory_space<vmem>> -> memref<1x128x128xf32, #tpu.memory_space<vmem>>
    %dma_wait3A_418 = tpu.memref_squeeze %dma_wait3A_417 : memref<1x128x128xf32, #tpu.memory_space<vmem>> -> memref<128x128xf32, #tpu.memory_space<vmem>>
    %dma_wait3A_419 = arith.constant 0 : i32
    %dma_wait3A_420 = tpu.memref_slice %arg15[%mul3A_2, %dma_wait3A_419] : memref<4096x128xf32, #tpu.memory_space<hbm>> -> memref<128x128xf32, #tpu.memory_space<hbm>>
    %dma_wait3A_421 = tpu.memref_slice %arg21[%dma_wait3A_414] : memref<6x!tpu.dma_semaphore, #tpu.memory_space<semaphore_mem>> -> memref<1x!tpu.dma_semaphore, #tpu.memory_space<semaphore_mem>>
    %dma_wait3A_422 = tpu.memref_squeeze %dma_wait3A_421 : memref<1x!tpu.dma_semaphore, #tpu.memory_space<semaphore_mem>> -> memref<!tpu.dma_semaphore, #tpu.memory_space<semaphore_mem>>
    %dma_wait3A_423 = arith.constant 0 : i32
    %dma_wait3A_424 = tpu.memref_slice %arg15[%mul3A_2, %dma_wait3A_423] : memref<4096x128xf32, #tpu.memory_space<hbm>> -> memref<128x128xf32, #tpu.memory_space<hbm>>
    %dma_wait3A_425 = arith.constant 0 : i32
    %dma_wait3A_426 = arith.constant 0 : i32
    %dma_wait3A_427 = tpu.memref_slice %arg18[%dma_wait3A_413, %dma_wait3A_425, %dma_wait3A_426] : memref<6x128x128xf32, #tpu.memory_space<vmem>> -> memref<1x128x128xf32, #tpu.memory_space<vmem>>
    %dma_wait3A_428 = tpu.memref_squeeze %dma_wait3A_427 : memref<1x128x128xf32, #tpu.memory_space<vmem>> -> memref<128x128xf32, #tpu.memory_space<vmem>>
    tpu.wait_dma2 semaphore(%dma_wait3A_422 : memref<!tpu.dma_semaphore, #tpu.memory_space<semaphore_mem>>) src(%dma_wait3A_428 : memref<128x128xf32, #tpu.memory_space<vmem>>) dst(%dma_wait3A_424 : memref<128x128xf32, #tpu.memory_space<hbm>>)
    %dma_wait3A_429 = arith.constant 5 : i32
    %dma_wait3A_430 = arith.constant 5 : i32
    %dma_wait3A_431 = arith.constant 0 : i32
    %dma_wait3A_432 = arith.constant 0 : i32
    %dma_wait3A_433 = tpu.memref_slice %arg18[%dma_wait3A_429, %dma_wait3A_431, %dma_wait3A_432] : memref<6x128x128xf32, #tpu.memory_space<vmem>> -> memref<1x128x128xf32, #tpu.memory_space<vmem>>
    %dma_wait3A_434 = tpu.memref_squeeze %dma_wait3A_433 : memref<1x128x128xf32, #tpu.memory_space<vmem>> -> memref<128x128xf32, #tpu.memory_space<vmem>>
    %dma_wait3A_435 = arith.constant 0 : i32
    %dma_wait3A_436 = tpu.memref_slice %arg16[%mul3A_2, %dma_wait3A_435] : memref<4096x128xf32, #tpu.memory_space<hbm>> -> memref<128x128xf32, #tpu.memory_space<hbm>>
    %dma_wait3A_437 = tpu.memref_slice %arg21[%dma_wait3A_430] : memref<6x!tpu.dma_semaphore, #tpu.memory_space<semaphore_mem>> -> memref<1x!tpu.dma_semaphore, #tpu.memory_space<semaphore_mem>>
    %dma_wait3A_438 = tpu.memref_squeeze %dma_wait3A_437 : memref<1x!tpu.dma_semaphore, #tpu.memory_space<semaphore_mem>> -> memref<!tpu.dma_semaphore, #tpu.memory_space<semaphore_mem>>
    %dma_wait3A_439 = arith.constant 0 : i32
    %dma_wait3A_440 = tpu.memref_slice %arg16[%mul3A_2, %dma_wait3A_439] : memref<4096x128xf32, #tpu.memory_space<hbm>> -> memref<128x128xf32, #tpu.memory_space<hbm>>
    %dma_wait3A_441 = arith.constant 0 : i32
    %dma_wait3A_442 = arith.constant 0 : i32
    %dma_wait3A_443 = tpu.memref_slice %arg18[%dma_wait3A_429, %dma_wait3A_441, %dma_wait3A_442] : memref<6x128x128xf32, #tpu.memory_space<vmem>> -> memref<1x128x128xf32, #tpu.memory_space<vmem>>
    %dma_wait3A_444 = tpu.memref_squeeze %dma_wait3A_443 : memref<1x128x128xf32, #tpu.memory_space<vmem>> -> memref<128x128xf32, #tpu.memory_space<vmem>>
    tpu.wait_dma2 semaphore(%dma_wait3A_438 : memref<!tpu.dma_semaphore, #tpu.memory_space<semaphore_mem>>) src(%dma_wait3A_444 : memref<128x128xf32, #tpu.memory_space<vmem>>) dst(%dma_wait3A_440 : memref<128x128xf32, #tpu.memory_space<hbm>>)
    return
  }
}

module attributes {stable_mosaic.version = 14 : i64} {
  func.func @_tc_finish(%arg0: memref<4096x16xf32, #tpu.memory_space<vmem>>, %arg1: memref<4096xf32, #tpu.memory_space<vmem>>) attributes {dimension_semantics = [], scalar_prefetch = 0 : i64, scratch_operands = 0 : i64, tpu.core_type = #tpu.core_type<tc>} {
    %get3A = arith.constant 0 : index
    %get3A_0 = arith.constant 0 : index
    %get3A_1 = vector.load %arg0[%get3A, %get3A_0] : memref<4096x16xf32, #tpu.memory_space<vmem>>, vector<4096x16xf32>
    %reduce_sum3A = arith.constant dense<0.000000e+00> : vector<4096xf32>
    %reduce_sum3A_2 = vector.multi_reduction <add>, %get3A_1, %reduce_sum3A [1] : vector<4096x16xf32> to vector<4096xf32>
    %logistic3A = arith.negf %reduce_sum3A_2 : vector<4096xf32>
    %logistic3A_3 = math.exp %logistic3A : vector<4096xf32>
    %logistic3A_4 = arith.constant 1.000000e+00 : f32
    %logistic3A_5 = vector.broadcast %logistic3A_4 : f32 to vector<4096xf32>
    %logistic3A_6 = arith.addf %logistic3A_5, %logistic3A_3 : vector<4096xf32>
    %logistic3A_7 = arith.divf %logistic3A_5, %logistic3A_6 : vector<4096xf32>
    %swap3A = arith.constant 0 : index
    %swap3A_8 = vector.load %arg1[%swap3A] : memref<4096xf32, #tpu.memory_space<vmem>>, vector<4096xf32>
    tpu.vector_store %arg1[%swap3A], %logistic3A_7 {strides = array<i32>} : memref<4096xf32, #tpu.memory_space<vmem>>, vector<4096xf32>,
    return
  }
}

module attributes {stable_mosaic.version = 14 : i64} {
  func.func @_tc_gram(%arg0: memref<4096x128xf32, #tpu.memory_space<vmem>>, %arg1: memref<4096x128xf32, #tpu.memory_space<vmem>>, %arg2: memref<4096x128xf32, #tpu.memory_space<vmem>>, %arg3: memref<4096x128xf32, #tpu.memory_space<vmem>>, %arg4: memref<4096x128xf32, #tpu.memory_space<vmem>>, %arg5: memref<4096x128xf32, #tpu.memory_space<vmem>>, %arg6: memref<1x1xf32, #tpu.memory_space<vmem>>) attributes {dimension_semantics = [], scalar_prefetch = 0 : i64, scratch_operands = 0 : i64, tpu.core_type = #tpu.core_type<tc>} {
    %get3A = arith.constant 0 : index
    %get3A_0 = arith.constant 0 : index
    %get3A_1 = vector.load %arg0[%get3A, %get3A_0] : memref<4096x128xf32, #tpu.memory_space<vmem>>, vector<4096x128xf32>
    %get3A_2 = arith.constant 0 : index
    %get3A_3 = arith.constant 0 : index
    %get3A_4 = vector.load %arg1[%get3A_2, %get3A_3] : memref<4096x128xf32, #tpu.memory_space<vmem>>, vector<4096x128xf32>
    %dot_general3A = arith.constant dense<0.000000e+00> : vector<128x128xf32>
    %dot_general3A_5 = tpu.matmul %get3A_1, %get3A_1, %dot_general3A {dimension_numbers = #tpu.dot_dimension_numbers<[0], [0], [1], [1], [0, 1, 1, 1], [], []>, transpose_lhs_hint = false} : vector<4096x128xf32>, vector<4096x128xf32>, vector<128x128xf32> -> vector<128x128xf32>
    %dot_general3A_6 = arith.constant dense<0.000000e+00> : vector<128x128xf32>
    %dot_general3A_7 = tpu.matmul %get3A_4, %get3A_4, %dot_general3A_6 {dimension_numbers = #tpu.dot_dimension_numbers<[0], [0], [1], [1], [0, 1, 1, 1], [], []>, transpose_lhs_hint = false} : vector<4096x128xf32>, vector<4096x128xf32>, vector<128x128xf32> -> vector<128x128xf32>
    %add3A = arith.addf %dot_general3A_5, %dot_general3A_7 : vector<128x128xf32>
    %mul3A = arith.mulf %add3A, %add3A : vector<128x128xf32>
    %reduce_sum3A = vector.shape_cast %mul3A : vector<128x128xf32> to vector<1x128x128xf32>
    %reduce_sum3A_8 = arith.constant dense<0.000000e+00> : vector<1xf32>
    %reduce_sum3A_9 = vector.multi_reduction <add>, %reduce_sum3A, %reduce_sum3A_8 [1, 2] : vector<1x128x128xf32> to vector<1xf32>
    %reduce_sum3A_10 = vector.shape_cast %reduce_sum3A_9 : vector<1xf32> to vector<1x1x1xf32>
    %reduce_sum3A_11 = vector.extract %reduce_sum3A_10[0, 0, 0] : f32 from vector<1x1x1xf32>
    %sqrt3A = math.sqrt %reduce_sum3A_11 : f32
    %get3A_12 = arith.constant 0 : index
    %get3A_13 = arith.constant 0 : index
    %get3A_14 = vector.load %arg2[%get3A_12, %get3A_13] : memref<4096x128xf32, #tpu.memory_space<vmem>>, vector<4096x128xf32>
    %get3A_15 = arith.constant 0 : index
    %get3A_16 = arith.constant 0 : index
    %get3A_17 = vector.load %arg3[%get3A_15, %get3A_16] : memref<4096x128xf32, #tpu.memory_space<vmem>>, vector<4096x128xf32>
    %dot_general3A_18 = arith.constant dense<0.000000e+00> : vector<128x128xf32>
    %dot_general3A_19 = tpu.matmul %get3A_14, %get3A_14, %dot_general3A_18 {dimension_numbers = #tpu.dot_dimension_numbers<[0], [0], [1], [1], [0, 1, 1, 1], [], []>, transpose_lhs_hint = false} : vector<4096x128xf32>, vector<4096x128xf32>, vector<128x128xf32> -> vector<128x128xf32>
    %dot_general3A_20 = arith.constant dense<0.000000e+00> : vector<128x128xf32>
    %dot_general3A_21 = tpu.matmul %get3A_17, %get3A_17, %dot_general3A_20 {dimension_numbers = #tpu.dot_dimension_numbers<[0], [0], [1], [1], [0, 1, 1, 1], [], []>, transpose_lhs_hint = false} : vector<4096x128xf32>, vector<4096x128xf32>, vector<128x128xf32> -> vector<128x128xf32>
    %add3A_22 = arith.addf %dot_general3A_19, %dot_general3A_21 : vector<128x128xf32>
    %mul3A_23 = arith.mulf %add3A_22, %add3A_22 : vector<128x128xf32>
    %reduce_sum3A_24 = vector.shape_cast %mul3A_23 : vector<128x128xf32> to vector<1x128x128xf32>
    %reduce_sum3A_25 = arith.constant dense<0.000000e+00> : vector<1xf32>
    %reduce_sum3A_26 = vector.multi_reduction <add>, %reduce_sum3A_24, %reduce_sum3A_25 [1, 2] : vector<1x128x128xf32> to vector<1xf32>
    %reduce_sum3A_27 = vector.shape_cast %reduce_sum3A_26 : vector<1xf32> to vector<1x1x1xf32>
    %reduce_sum3A_28 = vector.extract %reduce_sum3A_27[0, 0, 0] : f32 from vector<1x1x1xf32>
    %sqrt3A_29 = math.sqrt %reduce_sum3A_28 : f32
    %add3A_30 = arith.addf %sqrt3A, %sqrt3A_29 : f32
    %get3A_31 = arith.constant 0 : index
    %get3A_32 = arith.constant 0 : index
    %get3A_33 = vector.load %arg4[%get3A_31, %get3A_32] : memref<4096x128xf32, #tpu.memory_space<vmem>>, vector<4096x128xf32>
    %get3A_34 = arith.constant 0 : index
    %get3A_35 = arith.constant 0 : index
    %get3A_36 = vector.load %arg5[%get3A_34, %get3A_35] : memref<4096x128xf32, #tpu.memory_space<vmem>>, vector<4096x128xf32>
    %dot_general3A_37 = arith.constant dense<0.000000e+00> : vector<128x128xf32>
    %dot_general3A_38 = tpu.matmul %get3A_33, %get3A_33, %dot_general3A_37 {dimension_numbers = #tpu.dot_dimension_numbers<[0], [0], [1], [1], [0, 1, 1, 1], [], []>, transpose_lhs_hint = false} : vector<4096x128xf32>, vector<4096x128xf32>, vector<128x128xf32> -> vector<128x128xf32>
    %dot_general3A_39 = arith.constant dense<0.000000e+00> : vector<128x128xf32>
    %dot_general3A_40 = tpu.matmul %get3A_36, %get3A_36, %dot_general3A_39 {dimension_numbers = #tpu.dot_dimension_numbers<[0], [0], [1], [1], [0, 1, 1, 1], [], []>, transpose_lhs_hint = false} : vector<4096x128xf32>, vector<4096x128xf32>, vector<128x128xf32> -> vector<128x128xf32>
    %add3A_41 = arith.addf %dot_general3A_38, %dot_general3A_40 : vector<128x128xf32>
    %mul3A_42 = arith.mulf %add3A_41, %add3A_41 : vector<128x128xf32>
    %reduce_sum3A_43 = vector.shape_cast %mul3A_42 : vector<128x128xf32> to vector<1x128x128xf32>
    %reduce_sum3A_44 = arith.constant dense<0.000000e+00> : vector<1xf32>
    %reduce_sum3A_45 = vector.multi_reduction <add>, %reduce_sum3A_43, %reduce_sum3A_44 [1, 2] : vector<1x128x128xf32> to vector<1xf32>
    %reduce_sum3A_46 = vector.shape_cast %reduce_sum3A_45 : vector<1xf32> to vector<1x1x1xf32>
    %reduce_sum3A_47 = vector.extract %reduce_sum3A_46[0, 0, 0] : f32 from vector<1x1x1xf32>
    %sqrt3A_48 = math.sqrt %reduce_sum3A_47 : f32
    %add3A_49 = arith.addf %add3A_30, %sqrt3A_48 : f32
    %reshape3A = vector.broadcast %add3A_49 : f32 to vector<1x1xf32>
    %swap3A = arith.constant 0 : index
    %swap3A_50 = arith.constant 0 : index
    %swap3A_51 = vector.load %arg6[%swap3A, %swap3A_50] : memref<1x1xf32, #tpu.memory_space<vmem>>, vector<1x1xf32>
    tpu.vector_store %arg6[%swap3A, %swap3A_50], %reshape3A {strides = array<i32>} : memref<1x1xf32, #tpu.memory_space<vmem>>, vector<1x1xf32>,
    return
  }
}

</mosaic_0001>

<sc_bundles>
// kernel: kernel.6.cloned.1.call-start
scs
__scs_entry_jumppad:
0x0: {  	(pc) =	sbr.rel $0x88, $3  }
0x1: {  	(tag) =	ssettag $0x0;
	lr =	simm.s32 $0x1  }
0x2: {  	[smem:$0x3F97] =	sst lr;
	_ =	strace $0xD0000000  }
0x3: {  	_ = 	snop  }
0x4: {  	_ = 	snop  }
0x5: {  	_ = 	snop  }
0x6: {  	_ = 	snop  }
0x7: {  	_ = 	snop  }
__scs_overlays_trampoline_lowered:
0x8: {  	[smem:$0x3FA6] =	sst s0  }
0x9: {  	[smem:$0x3FA7] =	sst s1  }
0xa: {  	[smem:$0x3FA8] =	sst s2  }
0xb: {  	[smem:$0x3FA9] =	sst s3  }
0xc: {  	[smem:$0x3FAA] =	sst s4  }
0xd: {  	[smem:$0x3FAB] =	sst s5  }
0xe: {  	[smem:$0x3FAC] =	sst s6  }
0xf: {  	[smem:$0x3FAD] =	sst s7  }
0x10: {  	[smem:$0x3FAE] =	sst s8  }
0x11: {  	[smem:$0x3FAF] =	sst s9;
	s0 =	simm.s32 @!p0 $0x0  }
0x12: {  	s1 =	sld [smem:$0x3F95];
	s0 =	simm.s32 @p0 $0x1  }
0x13: {  	[smem:$0x3FB0] =	sst s0;
	s0 =	simm.s32 @!p1 $0x0  }
0x14: {  	s2 =	sld [smem:$0x3F94];
	s0 =	simm.s32 @p1 $0x1  }
0x15: {  	[smem:$0x3FB1] =	sst s0;
	s0 =	simm.s32 @!p2 $0x0  }
0x16: {  	s3 =	sld [smem:$0x3FDB];
	s0 =	simm.s32 @p2 $0x1  }
0x17: {  	s4 =	simm.s32 $0x1BF5;
	[smem:$0x3FB3] =	sst s0  }
0x18: {  	s0 =	sld [smem:$0x3F96];
	_ =	swait.ge [sflag:s4], $0x0  }
0x19: {  	s7 =	sld [smem:$0x3F97]  }
0x1a: {  	s8 =	sadd.s32 $0xFFFFE003, lr  }
0x1b: {  	s9 =	sadd.s32 $0xFFFFFEF7, lr;
	s5 =	simm.s32 $0xFFFFFFFF;
	p2 =	slt.u32 s8, $0xFFFFF086  }
0x1c: {  	p1 =	slt.u32 s9, $0xF7A;
	s5 =	simm.s32 @!p2 $0x0  }
0x1d: {  	s5 =	simm.s32 @p1 $0x1;
	p0 =	seq.s32 s7, s2  }
0x1e: {  	s7 =	smul.u32 @!p0 $0xF7A, s2;
	p2 =	seq.s32 @!p0 s5, $0x0  }
0x1f: {  	s9 =	smul.u32 $0xF7A, s1;
	s8 =	simm.s32 @!p0 $0x1BF5;
	p2 =	por !p2, p0  }
0x20: {  	[sflag:s8] =	ssyncset.s32 @!p0 $0xFFFFF086;
	s6 =	sadd.s32 @!p0 s3, s7;
	s7 =	simm.s32 @!p0 $0x108  }
0x21: {  	s3 =	sadd.s32 s3, s9;
	s6 =	sadd.s32 @!p0 $0x88, s6;
	s7 =	simm.s32 @p2 $0x1082  }
0x22: {  	[simem:s7], [sflag:s8] =	dma.local @!p0 [hbm:s6], $0xF7A  }
0x23: {  	s9 =	sor.u32 $0xD0000000, s2;
	s6 =	simm.s32 $0x108;
	_ =	swait.ge @!p0 [sflag:s8], $0x0  }
0x24: {  	s3 =	sadd.s32 $0x88, s3;
	s6 =	simm.s32 @!p1 $0x1082;
	[sflag:s4] =	ssyncset.s32 $0xFFFFF086  }
0x25: {  	[simem:s6], [sflag:s4] =	dma.local [hbm:s3], $0xF7A  }
0x26: {  	[smem:$0x3F97] =	sst s1;
	(tag) =	ssettag s2;
	_ =	strace s9  }
0x27: {  	s1 =	sld [smem:$0x3FA7]  }
0x28: {  	s2 =	sld [smem:$0x3FA8]  }
0x29: {  	s4 =	sld [smem:$0x3FAA]  }
0x2a: {  	p0 =	seq.s32 s5, $0x0;
	s5 =	sld [smem:$0x3FAB]  }
0x2b: {  	s6 =	sld [smem:$0x3FAC]  }
0x2c: {  	s7 =	sld [smem:$0x3FAD]  }
0x2d: {  	s3 =	simm.s32 $0x108;
	s8 =	sld [smem:$0x3FAE]  }
0x2e: {  	s3 =	simm.s32 @!p0 $0x1082;
	s9 =	sld [smem:$0x3FAF]  }
0x2f: {  	lr =	sadd.s32 s0, s3;
	s0 =	sld [smem:$0x3FA6]  }
0x30: {  	s3 =	sld [smem:$0x3FA9]  }
0x31: {  	[smem:$0x3FB2] =	sst s10  }
0x32: {  	s10 =	sld [smem:$0x3FB0];
	_ =	sdelay $0x3  }
0x33: {  	p0 =	seq.s32 s10, $0x1;
	s10 =	sld [smem:$0x3FB2];
	_ =	sdelay $0x3  }
0x34: {  	[smem:$0x3FB2] =	sst s10  }
0x35: {  	s10 =	sld [smem:$0x3FB1];
	_ =	sdelay $0x3  }
0x36: {  	p1 =	seq.s32 s10, $0x1;
	s10 =	sld [smem:$0x3FB2];
	_ =	sdelay $0x3  }
0x37: {  	[smem:$0x3FB2] =	sst s10  }
0x38: {  	s10 =	sld [smem:$0x3FB3]  }
0x39: {  	_ = 	snop;
	(pc) =	sbr.ind lr, $3  }
0x3a: {  	_ = 	snop  }
0x3b: {  	_ = 	snop  }
0x3c: {  	p2 =	seq.s32 s10, $0x1;
	s10 =	sld [smem:$0x3FB2]  }
0x3d: {  	_ =	shalt  }
0x3e: {  	_ =	shalt  }
0x3f: {  	_ =	shalt  }
0x40: {  	_ =	shalt  }
0x41: {  	_ =	shalt  }
0x42: {  	_ =	shalt  }
0x43: {  	_ =	shalt  }
0x44: {  	_ =	shalt  }
0x45: {  	_ =	shalt  }
0x46: {  	_ =	shalt  }
0x47: {  	_ =	shalt  }
0x48: {  	_ =	shalt  }
0x49: {  	_ =	shalt  }
0x4a: {  	_ =	shalt  }
0x4b: {  	_ =	shalt  }
0x4c: {  	_ =	shalt  }
0x4d: {  	_ =	shalt  }
0x4e: {  	_ =	shalt  }
0x4f: {  	_ =	shalt  }
0x50: {  	_ =	shalt  }
0x51: {  	_ =	shalt  }
0x52: {  	_ =	shalt  }
0x53: {  	_ =	shalt  }
0x54: {  	_ =	shalt  }
0x55: {  	_ =	shalt  }
0x56: {  	_ =	shalt  }
0x57: {  	_ =	shalt  }
0x58: {  	_ =	shalt  }
0x59: {  	_ =	shalt  }
0x5a: {  	_ =	shalt  }
0x5b: {  	_ =	shalt  }
0x5c: {  	_ =	shalt  }
0x5d: {  	_ =	shalt  }
0x5e: {  	_ =	shalt  }
0x5f: {  	_ =	shalt  }
0x60: {  	_ =	shalt  }
0x61: {  	_ =	shalt  }
0x62: {  	_ =	shalt  }
0x63: {  	_ =	shalt  }
0x64: {  	_ =	shalt  }
0x65: {  	_ =	shalt  }
0x66: {  	_ =	shalt  }
0x67: {  	_ =	shalt  }
0x68: {  	_ =	shalt  }
0x69: {  	_ =	shalt  }
0x6a: {  	_ =	shalt  }
0x6b: {  	_ =	shalt  }
0x6c: {  	_ =	shalt  }
0x6d: {  	_ =	shalt  }
0x6e: {  	_ =	shalt  }
0x6f: {  	_ =	shalt  }
0x70: {  	_ =	shalt  }
0x71: {  	_ =	shalt  }
0x72: {  	_ =	shalt  }
0x73: {  	_ =	shalt  }
0x74: {  	_ =	shalt  }
0x75: {  	_ =	shalt  }
0x76: {  	_ =	shalt  }
0x77: {  	_ =	shalt  }
0x78: {  	_ =	shalt  }
0x79: {  	_ =	shalt  }
0x7a: {  	_ =	shalt  }
0x7b: {  	_ =	shalt  }
0x7c: {  	_ =	shalt  }
0x7d: {  	_ =	shalt  }
0x7e: {  	_ =	shalt  }
0x7f: {  	_ =	shalt  }
0x80: {  	_ =	shalt  }
0x81: {  	_ =	shalt  }
0x82: {  	_ =	shalt  }
0x83: {  	_ =	shalt  }
0x84: {  	_ =	shalt  }
0x85: {  	_ =	shalt  }
0x86: {  	_ =	shalt  }
0x87: {  	_ =	shalt  }
.Lfunc_end0:
.L_simem_size_0:
called_computation_lowered:
.L_overlay_start_0:
0x88: {  	s2 =	sld [smem:$0x3FD9]  }
0x89: {  	s3 =	sld [smem:$0x3FFE];
	_ =	sdelay $0x1  }
0x8a: {  	s1 =	srdreg.scid  }
0x8b: {  	s0 =	sand.u32 $0x1, s1  }
0x8c: {  	s17 =	sshll.u32 s0, $0xA;
	s2 =	sadd.s32 s3, s2  }
0x8d: {  	s2 =	sadd.s32 s2, s17  }
0x8e: {  	[smem:$0x3FBE] =	sst s2  }
0x8f: {  	_ = 	snop  }
0x90: {  	s2 =	sld [smem:$0x3FC9]  }
0x91: {  	s18 =	sld [smem:$0x3FC8]  }
0x92: {  	s4 =	sld [smem:$0x3FC2]  }
0x93: {  	s5 =	sld [smem:$0x3FC1]  }
0x94: {  	s6 =	sld [smem:$0x3FC0];
	(tm) =	ssettm $0x1  }
0x95: {  	s7 =	sld [smem:$0x3FFB];
	_ =	sdelay $0x3  }
0x96: {  	_ =	strace s7  }
0x97: {  	s7 =	sld [smem:$0x3FFC];
	_ =	sdelay $0x3  }
0x98: {  	_ =	strace s7  }
0x99: {  	s7 =	sld [smem:$0x3FFD];
	_ =	sdelay $0x3  }
0x9a: {  	_ =	strace s7  }
0x9b: {  	_ =	strace $0x8FFFFFFF  }
0x9c: {  	s19 =	sld [smem:$0x3FDB];
	_ =	sdelay $0x1  }
0x9d: {  	s8 =	simm.s32 $_scs_section_size  }
0x9e: {  	s9 =	simm.s32 $_size__tile_overlayer_lowered;
	s10 =	simm.s32 $_tile_overlayer_lowered  }
0x9f: {  	s22 =	simm.s32 $0x1BFF;
	s21 =	sshll.u32 s10, $0x1;
	s7 =	sadd.s32 s8, s19  }
0xa0: {  	s11 =	simm.s32 $0x0;
	s20 =	sshll.u32 s9, $0x1;
	s9 =	sadd.s32 s21, s7  }
0xa1: {  	[timem:s11], [sflag:s22] =	dma.local [hbm:s9], s20  }
0xa2: {  	_ =	swait.ge [sflag:s22], s20  }
0xa3: {  	s8 =	ssub.s32 $0x0, s20;
	[sflag:s22] =	ssyncset.done $0x0  }
0xa4: {  	[sflag:s22] =	ssyncadd.s32 s8;
	_ =	sdelay $0x1  }
0xa5: {  	s23 =	simm.s32 $0x1B8B  }
0xa6: {  	_ =	swait.ge [sflag:s23], $0x1  }
0xa7: {  	[sflag:s23] =	ssyncset.done $0x0  }
0xa8: {  	s25 =	simm.s32 $0x1B8E;
	s24 =	sld [smem:$0x3FFE];
	[sflag:s23] =	ssyncadd.s32 $0xFFFFFFFF  }
0xa9: {  	s26 =	simm.s32 $execute0_lowered;
	[smem:$0x3FD2] =	sst s25  }
0xaa: {  	s9 =	sshll.u32 s26, $0x1;
	_ =	strace $0x80000046;
	[dreg:$0x1] =	wrdreg $0xFFFFFFFF  }
0xab: {  	s28 =	simm.s32 $_size_execute0_lowered;
	s7 =	sadd.s32 s7, s9;
	[dreg:$0x0] =	wrdreg $0x0  }
0xac: {  	s9 =	sshll.u32 s28, $0x1;
	[dreg:$0x2] =	wrdreg s7  }
0xad: {  	[dreg:$0x3] =	wrdreg s9  }
0xae: {  	[dreg:$0x4] =	wrdreg $0xC0  }
0xaf: {  	_ =	task [dreg:s11], $0x5FFFF  }
0xb0: {  	[dreg:$0x1] =	wrdreg $0xFFFFFFFF  }
0xb1: {  	[dreg:$0x0] =	wrdreg $0x60  }
0xb2: {  	[dreg:$0x2] =	wrdreg s2  }
0xb3: {  	[dreg:$0x3] =	wrdreg s18  }
0xb4: {  	[dreg:$0x4] =	wrdreg s4  }
0xb5: {  	[dreg:$0x5] =	wrdreg s5  }
0xb6: {  	[dreg:$0x6] =	wrdreg s6  }
0xb7: {  	[dreg:$0x7] =	wrdreg s24  }
0xb8: {  	[dreg:$0x8] =	wrdreg $0x9  }
0xb9: {  	_ =	task.clear_ibuf [dreg:s11], $0x9FFFF;
	_ =	strace $0x90000046  }
0xba: {  	s29 =	simm.s32 $0x9;
	_ =	strace $0x80000048  }
0xbb: {  	_ =	swait.ge [sflag:s29], $0x1  }
0xbc: {  	[sflag:s29] =	ssyncadd.s32 $0xFFFFFFFF  }
0xbd: {  	_ =	strace $0x90000048  }
0xbe: {  	_ =	sfence  }
0xbf: {  	s30 =	sld [smem:$0x0];
	_ =	sdelay $0x2  }
0xc0: {  	s31 =	sshll.u32 s1, $0xD;
	s1 =	sshrl.u32 s1, $0x2  }
0xc1: {  	s3 =	sand.u32 $0x4000, s31;
	s1 =	sadd.s32 s1, s30  }
0xc2: {  	s0 =	sor.u32 s3, s0;
	s1 =	sshll.u32 s1, $0x11  }
0xc3: {  	s0 =	sor.u32 s1, s0  }
0xc4: {  	s0 =	sadd.s32 $0x8F2B, s0  }
0xc5: {  	[sflag:s0] =	ssyncadd.remote.s32 $0x1  }
0xc6: {  	_ =	sfence.sel $0xFFFF  }
0xc7: {  	[dreg:$0x0] =	wrdreg $0xFFFFFFFF;
	(pc) =	sbr.abs _section_cstart, $3  }
0xc8: {  	[dreg:$0x1] =	wrdreg $0xFFFFFFFF  }
0xc9: {  	_ =	task.clear_ibuf [dreg:s11], $0x2FFFF;
	_ =	strace $0x9FFFFFFF  }
0xca: {  	(tm) =	ssettm $0x7FFFFFFF  }
0xcb: {  	_ =	shalt  }
tec
execute0_lowered:
.L_overlay_start_1:
0x0: {  	(tag) =	ssettag $0x1  }
0x1: {  	s3 =	rddreg [dreg:$0x0]  }
0x2: {  	s4 =	rddreg [dreg:$0x1]  }
0x3: {  	s0 =	rddreg [dreg:$0x2]  }
0x4: {  	s1 =	rddreg [dreg:$0x3]  }
0x5: {  	s2 =	srdreg.scid;
	s5 =	rddreg [dreg:$0x4]  }
0x6: {  	s8 =	stileid.u32;
	s7 =	rddreg [dreg:$0x5]  }
0x7: {  	s24 =	simm.s32 $0x80;
	s25 =	simm.s32 $0x100;
	s31 =	simm.s32 $0x1  }
0x8: {  	s22 =	simm.s32 $0x200;
	s20 =	simm.s32 $0x4200;
	s30 =	simm.s32 $0x2  }
0x9: {  	s18 =	simm.s32 $0x8200;
	s29 =	simm.s32 $0x3;
	s28 =	simm.s32 $0x4  }
0xa: {  	s26 =	simm.s32 $0x5;
	s23 =	simm.s32 $0x6;
	s21 =	simm.s32 $0x7  }
0xb: {  	s19 =	simm.s32 $0x8;
	p0 =	por $0x0, $0x0;
	s6 =	sand.u32 $0x1, s2  }
0xc: {  	s8 =	sshll.u32 s8, $0x8;
	s2 =	simm.s32 $0x0;
	s9 =	sshll.u32 s6, $0x7  }
0xd: {  	[smem:$0x7FF] =	sst s2;
	s13 =	ssub.s32 $0x2, s6;
	s8 =	sor.u32 s9, s8  }
0xe: {  	_ =	strace $0x80000047;
	s6 =	sshrl.u32 s13, $0x1;
	s9 =	sshrl.u32 s8, $0x3  }
0xf: {  	s8 =	sshll.u32 s8, $0x4;
	s16 =	ssub.s32 s13, s6;
	s13 =	simm.s32 $0xC  }
0x10: {  	s0 =	sadd.s32 s0, s9;
	s1 =	sadd.s32 s1, s9;
	s10 =	sadd.s32 s8, s7  }
0x11: {  	s11 =	sadd.s32 s5, s9;
	s17 =	smax.u32 s16, $0x1;
	[dreg:$0x7] =	wrdreg s0  }
0x12: {  	s16 =	simm.s32 $0x9;
	s9 =	simm.s32 $0xE;
	[dreg:$0x8] =	wrdreg s1  }
0x13: {  	s8 =	simm.s32 $0xF;
	[dreg:$0x9] =	wrdreg s11;
	s12 =	sadd.s32 $0x2000, s10  }
0x14: {  	s14 =	sadd.s32 $0x12000, s10;
	s15 =	sadd.s32 $0x22000, s10;
	p1 =	sne.s32 s17, $0x1  }
.Ltmp0:
0x15: {  	s7 =	sadd.s32 $0x32000, s10;
	s6 =	sadd.s32 $0x42000, s10;
	(pc) =	sbr.rel @!p1 .LBB2_3-.Ltmp0, $4  }
0x16: {  	s5 =	sadd.s32 $0x52000, s10;
	s10 =	simm.s32 $0x14200;
	[dreg:$0xa] =	wrdreg s12  }
0x17: {  	s1 =	sadd.s32 $0xFFFFFFFF, s17;
	s17 =	simm.s32 $0xA;
	[dreg:$0xb] =	wrdreg s14  }
0x18: {  	s11 =	simm.s32 $0xD;
	[dreg:$0xc] =	wrdreg s15;
	s14 =	simm.s32 $0xC200  }
0x19: {  	s12 =	simm.s32 $0x10200;
	s15 =	simm.s32 $0xB;
	s0 =	rddreg [dreg:$0x7]  }
0x1a: {  	[dreg:$0xd] =	wrdreg s1  }
0x1b: {  	[tilespmem:s2], [sflag:$0x1] =	stream.linear.gather [hbm4b:s0+s2], $0x80, $0x38;
	[tilespmem:$0x18200] =	vst v63  }
0x1c: {  	s1 =	rddreg [dreg:$0x8]  }
0x1d: {  	[tilespmem:s24], [sflag:$0x2] =	stream.linear.gather [hbm4b:s1+s2], $0x80, $0x38;
	[tilespmem:$0x18200] =	vst v63  }
0x1e: {  	s0 =	rddreg [dreg:$0x9]  }
0x1f: {  	[tilespmem:s25], [sflag:$0x3] =	stream.linear.gather [hbm4b:s0+s2], $0x80, $0x38;
	[tilespmem:$0x18200] =	vst v63  }
0x20: {  	_ =	swait.ge [sflag:s31], $0x80  }
0x21: {  	[sflag:s31] =	ssyncset.done $0x0  }
0x22: {  	[sflag:s31] =	ssyncadd.s32 $0xFFFFFF80  }
0x23: {  	[tilespmem:s22], [sflag:$0x4] =	stream.indirect.gather [hbm4b:s3+s24], $0x80, s2, s24, $0xb8;
	[tilespmem:$0x18200] =	vst v63  }
0x24: {  	_ = 	snop  }
0x25: {  	[tilespmem:s20], [sflag:$0x5] =	stream.indirect.gather [hbm4b:s4+s24], $0x80, s2, s24, $0xb8;
	[tilespmem:$0x18200] =	vst v63  }
0x26: {  	_ =	swait.ge [sflag:s30], $0x80  }
0x27: {  	[sflag:s30] =	ssyncset.done $0x0  }
0x28: {  	[sflag:s30] =	ssyncadd.s32 $0xFFFFFF80  }
0x29: {  	[tilespmem:s18], [sflag:$0x6] =	stream.indirect.gather [hbm4b:s3+s24], $0x80, s24, s24, $0xb8;
	[tilespmem:$0x18200] =	vst v63  }
0x2a: {  	_ = 	snop  }
0x2b: {  	[tilespmem:s14], [sflag:$0x7] =	stream.indirect.gather [hbm4b:s4+s24], $0x80, s24, s24, $0xb8;
	[tilespmem:$0x18200] =	vst v63  }
0x2c: {  	_ =	swait.ge [sflag:s29], $0x80  }
0x2d: {  	[sflag:s29] =	ssyncset.done $0x0  }
0x2e: {  	[sflag:s29] =	ssyncadd.s32 $0xFFFFFF80  }
0x2f: {  	[tilespmem:s12], [sflag:$0x8] =	stream.indirect.gather [hbm4b:s3+s24], $0x80, s25, s24, $0xb8;
	[tilespmem:$0x18200] =	vst v63  }
0x30: {  	_ = 	snop  }
0x31: {  	[tilespmem:s10], [sflag:$0x9] =	stream.indirect.gather [hbm4b:s4+s24], $0x80, s25, s24, $0xb8;
	[tilespmem:$0x18200] =	vst v63  }
0x32: {  	_ =	swait.ge [sflag:s28], $0x4000  }
0x33: {  	[sflag:s28] =	ssyncset.done $0x0  }
0x34: {  	s1 =	rddreg [dreg:$0xa];
	[sflag:s28] =	ssyncadd.s32 $0xFFFFC000  }
0x35: {  	[hbm4b:s1+s2] =	stream.linear.scatter [tilespmem:s22], [sflag:$0xA], $0x4000, $0x38;
	[tilespmem:$0x18200] =	vst v63  }
0x36: {  	_ =	swait.ge [sflag:s26], $0x4000  }
0x37: {  	[sflag:s26] =	ssyncset.done $0x0  }
0x38: {  	s1 =	rddreg [dreg:$0xb];
	[sflag:s26] =	ssyncadd.s32 $0xFFFFC000  }
0x39: {  	[hbm4b:s1+s2] =	stream.linear.scatter [tilespmem:s20], [sflag:$0xB], $0x4000, $0x38;
	[tilespmem:$0x18200] =	vst v63  }
0x3a: {  	_ =	swait.ge [sflag:s23], $0x4000  }
0x3b: {  	[sflag:s23] =	ssyncset.done $0x0  }
0x3c: {  	s1 =	rddreg [dreg:$0xc];
	[sflag:s23] =	ssyncadd.s32 $0xFFFFC000  }
0x3d: {  	[hbm4b:s1+s2] =	stream.linear.scatter [tilespmem:s18], [sflag:$0xC], $0x4000, $0x38;
	[tilespmem:$0x18200] =	vst v63  }
0x3e: {  	_ =	swait.ge [sflag:s21], $0x4000  }
0x3f: {  	[sflag:s21] =	ssyncset.done $0x0  }
0x40: {  	[sflag:s21] =	ssyncadd.s32 $0xFFFFC000  }
0x41: {  	[hbm4b:s7+s2] =	stream.linear.scatter [tilespmem:s14], [sflag:$0xD], $0x4000, $0x38;
	[tilespmem:$0x18200] =	vst v63  }
0x42: {  	_ =	swait.ge [sflag:s19], $0x4000  }
0x43: {  	[sflag:s19] =	ssyncset.done $0x0  }
0x44: {  	[sflag:s19] =	ssyncadd.s32 $0xFFFFC000  }
0x45: {  	[hbm4b:s6+s2] =	stream.linear.scatter [tilespmem:s12], [sflag:$0xE], $0x4000, $0x38;
	[tilespmem:$0x18200] =	vst v63  }
0x46: {  	_ =	swait.ge [sflag:s16], $0x4000  }
0x47: {  	[sflag:s16] =	ssyncset.done $0x0  }
0x48: {  	[sflag:s16] =	ssyncadd.s32 $0xFFFFC000  }
0x49: {  	[hbm4b:s5+s2] =	stream.linear.scatter [tilespmem:s10], [sflag:$0xF], $0x4000, $0x38;
	[tilespmem:$0x18200] =	vst v63  }
0x4a: {  	_ =	swait.ge [sflag:s17], $0x4000  }
0x4b: {  	[sflag:s17] =	ssyncset.done $0x0  }
0x4c: {  	[sflag:s17] =	ssyncadd.s32 $0xFFFFC000  }
0x4d: {  	_ =	swait.ge [sflag:s15], $0x4000  }
0x4e: {  	[sflag:s15] =	ssyncset.done $0x0  }
0x4f: {  	[sflag:s15] =	ssyncadd.s32 $0xFFFFC000  }
0x50: {  	_ =	swait.ge [sflag:s13], $0x4000  }
0x51: {  	[sflag:s13] =	ssyncset.done $0x0  }
0x52: {  	[sflag:s13] =	ssyncadd.s32 $0xFFFFC000  }
0x53: {  	_ =	swait.ge [sflag:s11], $0x4000  }
0x54: {  	[sflag:s11] =	ssyncset.done $0x0  }
0x55: {  	[sflag:s11] =	ssyncadd.s32 $0xFFFFC000  }
0x56: {  	_ =	swait.ge [sflag:s9], $0x4000  }
0x57: {  	s1 =	rddreg [dreg:$0xd]  }
0x58: {  	p1 =	sne.s32 s1, $0x1  }
.Ltmp1:
0x59: {  	_ = 	snop;
	(pc) =	sbr.rel @!p1 .LBB2_3-.Ltmp1, $4  }
0x5a: {  	[sflag:s9] =	ssyncset.done $0x0  }
0x5b: {  	[sflag:s9] =	ssyncadd.s32 $0xFFFFC000  }
0x5c: {  	p0 =	por $0x1, $0x1;
	_ =	swait.ge [sflag:s8], $0x4000  }
0x5d: {  	s1 =	sadd.s32 $0xFFFFFFFF, s1;
	s0 =	rddreg [dreg:$0x7];
	[sflag:s8] =	ssyncset.done $0x0  }
.LBB2_2:
0x5e: {  	[sflag:s8] =	ssyncadd.s32 $0xFFFFC000;
	s10 =	smov.u32 s7  }
0x5f: {  	[tilespmem:s2], [sflag:$0x1] =	stream.linear.gather [hbm4b:s0+s2], $0x80, $0x38;
	[tilespmem:$0x18200] =	vst v63  }
0x60: {  	s7 =	smov.u32 s6;
	s6 =	smov.u32 s5;
	s5 =	rddreg [dreg:$0x8]  }
0x61: {  	[tilespmem:s24], [sflag:$0x2] =	stream.linear.gather [hbm4b:s5+s2], $0x80, $0x38;
	[tilespmem:$0x18200] =	vst v63  }
0x62: {  	s0 =	rddreg [dreg:$0x9]  }
0x63: {  	[tilespmem:s25], [sflag:$0x3] =	stream.linear.gather [hbm4b:s0+s2], $0x80, $0x38;
	[tilespmem:$0x18200] =	vst v63  }
0x64: {  	_ =	swait.ge [sflag:s31], $0x80  }
0x65: {  	[sflag:s31] =	ssyncset.done $0x0  }
0x66: {  	[sflag:s31] =	ssyncadd.s32 $0xFFFFFF80  }
0x67: {  	[tilespmem:s22], [sflag:$0x4] =	stream.indirect.gather [hbm4b:s3+s24], $0x80, s2, s24, $0xb8;
	[tilespmem:$0x18200] =	vst v63  }
0x68: {  	_ = 	snop  }
0x69: {  	[tilespmem:s20], [sflag:$0x5] =	stream.indirect.gather [hbm4b:s4+s24], $0x80, s2, s24, $0xb8;
	[tilespmem:$0x18200] =	vst v63  }
0x6a: {  	_ =	swait.ge [sflag:s30], $0x80  }
0x6b: {  	[sflag:s30] =	ssyncset.done $0x0  }
0x6c: {  	[sflag:s30] =	ssyncadd.s32 $0xFFFFFF80  }
0x6d: {  	[tilespmem:s18], [sflag:$0x6] =	stream.indirect.gather [hbm4b:s3+s24], $0x80, s24, s24, $0xb8;
	[tilespmem:$0x18200] =	vst v63  }
0x6e: {  	_ = 	snop  }
0x6f: {  	[tilespmem:s14], [sflag:$0x7] =	stream.indirect.gather [hbm4b:s4+s24], $0x80, s24, s24, $0xb8;
	[tilespmem:$0x18200] =	vst v63  }
0x70: {  	_ =	swait.ge [sflag:s29], $0x80  }
0x71: {  	[sflag:s29] =	ssyncset.done $0x0  }
0x72: {  	s5 =	smov.u32 s6;
	[sflag:s29] =	ssyncadd.s32 $0xFFFFFF80  }
0x73: {  	[tilespmem:s12], [sflag:$0x8] =	stream.indirect.gather [hbm4b:s3+s24], $0x80, s25, s24, $0xb8;
	[tilespmem:$0x18200] =	vst v63  }
0x74: {  	s6 =	smov.u32 s7;
	s7 =	smov.u32 s10;
	s10 =	simm.s32 $0x14200  }
0x75: {  	[tilespmem:s10], [sflag:$0x9] =	stream.indirect.gather [hbm4b:s4+s24], $0x80, s25, s24, $0xb8;
	[tilespmem:$0x18200] =	vst v63  }
0x76: {  	_ =	swait.ge [sflag:s28], $0x4000  }
0x77: {  	[sflag:s28] =	ssyncset.done $0x0  }
0x78: {  	s0 =	rddreg [dreg:$0xa];
	[sflag:s28] =	ssyncadd.s32 $0xFFFFC000  }
0x79: {  	[hbm4b:s0+s2] =	stream.linear.scatter [tilespmem:s22], [sflag:$0xA], $0x4000, $0x38;
	[tilespmem:$0x18200] =	vst v63  }
0x7a: {  	_ =	swait.ge [sflag:s26], $0x4000  }
0x7b: {  	[sflag:s26] =	ssyncset.done $0x0  }
0x7c: {  	s0 =	rddreg [dreg:$0xb];
	[sflag:s26] =	ssyncadd.s32 $0xFFFFC000  }
0x7d: {  	[hbm4b:s0+s2] =	stream.linear.scatter [tilespmem:s20], [sflag:$0xB], $0x4000, $0x38;
	[tilespmem:$0x18200] =	vst v63  }
0x7e: {  	_ =	swait.ge [sflag:s23], $0x4000  }
0x7f: {  	[sflag:s23] =	ssyncset.done $0x0  }
0x80: {  	s0 =	rddreg [dreg:$0xc];
	[sflag:s23] =	ssyncadd.s32 $0xFFFFC000  }
0x81: {  	[hbm4b:s0+s2] =	stream.linear.scatter [tilespmem:s18], [sflag:$0xC], $0x4000, $0x38;
	[tilespmem:$0x18200] =	vst v63  }
0x82: {  	_ =	swait.ge [sflag:s21], $0x4000  }
0x83: {  	[sflag:s21] =	ssyncset.done $0x0  }
0x84: {  	[sflag:s21] =	ssyncadd.s32 $0xFFFFC000  }
0x85: {  	[hbm4b:s7+s2] =	stream.linear.scatter [tilespmem:s14], [sflag:$0xD], $0x4000, $0x38;
	[tilespmem:$0x18200] =	vst v63  }
0x86: {  	_ =	swait.ge [sflag:s19], $0x4000  }
0x87: {  	[sflag:s19] =	ssyncset.done $0x0  }
0x88: {  	[sflag:s19] =	ssyncadd.s32 $0xFFFFC000  }
0x89: {  	[hbm4b:s6+s2] =	stream.linear.scatter [tilespmem:s12], [sflag:$0xE], $0x4000, $0x38;
	[tilespmem:$0x18200] =	vst v63  }
0x8a: {  	_ =	swait.ge [sflag:s16], $0x4000  }
0x8b: {  	[sflag:s16] =	ssyncset.done $0x0  }
0x8c: {  	[sflag:s16] =	ssyncadd.s32 $0xFFFFC000  }
0x8d: {  	[hbm4b:s5+s2] =	stream.linear.scatter [tilespmem:s10], [sflag:$0xF], $0x4000, $0x38;
	[tilespmem:$0x18200] =	vst v63  }
0x8e: {  	_ =	swait.ge [sflag:s17], $0x4000  }
0x8f: {  	[sflag:s17] =	ssyncset.done $0x0  }
0x90: {  	[sflag:s17] =	ssyncadd.s32 $0xFFFFC000  }
0x91: {  	_ =	swait.ge [sflag:s15], $0x4000  }
0x92: {  	[sflag:s15] =	ssyncset.done $0x0  }
0x93: {  	[sflag:s15] =	ssyncadd.s32 $0xFFFFC000  }
0x94: {  	_ =	swait.ge [sflag:s13], $0x4000  }
0x95: {  	[sflag:s13] =	ssyncset.done $0x0  }
0x96: {  	[sflag:s13] =	ssyncadd.s32 $0xFFFFC000  }
0x97: {  	_ =	swait.ge [sflag:s11], $0x4000  }
0x98: {  	[sflag:s11] =	ssyncset.done $0x0  }
0x99: {  	p1 =	sne.s32 s1, $0x1;
	[sflag:s11] =	ssyncadd.s32 $0xFFFFC000  }
.Ltmp2:
0x9a: {  	_ =	swait.ge [sflag:s9], $0x4000;
	(pc) =	sbr.rel @p1 .LBB2_2-.Ltmp2, $4  }
0x9b: {  	[sflag:s9] =	ssyncset.done $0x0  }
0x9c: {  	[sflag:s9] =	ssyncadd.s32 $0xFFFFC000  }
0x9d: {  	_ =	swait.ge [sflag:s8], $0x4000  }
0x9e: {  	s1 =	sadd.s32 $0xFFFFFFFF, s1;
	s0 =	rddreg [dreg:$0x7];
	[sflag:s8] =	ssyncset.done $0x0  }
.LBB2_3:
0x9f: {  	[sflag:s8] =	ssyncadd.s32 @p0 $0xFFFFC000  }
0xa0: {  	[tilespmem:s2], [sflag:$0x1] =	stream.linear.gather [hbm4b:s0+s2], $0x80, $0x38;
	[tilespmem:$0x18200] =	vst v63  }
0xa1: {  	s1 =	rddreg [dreg:$0x8]  }
0xa2: {  	[tilespmem:s24], [sflag:$0x2] =	stream.linear.gather [hbm4b:s1+s2], $0x80, $0x38;
	[tilespmem:$0x18200] =	vst v63  }
0xa3: {  	s0 =	rddreg [dreg:$0x9]  }
0xa4: {  	[tilespmem:s25], [sflag:$0x3] =	stream.linear.gather [hbm4b:s0+s2], $0x80, $0x38;
	[tilespmem:$0x18200] =	vst v63  }
0xa5: {  	_ =	swait.ge [sflag:s31], $0x80  }
0xa6: {  	[sflag:s31] =	ssyncset.done $0x0  }
0xa7: {  	[sflag:s31] =	ssyncadd.s32 $0xFFFFFF80  }
0xa8: {  	[tilespmem:s22], [sflag:$0x4] =	stream.indirect.gather [hbm4b:s3+s24], $0x80, s2, s24, $0xb8;
	[tilespmem:$0x18200] =	vst v63  }
0xa9: {  	_ = 	snop  }
0xaa: {  	[tilespmem:s20], [sflag:$0x5] =	stream.indirect.gather [hbm4b:s4+s24], $0x80, s2, s24, $0xb8;
	[tilespmem:$0x18200] =	vst v63  }
0xab: {  	_ =	swait.ge [sflag:s30], $0x80  }
0xac: {  	[sflag:s30] =	ssyncset.done $0x0  }
0xad: {  	[sflag:s30] =	ssyncadd.s32 $0xFFFFFF80  }
0xae: {  	[tilespmem:s18], [sflag:$0x6] =	stream.indirect.gather [hbm4b:s3+s24], $0x80, s24, s24, $0xb8;
	[tilespmem:$0x18200] =	vst v63  }
0xaf: {  	_ = 	snop  }
0xb0: {  	[tilespmem:s14], [sflag:$0x7] =	stream.indirect.gather [hbm4b:s4+s24], $0x80, s24, s24, $0xb8;
	[tilespmem:$0x18200] =	vst v63  }
0xb1: {  	_ =	swait.ge [sflag:s29], $0x80  }
0xb2: {  	[sflag:s29] =	ssyncset.done $0x0  }
0xb3: {  	[sflag:s29] =	ssyncadd.s32 $0xFFFFFF80  }
0xb4: {  	[tilespmem:s12], [sflag:$0x8] =	stream.indirect.gather [hbm4b:s3+s24], $0x80, s25, s24, $0xb8;
	[tilespmem:$0x18200] =	vst v63  }
0xb5: {  	_ = 	snop  }
0xb6: {  	[tilespmem:s10], [sflag:$0x9] =	stream.indirect.gather [hbm4b:s4+s24], $0x80, s25, s24, $0xb8;
	[tilespmem:$0x18200] =	vst v63  }
0xb7: {  	_ =	swait.ge [sflag:s28], $0x4000  }
0xb8: {  	[sflag:s28] =	ssyncset.done $0x0  }
0xb9: {  	s25 =	rddreg [dreg:$0xa];
	[sflag:s28] =	ssyncadd.s32 $0xFFFFC000  }
0xba: {  	[hbm4b:s25+s2] =	stream.linear.scatter [tilespmem:s22], [sflag:$0xA], $0x4000, $0x38;
	[tilespmem:$0x18200] =	vst v63  }
0xbb: {  	_ =	swait.ge [sflag:s26], $0x4000  }
0xbc: {  	[sflag:s26] =	ssyncset.done $0x0  }
0xbd: {  	s29 =	rddreg [dreg:$0xb];
	[sflag:s26] =	ssyncadd.s32 $0xFFFFC000  }
0xbe: {  	[hbm4b:s29+s2] =	stream.linear.scatter [tilespmem:s20], [sflag:$0xB], $0x4000, $0x38;
	[tilespmem:$0x18200] =	vst v63  }
0xbf: {  	_ =	swait.ge [sflag:s23], $0x4000  }
0xc0: {  	[sflag:s23] =	ssyncset.done $0x0  }
0xc1: {  	s30 =	rddreg [dreg:$0xc];
	[sflag:s23] =	ssyncadd.s32 $0xFFFFC000  }
0xc2: {  	[hbm4b:s30+s2] =	stream.linear.scatter [tilespmem:s18], [sflag:$0xC], $0x4000, $0x38;
	[tilespmem:$0x18200] =	vst v63  }
0xc3: {  	_ =	swait.ge [sflag:s21], $0x4000  }
0xc4: {  	[sflag:s21] =	ssyncset.done $0x0  }
0xc5: {  	[sflag:s21] =	ssyncadd.s32 $0xFFFFC000  }
0xc6: {  	[hbm4b:s7+s2] =	stream.linear.scatter [tilespmem:s14], [sflag:$0xD], $0x4000, $0x38;
	[tilespmem:$0x18200] =	vst v63  }
0xc7: {  	_ =	swait.ge [sflag:s19], $0x4000  }
0xc8: {  	[sflag:s19] =	ssyncset.done $0x0  }
0xc9: {  	[sflag:s19] =	ssyncadd.s32 $0xFFFFC000  }
0xca: {  	[hbm4b:s6+s2] =	stream.linear.scatter [tilespmem:s12], [sflag:$0xE], $0x4000, $0x38;
	[tilespmem:$0x18200] =	vst v63  }
0xcb: {  	_ =	swait.ge [sflag:s16], $0x4000  }
0xcc: {  	[sflag:s16] =	ssyncset.done $0x0  }
0xcd: {  	[sflag:s16] =	ssyncadd.s32 $0xFFFFC000  }
0xce: {  	[hbm4b:s5+s2] =	stream.linear.scatter [tilespmem:s10], [sflag:$0xF], $0x4000, $0x38;
	[tilespmem:$0x18200] =	vst v63  }
0xcf: {  	_ =	swait.ge [sflag:s17], $0x4000  }
0xd0: {  	[sflag:s17] =	ssyncset.done $0x0  }
0xd1: {  	[sflag:s17] =	ssyncadd.s32 $0xFFFFC000  }
0xd2: {  	_ =	swait.ge [sflag:s15], $0x4000  }
0xd3: {  	[sflag:s15] =	ssyncset.done $0x0  }
0xd4: {  	[sflag:s15] =	ssyncadd.s32 $0xFFFFC000  }
0xd5: {  	_ =	swait.ge [sflag:s13], $0x4000  }
0xd6: {  	[sflag:s13] =	ssyncset.done $0x0  }
0xd7: {  	[sflag:s13] =	ssyncadd.s32 $0xFFFFC000  }
0xd8: {  	_ =	swait.ge [sflag:s11], $0x4000  }
0xd9: {  	[sflag:s11] =	ssyncset.done $0x0  }
0xda: {  	[sflag:s11] =	ssyncadd.s32 $0xFFFFC000  }
0xdb: {  	_ =	swait.ge [sflag:s9], $0x4000  }
0xdc: {  	[sflag:s9] =	ssyncset.done $0x0  }
0xdd: {  	[sflag:s9] =	ssyncadd.s32 $0xFFFFC000  }
0xde: {  	_ =	swait.ge [sflag:s8], $0x4000  }
0xdf: {  	[sflag:s8] =	ssyncset.done $0x0  }
0xe0: {  	[sflag:s8] =	ssyncadd.s32 $0xFFFFC000  }
0xe1: {  	_ =	sfence.sel $0x180000  }
0xe2: {  	[bflag:$0x0] =	sbarrier.arrive $0xFFFF  }
0xe3: {  	_ =	strace $0x90000047  }
0xe4: {  	s31 =	stileid.u32;
	[bflag:$0x2] =	sbarrier.arrive $0xFFFF  }
0xe5: {  	p0 =	sne.s32 s31, $0x0;
	s0 =	rddreg [dreg:$0x6]  }
0xe6: {  	s0 =	sadd.s32 @!p0 $0x100000, s0  }
0xe7: {  	[sflag:s0] =	ssyncadd.tile.s32 @!p0 $0x1;
	_ =	shalt  }
.Lfunc_end2:
_tile_overlayer_lowered:
.L_overlay_start_2:
0xe8: {  	(tag) =	ssettag $0x2  }
0xe9: {  	s0 =	rddreg [dreg:$0x0];
	s2 =	stileid.u32  }
0xea: {  	s1 =	rddreg [dreg:$0x1];
	p0 =	sne.s32 s2, $0x0  }
0xeb: {  	s3 =	rddreg [dreg:$0x2];
	[bflag:$0x3] =	sbarrier.arrive $0xFFFF;
	s2 =	simm.s32 @!p0 $0x1C10  }
0xec: {  	[timem:s3], [sflag:s2] =	dma.local @!p0 [hbm:s0], s1  }
0xed: {  	s0 =	simm.s32 @!p0 $0x10  }
0xee: {  	_ =	swait.ge @!p0 [sflag:s0], s1  }
0xef: {  	s1 =	ssub.s32 @!p0 $0x0, s1;
	[sflag:s0] =	ssyncset.done @!p0 $0x0  }
0xf0: {  	[sflag:s0] =	ssyncadd.s32 @!p0 s1  }
0xf1: {  	[bflag:$0x3] =	sbarrier.arrive $0xFFFF  }
0xf2: {  	_ =	shalt  }

// kernel: kernel.9.cloned.1.call-start
scs
__scs_entry_jumppad:
0x0: {  	(pc) =	sbr.rel $0x88, $3  }
0x1: {  	(tag) =	ssettag $0x0;
	lr =	simm.s32 $0x1  }
0x2: {  	[smem:$0x3F97] =	sst lr;
	_ =	strace $0xD0000000  }
0x3: {  	_ = 	snop  }
0x4: {  	_ = 	snop  }
0x5: {  	_ = 	snop  }
0x6: {  	_ = 	snop  }
0x7: {  	_ = 	snop  }
__scs_overlays_trampoline_lowered:
0x8: {  	[smem:$0x3FA6] =	sst s0  }
0x9: {  	[smem:$0x3FA7] =	sst s1  }
0xa: {  	[smem:$0x3FA8] =	sst s2  }
0xb: {  	[smem:$0x3FA9] =	sst s3  }
0xc: {  	[smem:$0x3FAA] =	sst s4  }
0xd: {  	[smem:$0x3FAB] =	sst s5  }
0xe: {  	[smem:$0x3FAC] =	sst s6  }
0xf: {  	[smem:$0x3FAD] =	sst s7  }
0x10: {  	[smem:$0x3FAE] =	sst s8  }
0x11: {  	[smem:$0x3FAF] =	sst s9;
	s0 =	simm.s32 @!p0 $0x0  }
0x12: {  	s1 =	sld [smem:$0x3F95];
	s0 =	simm.s32 @p0 $0x1  }
0x13: {  	[smem:$0x3FB0] =	sst s0;
	s0 =	simm.s32 @!p1 $0x0  }
0x14: {  	s2 =	sld [smem:$0x3F94];
	s0 =	simm.s32 @p1 $0x1  }
0x15: {  	[smem:$0x3FB1] =	sst s0;
	s0 =	simm.s32 @!p2 $0x0  }
0x16: {  	s3 =	sld [smem:$0x3FDB];
	s0 =	simm.s32 @p2 $0x1  }
0x17: {  	s4 =	simm.s32 $0x1BF5;
	[smem:$0x3FB3] =	sst s0  }
0x18: {  	s0 =	sld [smem:$0x3F96];
	_ =	swait.ge [sflag:s4], $0x0  }
0x19: {  	s7 =	sld [smem:$0x3F97]  }
0x1a: {  	s8 =	sadd.s32 $0xFFFFE003, lr  }
0x1b: {  	s9 =	sadd.s32 $0xFFFFFEF7, lr;
	s5 =	simm.s32 $0xFFFFFFFF;
	p2 =	slt.u32 s8, $0xFFFFF086  }
0x1c: {  	p1 =	slt.u32 s9, $0xF7A;
	s5 =	simm.s32 @!p2 $0x0  }
0x1d: {  	s5 =	simm.s32 @p1 $0x1;
	p0 =	seq.s32 s7, s2  }
0x1e: {  	s7 =	smul.u32 @!p0 $0xF7A, s2;
	p2 =	seq.s32 @!p0 s5, $0x0  }
0x1f: {  	s9 =	smul.u32 $0xF7A, s1;
	s8 =	simm.s32 @!p0 $0x1BF5;
	p2 =	por !p2, p0  }
0x20: {  	[sflag:s8] =	ssyncset.s32 @!p0 $0xFFFFF086;
	s6 =	sadd.s32 @!p0 s3, s7;
	s7 =	simm.s32 @!p0 $0x108  }
0x21: {  	s3 =	sadd.s32 s3, s9;
	s6 =	sadd.s32 @!p0 $0x88, s6;
	s7 =	simm.s32 @p2 $0x1082  }
0x22: {  	[simem:s7], [sflag:s8] =	dma.local @!p0 [hbm:s6], $0xF7A  }
0x23: {  	s9 =	sor.u32 $0xD0000000, s2;
	s6 =	simm.s32 $0x108;
	_ =	swait.ge @!p0 [sflag:s8], $0x0  }
0x24: {  	s3 =	sadd.s32 $0x88, s3;
	s6 =	simm.s32 @!p1 $0x1082;
	[sflag:s4] =	ssyncset.s32 $0xFFFFF086  }
0x25: {  	[simem:s6], [sflag:s4] =	dma.local [hbm:s3], $0xF7A  }
0x26: {  	[smem:$0x3F97] =	sst s1;
	(tag) =	ssettag s2;
	_ =	strace s9  }
0x27: {  	s1 =	sld [smem:$0x3FA7]  }
0x28: {  	s2 =	sld [smem:$0x3FA8]  }
0x29: {  	s4 =	sld [smem:$0x3FAA]  }
0x2a: {  	p0 =	seq.s32 s5, $0x0;
	s5 =	sld [smem:$0x3FAB]  }
0x2b: {  	s6 =	sld [smem:$0x3FAC]  }
0x2c: {  	s7 =	sld [smem:$0x3FAD]  }
0x2d: {  	s3 =	simm.s32 $0x108;
	s8 =	sld [smem:$0x3FAE]  }
0x2e: {  	s3 =	simm.s32 @!p0 $0x1082;
	s9 =	sld [smem:$0x3FAF]  }
0x2f: {  	lr =	sadd.s32 s0, s3;
	s0 =	sld [smem:$0x3FA6]  }
0x30: {  	s3 =	sld [smem:$0x3FA9]  }
0x31: {  	[smem:$0x3FB2] =	sst s10  }
0x32: {  	s10 =	sld [smem:$0x3FB0];
	_ =	sdelay $0x3  }
0x33: {  	p0 =	seq.s32 s10, $0x1;
	s10 =	sld [smem:$0x3FB2];
	_ =	sdelay $0x3  }
0x34: {  	[smem:$0x3FB2] =	sst s10  }
0x35: {  	s10 =	sld [smem:$0x3FB1];
	_ =	sdelay $0x3  }
0x36: {  	p1 =	seq.s32 s10, $0x1;
	s10 =	sld [smem:$0x3FB2];
	_ =	sdelay $0x3  }
0x37: {  	[smem:$0x3FB2] =	sst s10  }
0x38: {  	s10 =	sld [smem:$0x3FB3]  }
0x39: {  	_ = 	snop;
	(pc) =	sbr.ind lr, $3  }
0x3a: {  	_ = 	snop  }
0x3b: {  	_ = 	snop  }
0x3c: {  	p2 =	seq.s32 s10, $0x1;
	s10 =	sld [smem:$0x3FB2]  }
0x3d: {  	_ =	shalt  }
0x3e: {  	_ =	shalt  }
0x3f: {  	_ =	shalt  }
0x40: {  	_ =	shalt  }
0x41: {  	_ =	shalt  }
0x42: {  	_ =	shalt  }
0x43: {  	_ =	shalt  }
0x44: {  	_ =	shalt  }
0x45: {  	_ =	shalt  }
0x46: {  	_ =	shalt  }
0x47: {  	_ =	shalt  }
0x48: {  	_ =	shalt  }
0x49: {  	_ =	shalt  }
0x4a: {  	_ =	shalt  }
0x4b: {  	_ =	shalt  }
0x4c: {  	_ =	shalt  }
0x4d: {  	_ =	shalt  }
0x4e: {  	_ =	shalt  }
0x4f: {  	_ =	shalt  }
0x50: {  	_ =	shalt  }
0x51: {  	_ =	shalt  }
0x52: {  	_ =	shalt  }
0x53: {  	_ =	shalt  }
0x54: {  	_ =	shalt  }
0x55: {  	_ =	shalt  }
0x56: {  	_ =	shalt  }
0x57: {  	_ =	shalt  }
0x58: {  	_ =	shalt  }
0x59: {  	_ =	shalt  }
0x5a: {  	_ =	shalt  }
0x5b: {  	_ =	shalt  }
0x5c: {  	_ =	shalt  }
0x5d: {  	_ =	shalt  }
0x5e: {  	_ =	shalt  }
0x5f: {  	_ =	shalt  }
0x60: {  	_ =	shalt  }
0x61: {  	_ =	shalt  }
0x62: {  	_ =	shalt  }
0x63: {  	_ =	shalt  }
0x64: {  	_ =	shalt  }
0x65: {  	_ =	shalt  }
0x66: {  	_ =	shalt  }
0x67: {  	_ =	shalt  }
0x68: {  	_ =	shalt  }
0x69: {  	_ =	shalt  }
0x6a: {  	_ =	shalt  }
0x6b: {  	_ =	shalt  }
0x6c: {  	_ =	shalt  }
0x6d: {  	_ =	shalt  }
0x6e: {  	_ =	shalt  }
0x6f: {  	_ =	shalt  }
0x70: {  	_ =	shalt  }
0x71: {  	_ =	shalt  }
0x72: {  	_ =	shalt  }
0x73: {  	_ =	shalt  }
0x74: {  	_ =	shalt  }
0x75: {  	_ =	shalt  }
0x76: {  	_ =	shalt  }
0x77: {  	_ =	shalt  }
0x78: {  	_ =	shalt  }
0x79: {  	_ =	shalt  }
0x7a: {  	_ =	shalt  }
0x7b: {  	_ =	shalt  }
0x7c: {  	_ =	shalt  }
0x7d: {  	_ =	shalt  }
0x7e: {  	_ =	shalt  }
0x7f: {  	_ =	shalt  }
0x80: {  	_ =	shalt  }
0x81: {  	_ =	shalt  }
0x82: {  	_ =	shalt  }
0x83: {  	_ =	shalt  }
0x84: {  	_ =	shalt  }
0x85: {  	_ =	shalt  }
0x86: {  	_ =	shalt  }
0x87: {  	_ =	shalt  }
.Lfunc_end0:
.L_simem_size_0:
called_computation.1_lowered:
.L_overlay_start_0:
0x88: {  	s2 =	sld [smem:$0x3FD9]  }
0x89: {  	s3 =	sld [smem:$0x3FFE];
	_ =	sdelay $0x1  }
0x8a: {  	s1 =	srdreg.scid  }
0x8b: {  	s0 =	sand.u32 $0x1, s1  }
0x8c: {  	s17 =	sshll.u32 s0, $0xA;
	s2 =	sadd.s32 s3, s2  }
0x8d: {  	s2 =	sadd.s32 s2, s17  }
0x8e: {  	[smem:$0x3FBE] =	sst s2  }
0x8f: {  	_ = 	snop  }
0x90: {  	s18 =	sld [smem:$0x3FC9]  }
0x91: {  	s4 =	sld [smem:$0x3FC8]  }
0x92: {  	s5 =	sld [smem:$0x3FC7]  }
0x93: {  	s6 =	sld [smem:$0x3FC6];
	(tm) =	ssettm $0x1  }
0x94: {  	s19 =	sld [smem:$0x3FFB];
	_ =	sdelay $0x3  }
0x95: {  	_ =	strace s19  }
0x96: {  	s2 =	sld [smem:$0x3FFC];
	_ =	sdelay $0x3  }
0x97: {  	_ =	strace s2  }
0x98: {  	s2 =	sld [smem:$0x3FFD];
	_ =	sdelay $0x3  }
0x99: {  	_ =	strace s2  }
0x9a: {  	_ =	strace $0x8FFFFFFF  }
0x9b: {  	s20 =	sld [smem:$0x3FDB];
	_ =	sdelay $0x1  }
0x9c: {  	s7 =	simm.s32 $_scs_section_size  }
0x9d: {  	s8 =	simm.s32 $_size__tile_overlayer_lowered;
	s9 =	simm.s32 $_tile_overlayer_lowered  }
0x9e: {  	s10 =	simm.s32 $0x1BFF;
	s21 =	sshll.u32 s9, $0x1;
	s7 =	sadd.s32 s7, s20  }
0x9f: {  	s22 =	simm.s32 $0x0;
	s8 =	sshll.u32 s8, $0x1;
	s9 =	sadd.s32 s21, s7  }
0xa0: {  	[timem:s22], [sflag:s10] =	dma.local [hbm:s9], s8  }
0xa1: {  	_ =	swait.ge [sflag:s10], s8  }
0xa2: {  	s8 =	ssub.s32 $0x0, s8;
	[sflag:s10] =	ssyncset.done $0x0  }
0xa3: {  	[sflag:s10] =	ssyncadd.s32 s8;
	_ =	sdelay $0x1  }
0xa4: {  	s23 =	simm.s32 $0x1B8B  }
0xa5: {  	_ =	swait.ge [sflag:s23], $0x1  }
0xa6: {  	[sflag:s23] =	ssyncset.done $0x0  }
0xa7: {  	[sflag:s23] =	ssyncadd.s32 $0xFFFFFFFF  }
0xa8: {  	s8 =	sld [smem:$0x0]  }
0xa9: {  	s9 =	sand.u32 $0xFFFFFFFE, s1  }
0xaa: {  	p0 =	sne.s32 s1, s9  }
0xab: {  	s9 =	sshll.u32 @p0 s9, $0xE  }
0xac: {  	s9 =	sadd.s32 @p0 $0x11B8D, s9;
	s10 =	sshll.u32 @p0 s8, $0x11  }
0xad: {  	s9 =	sor.u32 @p0 s10, s9  }
0xae: {  	[sflag:s9] =	ssyncadd.remote.s32 @p0 $0x1;
	_ =	sdelay $0x1  }
0xaf: {  	s9 =	simm.s32 @p0 $0x1B8D  }
0xb0: {  	_ =	swait.eq @p0 [sflag:s9], $0x1  }
0xb1: {  	[sflag:s9] =	ssyncadd.s32 @p0 $0xFFFFFFFF  }
0xb2: {  	s10 =	sshll.u32 @!p0 s1, $0xE  }
0xb3: {  	s10 =	sor.u32 @!p0 $0x4000, s10;
	s9 =	simm.s32 @!p0 $0x1B8D  }
0xb4: {  	s8 =	sshll.u32 @!p0 s8, $0x11;
	s10 =	sadd.s32 @!p0 $0x11B8D, s10;
	_ =	swait.eq @!p0 [sflag:s9], $0x1  }
0xb5: {  	s8 =	sor.u32 @!p0 s8, s10;
	[sflag:s9] =	ssyncadd.s32 @!p0 $0xFFFFFFFF  }
0xb6: {  	s25 =	simm.s32 $0x1B8E;
	s24 =	sld [smem:$0x3FFE];
	[sflag:s8] =	ssyncadd.remote.s32 @!p0 $0x1  }
0xb7: {  	s26 =	simm.s32 $execute0_lowered;
	[smem:$0x3FD2] =	sst s25  }
0xb8: {  	s9 =	sshll.u32 s26, $0x1;
	_ =	strace $0x80000049;
	[dreg:$0x1] =	wrdreg $0xFFFFFFFF  }
0xb9: {  	s28 =	simm.s32 $_size_execute0_lowered;
	s7 =	sadd.s32 s7, s9;
	[dreg:$0x0] =	wrdreg $0x0  }
0xba: {  	s9 =	sshll.u32 s28, $0x1;
	[dreg:$0x2] =	wrdreg s7  }
0xbb: {  	[dreg:$0x3] =	wrdreg s9  }
0xbc: {  	[dreg:$0x4] =	wrdreg $0xC0  }
0xbd: {  	_ =	task [dreg:s22], $0x5FFFF  }
0xbe: {  	[dreg:$0x1] =	wrdreg $0xFFFFFFFF  }
0xbf: {  	[dreg:$0x0] =	wrdreg $0x60  }
0xc0: {  	[dreg:$0x2] =	wrdreg s18  }
0xc1: {  	[dreg:$0x3] =	wrdreg s4  }
0xc2: {  	[dreg:$0x4] =	wrdreg s5  }
0xc3: {  	[dreg:$0x5] =	wrdreg s6  }
0xc4: {  	[dreg:$0x6] =	wrdreg s24  }
0xc5: {  	[dreg:$0x7] =	wrdreg $0xA  }
0xc6: {  	_ =	task.clear_ibuf [dreg:s22], $0x8FFFF;
	_ =	strace $0x90000049  }
0xc7: {  	s29 =	simm.s32 $0xA;
	_ =	strace $0x8000004B  }
0xc8: {  	_ =	swait.ge [sflag:s29], $0x1  }
0xc9: {  	[sflag:s29] =	ssyncadd.s32 $0xFFFFFFFF  }
0xca: {  	_ =	strace $0x9000004B  }
0xcb: {  	_ =	sfence  }
0xcc: {  	s30 =	sld [smem:$0x0];
	_ =	sdelay $0x2  }
0xcd: {  	s31 =	sshll.u32 s1, $0xD;
	s1 =	sshrl.u32 s1, $0x2  }
0xce: {  	s4 =	sand.u32 $0x4000, s31;
	s1 =	sadd.s32 s1, s30  }
0xcf: {  	s0 =	sor.u32 s4, s0;
	s1 =	sshll.u32 s1, $0x11  }
0xd0: {  	s0 =	sor.u32 s1, s0  }
0xd1: {  	s0 =	sadd.s32 $0x8F2B, s0  }
0xd2: {  	[sflag:s0] =	ssyncadd.remote.s32 $0x1  }
0xd3: {  	_ =	sfence.sel $0xFFFF  }
0xd4: {  	[dreg:$0x0] =	wrdreg $0xFFFFFFFF;
	(pc) =	sbr.abs _section_cstart, $3  }
0xd5: {  	[dreg:$0x1] =	wrdreg $0xFFFFFFFF  }
0xd6: {  	_ =	task.clear_ibuf [dreg:s22], $0x2FFFF;
	_ =	strace $0x9FFFFFFF  }
0xd7: {  	(tm) =	ssettm $0x7FFFFFFF  }
tec
execute0_lowered:
.L_overlay_start_1:
0x0: {  	(tag) =	ssettag $0x1  }
0x1: {  	s1 =	rddreg [dreg:$0x0]  }
0x2: {  	s2 =	rddreg [dreg:$0x1]  }
0x3: {  	s3 =	rddreg [dreg:$0x2]  }
0x4: {  	s4 =	rddreg [dreg:$0x3]  }
0x5: {  	s0 =	rddreg [dreg:$0x4];
	s6 =	simm.s32 $0x0;
	s5 =	srdreg.scid  }
0x6: {  	s7 =	stileid.u32;
	s11 =	simm.s32 $0x20;
	s16 =	simm.s32 $0x5  }
0x7: {  	s19 =	simm.s32 $0x6;
	s20 =	simm.s32 $0x7;
	s23 =	simm.s32 $0x8  }
0x8: {  	s24 =	simm.s32 $0x9;
	s28 =	simm.s32 $0xA;
	s30 =	simm.s32 $0xB  }
0x9: {  	s14 =	simm.s32 $0xC;
	s17 =	simm.s32 $0xD;
	s22 =	simm.s32 $0xE  }
0xa: {  	s29 =	simm.s32 $0x10;
	s13 =	simm.s32 $0x15;
	s18 =	simm.s32 $0x16  }
0xb: {  	s21 =	simm.s32 $0x17;
	s5 =	sand.u32 $0x1, s5;
	s7 =	sshll.u32 s7, $0x1  }
0xc: {  	s10 =	simm.s32 $0x19;
	[smem:$0x7FF] =	sst s6;
	s7 =	sor.u32 s5, s7  }
0xd: {  	s31 =	simm.s32 $0x0;
	_ =	strace $0x8000004A;
	s8 =	sshll.u32 s7, $0x6  }
0xe: {  	s5 =	ssub.s32 $0x2, s5;
	s7 =	sshll.u32 s7, $0xB;
	s8 =	sadd.s32 s8, s0  }
0xf: {  	s9 =	sshrl.u32 s5, $0x1;
	s0 =	sadd.s32 s7, s0;
	s25 =	sadd.s32 $0x62000, s8  }
0x10: {  	s5 =	ssub.s32 s5, s9;
	s0 =	sadd.s32 $0x62800, s0;
	[dreg:$0x6] =	wrdreg s25  }
0x11: {  	s7 =	simm.s32 $0x11;
	s26 =	smax.u32 s5, $0x1;
	[dreg:$0x7] =	wrdreg s0  }
0x12: {  	s9 =	simm.s32 $0x14;
	s8 =	simm.s32 $0x12;
	[dreg:$0x8] =	wrdreg s26  }
0x13: {  	s25 =	simm.s32 $0xF;
	s0 =	simm.s32 $0x13;
	s26 =	simm.s32 $0x18  }
.LBB2_1:
0x14: {  	s5 =	rddreg [dreg:$0x6];
	s12 =	simm.s32 $0x1A  }
0x15: {  	[tilespmem:s6], [sflag:$0x1A] =	stream.linear.gather [hbm4b:s5+s6], $0x180, $0x38;
	[tilespmem:$0x1C200] =	vst v63  }
0x16: {  	_ =	swait.ge [sflag:s12], $0x180  }
0x17: {  	[sflag:s12] =	ssyncset.done $0x0  }
0x18: {  	s15 =	simm.s32 $0x200;
	[sflag:s12] =	ssyncadd.s32 $0xFFFFFE80  }
0x19: {  	[tilespmem:s15], [sflag:$0x1] =	stream.indirect.gather [hbm4b:s1+s11], $0x80, s6, s11, $0xb8;
	[tilespmem:$0x1C200] =	vst v63  }
0x1a: {  	s12 =	simm.s32 $0x4200  }
0x1b: {  	[tilespmem:s12], [sflag:$0x2] =	stream.indirect.gather [hbm4b:s2+s11], $0x80, s6, s11, $0xb8;
	[tilespmem:$0x1C200] =	vst v63  }
0x1c: {  	s5 =	simm.s32 $0x80;
	s12 =	simm.s32 $0x8200  }
0x1d: {  	[tilespmem:s12], [sflag:$0x3] =	stream.indirect.gather [hbm4b:s1+s11], $0x80, s5, s11, $0xb8;
	[tilespmem:$0x1C200] =	vst v63  }
0x1e: {  	s15 =	simm.s32 $0xC200  }
0x1f: {  	[tilespmem:s15], [sflag:$0x4] =	stream.indirect.gather [hbm4b:s2+s11], $0x80, s5, s11, $0xb8;
	[tilespmem:$0x1C200] =	vst v63  }
0x20: {  	s5 =	simm.s32 $0x100;
	s15 =	simm.s32 $0x10200  }
0x21: {  	[tilespmem:s15], [sflag:$0x5] =	stream.indirect.gather [hbm4b:s3+s11], $0x80, s5, s11, $0xb8;
	[tilespmem:$0x1C200] =	vst v63  }
0x22: {  	s15 =	simm.s32 $0x14200  }
0x23: {  	[tilespmem:s15], [sflag:$0x6] =	stream.indirect.gather [hbm4b:s4+s11], $0x80, s5, s11, $0xb8;
	[tilespmem:$0x1C200] =	vst v63  }
0x24: {  	s15 =	simm.s32 $0x1200  }
0x25: {  	[tilespmem:s15], [sflag:$0x7] =	stream.indirect.gather [hbm4b:s1+s11], $0x80, s11, s11, $0xb8;
	[tilespmem:$0x1C200] =	vst v63  }
0x26: {  	s12 =	simm.s32 $0x5200  }
0x27: {  	[tilespmem:s12], [sflag:$0x8] =	stream.indirect.gather [hbm4b:s2+s11], $0x80, s11, s11, $0xb8;
	[tilespmem:$0x1C200] =	vst v63  }
0x28: {  	s5 =	simm.s32 $0xA0;
	s15 =	simm.s32 $0x9200  }
0x29: {  	[tilespmem:s15], [sflag:$0x9] =	stream.indirect.gather [hbm4b:s1+s11], $0x80, s5, s11, $0xb8;
	[tilespmem:$0x1C200] =	vst v63  }
0x2a: {  	s15 =	simm.s32 $0xD200  }
0x2b: {  	[tilespmem:s15], [sflag:$0xA] =	stream.indirect.gather [hbm4b:s2+s11], $0x80, s5, s11, $0xb8;
	[tilespmem:$0x1C200] =	vst v63  }
0x2c: {  	s5 =	simm.s32 $0x120;
	s15 =	simm.s32 $0x11200  }
0x2d: {  	[tilespmem:s15], [sflag:$0xB] =	stream.indirect.gather [hbm4b:s3+s11], $0x80, s5, s11, $0xb8;
	[tilespmem:$0x1C200] =	vst v63  }
0x2e: {  	s15 =	simm.s32 $0x15200  }
0x2f: {  	[tilespmem:s15], [sflag:$0xC] =	stream.indirect.gather [hbm4b:s4+s11], $0x80, s5, s11, $0xb8;
	[tilespmem:$0x1C200] =	vst v63  }
0x30: {  	s5 =	simm.s32 $0x40;
	s15 =	simm.s32 $0x2200  }
0x31: {  	[tilespmem:s15], [sflag:$0xD] =	stream.indirect.gather [hbm4b:s1+s11], $0x80, s5, s11, $0xb8;
	[tilespmem:$0x1C200] =	vst v63  }
0x32: {  	s15 =	simm.s32 $0x6200  }
0x33: {  	[tilespmem:s15], [sflag:$0xE] =	stream.indirect.gather [hbm4b:s2+s11], $0x80, s5, s11, $0xb8;
	[tilespmem:$0x1C200] =	vst v63  }
0x34: {  	s5 =	simm.s32 $0xC0;
	s15 =	simm.s32 $0xA200  }
0x35: {  	[tilespmem:s15], [sflag:$0xF] =	stream.indirect.gather [hbm4b:s1+s11], $0x80, s5, s11, $0xb8;
	[tilespmem:$0x1C200] =	vst v63  }
0x36: {  	s15 =	simm.s32 $0xE200  }
0x37: {  	[tilespmem:s15], [sflag:$0x10] =	stream.indirect.gather [hbm4b:s2+s11], $0x80, s5, s11, $0xb8;
	[tilespmem:$0x1C200] =	vst v63  }
0x38: {  	s5 =	simm.s32 $0x140;
	s15 =	simm.s32 $0x12200  }
0x39: {  	[tilespmem:s15], [sflag:$0x11] =	stream.indirect.gather [hbm4b:s3+s11], $0x80, s5, s11, $0xb8;
	[tilespmem:$0x1C200] =	vst v63  }
0x3a: {  	s15 =	simm.s32 $0x16200  }
0x3b: {  	[tilespmem:s15], [sflag:$0x12] =	stream.indirect.gather [hbm4b:s4+s11], $0x80, s5, s11, $0xb8;
	[tilespmem:$0x1C200] =	vst v63  }
0x3c: {  	s5 =	simm.s32 $0x60;
	s15 =	simm.s32 $0x3200  }
0x3d: {  	[tilespmem:s15], [sflag:$0x13] =	stream.indirect.gather [hbm4b:s1+s11], $0x80, s5, s11, $0xb8;
	[tilespmem:$0x1C200] =	vst v63  }
0x3e: {  	s15 =	simm.s32 $0x7200  }
0x3f: {  	[tilespmem:s15], [sflag:$0x14] =	stream.indirect.gather [hbm4b:s2+s11], $0x80, s5, s11, $0xb8;
	[tilespmem:$0x1C200] =	vst v63  }
0x40: {  	s5 =	simm.s32 $0xE0;
	s15 =	simm.s32 $0xB200  }
0x41: {  	[tilespmem:s15], [sflag:$0x15] =	stream.indirect.gather [hbm4b:s1+s11], $0x80, s5, s11, $0xb8;
	[tilespmem:$0x1C200] =	vst v63  }
0x42: {  	s15 =	simm.s32 $0xF200  }
0x43: {  	[tilespmem:s15], [sflag:$0x16] =	stream.indirect.gather [hbm4b:s2+s11], $0x80, s5, s11, $0xb8;
	[tilespmem:$0x1C200] =	vst v63  }
0x44: {  	s5 =	simm.s32 $0x160;
	s15 =	simm.s32 $0x13200  }
0x45: {  	[tilespmem:s15], [sflag:$0x17] =	stream.indirect.gather [hbm4b:s3+s11], $0x80, s5, s11, $0xb8;
	[tilespmem:$0x1C200] =	vst v63  }
0x46: {  	s12 =	simm.s32 $0x1;
	s15 =	simm.s32 $0x17200  }
0x47: {  	[tilespmem:s15], [sflag:$0x18] =	stream.indirect.gather [hbm4b:s4+s11], $0x80, s5, s11, $0xb8;
	[tilespmem:$0x1C200] =	vst v63  }
0x48: {  	_ =	swait.ge [sflag:s12], $0x1000  }
0x49: {  	[sflag:s12] =	ssyncset.done $0x0  }
0x4a: {  	s15 =	simm.s32 $0x2;
	[sflag:s12] =	ssyncadd.s32 $0xFFFFF000  }
0x4b: {  	_ =	swait.ge [sflag:s15], $0x1000  }
0x4c: {  	[sflag:s15] =	ssyncset.done $0x0  }
0x4d: {  	s12 =	simm.s32 $0x3;
	[sflag:s15] =	ssyncadd.s32 $0xFFFFF000  }
0x4e: {  	_ =	swait.ge [sflag:s12], $0x1000  }
0x4f: {  	[sflag:s12] =	ssyncset.done $0x0  }
0x50: {  	s15 =	simm.s32 $0x4;
	[sflag:s12] =	ssyncadd.s32 $0xFFFFF000  }
0x51: {  	_ =	swait.ge [sflag:s15], $0x1000  }
0x52: {  	[sflag:s15] =	ssyncset.done $0x0  }
0x53: {  	[sflag:s15] =	ssyncadd.s32 $0xFFFFF000  }
0x54: {  	_ =	swait.ge [sflag:s16], $0x1000  }
0x55: {  	[sflag:s16] =	ssyncset.done $0x0  }
0x56: {  	[sflag:s16] =	ssyncadd.s32 $0xFFFFF000  }
0x57: {  	_ =	swait.ge [sflag:s19], $0x1000  }
0x58: {  	[sflag:s19] =	ssyncset.done $0x0  }
0x59: {  	s5 =	simm.s32 $0x0;
	[sflag:s19] =	ssyncadd.s32 $0xFFFFF000  }
0x5a: {  	v0 =	vld [tilespmem:s5+$0x8270]  }
0x5b: {  	v1 =	vld [tilespmem:s5+$0xC270]  }
0x5c: {  	v2 =	vld [tilespmem:s5+$0x8260]  }
0x5d: {  	v3 =	vld [tilespmem:s5+$0xC260]  }
0x5e: {  	v4 =	vld [tilespmem:s5+$0x8250]  }
0x5f: {  	v5 =	vld [tilespmem:s5+$0xC250]  }
0x60: {  	v6 =	vld [tilespmem:s5+$0x8240]  }
0x61: {  	v7 =	vld [tilespmem:s5+$0xC240]  }
0x62: {  	v8 =	vld [tilespmem:s5+$0x8230]  }
0x63: {  	v9 =	vld [tilespmem:s5+$0xC230]  }
0x64: {  	v10 =	vld [tilespmem:s5+$0x8220]  }
0x65: {  	v11 =	vld [tilespmem:s5+$0xC220]  }
0x66: {  	v12 =	vld [tilespmem:s5+$0x200]  }
0x67: {  	v13 =	vld [tilespmem:s5+$0x8200]  }
0x68: {  	v14 =	vld [tilespmem:s5+$0xC200]  }
0x69: {  	s12 =	simm.s32 $0x200;
	v15 =	vld [tilespmem:s5+$0x10200]  }
.LBB2_2:
0x6a: {  	p0 =	sne.s32 s12, $0x3E00;
	v16 =	vld [tilespmem:s5+$0x14200]  }
0x6b: {  	v17 =	vld [tilespmem:s5+$0x8210]  }
0x6c: {  	v18 =	vld [tilespmem:s5+$0xC210]  }
0x6d: {  	v19 =	vld [tilespmem:s5+$0x10210]  }
0x6e: {  	v20 =	vld [tilespmem:s5+$0x14210]  }
0x6f: {  	v21 =	vmul.f32 v15, v13;
	v22 =	vmul.f32 v16, v14;
	v23 =	vld [tilespmem:s5+$0x10220]  }
0x70: {  	v24 =	vld [tilespmem:s5+$0x4200]  }
0x71: {  	v14 =	vmul.f32 v15, v14;
	v13 =	vmul.f32 v16, v13;
	v21 =	vadd.f32 v22, v21;
	v15 =	vld [tilespmem:s5+$0x14220]  }
0x72: {  	v16 =	vld [tilespmem:s5+$0x210];
	v22 =	vmul.f32 v19, v17  }
0x73: {  	v13 =	vsub.f32 v14, v13;
	v12 =	vmul.f32 v21, v12;
	v14 =	vmul.f32 v20, v18;
	v21 =	vld [tilespmem:s5+$0x10230]  }
0x74: {  	v18 =	vmul.f32 v19, v18;
	v17 =	vmul.f32 v20, v17;
	v25 =	vld [tilespmem:s5+$0x4210]  }
0x75: {  	v12 =	vadd.f32 $0.0e+00, v12;
	v13 =	vmul.f32 v13, v24;
	v14 =	vadd.f32 v14, v22;
	v19 =	vld [tilespmem:s5+$0x14230]  }
0x76: {  	v22 =	vmul.f32 v23, v10;
	v20 =	vld [tilespmem:s5+$0x220];
	v24 =	vmul.f32 v15, v11  }
0x77: {  	v12 =	vadd.f32 v12, v13;
	v13 =	vmul.f32 v14, v16;
	v14 =	vsub.f32 v18, v17;
	v16 =	vld [tilespmem:s5+$0x10240]  }
0x78: {  	v11 =	vmul.f32 v23, v11;
	v10 =	vmul.f32 v15, v10;
	v17 =	vld [tilespmem:s5+$0x4220]  }
0x79: {  	v12 =	vadd.f32 v13, v12;
	v13 =	vmul.f32 v14, v25;
	v14 =	vadd.f32 v24, v22;
	v15 =	vld [tilespmem:s5+$0x14240]  }
0x7a: {  	v22 =	vmul.f32 v21, v8;
	v18 =	vld [tilespmem:s5+$0x230];
	v23 =	vmul.f32 v19, v9  }
0x7b: {  	v10 =	vsub.f32 v11, v10;
	v12 =	vadd.f32 v12, v13;
	v13 =	vmul.f32 v14, v20;
	v11 =	vld [tilespmem:s5+$0x10250]  }
0x7c: {  	v9 =	vmul.f32 v21, v9;
	v8 =	vmul.f32 v19, v8;
	v14 =	vld [tilespmem:s5+$0x4230]  }
0x7d: {  	v12 =	vadd.f32 v13, v12;
	v10 =	vmul.f32 v10, v17;
	v13 =	vadd.f32 v23, v22;
	v17 =	vld [tilespmem:s5+$0x14250]  }
0x7e: {  	v20 =	vmul.f32 v16, v6;
	v19 =	vld [tilespmem:s5+$0x240];
	v21 =	vmul.f32 v15, v7  }
0x7f: {  	v8 =	vsub.f32 v9, v8;
	v10 =	vadd.f32 v12, v10;
	v12 =	vmul.f32 v13, v18;
	v9 =	vld [tilespmem:s5+$0x10260]  }
0x80: {  	v7 =	vmul.f32 v16, v7;
	v6 =	vmul.f32 v15, v6;
	v13 =	vld [tilespmem:s5+$0x4240]  }
0x81: {  	v10 =	vadd.f32 v12, v10;
	v8 =	vmul.f32 v8, v14;
	v12 =	vadd.f32 v21, v20;
	v14 =	vld [tilespmem:s5+$0x14260]  }
0x82: {  	v16 =	vmul.f32 v11, v4;
	v15 =	vld [tilespmem:s5+$0x250];
	v18 =	vmul.f32 v17, v5  }
0x83: {  	v6 =	vsub.f32 v7, v6;
	v8 =	vadd.f32 v10, v8;
	v10 =	vmul.f32 v12, v19;
	v7 =	vld [tilespmem:s5+$0x10270]  }
0x84: {  	v5 =	vmul.f32 v11, v5;
	v4 =	vmul.f32 v17, v4;
	v12 =	vld [tilespmem:s5+$0x4250]  }
0x85: {  	v8 =	vadd.f32 v10, v8;
	v6 =	vmul.f32 v6, v13;
	v10 =	vadd.f32 v18, v16;
	v11 =	vld [tilespmem:s5+$0x14270]  }
0x86: {  	v16 =	vmul.f32 v9, v2;
	v13 =	vld [tilespmem:s5+$0x260];
	v17 =	vmul.f32 v14, v3  }
0x87: {  	v4 =	vsub.f32 v5, v4;
	v6 =	vadd.f32 v8, v6;
	v8 =	vmul.f32 v10, v15;
	v10 =	vld [tilespmem:s5+$0x4270]  }
0x88: {  	v3 =	vmul.f32 v9, v3;
	v2 =	vmul.f32 v14, v2;
	v5 =	vld [tilespmem:s5+$0x4260]  }
0x89: {  	s15 =	sshra.s32 s12, $0x2;
	v6 =	vadd.f32 v8, v6;
	v4 =	vmul.f32 v4, v12;
	v8 =	vadd.f32 v17, v16;
	v9 =	vld [tilespmem:s5+$0x270]  }
0x8a: {  	v14 =	vmul.f32 v7, v0;
	v12 =	vld [tilespmem:s15+$0x8270];
	v15 =	vmul.f32 v11, v1  }
0x8b: {  	v16 =	vld [tilespmem:s15+$0xC270];
	v4 =	vadd.f32 v6, v4;
	v6 =	vmul.f32 v8, v13;
	v8 =	vsub.f32 v3, v2  }
0x8c: {  	v1 =	vmul.f32 v7, v1;
	v13 =	vmul.f32 v11, v0;
	v2 =	vld [tilespmem:s15+$0x8260]  }
0x8d: {  	v3 =	vld [tilespmem:s15+$0xC260];
	v6 =	vadd.f32 v6, v4;
	v7 =	vmul.f32 v8, v5;
	v8 =	vadd.f32 v15, v14  }
0x8e: {  	v4 =	vld [tilespmem:s15+$0x8250]  }
0x8f: {  	v5 =	vld [tilespmem:s15+$0xC250];
	v11 =	vadd.f32 v6, v7;
	v8 =	vmul.f32 v8, v9;
	v9 =	vsub.f32 v1, v13;
	v0 =	vmovc v12  }
0x90: {  	v6 =	vld [tilespmem:s15+$0x8240];
	v1 =	vmov v16  }
0x91: {  	v7 =	vld [tilespmem:s15+$0xC240];
	v11 =	vadd.f32 v8, v11;
	v10 =	vmul.f32 v9, v10  }
0x92: {  	v8 =	vld [tilespmem:s15+$0x8230]  }
0x93: {  	v9 =	vld [tilespmem:s15+$0xC230];
	v12 =	vadd.f32 v11, v10  }
0x94: {  	v10 =	vld [tilespmem:s15+$0x8220]  }
.Ltmp0:
0x95: {  	v11 =	vld [tilespmem:s15+$0xC220];
	[tilespmem:s5+$0x18200] =	vst v12;
	s5 =	smov.u32 s15;
	(pc) =	sbr.rel @p0 .LBB2_2-.Ltmp0, $4  }
0x96: {  	v12 =	vld [tilespmem:s5+$0x200]  }
0x97: {  	v13 =	vld [tilespmem:s5+$0x8200]  }
0x98: {  	v14 =	vld [tilespmem:s5+$0xC200]  }
0x99: {  	s12 =	sadd.s32 $0x200, s12;
	v15 =	vld [tilespmem:s5+$0x10200]  }
0x9a: {  	v16 =	vld [tilespmem:s5+$0x14200]  }
0x9b: {  	v17 =	vld [tilespmem:s5+$0x8210]  }
0x9c: {  	v18 =	vld [tilespmem:s5+$0xC210]  }
0x9d: {  	v19 =	vld [tilespmem:s5+$0x10210]  }
0x9e: {  	v20 =	vld [tilespmem:s5+$0x14210]  }
0x9f: {  	v23 =	vld [tilespmem:s5+$0x10220];
	v21 =	vmul.f32 v15, v13;
	v22 =	vmul.f32 v16, v14  }
0xa0: {  	v24 =	vld [tilespmem:s5+$0x4200]  }
0xa1: {  	v14 =	vmul.f32 v15, v14;
	v13 =	vmul.f32 v16, v13;
	v15 =	vld [tilespmem:s5+$0x14220];
	v21 =	vadd.f32 v22, v21  }
0xa2: {  	v16 =	vld [tilespmem:s5+$0x210];
	v51 =	vmul.f32 v19, v17  }
0xa3: {  	v52 =	vld [tilespmem:s5+$0x10230];
	v13 =	vsub.f32 v14, v13;
	v14 =	vmul.f32 v20, v18;
	v12 =	vmul.f32 v21, v12  }
0xa4: {  	v25 =	vld [tilespmem:s5+$0x4210];
	v17 =	vmul.f32 v20, v17;
	v18 =	vmul.f32 v19, v18  }
0xa5: {  	v53 =	vld [tilespmem:s5+$0x14230];
	v13 =	vmul.f32 v13, v24;
	v14 =	vadd.f32 v14, v51;
	v12 =	vadd.f32 $0.0e+00, v12  }
0xa6: {  	v54 =	vld [tilespmem:s5+$0x220];
	v55 =	vmul.f32 v23, v10;
	v56 =	vmul.f32 v15, v11  }
0xa7: {  	v57 =	vld [tilespmem:s5+$0x230];
	v12 =	vadd.f32 v12, v13;
	v13 =	vmul.f32 v14, v16;
	v14 =	vsub.f32 v18, v17  }
0xa8: {  	v11 =	vmul.f32 v23, v11;
	v10 =	vmul.f32 v15, v10;
	v17 =	vld [tilespmem:s5+$0x4220]  }
0xa9: {  	v15 =	vld [tilespmem:s5+$0x14240];
	v12 =	vadd.f32 v13, v12;
	v13 =	vmul.f32 v14, v25;
	v14 =	vadd.f32 v56, v55  }
0xaa: {  	v58 =	vmul.f32 v52, v8;
	v59 =	vmul.f32 v53, v9;
	v16 =	vld [tilespmem:s5+$0x10240]  }
0xab: {  	v60 =	vld [tilespmem:s5+$0x240];
	v10 =	vsub.f32 v11, v10;
	v12 =	vadd.f32 v12, v13;
	v13 =	vmul.f32 v14, v54  }
0xac: {  	v9 =	vmul.f32 v52, v9;
	v8 =	vmul.f32 v53, v8;
	v14 =	vld [tilespmem:s5+$0x4230]  }
0xad: {  	v11 =	vld [tilespmem:s5+$0x10250];
	v10 =	vmul.f32 v10, v17;
	v12 =	vadd.f32 v13, v12;
	v13 =	vadd.f32 v59, v58  }
0xae: {  	v8 =	vsub.f32 v9, v8;
	v62 =	vmul.f32 v15, v7;
	v17 =	vld [tilespmem:s5+$0x14250]  }
0xaf: {  	v9 =	vld [tilespmem:s5+$0x10260];
	v61 =	vmul.f32 v16, v6;
	v10 =	vadd.f32 v12, v10;
	v12 =	vmul.f32 v13, v57  }
0xb0: {  	v7 =	vmul.f32 v16, v7;
	v6 =	vmul.f32 v15, v6;
	v13 =	vld [tilespmem:s5+$0x4240]  }
0xb1: {  	v15 =	vld [tilespmem:s5+$0x250];
	v8 =	vmul.f32 v8, v14;
	v10 =	vadd.f32 v12, v10;
	v12 =	vadd.f32 v62, v61  }
0xb2: {  	v16 =	vmul.f32 v11, v4;
	v6 =	vsub.f32 v7, v6;
	v14 =	vld [tilespmem:s5+$0x14260]  }
0xb3: {  	v7 =	vld [tilespmem:s5+$0x10270];
	v63 =	vmul.f32 v17, v5;
	v8 =	vadd.f32 v10, v8;
	v10 =	vmul.f32 v12, v60  }
0xb4: {  	v5 =	vmul.f32 v11, v5;
	v4 =	vmul.f32 v17, v4;
	v12 =	vld [tilespmem:s5+$0x4250]  }
0xb5: {  	v11 =	vld [tilespmem:s5+$0x14270];
	v6 =	vmul.f32 v6, v13;
	v8 =	vadd.f32 v10, v8;
	v10 =	vadd.f32 v63, v16  }
0xb6: {  	v4 =	vsub.f32 v5, v4;
	v13 =	vld [tilespmem:s5+$0x260];
	v16 =	vmul.f32 v9, v2  }
0xb7: {  	v17 =	vmul.f32 v14, v3;
	v6 =	vadd.f32 v8, v6;
	v8 =	vmul.f32 v10, v15  }
0xb8: {  	v5 =	vld [tilespmem:s5+$0x4260];
	v3 =	vmul.f32 v9, v3;
	v2 =	vmul.f32 v14, v2  }
0xb9: {  	v4 =	vmul.f32 v4, v12;
	v6 =	vadd.f32 v8, v6;
	v8 =	vadd.f32 v17, v16  }
0xba: {  	v9 =	vld [tilespmem:s5+$0x270];
	v10 =	vmul.f32 v7, v0;
	v2 =	vsub.f32 v3, v2  }
0xbb: {  	v12 =	vmul.f32 v11, v1;
	v4 =	vadd.f32 v6, v4;
	v6 =	vmul.f32 v8, v13  }
0xbc: {  	v3 =	vld [tilespmem:s5+$0x4270];
	v0 =	vmul.f32 v11, v0;
	v1 =	vmul.f32 v7, v1  }
0xbd: {  	v2 =	vmul.f32 v2, v5;
	v5 =	vadd.f32 v12, v10;
	v4 =	vadd.f32 v6, v4;
	_ =	sdelay $0x1  }
0xbe: {  	v0 =	vsub.f32 v1, v0;
	v2 =	vadd.f32 v4, v2;
	v4 =	vmul.f32 v5, v9;
	_ =	sdelay $0x1  }
0xbf: {  	v0 =	vmul.f32 v0, v3;
	v1 =	vadd.f32 v4, v2;
	_ =	sdelay $0x1  }
0xc0: {  	v0 =	vadd.f32 v1, v0;
	_ =	sdelay $0x1  }
0xc1: {  	[tilespmem:s5+$0x18200] =	vst v0  }
0xc2: {  	_ =	swait.ge [sflag:s20], $0x1000  }
0xc3: {  	[sflag:s20] =	ssyncset.done $0x0  }
0xc4: {  	[sflag:s20] =	ssyncadd.s32 $0xFFFFF000  }
0xc5: {  	_ =	swait.ge [sflag:s23], $0x1000  }
0xc6: {  	[sflag:s23] =	ssyncset.done $0x0  }
0xc7: {  	[sflag:s23] =	ssyncadd.s32 $0xFFFFF000  }
0xc8: {  	_ =	swait.ge [sflag:s24], $0x1000  }
0xc9: {  	[sflag:s24] =	ssyncset.done $0x0  }
0xca: {  	[sflag:s24] =	ssyncadd.s32 $0xFFFFF000  }
0xcb: {  	_ =	swait.ge [sflag:s28], $0x1000  }
0xcc: {  	[sflag:s28] =	ssyncset.done $0x0  }
0xcd: {  	[sflag:s28] =	ssyncadd.s32 $0xFFFFF000  }
0xce: {  	_ =	swait.ge [sflag:s30], $0x1000  }
0xcf: {  	[sflag:s30] =	ssyncset.done $0x0  }
0xd0: {  	[sflag:s30] =	ssyncadd.s32 $0xFFFFF000  }
0xd1: {  	_ =	swait.ge [sflag:s14], $0x1000  }
0xd2: {  	[sflag:s14] =	ssyncset.done $0x0  }
0xd3: {  	s5 =	simm.s32 $0x0;
	[sflag:s14] =	ssyncadd.s32 $0xFFFFF000  }
0xd4: {  	v0 =	vld [tilespmem:s5+$0x9270]  }
0xd5: {  	v1 =	vld [tilespmem:s5+$0xD270]  }
0xd6: {  	v2 =	vld [tilespmem:s5+$0x9260]  }
0xd7: {  	v3 =	vld [tilespmem:s5+$0xD260]  }
0xd8: {  	v4 =	vld [tilespmem:s5+$0x9250]  }
0xd9: {  	v5 =	vld [tilespmem:s5+$0xD250]  }
0xda: {  	v6 =	vld [tilespmem:s5+$0x9240]  }
0xdb: {  	v7 =	vld [tilespmem:s5+$0xD240]  }
0xdc: {  	v8 =	vld [tilespmem:s5+$0x9230]  }
0xdd: {  	v9 =	vld [tilespmem:s5+$0xD230]  }
0xde: {  	v10 =	vld [tilespmem:s5+$0x9220]  }
0xdf: {  	v11 =	vld [tilespmem:s5+$0xD220]  }
0xe0: {  	v12 =	vld [tilespmem:s5+$0x1200]  }
0xe1: {  	v13 =	vld [tilespmem:s5+$0x9200]  }
0xe2: {  	v14 =	vld [tilespmem:s5+$0xD200]  }
0xe3: {  	s12 =	simm.s32 $0x200;
	v15 =	vld [tilespmem:s5+$0x11200]  }
.LBB2_4:
0xe4: {  	p0 =	sne.s32 s12, $0x3E00;
	v16 =	vld [tilespmem:s5+$0x15200]  }
0xe5: {  	v17 =	vld [tilespmem:s5+$0x9210]  }
0xe6: {  	v18 =	vld [tilespmem:s5+$0xD210]  }
0xe7: {  	v19 =	vld [tilespmem:s5+$0x11210]  }
0xe8: {  	v20 =	vld [tilespmem:s5+$0x15210]  }
0xe9: {  	v21 =	vmul.f32 v15, v13;
	v22 =	vmul.f32 v16, v14;
	v23 =	vld [tilespmem:s5+$0x11220]  }
0xea: {  	v24 =	vld [tilespmem:s5+$0x5200]  }
0xeb: {  	v14 =	vmul.f32 v15, v14;
	v13 =	vmul.f32 v16, v13;
	v21 =	vadd.f32 v22, v21;
	v15 =	vld [tilespmem:s5+$0x15220]  }
0xec: {  	v16 =	vld [tilespmem:s5+$0x1210];
	v22 =	vmul.f32 v19, v17  }
0xed: {  	v13 =	vsub.f32 v14, v13;
	v12 =	vmul.f32 v21, v12;
	v14 =	vmul.f32 v20, v18;
	v21 =	vld [tilespmem:s5+$0x11230]  }
0xee: {  	v18 =	vmul.f32 v19, v18;
	v17 =	vmul.f32 v20, v17;
	v25 =	vld [tilespmem:s5+$0x5210]  }
0xef: {  	v12 =	vadd.f32 $0.0e+00, v12;
	v13 =	vmul.f32 v13, v24;
	v14 =	vadd.f32 v14, v22;
	v19 =	vld [tilespmem:s5+$0x15230]  }
0xf0: {  	v22 =	vmul.f32 v23, v10;
	v20 =	vld [tilespmem:s5+$0x1220];
	v24 =	vmul.f32 v15, v11  }
0xf1: {  	v12 =	vadd.f32 v12, v13;
	v13 =	vmul.f32 v14, v16;
	v14 =	vsub.f32 v18, v17;
	v16 =	vld [tilespmem:s5+$0x11240]  }
0xf2: {  	v11 =	vmul.f32 v23, v11;
	v10 =	vmul.f32 v15, v10;
	v17 =	vld [tilespmem:s5+$0x5220]  }
0xf3: {  	v12 =	vadd.f32 v13, v12;
	v13 =	vmul.f32 v14, v25;
	v14 =	vadd.f32 v24, v22;
	v15 =	vld [tilespmem:s5+$0x15240]  }
0xf4: {  	v22 =	vmul.f32 v21, v8;
	v18 =	vld [tilespmem:s5+$0x1230];
	v23 =	vmul.f32 v19, v9  }
0xf5: {  	v10 =	vsub.f32 v11, v10;
	v12 =	vadd.f32 v12, v13;
	v13 =	vmul.f32 v14, v20;
	v11 =	vld [tilespmem:s5+$0x11250]  }
0xf6: {  	v9 =	vmul.f32 v21, v9;
	v8 =	vmul.f32 v19, v8;
	v14 =	vld [tilespmem:s5+$0x5230]  }
0xf7: {  	v12 =	vadd.f32 v13, v12;
	v10 =	vmul.f32 v10, v17;
	v13 =	vadd.f32 v23, v22;
	v17 =	vld [tilespmem:s5+$0x15250]  }
0xf8: {  	v20 =	vmul.f32 v16, v6;
	v19 =	vld [tilespmem:s5+$0x1240];
	v21 =	vmul.f32 v15, v7  }
0xf9: {  	v8 =	vsub.f32 v9, v8;
	v10 =	vadd.f32 v12, v10;
	v12 =	vmul.f32 v13, v18;
	v9 =	vld [tilespmem:s5+$0x11260]  }
0xfa: {  	v7 =	vmul.f32 v16, v7;
	v6 =	vmul.f32 v15, v6;
	v13 =	vld [tilespmem:s5+$0x5240]  }
0xfb: {  	v10 =	vadd.f32 v12, v10;
	v8 =	vmul.f32 v8, v14;
	v12 =	vadd.f32 v21, v20;
	v14 =	vld [tilespmem:s5+$0x15260]  }
0xfc: {  	v16 =	vmul.f32 v11, v4;
	v15 =	vld [tilespmem:s5+$0x1250];
	v18 =	vmul.f32 v17, v5  }
0xfd: {  	v6 =	vsub.f32 v7, v6;
	v8 =	vadd.f32 v10, v8;
	v10 =	vmul.f32 v12, v19;
	v7 =	vld [tilespmem:s5+$0x11270]  }
0xfe: {  	v5 =	vmul.f32 v11, v5;
	v4 =	vmul.f32 v17, v4;
	v12 =	vld [tilespmem:s5+$0x5250]  }
0xff: {  	v8 =	vadd.f32 v10, v8;
	v6 =	vmul.f32 v6, v13;
	v10 =	vadd.f32 v18, v16;
	v11 =	vld [tilespmem:s5+$0x15270]  }
0x100: {  	v16 =	vmul.f32 v9, v2;
	v13 =	vld [tilespmem:s5+$0x1260];
	v17 =	vmul.f32 v14, v3  }
0x101: {  	v4 =	vsub.f32 v5, v4;
	v6 =	vadd.f32 v8, v6;
	v8 =	vmul.f32 v10, v15;
	v10 =	vld [tilespmem:s5+$0x5270]  }
0x102: {  	v3 =	vmul.f32 v9, v3;
	v2 =	vmul.f32 v14, v2;
	v5 =	vld [tilespmem:s5+$0x5260]  }
0x103: {  	s15 =	sshra.s32 s12, $0x2;
	v6 =	vadd.f32 v8, v6;
	v4 =	vmul.f32 v4, v12;
	v8 =	vadd.f32 v17, v16;
	v9 =	vld [tilespmem:s5+$0x1270]  }
0x104: {  	v14 =	vmul.f32 v7, v0;
	v12 =	vld [tilespmem:s15+$0x9270];
	v15 =	vmul.f32 v11, v1  }
0x105: {  	v16 =	vld [tilespmem:s15+$0xD270];
	v4 =	vadd.f32 v6, v4;
	v6 =	vmul.f32 v8, v13;
	v8 =	vsub.f32 v3, v2  }
0x106: {  	v1 =	vmul.f32 v7, v1;
	v13 =	vmul.f32 v11, v0;
	v2 =	vld [tilespmem:s15+$0x9260]  }
0x107: {  	v3 =	vld [tilespmem:s15+$0xD260];
	v6 =	vadd.f32 v6, v4;
	v7 =	vmul.f32 v8, v5;
	v8 =	vadd.f32 v15, v14  }
0x108: {  	v4 =	vld [tilespmem:s15+$0x9250]  }
0x109: {  	v5 =	vld [tilespmem:s15+$0xD250];
	v11 =	vadd.f32 v6, v7;
	v8 =	vmul.f32 v8, v9;
	v9 =	vsub.f32 v1, v13;
	v0 =	vmovc v12  }
0x10a: {  	v6 =	vld [tilespmem:s15+$0x9240];
	v1 =	vmov v16  }
0x10b: {  	v7 =	vld [tilespmem:s15+$0xD240];
	v11 =	vadd.f32 v8, v11;
	v10 =	vmul.f32 v9, v10  }
0x10c: {  	v8 =	vld [tilespmem:s15+$0x9230]  }
0x10d: {  	v9 =	vld [tilespmem:s15+$0xD230];
	v12 =	vadd.f32 v11, v10  }
0x10e: {  	v10 =	vld [tilespmem:s15+$0x9220]  }
.Ltmp1:
0x10f: {  	v11 =	vld [tilespmem:s15+$0xD220];
	[tilespmem:s5+$0x19200] =	vst v12;
	s5 =	smov.u32 s15;
	(pc) =	sbr.rel @p0 .LBB2_4-.Ltmp1, $4  }
0x110: {  	v12 =	vld [tilespmem:s5+$0x1200]  }
0x111: {  	v13 =	vld [tilespmem:s5+$0x9200]  }
0x112: {  	v14 =	vld [tilespmem:s5+$0xD200]  }
0x113: {  	s12 =	sadd.s32 $0x200, s12;
	v15 =	vld [tilespmem:s5+$0x11200]  }
0x114: {  	v16 =	vld [tilespmem:s5+$0x15200]  }
0x115: {  	v17 =	vld [tilespmem:s5+$0x9210]  }
0x116: {  	v18 =	vld [tilespmem:s5+$0xD210]  }
0x117: {  	v19 =	vld [tilespmem:s5+$0x11210]  }
0x118: {  	v20 =	vld [tilespmem:s5+$0x15210]  }
0x119: {  	v23 =	vld [tilespmem:s5+$0x11220];
	v21 =	vmul.f32 v15, v13;
	v22 =	vmul.f32 v16, v14  }
0x11a: {  	v24 =	vld [tilespmem:s5+$0x5200]  }
0x11b: {  	v14 =	vmul.f32 v15, v14;
	v13 =	vmul.f32 v16, v13;
	v15 =	vld [tilespmem:s5+$0x15220];
	v21 =	vadd.f32 v22, v21  }
0x11c: {  	v16 =	vld [tilespmem:s5+$0x1210];
	v51 =	vmul.f32 v19, v17  }
0x11d: {  	v52 =	vld [tilespmem:s5+$0x11230];
	v13 =	vsub.f32 v14, v13;
	v14 =	vmul.f32 v20, v18;
	v12 =	vmul.f32 v21, v12  }
0x11e: {  	v25 =	vld [tilespmem:s5+$0x5210];
	v17 =	vmul.f32 v20, v17;
	v18 =	vmul.f32 v19, v18  }
0x11f: {  	v53 =	vld [tilespmem:s5+$0x15230];
	v13 =	vmul.f32 v13, v24;
	v14 =	vadd.f32 v14, v51;
	v12 =	vadd.f32 $0.0e+00, v12  }
0x120: {  	v54 =	vld [tilespmem:s5+$0x1220];
	v55 =	vmul.f32 v23, v10;
	v56 =	vmul.f32 v15, v11  }
0x121: {  	v57 =	vld [tilespmem:s5+$0x1230];
	v12 =	vadd.f32 v12, v13;
	v13 =	vmul.f32 v14, v16;
	v14 =	vsub.f32 v18, v17  }
0x122: {  	v11 =	vmul.f32 v23, v11;
	v10 =	vmul.f32 v15, v10;
	v17 =	vld [tilespmem:s5+$0x5220]  }
0x123: {  	v15 =	vld [tilespmem:s5+$0x15240];
	v12 =	vadd.f32 v13, v12;
	v13 =	vmul.f32 v14, v25;
	v14 =	vadd.f32 v56, v55  }
0x124: {  	v58 =	vmul.f32 v52, v8;
	v59 =	vmul.f32 v53, v9;
	v16 =	vld [tilespmem:s5+$0x11240]  }
0x125: {  	v60 =	vld [tilespmem:s5+$0x1240];
	v10 =	vsub.f32 v11, v10;
	v12 =	vadd.f32 v12, v13;
	v13 =	vmul.f32 v14, v54  }
0x126: {  	v9 =	vmul.f32 v52, v9;
	v8 =	vmul.f32 v53, v8;
	v14 =	vld [tilespmem:s5+$0x5230]  }
0x127: {  	v11 =	vld [tilespmem:s5+$0x11250];
	v10 =	vmul.f32 v10, v17;
	v12 =	vadd.f32 v13, v12;
	v13 =	vadd.f32 v59, v58  }
0x128: {  	v8 =	vsub.f32 v9, v8;
	v62 =	vmul.f32 v15, v7;
	v17 =	vld [tilespmem:s5+$0x15250]  }
0x129: {  	v9 =	vld [tilespmem:s5+$0x11260];
	v61 =	vmul.f32 v16, v6;
	v10 =	vadd.f32 v12, v10;
	v12 =	vmul.f32 v13, v57  }
0x12a: {  	v7 =	vmul.f32 v16, v7;
	v6 =	vmul.f32 v15, v6;
	v13 =	vld [tilespmem:s5+$0x5240]  }
0x12b: {  	v15 =	vld [tilespmem:s5+$0x1250];
	v8 =	vmul.f32 v8, v14;
	v10 =	vadd.f32 v12, v10;
	v12 =	vadd.f32 v62, v61  }
0x12c: {  	v16 =	vmul.f32 v11, v4;
	v6 =	vsub.f32 v7, v6;
	v14 =	vld [tilespmem:s5+$0x15260]  }
0x12d: {  	v7 =	vld [tilespmem:s5+$0x11270];
	v63 =	vmul.f32 v17, v5;
	v8 =	vadd.f32 v10, v8;
	v10 =	vmul.f32 v12, v60  }
0x12e: {  	v5 =	vmul.f32 v11, v5;
	v4 =	vmul.f32 v17, v4;
	v12 =	vld [tilespmem:s5+$0x5250]  }
0x12f: {  	v11 =	vld [tilespmem:s5+$0x15270];
	v6 =	vmul.f32 v6, v13;
	v8 =	vadd.f32 v10, v8;
	v10 =	vadd.f32 v63, v16  }
0x130: {  	v4 =	vsub.f32 v5, v4;
	v13 =	vld [tilespmem:s5+$0x1260];
	v16 =	vmul.f32 v9, v2  }
0x131: {  	v17 =	vmul.f32 v14, v3;
	v6 =	vadd.f32 v8, v6;
	v8 =	vmul.f32 v10, v15  }
0x132: {  	v5 =	vld [tilespmem:s5+$0x5260];
	v3 =	vmul.f32 v9, v3;
	v2 =	vmul.f32 v14, v2  }
0x133: {  	v4 =	vmul.f32 v4, v12;
	v6 =	vadd.f32 v8, v6;
	v8 =	vadd.f32 v17, v16  }
0x134: {  	v9 =	vld [tilespmem:s5+$0x1270];
	v10 =	vmul.f32 v7, v0;
	v2 =	vsub.f32 v3, v2  }
0x135: {  	v12 =	vmul.f32 v11, v1;
	v4 =	vadd.f32 v6, v4;
	v6 =	vmul.f32 v8, v13  }
0x136: {  	v3 =	vld [tilespmem:s5+$0x5270];
	v0 =	vmul.f32 v11, v0;
	v1 =	vmul.f32 v7, v1  }
0x137: {  	v2 =	vmul.f32 v2, v5;
	v5 =	vadd.f32 v12, v10;
	v4 =	vadd.f32 v6, v4;
	_ =	sdelay $0x1  }
0x138: {  	v0 =	vsub.f32 v1, v0;
	v2 =	vadd.f32 v4, v2;
	v4 =	vmul.f32 v5, v9;
	_ =	sdelay $0x1  }
0x139: {  	v0 =	vmul.f32 v0, v3;
	v1 =	vadd.f32 v4, v2;
	_ =	sdelay $0x1  }
0x13a: {  	v0 =	vadd.f32 v1, v0;
	_ =	sdelay $0x1  }
0x13b: {  	[tilespmem:s5+$0x19200] =	vst v0  }
0x13c: {  	_ =	swait.ge [sflag:s17], $0x1000  }
0x13d: {  	[sflag:s17] =	ssyncset.done $0x0  }
0x13e: {  	[sflag:s17] =	ssyncadd.s32 $0xFFFFF000  }
0x13f: {  	_ =	swait.ge [sflag:s22], $0x1000  }
0x140: {  	[sflag:s22] =	ssyncset.done $0x0  }
0x141: {  	[sflag:s22] =	ssyncadd.s32 $0xFFFFF000  }
0x142: {  	_ =	swait.ge [sflag:s25], $0x1000  }
0x143: {  	[sflag:s25] =	ssyncset.done $0x0  }
0x144: {  	[sflag:s25] =	ssyncadd.s32 $0xFFFFF000  }
0x145: {  	_ =	swait.ge [sflag:s29], $0x1000  }
0x146: {  	[sflag:s29] =	ssyncset.done $0x0  }
0x147: {  	[sflag:s29] =	ssyncadd.s32 $0xFFFFF000  }
0x148: {  	_ =	swait.ge [sflag:s7], $0x1000  }
0x149: {  	[sflag:s7] =	ssyncset.done $0x0  }
0x14a: {  	[sflag:s7] =	ssyncadd.s32 $0xFFFFF000  }
0x14b: {  	_ =	swait.ge [sflag:s8], $0x1000  }
0x14c: {  	[sflag:s8] =	ssyncset.done $0x0  }
0x14d: {  	s5 =	simm.s32 $0x0;
	[sflag:s8] =	ssyncadd.s32 $0xFFFFF000  }
0x14e: {  	v0 =	vld [tilespmem:s5+$0xA270]  }
0x14f: {  	v1 =	vld [tilespmem:s5+$0xE270]  }
0x150: {  	v2 =	vld [tilespmem:s5+$0xA260]  }
0x151: {  	v3 =	vld [tilespmem:s5+$0xE260]  }
0x152: {  	v4 =	vld [tilespmem:s5+$0xA250]  }
0x153: {  	v5 =	vld [tilespmem:s5+$0xE250]  }
0x154: {  	v6 =	vld [tilespmem:s5+$0xA240]  }
0x155: {  	v7 =	vld [tilespmem:s5+$0xE240]  }
0x156: {  	v8 =	vld [tilespmem:s5+$0xA230]  }
0x157: {  	v9 =	vld [tilespmem:s5+$0xE230]  }
0x158: {  	v10 =	vld [tilespmem:s5+$0xA220]  }
0x159: {  	v11 =	vld [tilespmem:s5+$0xE220]  }
0x15a: {  	v12 =	vld [tilespmem:s5+$0x2200]  }
0x15b: {  	v13 =	vld [tilespmem:s5+$0xA200]  }
0x15c: {  	v14 =	vld [tilespmem:s5+$0xE200]  }
0x15d: {  	s12 =	simm.s32 $0x200;
	v15 =	vld [tilespmem:s5+$0x12200]  }
.LBB2_6:
0x15e: {  	p0 =	sne.s32 s12, $0x3E00;
	v16 =	vld [tilespmem:s5+$0x16200]  }
0x15f: {  	v17 =	vld [tilespmem:s5+$0xA210]  }
0x160: {  	v18 =	vld [tilespmem:s5+$0xE210]  }
0x161: {  	v19 =	vld [tilespmem:s5+$0x12210]  }
0x162: {  	v20 =	vld [tilespmem:s5+$0x16210]  }
0x163: {  	v21 =	vmul.f32 v15, v13;
	v22 =	vmul.f32 v16, v14;
	v23 =	vld [tilespmem:s5+$0x12220]  }
0x164: {  	v24 =	vld [tilespmem:s5+$0x6200]  }
0x165: {  	v14 =	vmul.f32 v15, v14;
	v13 =	vmul.f32 v16, v13;
	v21 =	vadd.f32 v22, v21;
	v15 =	vld [tilespmem:s5+$0x16220]  }
0x166: {  	v16 =	vld [tilespmem:s5+$0x2210];
	v22 =	vmul.f32 v19, v17  }
0x167: {  	v13 =	vsub.f32 v14, v13;
	v12 =	vmul.f32 v21, v12;
	v14 =	vmul.f32 v20, v18;
	v21 =	vld [tilespmem:s5+$0x12230]  }
0x168: {  	v18 =	vmul.f32 v19, v18;
	v17 =	vmul.f32 v20, v17;
	v25 =	vld [tilespmem:s5+$0x6210]  }
0x169: {  	v12 =	vadd.f32 $0.0e+00, v12;
	v13 =	vmul.f32 v13, v24;
	v14 =	vadd.f32 v14, v22;
	v19 =	vld [tilespmem:s5+$0x16230]  }
0x16a: {  	v22 =	vmul.f32 v23, v10;
	v20 =	vld [tilespmem:s5+$0x2220];
	v24 =	vmul.f32 v15, v11  }
0x16b: {  	v12 =	vadd.f32 v12, v13;
	v13 =	vmul.f32 v14, v16;
	v14 =	vsub.f32 v18, v17;
	v16 =	vld [tilespmem:s5+$0x12240]  }
0x16c: {  	v11 =	vmul.f32 v23, v11;
	v10 =	vmul.f32 v15, v10;
	v17 =	vld [tilespmem:s5+$0x6220]  }
0x16d: {  	v12 =	vadd.f32 v13, v12;
	v13 =	vmul.f32 v14, v25;
	v14 =	vadd.f32 v24, v22;
	v15 =	vld [tilespmem:s5+$0x16240]  }
0x16e: {  	v22 =	vmul.f32 v21, v8;
	v18 =	vld [tilespmem:s5+$0x2230];
	v23 =	vmul.f32 v19, v9  }
0x16f: {  	v10 =	vsub.f32 v11, v10;
	v12 =	vadd.f32 v12, v13;
	v13 =	vmul.f32 v14, v20;
	v11 =	vld [tilespmem:s5+$0x12250]  }
0x170: {  	v9 =	vmul.f32 v21, v9;
	v8 =	vmul.f32 v19, v8;
	v14 =	vld [tilespmem:s5+$0x6230]  }
0x171: {  	v12 =	vadd.f32 v13, v12;
	v10 =	vmul.f32 v10, v17;
	v13 =	vadd.f32 v23, v22;
	v17 =	vld [tilespmem:s5+$0x16250]  }
0x172: {  	v20 =	vmul.f32 v16, v6;
	v19 =	vld [tilespmem:s5+$0x2240];
	v21 =	vmul.f32 v15, v7  }
0x173: {  	v8 =	vsub.f32 v9, v8;
	v10 =	vadd.f32 v12, v10;
	v12 =	vmul.f32 v13, v18;
	v9 =	vld [tilespmem:s5+$0x12260]  }
0x174: {  	v7 =	vmul.f32 v16, v7;
	v6 =	vmul.f32 v15, v6;
	v13 =	vld [tilespmem:s5+$0x6240]  }
0x175: {  	v10 =	vadd.f32 v12, v10;
	v8 =	vmul.f32 v8, v14;
	v12 =	vadd.f32 v21, v20;
	v14 =	vld [tilespmem:s5+$0x16260]  }
0x176: {  	v16 =	vmul.f32 v11, v4;
	v15 =	vld [tilespmem:s5+$0x2250];
	v18 =	vmul.f32 v17, v5  }
0x177: {  	v6 =	vsub.f32 v7, v6;
	v8 =	vadd.f32 v10, v8;
	v10 =	vmul.f32 v12, v19;
	v7 =	vld [tilespmem:s5+$0x12270]  }
0x178: {  	v5 =	vmul.f32 v11, v5;
	v4 =	vmul.f32 v17, v4;
	v12 =	vld [tilespmem:s5+$0x6250]  }
0x179: {  	v8 =	vadd.f32 v10, v8;
	v6 =	vmul.f32 v6, v13;
	v10 =	vadd.f32 v18, v16;
	v11 =	vld [tilespmem:s5+$0x16270]  }
0x17a: {  	v16 =	vmul.f32 v9, v2;
	v13 =	vld [tilespmem:s5+$0x2260];
	v17 =	vmul.f32 v14, v3  }
0x17b: {  	v4 =	vsub.f32 v5, v4;
	v6 =	vadd.f32 v8, v6;
	v8 =	vmul.f32 v10, v15;
	v10 =	vld [tilespmem:s5+$0x6270]  }
0x17c: {  	v3 =	vmul.f32 v9, v3;
	v2 =	vmul.f32 v14, v2;
	v5 =	vld [tilespmem:s5+$0x6260]  }
0x17d: {  	s15 =	sshra.s32 s12, $0x2;
	v6 =	vadd.f32 v8, v6;
	v4 =	vmul.f32 v4, v12;
	v8 =	vadd.f32 v17, v16;
	v9 =	vld [tilespmem:s5+$0x2270]  }
0x17e: {  	v14 =	vmul.f32 v7, v0;
	v12 =	vld [tilespmem:s15+$0xA270];
	v15 =	vmul.f32 v11, v1  }
0x17f: {  	v16 =	vld [tilespmem:s15+$0xE270];
	v4 =	vadd.f32 v6, v4;
	v6 =	vmul.f32 v8, v13;
	v8 =	vsub.f32 v3, v2  }
0x180: {  	v1 =	vmul.f32 v7, v1;
	v13 =	vmul.f32 v11, v0;
	v2 =	vld [tilespmem:s15+$0xA260]  }
0x181: {  	v3 =	vld [tilespmem:s15+$0xE260];
	v6 =	vadd.f32 v6, v4;
	v7 =	vmul.f32 v8, v5;
	v8 =	vadd.f32 v15, v14  }
0x182: {  	v4 =	vld [tilespmem:s15+$0xA250]  }
0x183: {  	v5 =	vld [tilespmem:s15+$0xE250];
	v11 =	vadd.f32 v6, v7;
	v8 =	vmul.f32 v8, v9;
	v9 =	vsub.f32 v1, v13;
	v0 =	vmovc v12  }
0x184: {  	v6 =	vld [tilespmem:s15+$0xA240];
	v1 =	vmov v16  }
0x185: {  	v7 =	vld [tilespmem:s15+$0xE240];
	v11 =	vadd.f32 v8, v11;
	v10 =	vmul.f32 v9, v10  }
0x186: {  	v8 =	vld [tilespmem:s15+$0xA230]  }
0x187: {  	v9 =	vld [tilespmem:s15+$0xE230];
	v12 =	vadd.f32 v11, v10  }
0x188: {  	v10 =	vld [tilespmem:s15+$0xA220]  }
.Ltmp2:
0x189: {  	v11 =	vld [tilespmem:s15+$0xE220];
	[tilespmem:s5+$0x1A200] =	vst v12;
	s5 =	smov.u32 s15;
	(pc) =	sbr.rel @p0 .LBB2_6-.Ltmp2, $4  }
0x18a: {  	v12 =	vld [tilespmem:s5+$0x2200]  }
0x18b: {  	v13 =	vld [tilespmem:s5+$0xA200]  }
0x18c: {  	v14 =	vld [tilespmem:s5+$0xE200]  }
0x18d: {  	s12 =	sadd.s32 $0x200, s12;
	v15 =	vld [tilespmem:s5+$0x12200]  }
0x18e: {  	v16 =	vld [tilespmem:s5+$0x16200]  }
0x18f: {  	v17 =	vld [tilespmem:s5+$0xA210]  }
0x190: {  	v18 =	vld [tilespmem:s5+$0xE210]  }
0x191: {  	v19 =	vld [tilespmem:s5+$0x12210]  }
0x192: {  	v20 =	vld [tilespmem:s5+$0x16210]  }
0x193: {  	v23 =	vld [tilespmem:s5+$0x12220];
	v21 =	vmul.f32 v15, v13;
	v22 =	vmul.f32 v16, v14  }
0x194: {  	v24 =	vld [tilespmem:s5+$0x6200]  }
0x195: {  	v14 =	vmul.f32 v15, v14;
	v13 =	vmul.f32 v16, v13;
	v15 =	vld [tilespmem:s5+$0x16220];
	v21 =	vadd.f32 v22, v21  }
0x196: {  	v16 =	vld [tilespmem:s5+$0x2210];
	v51 =	vmul.f32 v19, v17  }
0x197: {  	v52 =	vld [tilespmem:s5+$0x12230];
	v13 =	vsub.f32 v14, v13;
	v14 =	vmul.f32 v20, v18;
	v12 =	vmul.f32 v21, v12  }
0x198: {  	v25 =	vld [tilespmem:s5+$0x6210];
	v17 =	vmul.f32 v20, v17;
	v18 =	vmul.f32 v19, v18  }
0x199: {  	v53 =	vld [tilespmem:s5+$0x16230];
	v13 =	vmul.f32 v13, v24;
	v14 =	vadd.f32 v14, v51;
	v12 =	vadd.f32 $0.0e+00, v12  }
0x19a: {  	v54 =	vld [tilespmem:s5+$0x2220];
	v55 =	vmul.f32 v23, v10;
	v56 =	vmul.f32 v15, v11  }
0x19b: {  	v57 =	vld [tilespmem:s5+$0x2230];
	v12 =	vadd.f32 v12, v13;
	v13 =	vmul.f32 v14, v16;
	v14 =	vsub.f32 v18, v17  }
0x19c: {  	v11 =	vmul.f32 v23, v11;
	v10 =	vmul.f32 v15, v10;
	v17 =	vld [tilespmem:s5+$0x6220]  }
0x19d: {  	v15 =	vld [tilespmem:s5+$0x16240];
	v12 =	vadd.f32 v13, v12;
	v13 =	vmul.f32 v14, v25;
	v14 =	vadd.f32 v56, v55  }
0x19e: {  	v58 =	vmul.f32 v52, v8;
	v59 =	vmul.f32 v53, v9;
	v16 =	vld [tilespmem:s5+$0x12240]  }
0x19f: {  	v60 =	vld [tilespmem:s5+$0x2240];
	v10 =	vsub.f32 v11, v10;
	v12 =	vadd.f32 v12, v13;
	v13 =	vmul.f32 v14, v54  }
0x1a0: {  	v9 =	vmul.f32 v52, v9;
	v8 =	vmul.f32 v53, v8;
	v14 =	vld [tilespmem:s5+$0x6230]  }
0x1a1: {  	v11 =	vld [tilespmem:s5+$0x12250];
	v10 =	vmul.f32 v10, v17;
	v12 =	vadd.f32 v13, v12;
	v13 =	vadd.f32 v59, v58  }
0x1a2: {  	v8 =	vsub.f32 v9, v8;
	v62 =	vmul.f32 v15, v7;
	v17 =	vld [tilespmem:s5+$0x16250]  }
0x1a3: {  	v9 =	vld [tilespmem:s5+$0x12260];
	v61 =	vmul.f32 v16, v6;
	v10 =	vadd.f32 v12, v10;
	v12 =	vmul.f32 v13, v57  }
0x1a4: {  	v7 =	vmul.f32 v16, v7;
	v6 =	vmul.f32 v15, v6;
	v13 =	vld [tilespmem:s5+$0x6240]  }
0x1a5: {  	v15 =	vld [tilespmem:s5+$0x2250];
	v8 =	vmul.f32 v8, v14;
	v10 =	vadd.f32 v12, v10;
	v12 =	vadd.f32 v62, v61  }
0x1a6: {  	v16 =	vmul.f32 v11, v4;
	v6 =	vsub.f32 v7, v6;
	v14 =	vld [tilespmem:s5+$0x16260]  }
0x1a7: {  	v7 =	vld [tilespmem:s5+$0x12270];
	v63 =	vmul.f32 v17, v5;
	v8 =	vadd.f32 v10, v8;
	v10 =	vmul.f32 v12, v60  }
0x1a8: {  	v5 =	vmul.f32 v11, v5;
	v4 =	vmul.f32 v17, v4;
	v12 =	vld [tilespmem:s5+$0x6250]  }
0x1a9: {  	v11 =	vld [tilespmem:s5+$0x16270];
	v6 =	vmul.f32 v6, v13;
	v8 =	vadd.f32 v10, v8;
	v10 =	vadd.f32 v63, v16  }
0x1aa: {  	v4 =	vsub.f32 v5, v4;
	v13 =	vld [tilespmem:s5+$0x2260];
	v16 =	vmul.f32 v9, v2  }
0x1ab: {  	v17 =	vmul.f32 v14, v3;
	v6 =	vadd.f32 v8, v6;
	v8 =	vmul.f32 v10, v15  }
0x1ac: {  	v5 =	vld [tilespmem:s5+$0x6260];
	v3 =	vmul.f32 v9, v3;
	v2 =	vmul.f32 v14, v2  }
0x1ad: {  	v4 =	vmul.f32 v4, v12;
	v6 =	vadd.f32 v8, v6;
	v8 =	vadd.f32 v17, v16  }
0x1ae: {  	v9 =	vld [tilespmem:s5+$0x2270];
	v10 =	vmul.f32 v7, v0;
	v2 =	vsub.f32 v3, v2  }
0x1af: {  	v12 =	vmul.f32 v11, v1;
	v4 =	vadd.f32 v6, v4;
	v6 =	vmul.f32 v8, v13  }
0x1b0: {  	v3 =	vld [tilespmem:s5+$0x6270];
	v0 =	vmul.f32 v11, v0;
	v1 =	vmul.f32 v7, v1  }
0x1b1: {  	v2 =	vmul.f32 v2, v5;
	v5 =	vadd.f32 v12, v10;
	v4 =	vadd.f32 v6, v4;
	_ =	sdelay $0x1  }
0x1b2: {  	v0 =	vsub.f32 v1, v0;
	v2 =	vadd.f32 v4, v2;
	v4 =	vmul.f32 v5, v9;
	_ =	sdelay $0x1  }
0x1b3: {  	v0 =	vmul.f32 v0, v3;
	v1 =	vadd.f32 v4, v2;
	_ =	sdelay $0x1  }
0x1b4: {  	v0 =	vadd.f32 v1, v0;
	_ =	sdelay $0x1  }
0x1b5: {  	[tilespmem:s5+$0x1A200] =	vst v0  }
0x1b6: {  	_ =	swait.ge [sflag:s0], $0x1000  }
0x1b7: {  	[sflag:s0] =	ssyncset.done $0x0  }
0x1b8: {  	[sflag:s0] =	ssyncadd.s32 $0xFFFFF000  }
0x1b9: {  	_ =	swait.ge [sflag:s9], $0x1000  }
0x1ba: {  	[sflag:s9] =	ssyncset.done $0x0  }
0x1bb: {  	[sflag:s9] =	ssyncadd.s32 $0xFFFFF000  }
0x1bc: {  	_ =	swait.ge [sflag:s13], $0x1000  }
0x1bd: {  	[sflag:s13] =	ssyncset.done $0x0  }
0x1be: {  	[sflag:s13] =	ssyncadd.s32 $0xFFFFF000  }
0x1bf: {  	_ =	swait.ge [sflag:s18], $0x1000  }
0x1c0: {  	[sflag:s18] =	ssyncset.done $0x0  }
0x1c1: {  	[sflag:s18] =	ssyncadd.s32 $0xFFFFF000  }
0x1c2: {  	_ =	swait.ge [sflag:s21], $0x1000  }
0x1c3: {  	[sflag:s21] =	ssyncset.done $0x0  }
0x1c4: {  	[sflag:s21] =	ssyncadd.s32 $0xFFFFF000  }
0x1c5: {  	_ =	swait.ge [sflag:s26], $0x1000  }
0x1c6: {  	[sflag:s26] =	ssyncset.done $0x0  }
0x1c7: {  	s5 =	simm.s32 $0x0;
	[sflag:s26] =	ssyncadd.s32 $0xFFFFF000  }
0x1c8: {  	v0 =	vld [tilespmem:s5+$0xB270]  }
0x1c9: {  	v1 =	vld [tilespmem:s5+$0xF270]  }
0x1ca: {  	v2 =	vld [tilespmem:s5+$0xB260]  }
0x1cb: {  	v3 =	vld [tilespmem:s5+$0xF260]  }
0x1cc: {  	v4 =	vld [tilespmem:s5+$0xB250]  }
0x1cd: {  	v5 =	vld [tilespmem:s5+$0xF250]  }
0x1ce: {  	v6 =	vld [tilespmem:s5+$0xB240]  }
0x1cf: {  	v7 =	vld [tilespmem:s5+$0xF240]  }
0x1d0: {  	v8 =	vld [tilespmem:s5+$0xB230]  }
0x1d1: {  	v9 =	vld [tilespmem:s5+$0xF230]  }
0x1d2: {  	v10 =	vld [tilespmem:s5+$0xB220]  }
0x1d3: {  	v11 =	vld [tilespmem:s5+$0xF220]  }
0x1d4: {  	v12 =	vld [tilespmem:s5+$0x3200]  }
0x1d5: {  	v13 =	vld [tilespmem:s5+$0xB200]  }
0x1d6: {  	v14 =	vld [tilespmem:s5+$0xF200]  }
0x1d7: {  	s12 =	simm.s32 $0x200;
	v15 =	vld [tilespmem:s5+$0x13200]  }
.LBB2_8:
0x1d8: {  	p0 =	sne.s32 s12, $0x3E00;
	v16 =	vld [tilespmem:s5+$0x17200]  }
0x1d9: {  	v17 =	vld [tilespmem:s5+$0xB210]  }
0x1da: {  	v18 =	vld [tilespmem:s5+$0xF210]  }
0x1db: {  	v19 =	vld [tilespmem:s5+$0x13210]  }
0x1dc: {  	v20 =	vld [tilespmem:s5+$0x17210]  }
0x1dd: {  	v21 =	vmul.f32 v15, v13;
	v22 =	vmul.f32 v16, v14;
	v23 =	vld [tilespmem:s5+$0x13220]  }
0x1de: {  	v24 =	vld [tilespmem:s5+$0x7200]  }
0x1df: {  	v14 =	vmul.f32 v15, v14;
	v13 =	vmul.f32 v16, v13;
	v21 =	vadd.f32 v22, v21;
	v15 =	vld [tilespmem:s5+$0x17220]  }
0x1e0: {  	v16 =	vld [tilespmem:s5+$0x3210];
	v22 =	vmul.f32 v19, v17  }
0x1e1: {  	v13 =	vsub.f32 v14, v13;
	v12 =	vmul.f32 v21, v12;
	v14 =	vmul.f32 v20, v18;
	v21 =	vld [tilespmem:s5+$0x13230]  }
0x1e2: {  	v18 =	vmul.f32 v19, v18;
	v17 =	vmul.f32 v20, v17;
	v25 =	vld [tilespmem:s5+$0x7210]  }
0x1e3: {  	v12 =	vadd.f32 $0.0e+00, v12;
	v13 =	vmul.f32 v13, v24;
	v14 =	vadd.f32 v14, v22;
	v19 =	vld [tilespmem:s5+$0x17230]  }
0x1e4: {  	v22 =	vmul.f32 v23, v10;
	v20 =	vld [tilespmem:s5+$0x3220];
	v24 =	vmul.f32 v15, v11  }
0x1e5: {  	v12 =	vadd.f32 v12, v13;
	v13 =	vmul.f32 v14, v16;
	v14 =	vsub.f32 v18, v17;
	v16 =	vld [tilespmem:s5+$0x13240]  }
0x1e6: {  	v11 =	vmul.f32 v23, v11;
	v10 =	vmul.f32 v15, v10;
	v17 =	vld [tilespmem:s5+$0x7220]  }
0x1e7: {  	v12 =	vadd.f32 v13, v12;
	v13 =	vmul.f32 v14, v25;
	v14 =	vadd.f32 v24, v22;
	v15 =	vld [tilespmem:s5+$0x17240]  }
0x1e8: {  	v22 =	vmul.f32 v21, v8;
	v18 =	vld [tilespmem:s5+$0x3230];
	v23 =	vmul.f32 v19, v9  }
0x1e9: {  	v10 =	vsub.f32 v11, v10;
	v12 =	vadd.f32 v12, v13;
	v13 =	vmul.f32 v14, v20;
	v11 =	vld [tilespmem:s5+$0x13250]  }
0x1ea: {  	v9 =	vmul.f32 v21, v9;
	v8 =	vmul.f32 v19, v8;
	v14 =	vld [tilespmem:s5+$0x7230]  }
0x1eb: {  	v12 =	vadd.f32 v13, v12;
	v10 =	vmul.f32 v10, v17;
	v13 =	vadd.f32 v23, v22;
	v17 =	vld [tilespmem:s5+$0x17250]  }
0x1ec: {  	v20 =	vmul.f32 v16, v6;
	v19 =	vld [tilespmem:s5+$0x3240];
	v21 =	vmul.f32 v15, v7  }
0x1ed: {  	v8 =	vsub.f32 v9, v8;
	v10 =	vadd.f32 v12, v10;
	v12 =	vmul.f32 v13, v18;
	v9 =	vld [tilespmem:s5+$0x13260]  }
0x1ee: {  	v7 =	vmul.f32 v16, v7;
	v6 =	vmul.f32 v15, v6;
	v13 =	vld [tilespmem:s5+$0x7240]  }
0x1ef: {  	v10 =	vadd.f32 v12, v10;
	v8 =	vmul.f32 v8, v14;
	v12 =	vadd.f32 v21, v20;
	v14 =	vld [tilespmem:s5+$0x17260]  }
0x1f0: {  	v16 =	vmul.f32 v11, v4;
	v15 =	vld [tilespmem:s5+$0x3250];
	v18 =	vmul.f32 v17, v5  }
0x1f1: {  	v6 =	vsub.f32 v7, v6;
	v8 =	vadd.f32 v10, v8;
	v10 =	vmul.f32 v12, v19;
	v7 =	vld [tilespmem:s5+$0x13270]  }
0x1f2: {  	v5 =	vmul.f32 v11, v5;
	v4 =	vmul.f32 v17, v4;
	v12 =	vld [tilespmem:s5+$0x7250]  }
0x1f3: {  	v8 =	vadd.f32 v10, v8;
	v6 =	vmul.f32 v6, v13;
	v10 =	vadd.f32 v18, v16;
	v11 =	vld [tilespmem:s5+$0x17270]  }
0x1f4: {  	v16 =	vmul.f32 v9, v2;
	v13 =	vld [tilespmem:s5+$0x3260];
	v17 =	vmul.f32 v14, v3  }
0x1f5: {  	v4 =	vsub.f32 v5, v4;
	v6 =	vadd.f32 v8, v6;
	v8 =	vmul.f32 v10, v15;
	v10 =	vld [tilespmem:s5+$0x7270]  }
0x1f6: {  	v3 =	vmul.f32 v9, v3;
	v2 =	vmul.f32 v14, v2;
	v5 =	vld [tilespmem:s5+$0x7260]  }
0x1f7: {  	s15 =	sshra.s32 s12, $0x2;
	v6 =	vadd.f32 v8, v6;
	v4 =	vmul.f32 v4, v12;
	v8 =	vadd.f32 v17, v16;
	v9 =	vld [tilespmem:s5+$0x3270]  }
0x1f8: {  	v14 =	vmul.f32 v7, v0;
	v12 =	vld [tilespmem:s15+$0xB270];
	v15 =	vmul.f32 v11, v1  }
0x1f9: {  	v16 =	vld [tilespmem:s15+$0xF270];
	v4 =	vadd.f32 v6, v4;
	v6 =	vmul.f32 v8, v13;
	v8 =	vsub.f32 v3, v2  }
0x1fa: {  	v1 =	vmul.f32 v7, v1;
	v13 =	vmul.f32 v11, v0;
	v2 =	vld [tilespmem:s15+$0xB260]  }
0x1fb: {  	v3 =	vld [tilespmem:s15+$0xF260];
	v6 =	vadd.f32 v6, v4;
	v7 =	vmul.f32 v8, v5;
	v8 =	vadd.f32 v15, v14  }
0x1fc: {  	v4 =	vld [tilespmem:s15+$0xB250]  }
0x1fd: {  	v5 =	vld [tilespmem:s15+$0xF250];
	v11 =	vadd.f32 v6, v7;
	v8 =	vmul.f32 v8, v9;
	v9 =	vsub.f32 v1, v13;
	v0 =	vmovc v12  }
0x1fe: {  	v6 =	vld [tilespmem:s15+$0xB240];
	v1 =	vmov v16  }
0x1ff: {  	v7 =	vld [tilespmem:s15+$0xF240];
	v11 =	vadd.f32 v8, v11;
	v10 =	vmul.f32 v9, v10  }
0x200: {  	v8 =	vld [tilespmem:s15+$0xB230]  }
0x201: {  	v9 =	vld [tilespmem:s15+$0xF230];
	v12 =	vadd.f32 v11, v10  }
0x202: {  	v10 =	vld [tilespmem:s15+$0xB220]  }
.Ltmp3:
0x203: {  	v11 =	vld [tilespmem:s15+$0xF220];
	[tilespmem:s5+$0x1B200] =	vst v12;
	s5 =	smov.u32 s15;
	(pc) =	sbr.rel @p0 .LBB2_8-.Ltmp3, $4  }
0x204: {  	v12 =	vld [tilespmem:s5+$0x3200]  }
0x205: {  	v13 =	vld [tilespmem:s5+$0xB200]  }
0x206: {  	v14 =	vld [tilespmem:s5+$0xF200]  }
0x207: {  	s12 =	sadd.s32 $0x200, s12;
	v15 =	vld [tilespmem:s5+$0x13200]  }
0x208: {  	v16 =	vld [tilespmem:s5+$0x17200]  }
0x209: {  	v17 =	vld [tilespmem:s5+$0xB210]  }
0x20a: {  	v18 =	vld [tilespmem:s5+$0xF210]  }
0x20b: {  	v19 =	vld [tilespmem:s5+$0x13210]  }
0x20c: {  	v20 =	vld [tilespmem:s5+$0x17210]  }
0x20d: {  	v23 =	vld [tilespmem:s5+$0x13220];
	v21 =	vmul.f32 v15, v13;
	v22 =	vmul.f32 v16, v14  }
0x20e: {  	v24 =	vld [tilespmem:s5+$0x7200]  }
0x20f: {  	v38 =	vld [tilespmem:s5+$0x17220];
	v36 =	vmul.f32 v15, v14;
	v37 =	vmul.f32 v16, v13;
	v21 =	vadd.f32 v22, v21  }
0x210: {  	v39 =	vld [tilespmem:s5+$0x3210];
	v40 =	vmul.f32 v19, v17  }
0x211: {  	v42 =	vld [tilespmem:s5+$0x13230];
	v41 =	vmul.f32 v20, v18;
	v13 =	vsub.f32 v36, v37;
	v12 =	vmul.f32 v21, v12  }
0x212: {  	v25 =	vld [tilespmem:s5+$0x7210];
	v18 =	vmul.f32 v19, v18;
	v17 =	vmul.f32 v20, v17  }
0x213: {  	v43 =	vld [tilespmem:s5+$0x17230];
	v14 =	vadd.f32 v41, v40;
	v13 =	vmul.f32 v13, v24;
	v12 =	vadd.f32 $0.0e+00, v12  }
0x214: {  	v44 =	vld [tilespmem:s5+$0x3220];
	v45 =	vmul.f32 v23, v10;
	v46 =	vmul.f32 v38, v11  }
0x215: {  	v49 =	vld [tilespmem:s5+$0x13240];
	v48 =	vsub.f32 v18, v17;
	v47 =	vmul.f32 v14, v39;
	v12 =	vadd.f32 v12, v13  }
0x216: {  	v50 =	vld [tilespmem:s5+$0x7220];
	v51 =	vmul.f32 v23, v11;
	v52 =	vmul.f32 v38, v10  }
0x217: {  	v55 =	vld [tilespmem:s5+$0x17240];
	v54 =	vadd.f32 v46, v45;
	v53 =	vmul.f32 v48, v25;
	v12 =	vadd.f32 v47, v12  }
0x218: {  	v56 =	vld [tilespmem:s5+$0x3230];
	v57 =	vmul.f32 v42, v8;
	v58 =	vmul.f32 v43, v9  }
0x219: {  	v60 =	vld [tilespmem:s5+$0x13250];
	v10 =	vsub.f32 v51, v52;
	v59 =	vmul.f32 v54, v44;
	v12 =	vadd.f32 v12, v53  }
0x21a: {  	v61 =	vld [tilespmem:s5+$0x7230];
	v62 =	vmul.f32 v42, v9;
	v63 =	vmul.f32 v43, v8  }
0x21b: {  	v26 =	vld [tilespmem:s5+$0x3240];
	v10 =	vmul.f32 v10, v50;
	v24 =	vadd.f32 v58, v57;
	v12 =	vadd.f32 v59, v12  }
0x21c: {  	v27 =	vmul.f32 v49, v6;
	v28 =	vmul.f32 v55, v7;
	v25 =	vld [tilespmem:s5+$0x17250]  }
0x21d: {  	v31 =	vld [tilespmem:s5+$0x7240];
	v8 =	vsub.f32 v62, v63;
	v29 =	vmul.f32 v24, v56;
	v10 =	vadd.f32 v12, v10  }
0x21e: {  	v30 =	vld [tilespmem:s5+$0x13260];
	v32 =	vmul.f32 v49, v7;
	v33 =	vmul.f32 v55, v6  }
0x21f: {  	v35 =	vld [tilespmem:s5+$0x17260];
	v34 =	vadd.f32 v28, v27;
	v8 =	vmul.f32 v8, v61;
	v10 =	vadd.f32 v29, v10  }
0x220: {  	v36 =	vld [tilespmem:s5+$0x3250];
	v37 =	vmul.f32 v60, v4;
	v6 =	vsub.f32 v32, v33  }
0x221: {  	v40 =	vld [tilespmem:s5+$0x13270];
	v39 =	vmul.f32 v34, v26;
	v38 =	vmul.f32 v25, v5;
	v8 =	vadd.f32 v10, v8  }
0x222: {  	v42 =	vmul.f32 v60, v5;
	v41 =	vld [tilespmem:s5+$0x7250];
	v6 =	vmul.f32 v6, v31  }
0x223: {  	v45 =	vld [tilespmem:s5+$0x17270];
	v43 =	vmul.f32 v25, v4;
	v44 =	vadd.f32 v38, v37;
	v8 =	vadd.f32 v39, v8  }
0x224: {  	v46 =	vld [tilespmem:s5+$0x3260];
	v48 =	vmul.f32 v35, v3;
	v47 =	vmul.f32 v30, v2  }
0x225: {  	v4 =	vsub.f32 v42, v43;
	v49 =	vmul.f32 v44, v36;
	v6 =	vadd.f32 v8, v6  }
0x226: {  	v51 =	vmul.f32 v30, v3;
	v52 =	vmul.f32 v35, v2;
	v50 =	vld [tilespmem:s5+$0x7260]  }
0x227: {  	v53 =	vadd.f32 v48, v47;
	v4 =	vmul.f32 v4, v41;
	v6 =	vadd.f32 v49, v6  }
0x228: {  	v54 =	vld [tilespmem:s5+$0x3270];
	v55 =	vmul.f32 v40, v0;
	v56 =	vmul.f32 v45, v1  }
0x229: {  	v2 =	vsub.f32 v51, v52;
	v57 =	vmul.f32 v53, v46;
	v4 =	vadd.f32 v6, v4  }
0x22a: {  	v58 =	vld [tilespmem:s5+$0x7270];
	v60 =	vmul.f32 v45, v0;
	v61 =	vadd.f32 v56, v55  }
0x22b: {  	v2 =	vmul.f32 v2, v50;
	v59 =	vmul.f32 v40, v1;
	v4 =	vadd.f32 v57, v4;
	_ =	sdelay $0x1  }
0x22c: {  	v62 =	vmul.f32 v61, v54;
	v0 =	vsub.f32 v59, v60;
	v2 =	vadd.f32 v4, v2;
	_ =	sdelay $0x1  }
0x22d: {  	v0 =	vmul.f32 v0, v58;
	v63 =	vadd.f32 v62, v2;
	_ =	sdelay $0x1  }
0x22e: {  	v0 =	vadd.f32 v63, v0;
	_ =	sdelay $0x1  }
0x22f: {  	s15 =	rddreg [dreg:$0x7];
	s12 =	simm.s32 $0x18200;
	[tilespmem:s5+$0x1B200] =	vst v0  }
0x230: {  	[hbm4b:s15+s6] =	stream.linear.scatter [tilespmem:s12], [sflag:$0x19], $0x4000, $0x38;
	[tilespmem:$0x1C200] =	vst v63  }
0x231: {  	_ =	swait.ge [sflag:s10], $0x4000  }
0x232: {  	s31 =	sadd.s32 $0x1, s31;
	s15 =	rddreg [dreg:$0x8]  }
0x233: {  	p0 =	sne.s32 s31, s15  }
.Ltmp4:
0x234: {  	_ = 	snop;
	(pc) =	sbr.rel @p0 .LBB2_1-.Ltmp4, $3  }
0x235: {  	_ =	sdelay $0x1  }
0x236: {  	[sflag:s10] =	ssyncset.done $0x0  }
0x237: {  	[sflag:s10] =	ssyncadd.s32 $0xFFFFC000  }
0x238: {  	_ =	sfence.sel $0x180000  }
0x239: {  	[bflag:$0x0] =	sbarrier.arrive $0xFFFF  }
0x23a: {  	_ =	strace $0x9000004A  }
0x23b: {  	s0 =	stileid.u32;
	[bflag:$0x2] =	sbarrier.arrive $0xFFFF  }
0x23c: {  	p0 =	sne.s32 s0, $0x0;
	s0 =	rddreg [dreg:$0x5]  }
0x23d: {  	s0 =	sadd.s32 @!p0 $0x100000, s0  }
0x23e: {  	[sflag:s0] =	ssyncadd.tile.s32 @!p0 $0x1;
	_ =	shalt  }
.Lfunc_end2:
_tile_overlayer_lowered:
.L_overlay_start_2:
0x23f: {  	(tag) =	ssettag $0x2  }
0x240: {  	s0 =	rddreg [dreg:$0x0];
	s2 =	stileid.u32  }
0x241: {  	s1 =	rddreg [dreg:$0x1];
	p0 =	sne.s32 s2, $0x0  }
0x242: {  	s3 =	rddreg [dreg:$0x2];
	[bflag:$0x3] =	sbarrier.arrive $0xFFFF;
	s2 =	simm.s32 @!p0 $0x1C1A  }
0x243: {  	[timem:s3], [sflag:s2] =	dma.local @!p0 [hbm:s0], s1  }
0x244: {  	s0 =	simm.s32 @!p0 $0x1A  }
0x245: {  	_ =	swait.ge @!p0 [sflag:s0], s1  }
0x246: {  	s1 =	ssub.s32 @!p0 $0x0, s1;
	[sflag:s0] =	ssyncset.done @!p0 $0x0  }
0x247: {  	[sflag:s0] =	ssyncadd.s32 @!p0 s1  }
0x248: {  	[bflag:$0x3] =	sbarrier.arrive $0xFFFF  }
0x249: {  	_ =	shalt  }

</sc_bundles>
